<compile_context>
chip_gen: v7x
topology: tpu7x:2x2x1
jax: 0.10.2.dev20260603
libtpu: 0.0.44.dev20260713+nightly
codegen_flags: <defaults>
</compile_context>

<pallas_src>
import dataclasses
import functools

import jax
import jax.numpy as jnp
import numpy as np
from jax import lax
from jax.experimental import pallas as pl
from jax.experimental.pallas import tpu as pltpu
from jax.experimental.pallas import tpu_sc as plsc

MAX_DEPTH = 4
NF = 8
B, T, H, TL = 32, 64, 512, 264
N = B * T
KPAD = 384
NP = 4096
CAP = 256
NBLK = NP // CAP
NW = 32
CHUNK = N // NW

@functools.cache
def _mesh():
    return plsc.VectorSubcoreMesh(core_axis_name="c", subcore_axis_name="s")


def _sc_params():
    cp = pltpu.CompilerParams()
    if "needs_layout_passes" in pltpu.CompilerParams.__dataclass_fields__:
        cp = dataclasses.replace(cp, needs_layout_passes=False)
    return cp


def _leaky(x):
    return jnp.where(x >= 0, x, 0.2 * x)


def _mm(a, b):
    return a @ b


def _wid():
    return lax.axis_index("s") * 2 + lax.axis_index("c")


def _s1a_body(gt8_hbm, cmd_hbm, hist_hbm, gt8_v, cmd_v, hist_v):
    wid = _wid()
    base = wid * CHUNK
    pltpu.sync_copy(gt8_hbm.at[pl.ds(base, CHUNK)], gt8_v)
    lane = lax.iota(jnp.int32, 16)
    hist = jnp.zeros((16,), jnp.int32)
    for g in range(CHUNK // 16):
        rows = lane + g * 16
        best = plsc.load_gather(gt8_v, [rows, jnp.zeros((16,), jnp.int32)])
        bi = jnp.zeros((16,), jnp.int32)
        for j in range(1, NF):
            colj = plsc.load_gather(
                gt8_v, [rows, jnp.full((16,), j, jnp.int32)])
            m = colj > best
            bi = jnp.where(m, j, bi)
            best = jnp.where(m, colj, best)
        cmd_v[pl.ds(g * 16, 16)] = bi
        for e in range(NF):
            cnt = plsc.all_reduce_population_count(bi == e)
            hist = hist + jnp.where(lane == e, cnt, 0)
    hist_v[...] = hist
    pltpu.sync_copy(cmd_v, cmd_hbm.at[pl.ds(base, CHUNK)])
    pltpu.sync_copy(hist_v, hist_hbm.at[wid])


def _s1a_call(gt8):
    k = pl.kernel(
        _s1a_body,
        out_type=[jax.ShapeDtypeStruct((N,), jnp.int32),
                  jax.ShapeDtypeStruct((NW, 16), jnp.int32)],
        mesh=_mesh(),
        scratch_types=[pltpu.VMEM((CHUNK, NF), jnp.float32),
                       pltpu.VMEM((CHUNK,), jnp.int32),
                       pltpu.VMEM((16,), jnp.int32)],
        compiler_params=_sc_params(),
    )
    return k(gt8)


def _s1b_body(cmd_hbm, hist_hbm, gtbb_hbm,
              pos_hbm, xgtbb_hbm, blk_hbm,
              cmd_v, hist_v, pos_v, gtbb_v, blk_v):
    wid = _wid()
    base = wid * CHUNK
    lane = lax.iota(jnp.int32, 16)
    pltpu.sync_copy(cmd_hbm.at[pl.ds(base, CHUNK)], cmd_v)
    pltpu.sync_copy(hist_hbm, hist_v)
    pltpu.sync_copy(gtbb_hbm.at[pl.ds(base, CHUNK)], gtbb_v)

    tot = jnp.zeros((16,), jnp.int32)
    prefix = jnp.zeros((16,), jnp.int32)
    for w in range(NW):
        row = hist_v[w]
        tot = tot + row
        prefix = prefix + row * ((w < wid).astype(jnp.int32))
    pc = ((tot + CAP - 1) >> 8) << 8
    po = jnp.cumsum(pc) - pc
    basev = po + prefix

    for g in range(CHUNK // 16):
        cm = cmd_v[pl.ds(g * 16, 16)]
        dest = jnp.zeros((16,), jnp.int32)
        for e in range(NF):
            m = cm == e
            rk = jnp.cumsum(m.astype(jnp.int32)) - 1
            be = jnp.sum(jnp.where(lane == e, basev, 0))
            dest = jnp.where(m, be + rk, dest)
            cnt = plsc.all_reduce_population_count(m)
            basev = basev + jnp.where(lane == e, cnt, 0)
        pos_v[0, pl.ds(g * 16, 16)] = dest

    pltpu.sync_copy(gtbb_v, xgtbb_hbm.at[pos_v.at[0]])
    pltpu.sync_copy(pos_v, pos_hbm.at[wid])

    @pl.when(wid == 0)
    def _():
        blo = jnp.zeros((16,), jnp.int32)
        k1 = lane * CAP
        for e in range(NF):
            po_e = jnp.sum(jnp.where(lane == e, po, 0))
            pc_e = jnp.sum(jnp.where(lane == e, pc, 0))
            blo = jnp.where((k1 >= po_e) & (k1 < po_e + pc_e), e, blo)
        blk_v[pl.ds(0, 16)] = blo
        blk_v[pl.ds(16, 16)] = jnp.zeros((16,), jnp.int32)
        pltpu.sync_copy(blk_v, blk_hbm)


def _s1b_call(cmd, hist, gtbb):
    k = pl.kernel(
        _s1b_body,
        out_type=[jax.ShapeDtypeStruct((NW, 1, CHUNK), jnp.int32),
                  jax.ShapeDtypeStruct((NP, KPAD), jnp.float32),
                  jax.ShapeDtypeStruct((NW,), jnp.int32)],
        mesh=_mesh(),
        scratch_types=[pltpu.VMEM((CHUNK,), jnp.int32),
                       pltpu.VMEM((NW, 16), jnp.int32),
                       pltpu.VMEM((1, CHUNK), jnp.int32),
                       pltpu.VMEM((CHUNK, KPAD), jnp.float32),
                       pltpu.VMEM((NW,), jnp.int32)],
        compiler_params=_sc_params(),
    )
    return k(cmd, hist, gtbb)


def _s1c_body(g_hbm, pos_hbm, xg_hbm, pos_v, g_v):
    wid = _wid()
    pltpu.sync_copy(pos_hbm.at[wid], pos_v)
    pltpu.sync_copy(g_hbm.at[pl.ds(wid * CHUNK, CHUNK)], g_v)
    pltpu.sync_copy(g_v, xg_hbm.at[pos_v.at[0]])


def _s1c_call(g_flat, pos):
    k = pl.kernel(
        _s1c_body,
        out_type=jax.ShapeDtypeStruct((NP, H), jnp.float32),
        mesh=_mesh(),
        scratch_types=[pltpu.VMEM((1, CHUNK), jnp.int32),
                       pltpu.VMEM((CHUNK, H), jnp.float32)],
        compiler_params=_sc_params(),
    )
    return k(g_flat, pos)


def _s2_body(yx_hbm, pos_hbm, mid_hbm, pos_v, idx_v, y_v):
    wid = _wid()
    lane = lax.iota(jnp.int32, 16)
    pltpu.sync_copy(pos_hbm.at[wid], pos_v)
    pltpu.sync_copy(yx_hbm.at[pos_v.at[0]], y_v)
    for g in range(CHUNK // 16):
        rl = lane + g * 16
        idx_v[0, pl.ds(g * 16, 16)] = (rl & 31) * T + 2 * wid + (rl >> 5)
    pltpu.sync_copy(y_v, mid_hbm.at[idx_v.at[0]])


def _s2_call(yx, pos):
    k = pl.kernel(
        _s2_body,
        out_type=jax.ShapeDtypeStruct((N, 256), jnp.float32),
        mesh=_mesh(),
        scratch_types=[pltpu.VMEM((1, CHUNK), jnp.int32),
                       pltpu.VMEM((1, CHUNK), jnp.int32),
                       pltpu.VMEM((CHUNK, 256), jnp.float32)],
        compiler_params=_sc_params(),
    )
    return k(yx, pos)


def _pre_body(x_ref, feat_ref, w1_ref, b1_ref, w2_ref, b2_ref, w3_ref,
              b3_ref, wih_ref, bih_ref, gx_ref):
    reps = x_ref.shape[1]
    xr = jnp.swapaxes(x_ref[...], 0, 1).reshape(B * reps, TL)
    x = jnp.concatenate(
        [xr, jnp.concatenate([feat_ref[...]] * reps, axis=0)], axis=1)
    a = _leaky(_mm(x, w1_ref[...]) + b1_ref[...])
    a = _leaky(_mm(a, w2_ref[...]) + b2_ref[...])
    inp = _mm(a, w3_ref[...]) + b3_ref[...]
    gx_ref[...] = _mm(inp, wih_ref[...]) + bih_ref[...]


def _pre_call(x, feat, w1, b1, w2, b2, w3, b3, wih_t, bih):
    mblk = 512
    full = lambda s: pl.BlockSpec(s, lambda i: (0, 0))
    return pl.pallas_call(
        _pre_body,
        grid=(N // mblk,),
        in_specs=[
            pl.BlockSpec((B, mblk // B, TL), lambda i: (0, i, 0)),
            full((B, KPAD - TL)),
            full((KPAD, H)), full((1, H)),
            full((H, H)), full((1, H)),
            full((H, H)), full((1, H)),
            full((H, 3 * H)), full((1, 3 * H)),
        ],
        out_specs=pl.BlockSpec((mblk, 3 * H), lambda i: (i, 0)),
        out_shape=jax.ShapeDtypeStruct((N, 3 * H), jnp.float32),
    )(x, feat, w1, b1, w2, b2, w3, b3, wih_t, bih)


def _gru_body(gx_ref, code_ref, whh_ref, bhh_ref, out_ref, h_ref):
    t = pl.program_id(0)

    @pl.when(t == 0)
    def _():
        h_ref[...] = code_ref[...]

    h = h_ref[...]
    gh = _mm(h, whh_ref[...]) + bhh_ref[...]
    gx = gx_ref[0]
    r = jax.nn.sigmoid(gx[:, 0:H] + gh[:, 0:H])
    z = jax.nn.sigmoid(gx[:, H:2 * H] + gh[:, H:2 * H])
    n = jnp.tanh(gx[:, 2 * H:] + r * gh[:, 2 * H:])
    hn = (1.0 - z) * n + z * h
    h_ref[...] = hn
    out_ref[0] = hn


def _gru_call(gx, code, whh_t, bhh):
    return pl.pallas_call(
        _gru_body,
        grid=(T,),
        in_specs=[
            pl.BlockSpec((1, B, 3 * H), lambda t: (t, 0, 0)),
            pl.BlockSpec((B, H), lambda t: (0, 0)),
            pl.BlockSpec((H, 3 * H), lambda t: (0, 0)),
            pl.BlockSpec((1, 3 * H), lambda t: (0, 0)),
        ],
        out_specs=pl.BlockSpec((1, B, H), lambda t: (t, 0, 0)),
        out_shape=jax.ShapeDtypeStruct((T, B, H), jnp.float32),
        scratch_shapes=[pltpu.VMEM((B, H), jnp.float32)],
        compiler_params=pltpu.CompilerParams(
            dimension_semantics=("arbitrary",)),
    )(gx, code, whh_t, bhh)


def _grp_body(blk_ref, xg_ref, xgt_ref,
              w1g_ref, w1t_ref, b1_ref,
              w2d_ref, b2d_ref, w2f_ref, b2f_ref, w2b_ref, b2b_ref,
              w3d_ref, w3f_ref, w3b_ref, b3_ref, p_ref, out_ref):
    m = xg_ref.shape[0]
    term = _mm(xgt_ref[...], w1t_ref[0])
    z = jnp.zeros((m, 256), jnp.float32)
    h1 = _leaky(_mm(xg_ref[...], w1g_ref[0])
                + jnp.concatenate([z, term, z], axis=1) + b1_ref[0])
    h2d = _leaky(_mm(h1[:, 0:256], w2d_ref[0]) + b2d_ref[0])
    h2f = _leaky(_mm(h1[:, 256:512], w2f_ref[0]) + b2f_ref[0])
    h2b = _leaky(_mm(h1[:, 512:768], w2b_ref[0]) + b2b_ref[0])
    y = (_mm(h2d, w3d_ref[0]) + _mm(h2f, w3f_ref[0]) + _mm(h2b, w3b_ref[0])
         + b3_ref[0])
    out_ref[...] = _mm(y, p_ref[0])


def _grp_call(blk, xg, xgt, ew):
    ex = lambda s: pl.BlockSpec((1,) + s, lambda k, b: (b[k], 0, 0))
    grid_spec = pltpu.PrefetchScalarGridSpec(
        num_scalar_prefetch=1,
        grid=(NBLK,),
        in_specs=[
            pl.BlockSpec((CAP, H), lambda k, b: (k, 0)),
            pl.BlockSpec((CAP, KPAD), lambda k, b: (k, 0)),
            ex((H, 768)), ex((KPAD, 256)), ex((1, 768)),
            ex((256, 128)), ex((1, 128)),
            ex((256, 128)), ex((1, 128)),
            ex((256, 128)), ex((1, 128)),
            ex((128, 32)), ex((128, 32)), ex((128, 32)), ex((1, 32)),
            ex((32, 256)),
        ],
        out_specs=pl.BlockSpec((CAP, 256), lambda k, b: (k, 0)),
    )
    return pl.pallas_call(
        _grp_body,
        grid_spec=grid_spec,
        out_shape=jax.ShapeDtypeStruct((NP, 256), jnp.float32),
    )(blk, xg, xgt, *ew)


def _tail_body(g_ref, code_ref, fu_ref, ch_ref, nc_ref,
               func_ref, child_ref, ncod_ref):
    g = g_ref[...]
    reps = g_ref.shape[0] // B
    code = code_ref[...]

    fw1, fb1, fw2, fb2, fw3, fb3 = (fu_ref[i][...] for i in range(6))
    f = _leaky(_mm(g, fw1) + fb1)
    f = _leaky(_mm(f, fw2) + fb2)
    fres = _mm(f, fw3) + fb3
    func_ref[...] = jnp.swapaxes(fres.reshape(-1, B, NF), 0, 1)

    cwg, cwc, cb1, cw2, cb2, cw3, cb3 = (ch_ref[i][...] for i in range(7))
    cc = jnp.concatenate([_mm(code, cwc)] * reps, axis=0)
    c = _leaky(_mm(g, cwg) + cc + cb1)
    c = _leaky(_mm(c, cw2) + cb2)
    cres = _mm(c, cw3) + cb3
    child_ref[...] = jnp.swapaxes(cres.reshape(-1, B, 4), 0, 1)

    nwg, nwc, nb1, nw2, nb2, nw3, nb3 = (nc_ref[i][...] for i in range(7))
    ncc = jnp.concatenate([_mm(code, nwc)] * reps, axis=0)
    nn = _leaky(_mm(g, nwg) + ncc + nb1)
    nn = _leaky(_mm(nn, nw2) + nb2)
    res = _mm(nn, nw3) + nb3
    ncod_ref[...] = jnp.swapaxes(res.reshape(-1, B, 4 * H), 0, 1)


def _tail_call(g, code, fu, ch, nc):
    mblk = 512
    full = lambda a: pl.BlockSpec(a.shape, lambda i: tuple(0 for _ in a.shape))
    return pl.pallas_call(
        _tail_body,
        grid=(N // mblk,),
        in_specs=[
            pl.BlockSpec((mblk, H), lambda i: (i, 0)),
            pl.BlockSpec((B, H), lambda i: (0, 0)),
            [full(a) for a in fu],
            [full(a) for a in ch],
            [full(a) for a in nc],
        ],
        out_specs=[
            pl.BlockSpec((B, mblk // B, NF), lambda i: (0, i, 0)),
            pl.BlockSpec((B, mblk // B, 4), lambda i: (0, i, 0)),
            pl.BlockSpec((B, mblk // B, 4 * H), lambda i: (0, i, 0)),
        ],
        out_shape=[
            jax.ShapeDtypeStruct((B, T, NF), jnp.float32),
            jax.ShapeDtypeStruct((B, T, 4), jnp.float32),
            jax.ShapeDtypeStruct((B, T, 4 * H), jnp.float32),
        ],
    )(g, code, fu, ch, nc)


def _row(b):
    return b.reshape(1, -1)


def _expert_weights(p):
    disc, fnet, bnet = p["disc"], p["fnet"], p["bnet"]
    hw = H // 2
    z = lambda *s: jnp.zeros(s, jnp.float32)
    w1g, w1t, b1 = [], [], []
    w2d, w2f, w2b = [], [], []
    b2d, b2f, b2b = [], [], []
    w3d, w3f, w3b, b3 = [], [], [], []
    for i in range(NF):
        fW1 = fnet[i][0]["W"]
        w1g.append(jnp.concatenate(
            [disc[i][0]["W"], fW1[:H], bnet[i][0]["W"]], axis=1))
        w1t.append(jnp.concatenate([
            z(NF + 32 * i, hw), fW1[H:H + 24], z(TL - 32 * i - 32, hw),
            fW1[H + 24:], z(KPAD - TL - 3, hw)], axis=0))
        b1.append(jnp.concatenate(
            [disc[i][0]["b"], fnet[i][0]["b"], bnet[i][0]["b"]]).reshape(1, -1))
        w2d.append(disc[i][1]["W"])
        w2f.append(fnet[i][1]["W"])
        w2b.append(bnet[i][1]["W"])
        b2d.append(_row(disc[i][1]["b"]))
        b2f.append(_row(fnet[i][1]["b"]))
        b2b.append(_row(bnet[i][1]["b"]))
        w3d.append(jnp.concatenate([disc[i][2]["W"], z(128, 8)], axis=1))
        w3f.append(jnp.concatenate(
            [z(128, 24), fnet[i][2]["W"], z(128, 2)], axis=1))
        w3b.append(jnp.concatenate([z(128, 30), bnet[i][2]["W"]], axis=1))
        b3.append(jnp.concatenate(
            [disc[i][2]["b"], fnet[i][2]["b"], bnet[i][2]["b"]]).reshape(1, -1))
    pm = np.zeros((NF, 32, 256), np.float32)
    for e in range(NF):
        pm[e, :, 32 * e:32 * e + 32] = np.eye(32, dtype=np.float32)
    st = lambda xs: jnp.stack(xs)
    return [st(w1g), st(w1t), st(b1),
            st(w2d), st(b2d), st(w2f), st(b2f), st(w2b), st(b2b),
            st(w3d), st(w3f), st(w3b), st(b3), jnp.asarray(pm)]


def kernel(inp_seq, code, _bb_dims, _hier_ind, gt_seq, params):
    b, t, tl = inp_seq.shape

    hier_oh = jax.nn.one_hot(_hier_ind, MAX_DEPTH, dtype=jnp.float32)
    feat = jnp.concatenate(
        [_bb_dims, hier_oh, jnp.zeros((B, KPAD - TL - 7), jnp.float32)],
        axis=1)

    gt_flat = jnp.swapaxes(gt_seq, 0, 1).reshape(N, TL)
    gt8 = gt_flat[:, :NF]
    bb_flat = jnp.broadcast_to(_bb_dims[None], (T, B, 3)).reshape(N, 3)
    gtbb = jnp.concatenate(
        [gt_flat, bb_flat, jnp.zeros((N, KPAD - TL - 3), jnp.float32)],
        axis=1)

    p = params
    inp_net = p["inp_net"]
    w1 = jnp.concatenate(
        [inp_net[0]["W"], jnp.zeros((KPAD - TL - 7, H), jnp.float32)], axis=0)

    cmd, hist = _s1a_call(gt8)
    pos, xgtbb, blk = _s1b_call(cmd, hist, gtbb)

    gru = p["gru"]
    gx = _pre_call(inp_seq, feat, w1, _row(inp_net[0]["b"]),
                   inp_net[1]["W"], _row(inp_net[1]["b"]),
                   inp_net[2]["W"], _row(inp_net[2]["b"]),
                   gru["W_ih"].T, _row(gru["b_ih"]))
    gru_out = _gru_call(gx.reshape(T, B, 3 * H), code, gru["W_hh"].T,
                        _row(gru["b_hh"]))
    g_flat = gru_out.reshape(N, H)

    xg = _s1c_call(g_flat, pos)
    ew = _expert_weights(p)
    yx = _grp_call(blk, xg, xgtbb, ew)
    mid = _s2_call(yx, pos)

    fu = [p["func_net"][0]["W"], _row(p["func_net"][0]["b"]),
          p["func_net"][1]["W"], _row(p["func_net"][1]["b"]),
          p["func_net"][2]["W"], _row(p["func_net"][2]["b"])]
    ch = [p["child_net"][0]["W"][:H], p["child_net"][0]["W"][H:],
          _row(p["child_net"][0]["b"]),
          p["child_net"][1]["W"], _row(p["child_net"][1]["b"]),
          p["child_net"][2]["W"], _row(p["child_net"][2]["b"])]
    nc = [p["next_code_net"][0]["W"][:H], p["next_code_net"][0]["W"][H:],
          _row(p["next_code_net"][0]["b"]),
          p["next_code_net"][1]["W"], _row(p["next_code_net"][1]["b"]),
          p["next_code_net"][2]["W"], _row(p["next_code_net"][2]["b"])]
    func8, child_f, ncod_f = _tail_call(g_flat, code, fu, ch, nc)

    out = jnp.concatenate(
        [func8.reshape(N, NF), mid], axis=1).reshape(b, t, tl)
    child = child_f
    ncod = ncod_f.reshape(b, t, 4, H)
    return (out, ncod, child)

# --- scband reference (transcript-rebuilt; emitter-appended) ---
"""Pipeline reference for scband-dsl-decoder-54992761258144 (READ-ONLY COPY).

The authoritative reference and input builder live on the scoring server;
editing this copy changes nothing except your own understanding.
"""

import jax, jax.numpy as jnp
import numpy as np

MAX_DEPTH = 4
NF = 8
B, T, H, TL = 32, 64, 512, 264


def mlp_init(key, dims):
    ks = jax.random.split(key, len(dims) - 1)
    layers = []
    for i in range(len(dims) - 1):
        kw, kb = jax.random.split(ks[i])
        layers.append({"W": jax.random.normal(kw, (dims[i], dims[i + 1]), jnp.float32) * 0.02,
                       "b": jnp.zeros((dims[i + 1],), jnp.float32)})
    return layers


def mlp_apply(layers, x):
    x = jax.nn.leaky_relu(x @ layers[0]["W"] + layers[0]["b"], 0.2)
    x = jax.nn.leaky_relu(x @ layers[1]["W"] + layers[1]["b"], 0.2)
    return x @ layers[2]["W"] + layers[2]["b"]


def gru_apply(p, x, h0):
    def step(h, xt):
        gi = xt @ p["W_ih"].T + p["b_ih"]
        gh = h @ p["W_hh"].T + p["b_hh"]
        i_r, i_z, i_n = jnp.split(gi, 3, axis=-1)
        h_r, h_z, h_n = jnp.split(gh, 3, axis=-1)
        r = jax.nn.sigmoid(i_r + h_r)
        z = jax.nn.sigmoid(i_z + h_z)
        n = jnp.tanh(i_n + r * h_n)
        h_new = (1.0 - z) * n + z * h
        return h_new, h_new
    _, ys = jax.lax.scan(step, h0, jnp.swapaxes(x, 0, 1))
    return jnp.swapaxes(ys, 0, 1)


def setup_inputs(seed: int = 0):
    key = jax.random.key(seed)
    ks = jax.random.split(key, 16)
    inp_seq = jax.random.normal(ks[0], (B, T, TL), jnp.float32)
    code = jax.random.normal(ks[1], (B, H), jnp.float32)
    bb = jax.random.normal(ks[2], (B, 3), jnp.float32)
    hier = jax.random.randint(ks[3], (B,), 0, MAX_DEPTH)
    gt_seq = jax.random.normal(ks[4], (B, T, TL), jnp.float32)
    params = {
        "inp_net": mlp_init(ks[5], [TL + MAX_DEPTH + 3, H, H, H]),
        "gru": {"W_ih": jax.random.normal(ks[6], (3 * H, H), jnp.float32) * 0.02,
                 "W_hh": jax.random.normal(ks[7], (3 * H, H), jnp.float32) * 0.02,
                 "b_ih": jnp.zeros((3 * H,), jnp.float32),
                 "b_hh": jnp.zeros((3 * H,), jnp.float32)},
        "func_net": mlp_init(ks[8], [H, H // 2, H // 4, NF]),
        "disc": [mlp_init(jax.random.fold_in(ks[9], i), [H, H // 2, H // 4, 24]) for i in range(NF)],
        "fnet": [mlp_init(jax.random.fold_in(ks[10], i), [H + 3 + 24, H // 2, H // 4, 6]) for i in range(NF)],
        "bnet": [mlp_init(jax.random.fold_in(ks[11], i), [H, H // 2, H // 4, 2]) for i in range(NF)],
        "child_net": mlp_init(ks[12], [2 * H, H // 2, H // 8, 4]),
        "next_code_net": mlp_init(ks[13], [2 * H, H, H, 4 * H]),
    }
    return {"inp_seq": inp_seq, "code": code, "_bb_dims": bb, "_hier_ind": hier, "gt_seq": gt_seq, "params": params}


def forward(inp_seq, code, bb_dims_in, hier_ind, gt_seq, params):
    b, t, tl = inp_seq.shape
    bb_dims = jnp.broadcast_to(bb_dims_in[:, None, :], (b, t, 3))
    hier_oh = jnp.broadcast_to(jax.nn.one_hot(hier_ind, MAX_DEPTH, dtype=jnp.float32)[:, None, :], (b, t, MAX_DEPTH))
    inp = mlp_apply(params["inp_net"], jnp.concatenate([inp_seq, bb_dims, hier_oh], axis=2))
    gru_out = gru_apply(params["gru"], inp, code)
    commands = jnp.argmax(gt_seq[:, :, 0:NF], axis=2).reshape(-1)
    n = b * t
    flat_gru = gru_out.reshape(n, -1)
    flat_gt = gt_seq.reshape(n, -1)
    flat_bb = bb_dims.reshape(n, -1)
    flat_out = jnp.zeros((n, tl), jnp.float32)
    flat_out = flat_out.at[:, 0:NF].set(mlp_apply(params["func_net"], flat_gru))
    for i in range(NF):
        base = NF + i * 32
        ds, de = base, base + 24
        fs, fe = base + 24, base + 30
        bs, be = base + 30, base + 32
        mask = (commands == i)[:, None]
        flat_out = flat_out.at[:, ds:de].set(jnp.where(mask, mlp_apply(params["disc"][i], flat_gru), 0.0))
        f_in = jnp.concatenate([flat_gru, flat_gt[:, ds:de], flat_bb], axis=1)
        flat_out = flat_out.at[:, fs:fe].set(jnp.where(mask, mlp_apply(params["fnet"][i], f_in), 0.0))
        flat_out = flat_out.at[:, bs:be].set(jnp.where(mask, mlp_apply(params["bnet"][i], flat_gru), 0.0))
    out = flat_out.reshape(inp_seq.shape)
    code_rep = jnp.broadcast_to(code[:, None, :], (b, t, code.shape[1]))
    double_enc = jnp.concatenate([gru_out, code_rep], axis=2)
    child_pred = mlp_apply(params["child_net"], double_enc)
    next_codes = mlp_apply(params["next_code_net"], double_enc).reshape(b, t, 4, -1)
    return (out, next_codes, child_pred)


def reference(inp_seq, code, _bb_dims, _hier_ind, gt_seq, params):
    return forward(inp_seq, code, _bb_dims, _hier_ind, gt_seq, params)

if __name__ == "__main__":
    import jax
    _d = setup_inputs()
    print(jax.jit(kernel)(*tuple(_d.values())))

</pallas_src>

<mosaic_0001>
#map = affine_map<(d0, d1) -> (0, 0)>
#map1 = affine_map<(d0, d1) -> (0)>
module attributes {stable_mosaic.version = 14 : i64} {
  func.func @_s1a_body(%arg0: i32, %arg1: i32, %arg2: memref<2048x8xf32, #tpu.memory_space<hbm>>, %arg3: memref<2048xi32, #tpu.memory_space<hbm>>, %arg4: memref<32x16xi32, #tpu.memory_space<hbm>>, %arg5: memref<64x8xf32, #tpu.memory_space<vmem>>, %arg6: memref<64xi32, #tpu.memory_space<vmem>>, %arg7: memref<16xi32, #tpu.memory_space<vmem>>) attributes {dimension_semantics = [#tpu.dimension_semantics<core_parallel>, #tpu.dimension_semantics<subcore_parallel>], iteration_bounds = array<i64: 2, 16>, scalar_prefetch = 0 : i64, scratch_operands = 3 : i64, tpu.core_type = #tpu.core_type<sc_vector_subcore>, window_params = [{transform_indices = #map}, {transform_indices = #map1}, {transform_indices = #map}]} {
    %mul3A = arith.constant 2 : i32
    %mul3A_0 = arith.muli %arg1, %mul3A : i32
    %add3A = arith.addi %mul3A_0, %arg0 : i32
    %mul3A_1 = arith.constant 64 : i32
    %mul3A_2 = arith.muli %add3A, %mul3A_1 : i32
    "tpu.region"() ({
      %run_scoped3A = tpu.sem_alloc : memref<!tpu.dma_semaphore, #tpu.memory_space<semaphore_mem>>
      %dma_start3A = arith.constant 0 : i32
      %dma_start3A_615 = tpu.memref_slice %arg2[%mul3A_2, %dma_start3A] : memref<2048x8xf32, #tpu.memory_space<hbm>> -> memref<64x8xf32, #tpu.memory_space<hbm>>
      %dma_start3A_616 = arith.constant 0 : i32
      %dma_start3A_617 = tpu.memref_slice %arg2[%mul3A_2, %dma_start3A_616] : memref<2048x8xf32, #tpu.memory_space<hbm>> -> memref<64x8xf32, #tpu.memory_space<hbm>>
      tpu.enqueue_dma source(%dma_start3A_617 : memref<64x8xf32, #tpu.memory_space<hbm>>) target(%arg5 : memref<64x8xf32, #tpu.memory_space<vmem>>) target_semaphore(%run_scoped3A : memref<!tpu.dma_semaphore, #tpu.memory_space<semaphore_mem>>)
      %dma_wait3A = arith.constant 0 : i32
      %dma_wait3A_618 = tpu.memref_slice %arg2[%mul3A_2, %dma_wait3A] : memref<2048x8xf32, #tpu.memory_space<hbm>> -> memref<64x8xf32, #tpu.memory_space<hbm>>
      %dma_wait3A_619 = arith.constant 0 : i32
      %dma_wait3A_620 = tpu.memref_slice %arg2[%mul3A_2, %dma_wait3A_619] : memref<2048x8xf32, #tpu.memory_space<hbm>> -> memref<64x8xf32, #tpu.memory_space<hbm>>
      tpu.wait_dma2 semaphore(%run_scoped3A : memref<!tpu.dma_semaphore, #tpu.memory_space<semaphore_mem>>) src(%dma_wait3A_620 : memref<64x8xf32, #tpu.memory_space<hbm>>) dst(%arg5 : memref<64x8xf32, #tpu.memory_space<vmem>>)
      tpu.yield
    }) : () -> ()
    %iota3A = tpu.iota {dimensions = array<i32: 0>} : vector<16xi32>
    %broadcast_in_dim3A = arith.constant 0 : i32
    %broadcast_in_dim3A_3 = vector.broadcast %broadcast_in_dim3A : i32 to vector<16xi32>
    %add3A_4 = arith.constant 0 : i32
    %add3A_5 = vector.broadcast %add3A_4 : i32 to vector<16xi32>
    %add3A_6 = arith.addi %iota3A, %add3A_5 : vector<16xi32>
    %broadcast_in_dim3A_7 = arith.constant 0 : i32
    %broadcast_in_dim3A_8 = vector.broadcast %broadcast_in_dim3A_7 : i32 to vector<16xi32>
    %gather3A = tpu.vector_load_idx %arg5[%add3A_6, %broadcast_in_dim3A_8] : memref<64x8xf32, #tpu.memory_space<vmem>>[vector<16xi32>, vector<16xi32>], vector<16xf32>,
    %broadcast_in_dim3A_9 = arith.constant 0 : i32
    %broadcast_in_dim3A_10 = vector.broadcast %broadcast_in_dim3A_9 : i32 to vector<16xi32>
    %broadcast_in_dim3A_11 = arith.constant 1 : i32
    %broadcast_in_dim3A_12 = vector.broadcast %broadcast_in_dim3A_11 : i32 to vector<16xi32>
    %gather3A_13 = tpu.vector_load_idx %arg5[%add3A_6, %broadcast_in_dim3A_12] : memref<64x8xf32, #tpu.memory_space<vmem>>[vector<16xi32>, vector<16xi32>], vector<16xf32>,
    %gt3A = arith.cmpf ogt, %gather3A_13, %gather3A : vector<16xf32>
    %jit3A = arith.constant 1 : i32
    %broadcast_in_dim3A_14 = vector.broadcast %jit3A : i32 to vector<16xi32>
    %select_n3A = arith.select %gt3A, %broadcast_in_dim3A_14, %broadcast_in_dim3A_10 : vector<16xi1>, vector<16xi32>
    %select_n3A_15 = arith.select %gt3A, %gather3A_13, %gather3A : vector<16xi1>, vector<16xf32>
    %broadcast_in_dim3A_16 = arith.constant 2 : i32
    %broadcast_in_dim3A_17 = vector.broadcast %broadcast_in_dim3A_16 : i32 to vector<16xi32>
    %gather3A_18 = tpu.vector_load_idx %arg5[%add3A_6, %broadcast_in_dim3A_17] : memref<64x8xf32, #tpu.memory_space<vmem>>[vector<16xi32>, vector<16xi32>], vector<16xf32>,
    %gt3A_19 = arith.cmpf ogt, %gather3A_18, %select_n3A_15 : vector<16xf32>
    %jit3A_20 = arith.constant 2 : i32
    %broadcast_in_dim3A_21 = vector.broadcast %jit3A_20 : i32 to vector<16xi32>
    %select_n3A_22 = arith.select %gt3A_19, %broadcast_in_dim3A_21, %select_n3A : vector<16xi1>, vector<16xi32>
    %select_n3A_23 = arith.select %gt3A_19, %gather3A_18, %select_n3A_15 : vector<16xi1>, vector<16xf32>
    %broadcast_in_dim3A_24 = arith.constant 3 : i32
    %broadcast_in_dim3A_25 = vector.broadcast %broadcast_in_dim3A_24 : i32 to vector<16xi32>
    %gather3A_26 = tpu.vector_load_idx %arg5[%add3A_6, %broadcast_in_dim3A_25] : memref<64x8xf32, #tpu.memory_space<vmem>>[vector<16xi32>, vector<16xi32>], vector<16xf32>,
    %gt3A_27 = arith.cmpf ogt, %gather3A_26, %select_n3A_23 : vector<16xf32>
    %jit3A_28 = arith.constant 3 : i32
    %broadcast_in_dim3A_29 = vector.broadcast %jit3A_28 : i32 to vector<16xi32>
    %select_n3A_30 = arith.select %gt3A_27, %broadcast_in_dim3A_29, %select_n3A_22 : vector<16xi1>, vector<16xi32>
    %select_n3A_31 = arith.select %gt3A_27, %gather3A_26, %select_n3A_23 : vector<16xi1>, vector<16xf32>
    %broadcast_in_dim3A_32 = arith.constant 4 : i32
    %broadcast_in_dim3A_33 = vector.broadcast %broadcast_in_dim3A_32 : i32 to vector<16xi32>
    %gather3A_34 = tpu.vector_load_idx %arg5[%add3A_6, %broadcast_in_dim3A_33] : memref<64x8xf32, #tpu.memory_space<vmem>>[vector<16xi32>, vector<16xi32>], vector<16xf32>,
    %gt3A_35 = arith.cmpf ogt, %gather3A_34, %select_n3A_31 : vector<16xf32>
    %jit3A_36 = arith.constant 4 : i32
    %broadcast_in_dim3A_37 = vector.broadcast %jit3A_36 : i32 to vector<16xi32>
    %select_n3A_38 = arith.select %gt3A_35, %broadcast_in_dim3A_37, %select_n3A_30 : vector<16xi1>, vector<16xi32>
    %select_n3A_39 = arith.select %gt3A_35, %gather3A_34, %select_n3A_31 : vector<16xi1>, vector<16xf32>
    %broadcast_in_dim3A_40 = arith.constant 5 : i32
    %broadcast_in_dim3A_41 = vector.broadcast %broadcast_in_dim3A_40 : i32 to vector<16xi32>
    %gather3A_42 = tpu.vector_load_idx %arg5[%add3A_6, %broadcast_in_dim3A_41] : memref<64x8xf32, #tpu.memory_space<vmem>>[vector<16xi32>, vector<16xi32>], vector<16xf32>,
    %gt3A_43 = arith.cmpf ogt, %gather3A_42, %select_n3A_39 : vector<16xf32>
    %jit3A_44 = arith.constant 5 : i32
    %broadcast_in_dim3A_45 = vector.broadcast %jit3A_44 : i32 to vector<16xi32>
    %select_n3A_46 = arith.select %gt3A_43, %broadcast_in_dim3A_45, %select_n3A_38 : vector<16xi1>, vector<16xi32>
    %select_n3A_47 = arith.select %gt3A_43, %gather3A_42, %select_n3A_39 : vector<16xi1>, vector<16xf32>
    %broadcast_in_dim3A_48 = arith.constant 6 : i32
    %broadcast_in_dim3A_49 = vector.broadcast %broadcast_in_dim3A_48 : i32 to vector<16xi32>
    %gather3A_50 = tpu.vector_load_idx %arg5[%add3A_6, %broadcast_in_dim3A_49] : memref<64x8xf32, #tpu.memory_space<vmem>>[vector<16xi32>, vector<16xi32>], vector<16xf32>,
    %gt3A_51 = arith.cmpf ogt, %gather3A_50, %select_n3A_47 : vector<16xf32>
    %jit3A_52 = arith.constant 6 : i32
    %broadcast_in_dim3A_53 = vector.broadcast %jit3A_52 : i32 to vector<16xi32>
    %select_n3A_54 = arith.select %gt3A_51, %broadcast_in_dim3A_53, %select_n3A_46 : vector<16xi1>, vector<16xi32>
    %select_n3A_55 = arith.select %gt3A_51, %gather3A_50, %select_n3A_47 : vector<16xi1>, vector<16xf32>
    %broadcast_in_dim3A_56 = arith.constant 7 : i32
    %broadcast_in_dim3A_57 = vector.broadcast %broadcast_in_dim3A_56 : i32 to vector<16xi32>
    %gather3A_58 = tpu.vector_load_idx %arg5[%add3A_6, %broadcast_in_dim3A_57] : memref<64x8xf32, #tpu.memory_space<vmem>>[vector<16xi32>, vector<16xi32>], vector<16xf32>,
    %gt3A_59 = arith.cmpf ogt, %gather3A_58, %select_n3A_55 : vector<16xf32>
    %jit3A_60 = arith.constant 7 : i32
    %broadcast_in_dim3A_61 = vector.broadcast %jit3A_60 : i32 to vector<16xi32>
    %select_n3A_62 = arith.select %gt3A_59, %broadcast_in_dim3A_61, %select_n3A_54 : vector<16xi1>, vector<16xi32>
    %select_n3A_63 = arith.select %gt3A_59, %gather3A_58, %select_n3A_55 : vector<16xi1>, vector<16xf32>
    %swap3A = arith.constant 0 : index
    %swap3A_64 = tpu.vector_load %arg6[%swap3A] {strides = array<i32>} : memref<64xi32, #tpu.memory_space<vmem>>, vector<16xi32>,
    tpu.vector_store %arg6[%swap3A], %select_n3A_62 {strides = array<i32>} : memref<64xi32, #tpu.memory_space<vmem>>, vector<16xi32>,
    %eq3A = arith.constant 0 : i32
    %eq3A_65 = vector.broadcast %eq3A : i32 to vector<16xi32>
    %eq3A_66 = arith.cmpi eq, %select_n3A_62, %eq3A_65 : vector<16xi32>
    %all_reduce_population_count3A = tpu.all_reduce %eq3A_66 {dim = 0 : i64, kind = #tpu.reduction_kind<sum>} : vector<16xi1> -> vector<16xi32>
    %eq3A_67 = arith.constant 0 : i32
    %eq3A_68 = vector.broadcast %eq3A_67 : i32 to vector<16xi32>
    %eq3A_69 = arith.cmpi eq, %iota3A, %eq3A_68 : vector<16xi32>
    %jit3A_70 = arith.constant 0 : i32
    %broadcast_in_dim3A_71 = vector.broadcast %jit3A_70 : i32 to vector<16xi32>
    %select_n3A_72 = arith.select %eq3A_69, %all_reduce_population_count3A, %broadcast_in_dim3A_71 : vector<16xi1>, vector<16xi32>
    %add3A_73 = arith.addi %broadcast_in_dim3A_3, %select_n3A_72 : vector<16xi32>
    %eq3A_74 = arith.constant 1 : i32
    %eq3A_75 = vector.broadcast %eq3A_74 : i32 to vector<16xi32>
    %eq3A_76 = arith.cmpi eq, %select_n3A_62, %eq3A_75 : vector<16xi32>
    %all_reduce_population_count3A_77 = tpu.all_reduce %eq3A_76 {dim = 0 : i64, kind = #tpu.reduction_kind<sum>} : vector<16xi1> -> vector<16xi32>
    %eq3A_78 = arith.constant 1 : i32
    %eq3A_79 = vector.broadcast %eq3A_78 : i32 to vector<16xi32>
    %eq3A_80 = arith.cmpi eq, %iota3A, %eq3A_79 : vector<16xi32>
    %jit3A_81 = arith.constant 0 : i32
    %broadcast_in_dim3A_82 = vector.broadcast %jit3A_81 : i32 to vector<16xi32>
    %select_n3A_83 = arith.select %eq3A_80, %all_reduce_population_count3A_77, %broadcast_in_dim3A_82 : vector<16xi1>, vector<16xi32>
    %add3A_84 = arith.addi %add3A_73, %select_n3A_83 : vector<16xi32>
    %eq3A_85 = arith.constant 2 : i32
    %eq3A_86 = vector.broadcast %eq3A_85 : i32 to vector<16xi32>
    %eq3A_87 = arith.cmpi eq, %select_n3A_62, %eq3A_86 : vector<16xi32>
    %all_reduce_population_count3A_88 = tpu.all_reduce %eq3A_87 {dim = 0 : i64, kind = #tpu.reduction_kind<sum>} : vector<16xi1> -> vector<16xi32>
    %eq3A_89 = arith.constant 2 : i32
    %eq3A_90 = vector.broadcast %eq3A_89 : i32 to vector<16xi32>
    %eq3A_91 = arith.cmpi eq, %iota3A, %eq3A_90 : vector<16xi32>
    %jit3A_92 = arith.constant 0 : i32
    %broadcast_in_dim3A_93 = vector.broadcast %jit3A_92 : i32 to vector<16xi32>
    %select_n3A_94 = arith.select %eq3A_91, %all_reduce_population_count3A_88, %broadcast_in_dim3A_93 : vector<16xi1>, vector<16xi32>
    %add3A_95 = arith.addi %add3A_84, %select_n3A_94 : vector<16xi32>
    %eq3A_96 = arith.constant 3 : i32
    %eq3A_97 = vector.broadcast %eq3A_96 : i32 to vector<16xi32>
    %eq3A_98 = arith.cmpi eq, %select_n3A_62, %eq3A_97 : vector<16xi32>
    %all_reduce_population_count3A_99 = tpu.all_reduce %eq3A_98 {dim = 0 : i64, kind = #tpu.reduction_kind<sum>} : vector<16xi1> -> vector<16xi32>
    %eq3A_100 = arith.constant 3 : i32
    %eq3A_101 = vector.broadcast %eq3A_100 : i32 to vector<16xi32>
    %eq3A_102 = arith.cmpi eq, %iota3A, %eq3A_101 : vector<16xi32>
    %jit3A_103 = arith.constant 0 : i32
    %broadcast_in_dim3A_104 = vector.broadcast %jit3A_103 : i32 to vector<16xi32>
    %select_n3A_105 = arith.select %eq3A_102, %all_reduce_population_count3A_99, %broadcast_in_dim3A_104 : vector<16xi1>, vector<16xi32>
    %add3A_106 = arith.addi %add3A_95, %select_n3A_105 : vector<16xi32>
    %eq3A_107 = arith.constant 4 : i32
    %eq3A_108 = vector.broadcast %eq3A_107 : i32 to vector<16xi32>
    %eq3A_109 = arith.cmpi eq, %select_n3A_62, %eq3A_108 : vector<16xi32>
    %all_reduce_population_count3A_110 = tpu.all_reduce %eq3A_109 {dim = 0 : i64, kind = #tpu.reduction_kind<sum>} : vector<16xi1> -> vector<16xi32>
    %eq3A_111 = arith.constant 4 : i32
    %eq3A_112 = vector.broadcast %eq3A_111 : i32 to vector<16xi32>
    %eq3A_113 = arith.cmpi eq, %iota3A, %eq3A_112 : vector<16xi32>
    %jit3A_114 = arith.constant 0 : i32
    %broadcast_in_dim3A_115 = vector.broadcast %jit3A_114 : i32 to vector<16xi32>
    %select_n3A_116 = arith.select %eq3A_113, %all_reduce_population_count3A_110, %broadcast_in_dim3A_115 : vector<16xi1>, vector<16xi32>
    %add3A_117 = arith.addi %add3A_106, %select_n3A_116 : vector<16xi32>
    %eq3A_118 = arith.constant 5 : i32
    %eq3A_119 = vector.broadcast %eq3A_118 : i32 to vector<16xi32>
    %eq3A_120 = arith.cmpi eq, %select_n3A_62, %eq3A_119 : vector<16xi32>
    %all_reduce_population_count3A_121 = tpu.all_reduce %eq3A_120 {dim = 0 : i64, kind = #tpu.reduction_kind<sum>} : vector<16xi1> -> vector<16xi32>
    %eq3A_122 = arith.constant 5 : i32
    %eq3A_123 = vector.broadcast %eq3A_122 : i32 to vector<16xi32>
    %eq3A_124 = arith.cmpi eq, %iota3A, %eq3A_123 : vector<16xi32>
    %jit3A_125 = arith.constant 0 : i32
    %broadcast_in_dim3A_126 = vector.broadcast %jit3A_125 : i32 to vector<16xi32>
    %select_n3A_127 = arith.select %eq3A_124, %all_reduce_population_count3A_121, %broadcast_in_dim3A_126 : vector<16xi1>, vector<16xi32>
    %add3A_128 = arith.addi %add3A_117, %select_n3A_127 : vector<16xi32>
    %eq3A_129 = arith.constant 6 : i32
    %eq3A_130 = vector.broadcast %eq3A_129 : i32 to vector<16xi32>
    %eq3A_131 = arith.cmpi eq, %select_n3A_62, %eq3A_130 : vector<16xi32>
    %all_reduce_population_count3A_132 = tpu.all_reduce %eq3A_131 {dim = 0 : i64, kind = #tpu.reduction_kind<sum>} : vector<16xi1> -> vector<16xi32>
    %eq3A_133 = arith.constant 6 : i32
    %eq3A_134 = vector.broadcast %eq3A_133 : i32 to vector<16xi32>
    %eq3A_135 = arith.cmpi eq, %iota3A, %eq3A_134 : vector<16xi32>
    %jit3A_136 = arith.constant 0 : i32
    %broadcast_in_dim3A_137 = vector.broadcast %jit3A_136 : i32 to vector<16xi32>
    %select_n3A_138 = arith.select %eq3A_135, %all_reduce_population_count3A_132, %broadcast_in_dim3A_137 : vector<16xi1>, vector<16xi32>
    %add3A_139 = arith.addi %add3A_128, %select_n3A_138 : vector<16xi32>
    %eq3A_140 = arith.constant 7 : i32
    %eq3A_141 = vector.broadcast %eq3A_140 : i32 to vector<16xi32>
    %eq3A_142 = arith.cmpi eq, %select_n3A_62, %eq3A_141 : vector<16xi32>
    %all_reduce_population_count3A_143 = tpu.all_reduce %eq3A_142 {dim = 0 : i64, kind = #tpu.reduction_kind<sum>} : vector<16xi1> -> vector<16xi32>
    %eq3A_144 = arith.constant 7 : i32
    %eq3A_145 = vector.broadcast %eq3A_144 : i32 to vector<16xi32>
    %eq3A_146 = arith.cmpi eq, %iota3A, %eq3A_145 : vector<16xi32>
    %jit3A_147 = arith.constant 0 : i32
    %broadcast_in_dim3A_148 = vector.broadcast %jit3A_147 : i32 to vector<16xi32>
    %select_n3A_149 = arith.select %eq3A_146, %all_reduce_population_count3A_143, %broadcast_in_dim3A_148 : vector<16xi1>, vector<16xi32>
    %add3A_150 = arith.addi %add3A_139, %select_n3A_149 : vector<16xi32>
    %add3A_151 = arith.constant 16 : i32
    %add3A_152 = vector.broadcast %add3A_151 : i32 to vector<16xi32>
    %add3A_153 = arith.addi %iota3A, %add3A_152 : vector<16xi32>
    %broadcast_in_dim3A_154 = arith.constant 0 : i32
    %broadcast_in_dim3A_155 = vector.broadcast %broadcast_in_dim3A_154 : i32 to vector<16xi32>
    %gather3A_156 = tpu.vector_load_idx %arg5[%add3A_153, %broadcast_in_dim3A_155] : memref<64x8xf32, #tpu.memory_space<vmem>>[vector<16xi32>, vector<16xi32>], vector<16xf32>,
    %broadcast_in_dim3A_157 = arith.constant 0 : i32
    %broadcast_in_dim3A_158 = vector.broadcast %broadcast_in_dim3A_157 : i32 to vector<16xi32>
    %broadcast_in_dim3A_159 = arith.constant 1 : i32
    %broadcast_in_dim3A_160 = vector.broadcast %broadcast_in_dim3A_159 : i32 to vector<16xi32>
    %gather3A_161 = tpu.vector_load_idx %arg5[%add3A_153, %broadcast_in_dim3A_160] : memref<64x8xf32, #tpu.memory_space<vmem>>[vector<16xi32>, vector<16xi32>], vector<16xf32>,
    %gt3A_162 = arith.cmpf ogt, %gather3A_161, %gather3A_156 : vector<16xf32>
    %jit3A_163 = arith.constant 1 : i32
    %broadcast_in_dim3A_164 = vector.broadcast %jit3A_163 : i32 to vector<16xi32>
    %select_n3A_165 = arith.select %gt3A_162, %broadcast_in_dim3A_164, %broadcast_in_dim3A_158 : vector<16xi1>, vector<16xi32>
    %select_n3A_166 = arith.select %gt3A_162, %gather3A_161, %gather3A_156 : vector<16xi1>, vector<16xf32>
    %broadcast_in_dim3A_167 = arith.constant 2 : i32
    %broadcast_in_dim3A_168 = vector.broadcast %broadcast_in_dim3A_167 : i32 to vector<16xi32>
    %gather3A_169 = tpu.vector_load_idx %arg5[%add3A_153, %broadcast_in_dim3A_168] : memref<64x8xf32, #tpu.memory_space<vmem>>[vector<16xi32>, vector<16xi32>], vector<16xf32>,
    %gt3A_170 = arith.cmpf ogt, %gather3A_169, %select_n3A_166 : vector<16xf32>
    %jit3A_171 = arith.constant 2 : i32
    %broadcast_in_dim3A_172 = vector.broadcast %jit3A_171 : i32 to vector<16xi32>
    %select_n3A_173 = arith.select %gt3A_170, %broadcast_in_dim3A_172, %select_n3A_165 : vector<16xi1>, vector<16xi32>
    %select_n3A_174 = arith.select %gt3A_170, %gather3A_169, %select_n3A_166 : vector<16xi1>, vector<16xf32>
    %broadcast_in_dim3A_175 = arith.constant 3 : i32
    %broadcast_in_dim3A_176 = vector.broadcast %broadcast_in_dim3A_175 : i32 to vector<16xi32>
    %gather3A_177 = tpu.vector_load_idx %arg5[%add3A_153, %broadcast_in_dim3A_176] : memref<64x8xf32, #tpu.memory_space<vmem>>[vector<16xi32>, vector<16xi32>], vector<16xf32>,
    %gt3A_178 = arith.cmpf ogt, %gather3A_177, %select_n3A_174 : vector<16xf32>
    %jit3A_179 = arith.constant 3 : i32
    %broadcast_in_dim3A_180 = vector.broadcast %jit3A_179 : i32 to vector<16xi32>
    %select_n3A_181 = arith.select %gt3A_178, %broadcast_in_dim3A_180, %select_n3A_173 : vector<16xi1>, vector<16xi32>
    %select_n3A_182 = arith.select %gt3A_178, %gather3A_177, %select_n3A_174 : vector<16xi1>, vector<16xf32>
    %broadcast_in_dim3A_183 = arith.constant 4 : i32
    %broadcast_in_dim3A_184 = vector.broadcast %broadcast_in_dim3A_183 : i32 to vector<16xi32>
    %gather3A_185 = tpu.vector_load_idx %arg5[%add3A_153, %broadcast_in_dim3A_184] : memref<64x8xf32, #tpu.memory_space<vmem>>[vector<16xi32>, vector<16xi32>], vector<16xf32>,
    %gt3A_186 = arith.cmpf ogt, %gather3A_185, %select_n3A_182 : vector<16xf32>
    %jit3A_187 = arith.constant 4 : i32
    %broadcast_in_dim3A_188 = vector.broadcast %jit3A_187 : i32 to vector<16xi32>
    %select_n3A_189 = arith.select %gt3A_186, %broadcast_in_dim3A_188, %select_n3A_181 : vector<16xi1>, vector<16xi32>
    %select_n3A_190 = arith.select %gt3A_186, %gather3A_185, %select_n3A_182 : vector<16xi1>, vector<16xf32>
    %broadcast_in_dim3A_191 = arith.constant 5 : i32
    %broadcast_in_dim3A_192 = vector.broadcast %broadcast_in_dim3A_191 : i32 to vector<16xi32>
    %gather3A_193 = tpu.vector_load_idx %arg5[%add3A_153, %broadcast_in_dim3A_192] : memref<64x8xf32, #tpu.memory_space<vmem>>[vector<16xi32>, vector<16xi32>], vector<16xf32>,
    %gt3A_194 = arith.cmpf ogt, %gather3A_193, %select_n3A_190 : vector<16xf32>
    %jit3A_195 = arith.constant 5 : i32
    %broadcast_in_dim3A_196 = vector.broadcast %jit3A_195 : i32 to vector<16xi32>
    %select_n3A_197 = arith.select %gt3A_194, %broadcast_in_dim3A_196, %select_n3A_189 : vector<16xi1>, vector<16xi32>
    %select_n3A_198 = arith.select %gt3A_194, %gather3A_193, %select_n3A_190 : vector<16xi1>, vector<16xf32>
    %broadcast_in_dim3A_199 = arith.constant 6 : i32
    %broadcast_in_dim3A_200 = vector.broadcast %broadcast_in_dim3A_199 : i32 to vector<16xi32>
    %gather3A_201 = tpu.vector_load_idx %arg5[%add3A_153, %broadcast_in_dim3A_200] : memref<64x8xf32, #tpu.memory_space<vmem>>[vector<16xi32>, vector<16xi32>], vector<16xf32>,
    %gt3A_202 = arith.cmpf ogt, %gather3A_201, %select_n3A_198 : vector<16xf32>
    %jit3A_203 = arith.constant 6 : i32
    %broadcast_in_dim3A_204 = vector.broadcast %jit3A_203 : i32 to vector<16xi32>
    %select_n3A_205 = arith.select %gt3A_202, %broadcast_in_dim3A_204, %select_n3A_197 : vector<16xi1>, vector<16xi32>
    %select_n3A_206 = arith.select %gt3A_202, %gather3A_201, %select_n3A_198 : vector<16xi1>, vector<16xf32>
    %broadcast_in_dim3A_207 = arith.constant 7 : i32
    %broadcast_in_dim3A_208 = vector.broadcast %broadcast_in_dim3A_207 : i32 to vector<16xi32>
    %gather3A_209 = tpu.vector_load_idx %arg5[%add3A_153, %broadcast_in_dim3A_208] : memref<64x8xf32, #tpu.memory_space<vmem>>[vector<16xi32>, vector<16xi32>], vector<16xf32>,
    %gt3A_210 = arith.cmpf ogt, %gather3A_209, %select_n3A_206 : vector<16xf32>
    %jit3A_211 = arith.constant 7 : i32
    %broadcast_in_dim3A_212 = vector.broadcast %jit3A_211 : i32 to vector<16xi32>
    %select_n3A_213 = arith.select %gt3A_210, %broadcast_in_dim3A_212, %select_n3A_205 : vector<16xi1>, vector<16xi32>
    %select_n3A_214 = arith.select %gt3A_210, %gather3A_209, %select_n3A_206 : vector<16xi1>, vector<16xf32>
    %swap3A_215 = arith.constant 16 : index
    %swap3A_216 = tpu.vector_load %arg6[%swap3A_215] {strides = array<i32>} : memref<64xi32, #tpu.memory_space<vmem>>, vector<16xi32>,
    tpu.vector_store %arg6[%swap3A_215], %select_n3A_213 {strides = array<i32>} : memref<64xi32, #tpu.memory_space<vmem>>, vector<16xi32>,
    %eq3A_217 = arith.constant 0 : i32
    %eq3A_218 = vector.broadcast %eq3A_217 : i32 to vector<16xi32>
    %eq3A_219 = arith.cmpi eq, %select_n3A_213, %eq3A_218 : vector<16xi32>
    %all_reduce_population_count3A_220 = tpu.all_reduce %eq3A_219 {dim = 0 : i64, kind = #tpu.reduction_kind<sum>} : vector<16xi1> -> vector<16xi32>
    %eq3A_221 = arith.constant 0 : i32
    %eq3A_222 = vector.broadcast %eq3A_221 : i32 to vector<16xi32>
    %eq3A_223 = arith.cmpi eq, %iota3A, %eq3A_222 : vector<16xi32>
    %jit3A_224 = arith.constant 0 : i32
    %broadcast_in_dim3A_225 = vector.broadcast %jit3A_224 : i32 to vector<16xi32>
    %select_n3A_226 = arith.select %eq3A_223, %all_reduce_population_count3A_220, %broadcast_in_dim3A_225 : vector<16xi1>, vector<16xi32>
    %add3A_227 = arith.addi %add3A_150, %select_n3A_226 : vector<16xi32>
    %eq3A_228 = arith.constant 1 : i32
    %eq3A_229 = vector.broadcast %eq3A_228 : i32 to vector<16xi32>
    %eq3A_230 = arith.cmpi eq, %select_n3A_213, %eq3A_229 : vector<16xi32>
    %all_reduce_population_count3A_231 = tpu.all_reduce %eq3A_230 {dim = 0 : i64, kind = #tpu.reduction_kind<sum>} : vector<16xi1> -> vector<16xi32>
    %eq3A_232 = arith.constant 1 : i32
    %eq3A_233 = vector.broadcast %eq3A_232 : i32 to vector<16xi32>
    %eq3A_234 = arith.cmpi eq, %iota3A, %eq3A_233 : vector<16xi32>
    %jit3A_235 = arith.constant 0 : i32
    %broadcast_in_dim3A_236 = vector.broadcast %jit3A_235 : i32 to vector<16xi32>
    %select_n3A_237 = arith.select %eq3A_234, %all_reduce_population_count3A_231, %broadcast_in_dim3A_236 : vector<16xi1>, vector<16xi32>
    %add3A_238 = arith.addi %add3A_227, %select_n3A_237 : vector<16xi32>
    %eq3A_239 = arith.constant 2 : i32
    %eq3A_240 = vector.broadcast %eq3A_239 : i32 to vector<16xi32>
    %eq3A_241 = arith.cmpi eq, %select_n3A_213, %eq3A_240 : vector<16xi32>
    %all_reduce_population_count3A_242 = tpu.all_reduce %eq3A_241 {dim = 0 : i64, kind = #tpu.reduction_kind<sum>} : vector<16xi1> -> vector<16xi32>
    %eq3A_243 = arith.constant 2 : i32
    %eq3A_244 = vector.broadcast %eq3A_243 : i32 to vector<16xi32>
    %eq3A_245 = arith.cmpi eq, %iota3A, %eq3A_244 : vector<16xi32>
    %jit3A_246 = arith.constant 0 : i32
    %broadcast_in_dim3A_247 = vector.broadcast %jit3A_246 : i32 to vector<16xi32>
    %select_n3A_248 = arith.select %eq3A_245, %all_reduce_population_count3A_242, %broadcast_in_dim3A_247 : vector<16xi1>, vector<16xi32>
    %add3A_249 = arith.addi %add3A_238, %select_n3A_248 : vector<16xi32>
    %eq3A_250 = arith.constant 3 : i32
    %eq3A_251 = vector.broadcast %eq3A_250 : i32 to vector<16xi32>
    %eq3A_252 = arith.cmpi eq, %select_n3A_213, %eq3A_251 : vector<16xi32>
    %all_reduce_population_count3A_253 = tpu.all_reduce %eq3A_252 {dim = 0 : i64, kind = #tpu.reduction_kind<sum>} : vector<16xi1> -> vector<16xi32>
    %eq3A_254 = arith.constant 3 : i32
    %eq3A_255 = vector.broadcast %eq3A_254 : i32 to vector<16xi32>
    %eq3A_256 = arith.cmpi eq, %iota3A, %eq3A_255 : vector<16xi32>
    %jit3A_257 = arith.constant 0 : i32
    %broadcast_in_dim3A_258 = vector.broadcast %jit3A_257 : i32 to vector<16xi32>
    %select_n3A_259 = arith.select %eq3A_256, %all_reduce_population_count3A_253, %broadcast_in_dim3A_258 : vector<16xi1>, vector<16xi32>
    %add3A_260 = arith.addi %add3A_249, %select_n3A_259 : vector<16xi32>
    %eq3A_261 = arith.constant 4 : i32
    %eq3A_262 = vector.broadcast %eq3A_261 : i32 to vector<16xi32>
    %eq3A_263 = arith.cmpi eq, %select_n3A_213, %eq3A_262 : vector<16xi32>
    %all_reduce_population_count3A_264 = tpu.all_reduce %eq3A_263 {dim = 0 : i64, kind = #tpu.reduction_kind<sum>} : vector<16xi1> -> vector<16xi32>
    %eq3A_265 = arith.constant 4 : i32
    %eq3A_266 = vector.broadcast %eq3A_265 : i32 to vector<16xi32>
    %eq3A_267 = arith.cmpi eq, %iota3A, %eq3A_266 : vector<16xi32>
    %jit3A_268 = arith.constant 0 : i32
    %broadcast_in_dim3A_269 = vector.broadcast %jit3A_268 : i32 to vector<16xi32>
    %select_n3A_270 = arith.select %eq3A_267, %all_reduce_population_count3A_264, %broadcast_in_dim3A_269 : vector<16xi1>, vector<16xi32>
    %add3A_271 = arith.addi %add3A_260, %select_n3A_270 : vector<16xi32>
    %eq3A_272 = arith.constant 5 : i32
    %eq3A_273 = vector.broadcast %eq3A_272 : i32 to vector<16xi32>
    %eq3A_274 = arith.cmpi eq, %select_n3A_213, %eq3A_273 : vector<16xi32>
    %all_reduce_population_count3A_275 = tpu.all_reduce %eq3A_274 {dim = 0 : i64, kind = #tpu.reduction_kind<sum>} : vector<16xi1> -> vector<16xi32>
    %eq3A_276 = arith.constant 5 : i32
    %eq3A_277 = vector.broadcast %eq3A_276 : i32 to vector<16xi32>
    %eq3A_278 = arith.cmpi eq, %iota3A, %eq3A_277 : vector<16xi32>
    %jit3A_279 = arith.constant 0 : i32
    %broadcast_in_dim3A_280 = vector.broadcast %jit3A_279 : i32 to vector<16xi32>
    %select_n3A_281 = arith.select %eq3A_278, %all_reduce_population_count3A_275, %broadcast_in_dim3A_280 : vector<16xi1>, vector<16xi32>
    %add3A_282 = arith.addi %add3A_271, %select_n3A_281 : vector<16xi32>
    %eq3A_283 = arith.constant 6 : i32
    %eq3A_284 = vector.broadcast %eq3A_283 : i32 to vector<16xi32>
    %eq3A_285 = arith.cmpi eq, %select_n3A_213, %eq3A_284 : vector<16xi32>
    %all_reduce_population_count3A_286 = tpu.all_reduce %eq3A_285 {dim = 0 : i64, kind = #tpu.reduction_kind<sum>} : vector<16xi1> -> vector<16xi32>
    %eq3A_287 = arith.constant 6 : i32
    %eq3A_288 = vector.broadcast %eq3A_287 : i32 to vector<16xi32>
    %eq3A_289 = arith.cmpi eq, %iota3A, %eq3A_288 : vector<16xi32>
    %jit3A_290 = arith.constant 0 : i32
    %broadcast_in_dim3A_291 = vector.broadcast %jit3A_290 : i32 to vector<16xi32>
    %select_n3A_292 = arith.select %eq3A_289, %all_reduce_population_count3A_286, %broadcast_in_dim3A_291 : vector<16xi1>, vector<16xi32>
    %add3A_293 = arith.addi %add3A_282, %select_n3A_292 : vector<16xi32>
    %eq3A_294 = arith.constant 7 : i32
    %eq3A_295 = vector.broadcast %eq3A_294 : i32 to vector<16xi32>
    %eq3A_296 = arith.cmpi eq, %select_n3A_213, %eq3A_295 : vector<16xi32>
    %all_reduce_population_count3A_297 = tpu.all_reduce %eq3A_296 {dim = 0 : i64, kind = #tpu.reduction_kind<sum>} : vector<16xi1> -> vector<16xi32>
    %eq3A_298 = arith.constant 7 : i32
    %eq3A_299 = vector.broadcast %eq3A_298 : i32 to vector<16xi32>
    %eq3A_300 = arith.cmpi eq, %iota3A, %eq3A_299 : vector<16xi32>
    %jit3A_301 = arith.constant 0 : i32
    %broadcast_in_dim3A_302 = vector.broadcast %jit3A_301 : i32 to vector<16xi32>
    %select_n3A_303 = arith.select %eq3A_300, %all_reduce_population_count3A_297, %broadcast_in_dim3A_302 : vector<16xi1>, vector<16xi32>
    %add3A_304 = arith.addi %add3A_293, %select_n3A_303 : vector<16xi32>
    %add3A_305 = arith.constant 32 : i32
    %add3A_306 = vector.broadcast %add3A_305 : i32 to vector<16xi32>
    %add3A_307 = arith.addi %iota3A, %add3A_306 : vector<16xi32>
    %broadcast_in_dim3A_308 = arith.constant 0 : i32
    %broadcast_in_dim3A_309 = vector.broadcast %broadcast_in_dim3A_308 : i32 to vector<16xi32>
    %gather3A_310 = tpu.vector_load_idx %arg5[%add3A_307, %broadcast_in_dim3A_309] : memref<64x8xf32, #tpu.memory_space<vmem>>[vector<16xi32>, vector<16xi32>], vector<16xf32>,
    %broadcast_in_dim3A_311 = arith.constant 0 : i32
    %broadcast_in_dim3A_312 = vector.broadcast %broadcast_in_dim3A_311 : i32 to vector<16xi32>
    %broadcast_in_dim3A_313 = arith.constant 1 : i32
    %broadcast_in_dim3A_314 = vector.broadcast %broadcast_in_dim3A_313 : i32 to vector<16xi32>
    %gather3A_315 = tpu.vector_load_idx %arg5[%add3A_307, %broadcast_in_dim3A_314] : memref<64x8xf32, #tpu.memory_space<vmem>>[vector<16xi32>, vector<16xi32>], vector<16xf32>,
    %gt3A_316 = arith.cmpf ogt, %gather3A_315, %gather3A_310 : vector<16xf32>
    %jit3A_317 = arith.constant 1 : i32
    %broadcast_in_dim3A_318 = vector.broadcast %jit3A_317 : i32 to vector<16xi32>
    %select_n3A_319 = arith.select %gt3A_316, %broadcast_in_dim3A_318, %broadcast_in_dim3A_312 : vector<16xi1>, vector<16xi32>
    %select_n3A_320 = arith.select %gt3A_316, %gather3A_315, %gather3A_310 : vector<16xi1>, vector<16xf32>
    %broadcast_in_dim3A_321 = arith.constant 2 : i32
    %broadcast_in_dim3A_322 = vector.broadcast %broadcast_in_dim3A_321 : i32 to vector<16xi32>
    %gather3A_323 = tpu.vector_load_idx %arg5[%add3A_307, %broadcast_in_dim3A_322] : memref<64x8xf32, #tpu.memory_space<vmem>>[vector<16xi32>, vector<16xi32>], vector<16xf32>,
    %gt3A_324 = arith.cmpf ogt, %gather3A_323, %select_n3A_320 : vector<16xf32>
    %jit3A_325 = arith.constant 2 : i32
    %broadcast_in_dim3A_326 = vector.broadcast %jit3A_325 : i32 to vector<16xi32>
    %select_n3A_327 = arith.select %gt3A_324, %broadcast_in_dim3A_326, %select_n3A_319 : vector<16xi1>, vector<16xi32>
    %select_n3A_328 = arith.select %gt3A_324, %gather3A_323, %select_n3A_320 : vector<16xi1>, vector<16xf32>
    %broadcast_in_dim3A_329 = arith.constant 3 : i32
    %broadcast_in_dim3A_330 = vector.broadcast %broadcast_in_dim3A_329 : i32 to vector<16xi32>
    %gather3A_331 = tpu.vector_load_idx %arg5[%add3A_307, %broadcast_in_dim3A_330] : memref<64x8xf32, #tpu.memory_space<vmem>>[vector<16xi32>, vector<16xi32>], vector<16xf32>,
    %gt3A_332 = arith.cmpf ogt, %gather3A_331, %select_n3A_328 : vector<16xf32>
    %jit3A_333 = arith.constant 3 : i32
    %broadcast_in_dim3A_334 = vector.broadcast %jit3A_333 : i32 to vector<16xi32>
    %select_n3A_335 = arith.select %gt3A_332, %broadcast_in_dim3A_334, %select_n3A_327 : vector<16xi1>, vector<16xi32>
    %select_n3A_336 = arith.select %gt3A_332, %gather3A_331, %select_n3A_328 : vector<16xi1>, vector<16xf32>
    %broadcast_in_dim3A_337 = arith.constant 4 : i32
    %broadcast_in_dim3A_338 = vector.broadcast %broadcast_in_dim3A_337 : i32 to vector<16xi32>
    %gather3A_339 = tpu.vector_load_idx %arg5[%add3A_307, %broadcast_in_dim3A_338] : memref<64x8xf32, #tpu.memory_space<vmem>>[vector<16xi32>, vector<16xi32>], vector<16xf32>,
    %gt3A_340 = arith.cmpf ogt, %gather3A_339, %select_n3A_336 : vector<16xf32>
    %jit3A_341 = arith.constant 4 : i32
    %broadcast_in_dim3A_342 = vector.broadcast %jit3A_341 : i32 to vector<16xi32>
    %select_n3A_343 = arith.select %gt3A_340, %broadcast_in_dim3A_342, %select_n3A_335 : vector<16xi1>, vector<16xi32>
    %select_n3A_344 = arith.select %gt3A_340, %gather3A_339, %select_n3A_336 : vector<16xi1>, vector<16xf32>
    %broadcast_in_dim3A_345 = arith.constant 5 : i32
    %broadcast_in_dim3A_346 = vector.broadcast %broadcast_in_dim3A_345 : i32 to vector<16xi32>
    %gather3A_347 = tpu.vector_load_idx %arg5[%add3A_307, %broadcast_in_dim3A_346] : memref<64x8xf32, #tpu.memory_space<vmem>>[vector<16xi32>, vector<16xi32>], vector<16xf32>,
    %gt3A_348 = arith.cmpf ogt, %gather3A_347, %select_n3A_344 : vector<16xf32>
    %jit3A_349 = arith.constant 5 : i32
    %broadcast_in_dim3A_350 = vector.broadcast %jit3A_349 : i32 to vector<16xi32>
    %select_n3A_351 = arith.select %gt3A_348, %broadcast_in_dim3A_350, %select_n3A_343 : vector<16xi1>, vector<16xi32>
    %select_n3A_352 = arith.select %gt3A_348, %gather3A_347, %select_n3A_344 : vector<16xi1>, vector<16xf32>
    %broadcast_in_dim3A_353 = arith.constant 6 : i32
    %broadcast_in_dim3A_354 = vector.broadcast %broadcast_in_dim3A_353 : i32 to vector<16xi32>
    %gather3A_355 = tpu.vector_load_idx %arg5[%add3A_307, %broadcast_in_dim3A_354] : memref<64x8xf32, #tpu.memory_space<vmem>>[vector<16xi32>, vector<16xi32>], vector<16xf32>,
    %gt3A_356 = arith.cmpf ogt, %gather3A_355, %select_n3A_352 : vector<16xf32>
    %jit3A_357 = arith.constant 6 : i32
    %broadcast_in_dim3A_358 = vector.broadcast %jit3A_357 : i32 to vector<16xi32>
    %select_n3A_359 = arith.select %gt3A_356, %broadcast_in_dim3A_358, %select_n3A_351 : vector<16xi1>, vector<16xi32>
    %select_n3A_360 = arith.select %gt3A_356, %gather3A_355, %select_n3A_352 : vector<16xi1>, vector<16xf32>
    %broadcast_in_dim3A_361 = arith.constant 7 : i32
    %broadcast_in_dim3A_362 = vector.broadcast %broadcast_in_dim3A_361 : i32 to vector<16xi32>
    %gather3A_363 = tpu.vector_load_idx %arg5[%add3A_307, %broadcast_in_dim3A_362] : memref<64x8xf32, #tpu.memory_space<vmem>>[vector<16xi32>, vector<16xi32>], vector<16xf32>,
    %gt3A_364 = arith.cmpf ogt, %gather3A_363, %select_n3A_360 : vector<16xf32>
    %jit3A_365 = arith.constant 7 : i32
    %broadcast_in_dim3A_366 = vector.broadcast %jit3A_365 : i32 to vector<16xi32>
    %select_n3A_367 = arith.select %gt3A_364, %broadcast_in_dim3A_366, %select_n3A_359 : vector<16xi1>, vector<16xi32>
    %select_n3A_368 = arith.select %gt3A_364, %gather3A_363, %select_n3A_360 : vector<16xi1>, vector<16xf32>
    %swap3A_369 = arith.constant 32 : index
    %swap3A_370 = tpu.vector_load %arg6[%swap3A_369] {strides = array<i32>} : memref<64xi32, #tpu.memory_space<vmem>>, vector<16xi32>,
    tpu.vector_store %arg6[%swap3A_369], %select_n3A_367 {strides = array<i32>} : memref<64xi32, #tpu.memory_space<vmem>>, vector<16xi32>,
    %eq3A_371 = arith.constant 0 : i32
    %eq3A_372 = vector.broadcast %eq3A_371 : i32 to vector<16xi32>
    %eq3A_373 = arith.cmpi eq, %select_n3A_367, %eq3A_372 : vector<16xi32>
    %all_reduce_population_count3A_374 = tpu.all_reduce %eq3A_373 {dim = 0 : i64, kind = #tpu.reduction_kind<sum>} : vector<16xi1> -> vector<16xi32>
    %eq3A_375 = arith.constant 0 : i32
    %eq3A_376 = vector.broadcast %eq3A_375 : i32 to vector<16xi32>
    %eq3A_377 = arith.cmpi eq, %iota3A, %eq3A_376 : vector<16xi32>
    %jit3A_378 = arith.constant 0 : i32
    %broadcast_in_dim3A_379 = vector.broadcast %jit3A_378 : i32 to vector<16xi32>
    %select_n3A_380 = arith.select %eq3A_377, %all_reduce_population_count3A_374, %broadcast_in_dim3A_379 : vector<16xi1>, vector<16xi32>
    %add3A_381 = arith.addi %add3A_304, %select_n3A_380 : vector<16xi32>
    %eq3A_382 = arith.constant 1 : i32
    %eq3A_383 = vector.broadcast %eq3A_382 : i32 to vector<16xi32>
    %eq3A_384 = arith.cmpi eq, %select_n3A_367, %eq3A_383 : vector<16xi32>
    %all_reduce_population_count3A_385 = tpu.all_reduce %eq3A_384 {dim = 0 : i64, kind = #tpu.reduction_kind<sum>} : vector<16xi1> -> vector<16xi32>
    %eq3A_386 = arith.constant 1 : i32
    %eq3A_387 = vector.broadcast %eq3A_386 : i32 to vector<16xi32>
    %eq3A_388 = arith.cmpi eq, %iota3A, %eq3A_387 : vector<16xi32>
    %jit3A_389 = arith.constant 0 : i32
    %broadcast_in_dim3A_390 = vector.broadcast %jit3A_389 : i32 to vector<16xi32>
    %select_n3A_391 = arith.select %eq3A_388, %all_reduce_population_count3A_385, %broadcast_in_dim3A_390 : vector<16xi1>, vector<16xi32>
    %add3A_392 = arith.addi %add3A_381, %select_n3A_391 : vector<16xi32>
    %eq3A_393 = arith.constant 2 : i32
    %eq3A_394 = vector.broadcast %eq3A_393 : i32 to vector<16xi32>
    %eq3A_395 = arith.cmpi eq, %select_n3A_367, %eq3A_394 : vector<16xi32>
    %all_reduce_population_count3A_396 = tpu.all_reduce %eq3A_395 {dim = 0 : i64, kind = #tpu.reduction_kind<sum>} : vector<16xi1> -> vector<16xi32>
    %eq3A_397 = arith.constant 2 : i32
    %eq3A_398 = vector.broadcast %eq3A_397 : i32 to vector<16xi32>
    %eq3A_399 = arith.cmpi eq, %iota3A, %eq3A_398 : vector<16xi32>
    %jit3A_400 = arith.constant 0 : i32
    %broadcast_in_dim3A_401 = vector.broadcast %jit3A_400 : i32 to vector<16xi32>
    %select_n3A_402 = arith.select %eq3A_399, %all_reduce_population_count3A_396, %broadcast_in_dim3A_401 : vector<16xi1>, vector<16xi32>
    %add3A_403 = arith.addi %add3A_392, %select_n3A_402 : vector<16xi32>
    %eq3A_404 = arith.constant 3 : i32
    %eq3A_405 = vector.broadcast %eq3A_404 : i32 to vector<16xi32>
    %eq3A_406 = arith.cmpi eq, %select_n3A_367, %eq3A_405 : vector<16xi32>
    %all_reduce_population_count3A_407 = tpu.all_reduce %eq3A_406 {dim = 0 : i64, kind = #tpu.reduction_kind<sum>} : vector<16xi1> -> vector<16xi32>
    %eq3A_408 = arith.constant 3 : i32
    %eq3A_409 = vector.broadcast %eq3A_408 : i32 to vector<16xi32>
    %eq3A_410 = arith.cmpi eq, %iota3A, %eq3A_409 : vector<16xi32>
    %jit3A_411 = arith.constant 0 : i32
    %broadcast_in_dim3A_412 = vector.broadcast %jit3A_411 : i32 to vector<16xi32>
    %select_n3A_413 = arith.select %eq3A_410, %all_reduce_population_count3A_407, %broadcast_in_dim3A_412 : vector<16xi1>, vector<16xi32>
    %add3A_414 = arith.addi %add3A_403, %select_n3A_413 : vector<16xi32>
    %eq3A_415 = arith.constant 4 : i32
    %eq3A_416 = vector.broadcast %eq3A_415 : i32 to vector<16xi32>
    %eq3A_417 = arith.cmpi eq, %select_n3A_367, %eq3A_416 : vector<16xi32>
    %all_reduce_population_count3A_418 = tpu.all_reduce %eq3A_417 {dim = 0 : i64, kind = #tpu.reduction_kind<sum>} : vector<16xi1> -> vector<16xi32>
    %eq3A_419 = arith.constant 4 : i32
    %eq3A_420 = vector.broadcast %eq3A_419 : i32 to vector<16xi32>
    %eq3A_421 = arith.cmpi eq, %iota3A, %eq3A_420 : vector<16xi32>
    %jit3A_422 = arith.constant 0 : i32
    %broadcast_in_dim3A_423 = vector.broadcast %jit3A_422 : i32 to vector<16xi32>
    %select_n3A_424 = arith.select %eq3A_421, %all_reduce_population_count3A_418, %broadcast_in_dim3A_423 : vector<16xi1>, vector<16xi32>
    %add3A_425 = arith.addi %add3A_414, %select_n3A_424 : vector<16xi32>
    %eq3A_426 = arith.constant 5 : i32
    %eq3A_427 = vector.broadcast %eq3A_426 : i32 to vector<16xi32>
    %eq3A_428 = arith.cmpi eq, %select_n3A_367, %eq3A_427 : vector<16xi32>
    %all_reduce_population_count3A_429 = tpu.all_reduce %eq3A_428 {dim = 0 : i64, kind = #tpu.reduction_kind<sum>} : vector<16xi1> -> vector<16xi32>
    %eq3A_430 = arith.constant 5 : i32
    %eq3A_431 = vector.broadcast %eq3A_430 : i32 to vector<16xi32>
    %eq3A_432 = arith.cmpi eq, %iota3A, %eq3A_431 : vector<16xi32>
    %jit3A_433 = arith.constant 0 : i32
    %broadcast_in_dim3A_434 = vector.broadcast %jit3A_433 : i32 to vector<16xi32>
    %select_n3A_435 = arith.select %eq3A_432, %all_reduce_population_count3A_429, %broadcast_in_dim3A_434 : vector<16xi1>, vector<16xi32>
    %add3A_436 = arith.addi %add3A_425, %select_n3A_435 : vector<16xi32>
    %eq3A_437 = arith.constant 6 : i32
    %eq3A_438 = vector.broadcast %eq3A_437 : i32 to vector<16xi32>
    %eq3A_439 = arith.cmpi eq, %select_n3A_367, %eq3A_438 : vector<16xi32>
    %all_reduce_population_count3A_440 = tpu.all_reduce %eq3A_439 {dim = 0 : i64, kind = #tpu.reduction_kind<sum>} : vector<16xi1> -> vector<16xi32>
    %eq3A_441 = arith.constant 6 : i32
    %eq3A_442 = vector.broadcast %eq3A_441 : i32 to vector<16xi32>
    %eq3A_443 = arith.cmpi eq, %iota3A, %eq3A_442 : vector<16xi32>
    %jit3A_444 = arith.constant 0 : i32
    %broadcast_in_dim3A_445 = vector.broadcast %jit3A_444 : i32 to vector<16xi32>
    %select_n3A_446 = arith.select %eq3A_443, %all_reduce_population_count3A_440, %broadcast_in_dim3A_445 : vector<16xi1>, vector<16xi32>
    %add3A_447 = arith.addi %add3A_436, %select_n3A_446 : vector<16xi32>
    %eq3A_448 = arith.constant 7 : i32
    %eq3A_449 = vector.broadcast %eq3A_448 : i32 to vector<16xi32>
    %eq3A_450 = arith.cmpi eq, %select_n3A_367, %eq3A_449 : vector<16xi32>
    %all_reduce_population_count3A_451 = tpu.all_reduce %eq3A_450 {dim = 0 : i64, kind = #tpu.reduction_kind<sum>} : vector<16xi1> -> vector<16xi32>
    %eq3A_452 = arith.constant 7 : i32
    %eq3A_453 = vector.broadcast %eq3A_452 : i32 to vector<16xi32>
    %eq3A_454 = arith.cmpi eq, %iota3A, %eq3A_453 : vector<16xi32>
    %jit3A_455 = arith.constant 0 : i32
    %broadcast_in_dim3A_456 = vector.broadcast %jit3A_455 : i32 to vector<16xi32>
    %select_n3A_457 = arith.select %eq3A_454, %all_reduce_population_count3A_451, %broadcast_in_dim3A_456 : vector<16xi1>, vector<16xi32>
    %add3A_458 = arith.addi %add3A_447, %select_n3A_457 : vector<16xi32>
    %add3A_459 = arith.constant 48 : i32
    %add3A_460 = vector.broadcast %add3A_459 : i32 to vector<16xi32>
    %add3A_461 = arith.addi %iota3A, %add3A_460 : vector<16xi32>
    %broadcast_in_dim3A_462 = arith.constant 0 : i32
    %broadcast_in_dim3A_463 = vector.broadcast %broadcast_in_dim3A_462 : i32 to vector<16xi32>
    %gather3A_464 = tpu.vector_load_idx %arg5[%add3A_461, %broadcast_in_dim3A_463] : memref<64x8xf32, #tpu.memory_space<vmem>>[vector<16xi32>, vector<16xi32>], vector<16xf32>,
    %broadcast_in_dim3A_465 = arith.constant 0 : i32
    %broadcast_in_dim3A_466 = vector.broadcast %broadcast_in_dim3A_465 : i32 to vector<16xi32>
    %broadcast_in_dim3A_467 = arith.constant 1 : i32
    %broadcast_in_dim3A_468 = vector.broadcast %broadcast_in_dim3A_467 : i32 to vector<16xi32>
    %gather3A_469 = tpu.vector_load_idx %arg5[%add3A_461, %broadcast_in_dim3A_468] : memref<64x8xf32, #tpu.memory_space<vmem>>[vector<16xi32>, vector<16xi32>], vector<16xf32>,
    %gt3A_470 = arith.cmpf ogt, %gather3A_469, %gather3A_464 : vector<16xf32>
    %jit3A_471 = arith.constant 1 : i32
    %broadcast_in_dim3A_472 = vector.broadcast %jit3A_471 : i32 to vector<16xi32>
    %select_n3A_473 = arith.select %gt3A_470, %broadcast_in_dim3A_472, %broadcast_in_dim3A_466 : vector<16xi1>, vector<16xi32>
    %select_n3A_474 = arith.select %gt3A_470, %gather3A_469, %gather3A_464 : vector<16xi1>, vector<16xf32>
    %broadcast_in_dim3A_475 = arith.constant 2 : i32
    %broadcast_in_dim3A_476 = vector.broadcast %broadcast_in_dim3A_475 : i32 to vector<16xi32>
    %gather3A_477 = tpu.vector_load_idx %arg5[%add3A_461, %broadcast_in_dim3A_476] : memref<64x8xf32, #tpu.memory_space<vmem>>[vector<16xi32>, vector<16xi32>], vector<16xf32>,
    %gt3A_478 = arith.cmpf ogt, %gather3A_477, %select_n3A_474 : vector<16xf32>
    %jit3A_479 = arith.constant 2 : i32
    %broadcast_in_dim3A_480 = vector.broadcast %jit3A_479 : i32 to vector<16xi32>
    %select_n3A_481 = arith.select %gt3A_478, %broadcast_in_dim3A_480, %select_n3A_473 : vector<16xi1>, vector<16xi32>
    %select_n3A_482 = arith.select %gt3A_478, %gather3A_477, %select_n3A_474 : vector<16xi1>, vector<16xf32>
    %broadcast_in_dim3A_483 = arith.constant 3 : i32
    %broadcast_in_dim3A_484 = vector.broadcast %broadcast_in_dim3A_483 : i32 to vector<16xi32>
    %gather3A_485 = tpu.vector_load_idx %arg5[%add3A_461, %broadcast_in_dim3A_484] : memref<64x8xf32, #tpu.memory_space<vmem>>[vector<16xi32>, vector<16xi32>], vector<16xf32>,
    %gt3A_486 = arith.cmpf ogt, %gather3A_485, %select_n3A_482 : vector<16xf32>
    %jit3A_487 = arith.constant 3 : i32
    %broadcast_in_dim3A_488 = vector.broadcast %jit3A_487 : i32 to vector<16xi32>
    %select_n3A_489 = arith.select %gt3A_486, %broadcast_in_dim3A_488, %select_n3A_481 : vector<16xi1>, vector<16xi32>
    %select_n3A_490 = arith.select %gt3A_486, %gather3A_485, %select_n3A_482 : vector<16xi1>, vector<16xf32>
    %broadcast_in_dim3A_491 = arith.constant 4 : i32
    %broadcast_in_dim3A_492 = vector.broadcast %broadcast_in_dim3A_491 : i32 to vector<16xi32>
    %gather3A_493 = tpu.vector_load_idx %arg5[%add3A_461, %broadcast_in_dim3A_492] : memref<64x8xf32, #tpu.memory_space<vmem>>[vector<16xi32>, vector<16xi32>], vector<16xf32>,
    %gt3A_494 = arith.cmpf ogt, %gather3A_493, %select_n3A_490 : vector<16xf32>
    %jit3A_495 = arith.constant 4 : i32
    %broadcast_in_dim3A_496 = vector.broadcast %jit3A_495 : i32 to vector<16xi32>
    %select_n3A_497 = arith.select %gt3A_494, %broadcast_in_dim3A_496, %select_n3A_489 : vector<16xi1>, vector<16xi32>
    %select_n3A_498 = arith.select %gt3A_494, %gather3A_493, %select_n3A_490 : vector<16xi1>, vector<16xf32>
    %broadcast_in_dim3A_499 = arith.constant 5 : i32
    %broadcast_in_dim3A_500 = vector.broadcast %broadcast_in_dim3A_499 : i32 to vector<16xi32>
    %gather3A_501 = tpu.vector_load_idx %arg5[%add3A_461, %broadcast_in_dim3A_500] : memref<64x8xf32, #tpu.memory_space<vmem>>[vector<16xi32>, vector<16xi32>], vector<16xf32>,
    %gt3A_502 = arith.cmpf ogt, %gather3A_501, %select_n3A_498 : vector<16xf32>
    %jit3A_503 = arith.constant 5 : i32
    %broadcast_in_dim3A_504 = vector.broadcast %jit3A_503 : i32 to vector<16xi32>
    %select_n3A_505 = arith.select %gt3A_502, %broadcast_in_dim3A_504, %select_n3A_497 : vector<16xi1>, vector<16xi32>
    %select_n3A_506 = arith.select %gt3A_502, %gather3A_501, %select_n3A_498 : vector<16xi1>, vector<16xf32>
    %broadcast_in_dim3A_507 = arith.constant 6 : i32
    %broadcast_in_dim3A_508 = vector.broadcast %broadcast_in_dim3A_507 : i32 to vector<16xi32>
    %gather3A_509 = tpu.vector_load_idx %arg5[%add3A_461, %broadcast_in_dim3A_508] : memref<64x8xf32, #tpu.memory_space<vmem>>[vector<16xi32>, vector<16xi32>], vector<16xf32>,
    %gt3A_510 = arith.cmpf ogt, %gather3A_509, %select_n3A_506 : vector<16xf32>
    %jit3A_511 = arith.constant 6 : i32
    %broadcast_in_dim3A_512 = vector.broadcast %jit3A_511 : i32 to vector<16xi32>
    %select_n3A_513 = arith.select %gt3A_510, %broadcast_in_dim3A_512, %select_n3A_505 : vector<16xi1>, vector<16xi32>
    %select_n3A_514 = arith.select %gt3A_510, %gather3A_509, %select_n3A_506 : vector<16xi1>, vector<16xf32>
    %broadcast_in_dim3A_515 = arith.constant 7 : i32
    %broadcast_in_dim3A_516 = vector.broadcast %broadcast_in_dim3A_515 : i32 to vector<16xi32>
    %gather3A_517 = tpu.vector_load_idx %arg5[%add3A_461, %broadcast_in_dim3A_516] : memref<64x8xf32, #tpu.memory_space<vmem>>[vector<16xi32>, vector<16xi32>], vector<16xf32>,
    %gt3A_518 = arith.cmpf ogt, %gather3A_517, %select_n3A_514 : vector<16xf32>
    %jit3A_519 = arith.constant 7 : i32
    %broadcast_in_dim3A_520 = vector.broadcast %jit3A_519 : i32 to vector<16xi32>
    %select_n3A_521 = arith.select %gt3A_518, %broadcast_in_dim3A_520, %select_n3A_513 : vector<16xi1>, vector<16xi32>
    %select_n3A_522 = arith.select %gt3A_518, %gather3A_517, %select_n3A_514 : vector<16xi1>, vector<16xf32>
    %swap3A_523 = arith.constant 48 : index
    %swap3A_524 = tpu.vector_load %arg6[%swap3A_523] {strides = array<i32>} : memref<64xi32, #tpu.memory_space<vmem>>, vector<16xi32>,
    tpu.vector_store %arg6[%swap3A_523], %select_n3A_521 {strides = array<i32>} : memref<64xi32, #tpu.memory_space<vmem>>, vector<16xi32>,
    %eq3A_525 = arith.constant 0 : i32
    %eq3A_526 = vector.broadcast %eq3A_525 : i32 to vector<16xi32>
    %eq3A_527 = arith.cmpi eq, %select_n3A_521, %eq3A_526 : vector<16xi32>
    %all_reduce_population_count3A_528 = tpu.all_reduce %eq3A_527 {dim = 0 : i64, kind = #tpu.reduction_kind<sum>} : vector<16xi1> -> vector<16xi32>
    %eq3A_529 = arith.constant 0 : i32
    %eq3A_530 = vector.broadcast %eq3A_529 : i32 to vector<16xi32>
    %eq3A_531 = arith.cmpi eq, %iota3A, %eq3A_530 : vector<16xi32>
    %jit3A_532 = arith.constant 0 : i32
    %broadcast_in_dim3A_533 = vector.broadcast %jit3A_532 : i32 to vector<16xi32>
    %select_n3A_534 = arith.select %eq3A_531, %all_reduce_population_count3A_528, %broadcast_in_dim3A_533 : vector<16xi1>, vector<16xi32>
    %add3A_535 = arith.addi %add3A_458, %select_n3A_534 : vector<16xi32>
    %eq3A_536 = arith.constant 1 : i32
    %eq3A_537 = vector.broadcast %eq3A_536 : i32 to vector<16xi32>
    %eq3A_538 = arith.cmpi eq, %select_n3A_521, %eq3A_537 : vector<16xi32>
    %all_reduce_population_count3A_539 = tpu.all_reduce %eq3A_538 {dim = 0 : i64, kind = #tpu.reduction_kind<sum>} : vector<16xi1> -> vector<16xi32>
    %eq3A_540 = arith.constant 1 : i32
    %eq3A_541 = vector.broadcast %eq3A_540 : i32 to vector<16xi32>
    %eq3A_542 = arith.cmpi eq, %iota3A, %eq3A_541 : vector<16xi32>
    %jit3A_543 = arith.constant 0 : i32
    %broadcast_in_dim3A_544 = vector.broadcast %jit3A_543 : i32 to vector<16xi32>
    %select_n3A_545 = arith.select %eq3A_542, %all_reduce_population_count3A_539, %broadcast_in_dim3A_544 : vector<16xi1>, vector<16xi32>
    %add3A_546 = arith.addi %add3A_535, %select_n3A_545 : vector<16xi32>
    %eq3A_547 = arith.constant 2 : i32
    %eq3A_548 = vector.broadcast %eq3A_547 : i32 to vector<16xi32>
    %eq3A_549 = arith.cmpi eq, %select_n3A_521, %eq3A_548 : vector<16xi32>
    %all_reduce_population_count3A_550 = tpu.all_reduce %eq3A_549 {dim = 0 : i64, kind = #tpu.reduction_kind<sum>} : vector<16xi1> -> vector<16xi32>
    %eq3A_551 = arith.constant 2 : i32
    %eq3A_552 = vector.broadcast %eq3A_551 : i32 to vector<16xi32>
    %eq3A_553 = arith.cmpi eq, %iota3A, %eq3A_552 : vector<16xi32>
    %jit3A_554 = arith.constant 0 : i32
    %broadcast_in_dim3A_555 = vector.broadcast %jit3A_554 : i32 to vector<16xi32>
    %select_n3A_556 = arith.select %eq3A_553, %all_reduce_population_count3A_550, %broadcast_in_dim3A_555 : vector<16xi1>, vector<16xi32>
    %add3A_557 = arith.addi %add3A_546, %select_n3A_556 : vector<16xi32>
    %eq3A_558 = arith.constant 3 : i32
    %eq3A_559 = vector.broadcast %eq3A_558 : i32 to vector<16xi32>
    %eq3A_560 = arith.cmpi eq, %select_n3A_521, %eq3A_559 : vector<16xi32>
    %all_reduce_population_count3A_561 = tpu.all_reduce %eq3A_560 {dim = 0 : i64, kind = #tpu.reduction_kind<sum>} : vector<16xi1> -> vector<16xi32>
    %eq3A_562 = arith.constant 3 : i32
    %eq3A_563 = vector.broadcast %eq3A_562 : i32 to vector<16xi32>
    %eq3A_564 = arith.cmpi eq, %iota3A, %eq3A_563 : vector<16xi32>
    %jit3A_565 = arith.constant 0 : i32
    %broadcast_in_dim3A_566 = vector.broadcast %jit3A_565 : i32 to vector<16xi32>
    %select_n3A_567 = arith.select %eq3A_564, %all_reduce_population_count3A_561, %broadcast_in_dim3A_566 : vector<16xi1>, vector<16xi32>
    %add3A_568 = arith.addi %add3A_557, %select_n3A_567 : vector<16xi32>
    %eq3A_569 = arith.constant 4 : i32
    %eq3A_570 = vector.broadcast %eq3A_569 : i32 to vector<16xi32>
    %eq3A_571 = arith.cmpi eq, %select_n3A_521, %eq3A_570 : vector<16xi32>
    %all_reduce_population_count3A_572 = tpu.all_reduce %eq3A_571 {dim = 0 : i64, kind = #tpu.reduction_kind<sum>} : vector<16xi1> -> vector<16xi32>
    %eq3A_573 = arith.constant 4 : i32
    %eq3A_574 = vector.broadcast %eq3A_573 : i32 to vector<16xi32>
    %eq3A_575 = arith.cmpi eq, %iota3A, %eq3A_574 : vector<16xi32>
    %jit3A_576 = arith.constant 0 : i32
    %broadcast_in_dim3A_577 = vector.broadcast %jit3A_576 : i32 to vector<16xi32>
    %select_n3A_578 = arith.select %eq3A_575, %all_reduce_population_count3A_572, %broadcast_in_dim3A_577 : vector<16xi1>, vector<16xi32>
    %add3A_579 = arith.addi %add3A_568, %select_n3A_578 : vector<16xi32>
    %eq3A_580 = arith.constant 5 : i32
    %eq3A_581 = vector.broadcast %eq3A_580 : i32 to vector<16xi32>
    %eq3A_582 = arith.cmpi eq, %select_n3A_521, %eq3A_581 : vector<16xi32>
    %all_reduce_population_count3A_583 = tpu.all_reduce %eq3A_582 {dim = 0 : i64, kind = #tpu.reduction_kind<sum>} : vector<16xi1> -> vector<16xi32>
    %eq3A_584 = arith.constant 5 : i32
    %eq3A_585 = vector.broadcast %eq3A_584 : i32 to vector<16xi32>
    %eq3A_586 = arith.cmpi eq, %iota3A, %eq3A_585 : vector<16xi32>
    %jit3A_587 = arith.constant 0 : i32
    %broadcast_in_dim3A_588 = vector.broadcast %jit3A_587 : i32 to vector<16xi32>
    %select_n3A_589 = arith.select %eq3A_586, %all_reduce_population_count3A_583, %broadcast_in_dim3A_588 : vector<16xi1>, vector<16xi32>
    %add3A_590 = arith.addi %add3A_579, %select_n3A_589 : vector<16xi32>
    %eq3A_591 = arith.constant 6 : i32
    %eq3A_592 = vector.broadcast %eq3A_591 : i32 to vector<16xi32>
    %eq3A_593 = arith.cmpi eq, %select_n3A_521, %eq3A_592 : vector<16xi32>
    %all_reduce_population_count3A_594 = tpu.all_reduce %eq3A_593 {dim = 0 : i64, kind = #tpu.reduction_kind<sum>} : vector<16xi1> -> vector<16xi32>
    %eq3A_595 = arith.constant 6 : i32
    %eq3A_596 = vector.broadcast %eq3A_595 : i32 to vector<16xi32>
    %eq3A_597 = arith.cmpi eq, %iota3A, %eq3A_596 : vector<16xi32>
    %jit3A_598 = arith.constant 0 : i32
    %broadcast_in_dim3A_599 = vector.broadcast %jit3A_598 : i32 to vector<16xi32>
    %select_n3A_600 = arith.select %eq3A_597, %all_reduce_population_count3A_594, %broadcast_in_dim3A_599 : vector<16xi1>, vector<16xi32>
    %add3A_601 = arith.addi %add3A_590, %select_n3A_600 : vector<16xi32>
    %eq3A_602 = arith.constant 7 : i32
    %eq3A_603 = vector.broadcast %eq3A_602 : i32 to vector<16xi32>
    %eq3A_604 = arith.cmpi eq, %select_n3A_521, %eq3A_603 : vector<16xi32>
    %all_reduce_population_count3A_605 = tpu.all_reduce %eq3A_604 {dim = 0 : i64, kind = #tpu.reduction_kind<sum>} : vector<16xi1> -> vector<16xi32>
    %eq3A_606 = arith.constant 7 : i32
    %eq3A_607 = vector.broadcast %eq3A_606 : i32 to vector<16xi32>
    %eq3A_608 = arith.cmpi eq, %iota3A, %eq3A_607 : vector<16xi32>
    %jit3A_609 = arith.constant 0 : i32
    %broadcast_in_dim3A_610 = vector.broadcast %jit3A_609 : i32 to vector<16xi32>
    %select_n3A_611 = arith.select %eq3A_608, %all_reduce_population_count3A_605, %broadcast_in_dim3A_610 : vector<16xi1>, vector<16xi32>
    %add3A_612 = arith.addi %add3A_601, %select_n3A_611 : vector<16xi32>
    %swap3A_613 = arith.constant 0 : index
    %swap3A_614 = tpu.vector_load %arg7[%swap3A_613] {strides = array<i32>} : memref<16xi32, #tpu.memory_space<vmem>>, vector<16xi32>,
    tpu.vector_store %arg7[%swap3A_613], %add3A_612 {strides = array<i32>} : memref<16xi32, #tpu.memory_space<vmem>>, vector<16xi32>,
    "tpu.region"() ({
      %run_scoped3A = tpu.sem_alloc : memref<!tpu.dma_semaphore, #tpu.memory_space<semaphore_mem>>
      %dma_start3A = tpu.memref_slice %arg3[%mul3A_2] : memref<2048xi32, #tpu.memory_space<hbm>> -> memref<64xi32, #tpu.memory_space<hbm>>
      %dma_start3A_615 = tpu.memref_slice %arg3[%mul3A_2] : memref<2048xi32, #tpu.memory_space<hbm>> -> memref<64xi32, #tpu.memory_space<hbm>>
      tpu.enqueue_dma source(%arg6 : memref<64xi32, #tpu.memory_space<vmem>>) target(%dma_start3A_615 : memref<64xi32, #tpu.memory_space<hbm>>) target_semaphore(%run_scoped3A : memref<!tpu.dma_semaphore, #tpu.memory_space<semaphore_mem>>)
      %dma_wait3A = tpu.memref_slice %arg3[%mul3A_2] : memref<2048xi32, #tpu.memory_space<hbm>> -> memref<64xi32, #tpu.memory_space<hbm>>
      %dma_wait3A_616 = tpu.memref_slice %arg3[%mul3A_2] : memref<2048xi32, #tpu.memory_space<hbm>> -> memref<64xi32, #tpu.memory_space<hbm>>
      tpu.wait_dma2 semaphore(%run_scoped3A : memref<!tpu.dma_semaphore, #tpu.memory_space<semaphore_mem>>) src(%arg6 : memref<64xi32, #tpu.memory_space<vmem>>) dst(%dma_wait3A_616 : memref<64xi32, #tpu.memory_space<hbm>>)
      tpu.yield
    }) : () -> ()
    "tpu.region"() ({
      %run_scoped3A = tpu.sem_alloc : memref<!tpu.dma_semaphore, #tpu.memory_space<semaphore_mem>>
      %dma_start3A = arith.constant 0 : i32
      %dma_start3A_615 = tpu.memref_slice %arg4[%add3A, %dma_start3A] : memref<32x16xi32, #tpu.memory_space<hbm>> -> memref<1x16xi32, #tpu.memory_space<hbm>>
      %dma_start3A_616 = tpu.memref_squeeze %dma_start3A_615 : memref<1x16xi32, #tpu.memory_space<hbm>> -> memref<16xi32, #tpu.memory_space<hbm>>
      %dma_start3A_617 = arith.constant 0 : i32
      %dma_start3A_618 = tpu.memref_slice %arg4[%add3A, %dma_start3A_617] : memref<32x16xi32, #tpu.memory_space<hbm>> -> memref<1x16xi32, #tpu.memory_space<hbm>>
      %dma_start3A_619 = tpu.memref_squeeze %dma_start3A_618 : memref<1x16xi32, #tpu.memory_space<hbm>> -> memref<16xi32, #tpu.memory_space<hbm>>
      tpu.enqueue_dma source(%arg7 : memref<16xi32, #tpu.memory_space<vmem>>) target(%dma_start3A_619 : memref<16xi32, #tpu.memory_space<hbm>>) target_semaphore(%run_scoped3A : memref<!tpu.dma_semaphore, #tpu.memory_space<semaphore_mem>>)
      %dma_wait3A = arith.constant 0 : i32
      %dma_wait3A_620 = tpu.memref_slice %arg4[%add3A, %dma_wait3A] : memref<32x16xi32, #tpu.memory_space<hbm>> -> memref<1x16xi32, #tpu.memory_space<hbm>>
      %dma_wait3A_621 = tpu.memref_squeeze %dma_wait3A_620 : memref<1x16xi32, #tpu.memory_space<hbm>> -> memref<16xi32, #tpu.memory_space<hbm>>
      %dma_wait3A_622 = arith.constant 0 : i32
      %dma_wait3A_623 = tpu.memref_slice %arg4[%add3A, %dma_wait3A_622] : memref<32x16xi32, #tpu.memory_space<hbm>> -> memref<1x16xi32, #tpu.memory_space<hbm>>
      %dma_wait3A_624 = tpu.memref_squeeze %dma_wait3A_623 : memref<1x16xi32, #tpu.memory_space<hbm>> -> memref<16xi32, #tpu.memory_space<hbm>>
      tpu.wait_dma2 semaphore(%run_scoped3A : memref<!tpu.dma_semaphore, #tpu.memory_space<semaphore_mem>>) src(%arg7 : memref<16xi32, #tpu.memory_space<vmem>>) dst(%dma_wait3A_624 : memref<16xi32, #tpu.memory_space<hbm>>)
      tpu.yield
    }) : () -> ()
    return
  }
}

#map = affine_map<(d0, d1) -> (0, 0)>
#map1 = affine_map<(d0, d1) -> (0, 0, 0)>
module attributes {stable_mosaic.version = 14 : i64} {
  func.func @_s1c_body(%arg0: i32, %arg1: i32, %arg2: memref<2048x512xf32, #tpu.memory_space<hbm>>, %arg3: memref<32x1x64xi32, #tpu.memory_space<hbm>>, %arg4: memref<4096x512xf32, #tpu.memory_space<hbm>>, %arg5: memref<1x64xi32, #tpu.memory_space<vmem>>, %arg6: memref<64x512xf32, #tpu.memory_space<vmem>>) attributes {dimension_semantics = [#tpu.dimension_semantics<core_parallel>, #tpu.dimension_semantics<subcore_parallel>], iteration_bounds = array<i64: 2, 16>, scalar_prefetch = 0 : i64, scratch_operands = 2 : i64, tpu.core_type = #tpu.core_type<sc_vector_subcore>, window_params = [{transform_indices = #map}, {transform_indices = #map1}, {transform_indices = #map}]} {
    %mul3A = arith.constant 2 : i32
    %mul3A_0 = arith.muli %arg1, %mul3A : i32
    %add3A = arith.addi %mul3A_0, %arg0 : i32
    "tpu.region"() ({
      %run_scoped3A_3 = tpu.sem_alloc : memref<!tpu.dma_semaphore, #tpu.memory_space<semaphore_mem>>
      %dma_start3A = arith.constant 0 : i32
      %dma_start3A_4 = arith.constant 0 : i32
      %dma_start3A_5 = tpu.memref_slice %arg3[%add3A, %dma_start3A, %dma_start3A_4] : memref<32x1x64xi32, #tpu.memory_space<hbm>> -> memref<1x1x64xi32, #tpu.memory_space<hbm>>
      %dma_start3A_6 = tpu.memref_squeeze %dma_start3A_5 : memref<1x1x64xi32, #tpu.memory_space<hbm>> -> memref<1x64xi32, #tpu.memory_space<hbm>>
      %dma_start3A_7 = arith.constant 0 : i32
      %dma_start3A_8 = arith.constant 0 : i32
      %dma_start3A_9 = tpu.memref_slice %arg3[%add3A, %dma_start3A_7, %dma_start3A_8] : memref<32x1x64xi32, #tpu.memory_space<hbm>> -> memref<1x1x64xi32, #tpu.memory_space<hbm>>
      %dma_start3A_10 = tpu.memref_squeeze %dma_start3A_9 : memref<1x1x64xi32, #tpu.memory_space<hbm>> -> memref<1x64xi32, #tpu.memory_space<hbm>>
      tpu.enqueue_dma source(%dma_start3A_10 : memref<1x64xi32, #tpu.memory_space<hbm>>) target(%arg5 : memref<1x64xi32, #tpu.memory_space<vmem>>) target_semaphore(%run_scoped3A_3 : memref<!tpu.dma_semaphore, #tpu.memory_space<semaphore_mem>>)
      %dma_wait3A = arith.constant 0 : i32
      %dma_wait3A_11 = arith.constant 0 : i32
      %dma_wait3A_12 = tpu.memref_slice %arg3[%add3A, %dma_wait3A, %dma_wait3A_11] : memref<32x1x64xi32, #tpu.memory_space<hbm>> -> memref<1x1x64xi32, #tpu.memory_space<hbm>>
      %dma_wait3A_13 = tpu.memref_squeeze %dma_wait3A_12 : memref<1x1x64xi32, #tpu.memory_space<hbm>> -> memref<1x64xi32, #tpu.memory_space<hbm>>
      %dma_wait3A_14 = arith.constant 0 : i32
      %dma_wait3A_15 = arith.constant 0 : i32
      %dma_wait3A_16 = tpu.memref_slice %arg3[%add3A, %dma_wait3A_14, %dma_wait3A_15] : memref<32x1x64xi32, #tpu.memory_space<hbm>> -> memref<1x1x64xi32, #tpu.memory_space<hbm>>
      %dma_wait3A_17 = tpu.memref_squeeze %dma_wait3A_16 : memref<1x1x64xi32, #tpu.memory_space<hbm>> -> memref<1x64xi32, #tpu.memory_space<hbm>>
      tpu.wait_dma2 semaphore(%run_scoped3A_3 : memref<!tpu.dma_semaphore, #tpu.memory_space<semaphore_mem>>) src(%dma_wait3A_17 : memref<1x64xi32, #tpu.memory_space<hbm>>) dst(%arg5 : memref<1x64xi32, #tpu.memory_space<vmem>>)
      tpu.yield
    }) : () -> ()
    %mul3A_1 = arith.constant 64 : i32
    %mul3A_2 = arith.muli %add3A, %mul3A_1 : i32
    "tpu.region"() ({
      %run_scoped3A_3 = tpu.sem_alloc : memref<!tpu.dma_semaphore, #tpu.memory_space<semaphore_mem>>
      %dma_start3A = arith.constant 0 : i32
      %dma_start3A_4 = tpu.memref_slice %arg2[%mul3A_2, %dma_start3A] : memref<2048x512xf32, #tpu.memory_space<hbm>> -> memref<64x512xf32, #tpu.memory_space<hbm>>
      %dma_start3A_5 = arith.constant 0 : i32
      %dma_start3A_6 = tpu.memref_slice %arg2[%mul3A_2, %dma_start3A_5] : memref<2048x512xf32, #tpu.memory_space<hbm>> -> memref<64x512xf32, #tpu.memory_space<hbm>>
      tpu.enqueue_dma source(%dma_start3A_6 : memref<64x512xf32, #tpu.memory_space<hbm>>) target(%arg6 : memref<64x512xf32, #tpu.memory_space<vmem>>) target_semaphore(%run_scoped3A_3 : memref<!tpu.dma_semaphore, #tpu.memory_space<semaphore_mem>>)
      %dma_wait3A = arith.constant 0 : i32
      %dma_wait3A_7 = tpu.memref_slice %arg2[%mul3A_2, %dma_wait3A] : memref<2048x512xf32, #tpu.memory_space<hbm>> -> memref<64x512xf32, #tpu.memory_space<hbm>>
      %dma_wait3A_8 = arith.constant 0 : i32
      %dma_wait3A_9 = tpu.memref_slice %arg2[%mul3A_2, %dma_wait3A_8] : memref<2048x512xf32, #tpu.memory_space<hbm>> -> memref<64x512xf32, #tpu.memory_space<hbm>>
      tpu.wait_dma2 semaphore(%run_scoped3A_3 : memref<!tpu.dma_semaphore, #tpu.memory_space<semaphore_mem>>) src(%dma_wait3A_9 : memref<64x512xf32, #tpu.memory_space<hbm>>) dst(%arg6 : memref<64x512xf32, #tpu.memory_space<vmem>>)
      tpu.yield
    }) : () -> ()
    %run_scoped3A = arith.constant 0 : i32
    "tpu.region"() ({
      %run_scoped3A_3 = tpu.sem_alloc : memref<!tpu.dma_semaphore, #tpu.memory_space<semaphore_mem>>
      %dma_start3A = arith.constant 0 : i32
      %dma_start3A_4 = tpu.memref_slice %arg5[%run_scoped3A, %dma_start3A] : memref<1x64xi32, #tpu.memory_space<vmem>> -> memref<1x64xi32, #tpu.memory_space<vmem>>
      %dma_start3A_5 = tpu.memref_squeeze %dma_start3A_4 : memref<1x64xi32, #tpu.memory_space<vmem>> -> memref<64xi32, #tpu.memory_space<vmem>>
      %dma_start3A_6 = arith.constant 0 : i32
      %dma_start3A_7 = arith.constant 0 : i32
      %dma_start3A_8 = tpu.memref_slice %arg4[%dma_start3A_6, %dma_start3A_7] : memref<4096x512xf32, #tpu.memory_space<hbm>> -> memref<4096x512xf32, #tpu.memory_space<hbm>>
      tpu.enqueue_indirect_dma source(%arg6 : memref<64x512xf32, #tpu.memory_space<vmem>>) target(%dma_start3A_8 : memref<4096x512xf32, #tpu.memory_space<hbm>>) offsets(%dma_start3A_5 : memref<64xi32, #tpu.memory_space<vmem>>) semaphore(%run_scoped3A_3 : memref<!tpu.dma_semaphore, #tpu.memory_space<semaphore_mem>>)
      %dma_wait3A = arith.constant 0 : i32
      %dma_wait3A_9 = tpu.memref_slice %arg5[%run_scoped3A, %dma_wait3A] : memref<1x64xi32, #tpu.memory_space<vmem>> -> memref<1x64xi32, #tpu.memory_space<vmem>>
      %dma_wait3A_10 = tpu.memref_squeeze %dma_wait3A_9 : memref<1x64xi32, #tpu.memory_space<vmem>> -> memref<64xi32, #tpu.memory_space<vmem>>
      %dma_wait3A_11 = arith.constant 0 : i32
      %dma_wait3A_12 = arith.constant 0 : i32
      %dma_wait3A_13 = tpu.memref_slice %arg4[%dma_wait3A_11, %dma_wait3A_12] : memref<4096x512xf32, #tpu.memory_space<hbm>> -> memref<4096x512xf32, #tpu.memory_space<hbm>>
      tpu.wait_indirect_dma semaphore(%run_scoped3A_3 : memref<!tpu.dma_semaphore, #tpu.memory_space<semaphore_mem>>) src(%arg6 : memref<64x512xf32, #tpu.memory_space<vmem>>) dst(%dma_wait3A_13 : memref<4096x512xf32, #tpu.memory_space<hbm>>)
      tpu.yield
    }) : () -> ()
    return
  }
}

#map = affine_map<(d0, d1) -> (0, 0)>
#map1 = affine_map<(d0, d1) -> (0, 0, 0)>
module attributes {stable_mosaic.version = 14 : i64} {
  func.func @_s2_body(%arg0: i32, %arg1: i32, %arg2: memref<4096x256xf32, #tpu.memory_space<hbm>>, %arg3: memref<32x1x64xi32, #tpu.memory_space<hbm>>, %arg4: memref<2048x256xf32, #tpu.memory_space<hbm>>, %arg5: memref<1x64xi32, #tpu.memory_space<vmem>>, %arg6: memref<1x64xi32, #tpu.memory_space<vmem>>, %arg7: memref<64x256xf32, #tpu.memory_space<vmem>>) attributes {dimension_semantics = [#tpu.dimension_semantics<core_parallel>, #tpu.dimension_semantics<subcore_parallel>], iteration_bounds = array<i64: 2, 16>, scalar_prefetch = 0 : i64, scratch_operands = 3 : i64, tpu.core_type = #tpu.core_type<sc_vector_subcore>, window_params = [{transform_indices = #map}, {transform_indices = #map1}, {transform_indices = #map}]} {
    %mul3A = arith.constant 2 : i32
    %mul3A_0 = arith.muli %arg1, %mul3A : i32
    %add3A = arith.addi %mul3A_0, %arg0 : i32
    %iota3A = tpu.iota {dimensions = array<i32: 0>} : vector<16xi32>
    "tpu.region"() ({
      %run_scoped3A_83 = tpu.sem_alloc : memref<!tpu.dma_semaphore, #tpu.memory_space<semaphore_mem>>
      %dma_start3A = arith.constant 0 : i32
      %dma_start3A_84 = arith.constant 0 : i32
      %dma_start3A_85 = tpu.memref_slice %arg3[%add3A, %dma_start3A, %dma_start3A_84] : memref<32x1x64xi32, #tpu.memory_space<hbm>> -> memref<1x1x64xi32, #tpu.memory_space<hbm>>
      %dma_start3A_86 = tpu.memref_squeeze %dma_start3A_85 : memref<1x1x64xi32, #tpu.memory_space<hbm>> -> memref<1x64xi32, #tpu.memory_space<hbm>>
      %dma_start3A_87 = arith.constant 0 : i32
      %dma_start3A_88 = arith.constant 0 : i32
      %dma_start3A_89 = tpu.memref_slice %arg3[%add3A, %dma_start3A_87, %dma_start3A_88] : memref<32x1x64xi32, #tpu.memory_space<hbm>> -> memref<1x1x64xi32, #tpu.memory_space<hbm>>
      %dma_start3A_90 = tpu.memref_squeeze %dma_start3A_89 : memref<1x1x64xi32, #tpu.memory_space<hbm>> -> memref<1x64xi32, #tpu.memory_space<hbm>>
      tpu.enqueue_dma source(%dma_start3A_90 : memref<1x64xi32, #tpu.memory_space<hbm>>) target(%arg5 : memref<1x64xi32, #tpu.memory_space<vmem>>) target_semaphore(%run_scoped3A_83 : memref<!tpu.dma_semaphore, #tpu.memory_space<semaphore_mem>>)
      %dma_wait3A = arith.constant 0 : i32
      %dma_wait3A_91 = arith.constant 0 : i32
      %dma_wait3A_92 = tpu.memref_slice %arg3[%add3A, %dma_wait3A, %dma_wait3A_91] : memref<32x1x64xi32, #tpu.memory_space<hbm>> -> memref<1x1x64xi32, #tpu.memory_space<hbm>>
      %dma_wait3A_93 = tpu.memref_squeeze %dma_wait3A_92 : memref<1x1x64xi32, #tpu.memory_space<hbm>> -> memref<1x64xi32, #tpu.memory_space<hbm>>
      %dma_wait3A_94 = arith.constant 0 : i32
      %dma_wait3A_95 = arith.constant 0 : i32
      %dma_wait3A_96 = tpu.memref_slice %arg3[%add3A, %dma_wait3A_94, %dma_wait3A_95] : memref<32x1x64xi32, #tpu.memory_space<hbm>> -> memref<1x1x64xi32, #tpu.memory_space<hbm>>
      %dma_wait3A_97 = tpu.memref_squeeze %dma_wait3A_96 : memref<1x1x64xi32, #tpu.memory_space<hbm>> -> memref<1x64xi32, #tpu.memory_space<hbm>>
      tpu.wait_dma2 semaphore(%run_scoped3A_83 : memref<!tpu.dma_semaphore, #tpu.memory_space<semaphore_mem>>) src(%dma_wait3A_97 : memref<1x64xi32, #tpu.memory_space<hbm>>) dst(%arg5 : memref<1x64xi32, #tpu.memory_space<vmem>>)
      tpu.yield
    }) : () -> ()
    %run_scoped3A = arith.constant 0 : i32
    "tpu.region"() ({
      %run_scoped3A_83 = tpu.sem_alloc : memref<!tpu.dma_semaphore, #tpu.memory_space<semaphore_mem>>
      %dma_start3A = arith.constant 0 : i32
      %dma_start3A_84 = tpu.memref_slice %arg5[%run_scoped3A, %dma_start3A] : memref<1x64xi32, #tpu.memory_space<vmem>> -> memref<1x64xi32, #tpu.memory_space<vmem>>
      %dma_start3A_85 = tpu.memref_squeeze %dma_start3A_84 : memref<1x64xi32, #tpu.memory_space<vmem>> -> memref<64xi32, #tpu.memory_space<vmem>>
      %dma_start3A_86 = arith.constant 0 : i32
      %dma_start3A_87 = arith.constant 0 : i32
      %dma_start3A_88 = tpu.memref_slice %arg2[%dma_start3A_86, %dma_start3A_87] : memref<4096x256xf32, #tpu.memory_space<hbm>> -> memref<4096x256xf32, #tpu.memory_space<hbm>>
      tpu.enqueue_indirect_dma source(%dma_start3A_88 : memref<4096x256xf32, #tpu.memory_space<hbm>>) target(%arg7 : memref<64x256xf32, #tpu.memory_space<vmem>>) offsets(%dma_start3A_85 : memref<64xi32, #tpu.memory_space<vmem>>) semaphore(%run_scoped3A_83 : memref<!tpu.dma_semaphore, #tpu.memory_space<semaphore_mem>>)
      %dma_wait3A = arith.constant 0 : i32
      %dma_wait3A_89 = tpu.memref_slice %arg5[%run_scoped3A, %dma_wait3A] : memref<1x64xi32, #tpu.memory_space<vmem>> -> memref<1x64xi32, #tpu.memory_space<vmem>>
      %dma_wait3A_90 = tpu.memref_squeeze %dma_wait3A_89 : memref<1x64xi32, #tpu.memory_space<vmem>> -> memref<64xi32, #tpu.memory_space<vmem>>
      %dma_wait3A_91 = arith.constant 0 : i32
      %dma_wait3A_92 = arith.constant 0 : i32
      %dma_wait3A_93 = tpu.memref_slice %arg2[%dma_wait3A_91, %dma_wait3A_92] : memref<4096x256xf32, #tpu.memory_space<hbm>> -> memref<4096x256xf32, #tpu.memory_space<hbm>>
      tpu.wait_indirect_dma semaphore(%run_scoped3A_83 : memref<!tpu.dma_semaphore, #tpu.memory_space<semaphore_mem>>) src(%dma_wait3A_93 : memref<4096x256xf32, #tpu.memory_space<hbm>>) dst(%arg7 : memref<64x256xf32, #tpu.memory_space<vmem>>)
      tpu.yield
    }) : () -> ()
    %add3A_1 = arith.constant 0 : i32
    %add3A_2 = vector.broadcast %add3A_1 : i32 to vector<16xi32>
    %add3A_3 = arith.addi %iota3A, %add3A_2 : vector<16xi32>
    %and3A = arith.constant 31 : i32
    %and3A_4 = vector.broadcast %and3A : i32 to vector<16xi32>
    %and3A_5 = arith.andi %add3A_3, %and3A_4 : vector<16xi32>
    %mul3A_6 = arith.constant 64 : i32
    %mul3A_7 = vector.broadcast %mul3A_6 : i32 to vector<16xi32>
    %mul3A_8 = arith.muli %and3A_5, %mul3A_7 : vector<16xi32>
    %mul3A_9 = arith.constant 2 : i32
    %mul3A_10 = arith.muli %mul3A_9, %add3A : i32
    %add3A_11 = vector.broadcast %mul3A_10 : i32 to vector<16xi32>
    %add3A_12 = arith.addi %mul3A_8, %add3A_11 : vector<16xi32>
    %shift_right_arithmetic3A = arith.constant 5 : i32
    %shift_right_arithmetic3A_13 = vector.broadcast %shift_right_arithmetic3A : i32 to vector<16xi32>
    %shift_right_arithmetic3A_14 = arith.shrsi %add3A_3, %shift_right_arithmetic3A_13 : vector<16xi32>
    %add3A_15 = arith.addi %add3A_12, %shift_right_arithmetic3A_14 : vector<16xi32>
    %swap3A = arith.constant 0 : i32
    %swap3A_16 = arith.index_cast %swap3A : i32 to index
    %swap3A_17 = arith.constant 0 : index
    %swap3A_18 = tpu.vector_load %arg6[%swap3A_16, %swap3A_17] {strides = array<i32>} : memref<1x64xi32, #tpu.memory_space<vmem>>, vector<16xi32>,
    tpu.vector_store %arg6[%swap3A_16, %swap3A_17], %add3A_15 {strides = array<i32>} : memref<1x64xi32, #tpu.memory_space<vmem>>, vector<16xi32>,
    %add3A_19 = arith.constant 16 : i32
    %add3A_20 = vector.broadcast %add3A_19 : i32 to vector<16xi32>
    %add3A_21 = arith.addi %iota3A, %add3A_20 : vector<16xi32>
    %and3A_22 = arith.constant 31 : i32
    %and3A_23 = vector.broadcast %and3A_22 : i32 to vector<16xi32>
    %and3A_24 = arith.andi %add3A_21, %and3A_23 : vector<16xi32>
    %mul3A_25 = arith.constant 64 : i32
    %mul3A_26 = vector.broadcast %mul3A_25 : i32 to vector<16xi32>
    %mul3A_27 = arith.muli %and3A_24, %mul3A_26 : vector<16xi32>
    %mul3A_28 = arith.constant 2 : i32
    %mul3A_29 = arith.muli %mul3A_28, %add3A : i32
    %add3A_30 = vector.broadcast %mul3A_29 : i32 to vector<16xi32>
    %add3A_31 = arith.addi %mul3A_27, %add3A_30 : vector<16xi32>
    %shift_right_arithmetic3A_32 = arith.constant 5 : i32
    %shift_right_arithmetic3A_33 = vector.broadcast %shift_right_arithmetic3A_32 : i32 to vector<16xi32>
    %shift_right_arithmetic3A_34 = arith.shrsi %add3A_21, %shift_right_arithmetic3A_33 : vector<16xi32>
    %add3A_35 = arith.addi %add3A_31, %shift_right_arithmetic3A_34 : vector<16xi32>
    %swap3A_36 = arith.constant 0 : i32
    %swap3A_37 = arith.index_cast %swap3A_36 : i32 to index
    %swap3A_38 = arith.constant 16 : index
    %swap3A_39 = tpu.vector_load %arg6[%swap3A_37, %swap3A_38] {strides = array<i32>} : memref<1x64xi32, #tpu.memory_space<vmem>>, vector<16xi32>,
    tpu.vector_store %arg6[%swap3A_37, %swap3A_38], %add3A_35 {strides = array<i32>} : memref<1x64xi32, #tpu.memory_space<vmem>>, vector<16xi32>,
    %add3A_40 = arith.constant 32 : i32
    %add3A_41 = vector.broadcast %add3A_40 : i32 to vector<16xi32>
    %add3A_42 = arith.addi %iota3A, %add3A_41 : vector<16xi32>
    %and3A_43 = arith.constant 31 : i32
    %and3A_44 = vector.broadcast %and3A_43 : i32 to vector<16xi32>
    %and3A_45 = arith.andi %add3A_42, %and3A_44 : vector<16xi32>
    %mul3A_46 = arith.constant 64 : i32
    %mul3A_47 = vector.broadcast %mul3A_46 : i32 to vector<16xi32>
    %mul3A_48 = arith.muli %and3A_45, %mul3A_47 : vector<16xi32>
    %mul3A_49 = arith.constant 2 : i32
    %mul3A_50 = arith.muli %mul3A_49, %add3A : i32
    %add3A_51 = vector.broadcast %mul3A_50 : i32 to vector<16xi32>
    %add3A_52 = arith.addi %mul3A_48, %add3A_51 : vector<16xi32>
    %shift_right_arithmetic3A_53 = arith.constant 5 : i32
    %shift_right_arithmetic3A_54 = vector.broadcast %shift_right_arithmetic3A_53 : i32 to vector<16xi32>
    %shift_right_arithmetic3A_55 = arith.shrsi %add3A_42, %shift_right_arithmetic3A_54 : vector<16xi32>
    %add3A_56 = arith.addi %add3A_52, %shift_right_arithmetic3A_55 : vector<16xi32>
    %swap3A_57 = arith.constant 0 : i32
    %swap3A_58 = arith.index_cast %swap3A_57 : i32 to index
    %swap3A_59 = arith.constant 32 : index
    %swap3A_60 = tpu.vector_load %arg6[%swap3A_58, %swap3A_59] {strides = array<i32>} : memref<1x64xi32, #tpu.memory_space<vmem>>, vector<16xi32>,
    tpu.vector_store %arg6[%swap3A_58, %swap3A_59], %add3A_56 {strides = array<i32>} : memref<1x64xi32, #tpu.memory_space<vmem>>, vector<16xi32>,
    %add3A_61 = arith.constant 48 : i32
    %add3A_62 = vector.broadcast %add3A_61 : i32 to vector<16xi32>
    %add3A_63 = arith.addi %iota3A, %add3A_62 : vector<16xi32>
    %and3A_64 = arith.constant 31 : i32
    %and3A_65 = vector.broadcast %and3A_64 : i32 to vector<16xi32>
    %and3A_66 = arith.andi %add3A_63, %and3A_65 : vector<16xi32>
    %mul3A_67 = arith.constant 64 : i32
    %mul3A_68 = vector.broadcast %mul3A_67 : i32 to vector<16xi32>
    %mul3A_69 = arith.muli %and3A_66, %mul3A_68 : vector<16xi32>
    %mul3A_70 = arith.constant 2 : i32
    %mul3A_71 = arith.muli %mul3A_70, %add3A : i32
    %add3A_72 = vector.broadcast %mul3A_71 : i32 to vector<16xi32>
    %add3A_73 = arith.addi %mul3A_69, %add3A_72 : vector<16xi32>
    %shift_right_arithmetic3A_74 = arith.constant 5 : i32
    %shift_right_arithmetic3A_75 = vector.broadcast %shift_right_arithmetic3A_74 : i32 to vector<16xi32>
    %shift_right_arithmetic3A_76 = arith.shrsi %add3A_63, %shift_right_arithmetic3A_75 : vector<16xi32>
    %add3A_77 = arith.addi %add3A_73, %shift_right_arithmetic3A_76 : vector<16xi32>
    %swap3A_78 = arith.constant 0 : i32
    %swap3A_79 = arith.index_cast %swap3A_78 : i32 to index
    %swap3A_80 = arith.constant 48 : index
    %swap3A_81 = tpu.vector_load %arg6[%swap3A_79, %swap3A_80] {strides = array<i32>} : memref<1x64xi32, #tpu.memory_space<vmem>>, vector<16xi32>,
    tpu.vector_store %arg6[%swap3A_79, %swap3A_80], %add3A_77 {strides = array<i32>} : memref<1x64xi32, #tpu.memory_space<vmem>>, vector<16xi32>,
    %run_scoped3A_82 = arith.constant 0 : i32
    "tpu.region"() ({
      %run_scoped3A_83 = tpu.sem_alloc : memref<!tpu.dma_semaphore, #tpu.memory_space<semaphore_mem>>
      %dma_start3A = arith.constant 0 : i32
      %dma_start3A_84 = tpu.memref_slice %arg6[%run_scoped3A_82, %dma_start3A] : memref<1x64xi32, #tpu.memory_space<vmem>> -> memref<1x64xi32, #tpu.memory_space<vmem>>
      %dma_start3A_85 = tpu.memref_squeeze %dma_start3A_84 : memref<1x64xi32, #tpu.memory_space<vmem>> -> memref<64xi32, #tpu.memory_space<vmem>>
      %dma_start3A_86 = arith.constant 0 : i32
      %dma_start3A_87 = arith.constant 0 : i32
      %dma_start3A_88 = tpu.memref_slice %arg4[%dma_start3A_86, %dma_start3A_87] : memref<2048x256xf32, #tpu.memory_space<hbm>> -> memref<2048x256xf32, #tpu.memory_space<hbm>>
      tpu.enqueue_indirect_dma source(%arg7 : memref<64x256xf32, #tpu.memory_space<vmem>>) target(%dma_start3A_88 : memref<2048x256xf32, #tpu.memory_space<hbm>>) offsets(%dma_start3A_85 : memref<64xi32, #tpu.memory_space<vmem>>) semaphore(%run_scoped3A_83 : memref<!tpu.dma_semaphore, #tpu.memory_space<semaphore_mem>>)
      %dma_wait3A = arith.constant 0 : i32
      %dma_wait3A_89 = tpu.memref_slice %arg6[%run_scoped3A_82, %dma_wait3A] : memref<1x64xi32, #tpu.memory_space<vmem>> -> memref<1x64xi32, #tpu.memory_space<vmem>>
      %dma_wait3A_90 = tpu.memref_squeeze %dma_wait3A_89 : memref<1x64xi32, #tpu.memory_space<vmem>> -> memref<64xi32, #tpu.memory_space<vmem>>
      %dma_wait3A_91 = arith.constant 0 : i32
      %dma_wait3A_92 = arith.constant 0 : i32
      %dma_wait3A_93 = tpu.memref_slice %arg4[%dma_wait3A_91, %dma_wait3A_92] : memref<2048x256xf32, #tpu.memory_space<hbm>> -> memref<2048x256xf32, #tpu.memory_space<hbm>>
      tpu.wait_indirect_dma semaphore(%run_scoped3A_83 : memref<!tpu.dma_semaphore, #tpu.memory_space<semaphore_mem>>) src(%arg7 : memref<64x256xf32, #tpu.memory_space<vmem>>) dst(%dma_wait3A_93 : memref<2048x256xf32, #tpu.memory_space<hbm>>)
      tpu.yield
    }) : () -> ()
    return
  }
}

#map = affine_map<(d0, d1) -> (0)>
#map1 = affine_map<(d0, d1) -> (0, 0)>
#map2 = affine_map<(d0, d1) -> (0, 0, 0)>
module attributes {stable_mosaic.version = 14 : i64} {
  func.func @_s1b_body(%arg0: i32, %arg1: i32, %arg2: memref<2048xi32, #tpu.memory_space<hbm>>, %arg3: memref<32x16xi32, #tpu.memory_space<hbm>>, %arg4: memref<2048x384xf32, #tpu.memory_space<hbm>>, %arg5: memref<32x1x64xi32, #tpu.memory_space<hbm>>, %arg6: memref<4096x384xf32, #tpu.memory_space<hbm>>, %arg7: memref<32xi32, #tpu.memory_space<hbm>>, %arg8: memref<64xi32, #tpu.memory_space<vmem>>, %arg9: memref<32x16xi32, #tpu.memory_space<vmem>>, %arg10: memref<1x64xi32, #tpu.memory_space<vmem>>, %arg11: memref<64x384xf32, #tpu.memory_space<vmem>>, %arg12: memref<32xi32, #tpu.memory_space<vmem>>) attributes {dimension_semantics = [#tpu.dimension_semantics<core_parallel>, #tpu.dimension_semantics<subcore_parallel>], iteration_bounds = array<i64: 2, 16>, scalar_prefetch = 0 : i64, scratch_operands = 5 : i64, tpu.core_type = #tpu.core_type<sc_vector_subcore>, window_params = [{transform_indices = #map}, {transform_indices = #map1}, {transform_indices = #map1}, {transform_indices = #map2}, {transform_indices = #map1}, {transform_indices = #map}]} {
    %mul3A = arith.constant 2 : i32
    %mul3A_0 = arith.muli %arg1, %mul3A : i32
    %add3A = arith.addi %mul3A_0, %arg0 : i32
    %mul3A_1 = arith.constant 64 : i32
    %mul3A_2 = arith.muli %add3A, %mul3A_1 : i32
    %iota3A = tpu.iota {dimensions = array<i32: 0>} : vector<16xi32>
    "tpu.region"() ({
      %run_scoped3A_1390 = tpu.sem_alloc : memref<!tpu.dma_semaphore, #tpu.memory_space<semaphore_mem>>
      %dma_start3A = tpu.memref_slice %arg2[%mul3A_2] : memref<2048xi32, #tpu.memory_space<hbm>> -> memref<64xi32, #tpu.memory_space<hbm>>
      %dma_start3A_1391 = tpu.memref_slice %arg2[%mul3A_2] : memref<2048xi32, #tpu.memory_space<hbm>> -> memref<64xi32, #tpu.memory_space<hbm>>
      tpu.enqueue_dma source(%dma_start3A_1391 : memref<64xi32, #tpu.memory_space<hbm>>) target(%arg8 : memref<64xi32, #tpu.memory_space<vmem>>) target_semaphore(%run_scoped3A_1390 : memref<!tpu.dma_semaphore, #tpu.memory_space<semaphore_mem>>)
      %dma_wait3A = tpu.memref_slice %arg2[%mul3A_2] : memref<2048xi32, #tpu.memory_space<hbm>> -> memref<64xi32, #tpu.memory_space<hbm>>
      %dma_wait3A_1392 = tpu.memref_slice %arg2[%mul3A_2] : memref<2048xi32, #tpu.memory_space<hbm>> -> memref<64xi32, #tpu.memory_space<hbm>>
      tpu.wait_dma2 semaphore(%run_scoped3A_1390 : memref<!tpu.dma_semaphore, #tpu.memory_space<semaphore_mem>>) src(%dma_wait3A_1392 : memref<64xi32, #tpu.memory_space<hbm>>) dst(%arg8 : memref<64xi32, #tpu.memory_space<vmem>>)
      tpu.yield
    }) : () -> ()
    "tpu.region"() ({
      %run_scoped3A_1390 = tpu.sem_alloc : memref<!tpu.dma_semaphore, #tpu.memory_space<semaphore_mem>>
      tpu.enqueue_dma source(%arg3 : memref<32x16xi32, #tpu.memory_space<hbm>>) target(%arg9 : memref<32x16xi32, #tpu.memory_space<vmem>>) target_semaphore(%run_scoped3A_1390 : memref<!tpu.dma_semaphore, #tpu.memory_space<semaphore_mem>>)
      tpu.wait_dma2 semaphore(%run_scoped3A_1390 : memref<!tpu.dma_semaphore, #tpu.memory_space<semaphore_mem>>) src(%arg3 : memref<32x16xi32, #tpu.memory_space<hbm>>) dst(%arg9 : memref<32x16xi32, #tpu.memory_space<vmem>>)
      tpu.yield
    }) : () -> ()
    "tpu.region"() ({
      %run_scoped3A_1390 = tpu.sem_alloc : memref<!tpu.dma_semaphore, #tpu.memory_space<semaphore_mem>>
      %dma_start3A = arith.constant 0 : i32
      %dma_start3A_1391 = tpu.memref_slice %arg4[%mul3A_2, %dma_start3A] : memref<2048x384xf32, #tpu.memory_space<hbm>> -> memref<64x384xf32, #tpu.memory_space<hbm>>
      %dma_start3A_1392 = arith.constant 0 : i32
      %dma_start3A_1393 = tpu.memref_slice %arg4[%mul3A_2, %dma_start3A_1392] : memref<2048x384xf32, #tpu.memory_space<hbm>> -> memref<64x384xf32, #tpu.memory_space<hbm>>
      tpu.enqueue_dma source(%dma_start3A_1393 : memref<64x384xf32, #tpu.memory_space<hbm>>) target(%arg11 : memref<64x384xf32, #tpu.memory_space<vmem>>) target_semaphore(%run_scoped3A_1390 : memref<!tpu.dma_semaphore, #tpu.memory_space<semaphore_mem>>)
      %dma_wait3A = arith.constant 0 : i32
      %dma_wait3A_1394 = tpu.memref_slice %arg4[%mul3A_2, %dma_wait3A] : memref<2048x384xf32, #tpu.memory_space<hbm>> -> memref<64x384xf32, #tpu.memory_space<hbm>>
      %dma_wait3A_1395 = arith.constant 0 : i32
      %dma_wait3A_1396 = tpu.memref_slice %arg4[%mul3A_2, %dma_wait3A_1395] : memref<2048x384xf32, #tpu.memory_space<hbm>> -> memref<64x384xf32, #tpu.memory_space<hbm>>
      tpu.wait_dma2 semaphore(%run_scoped3A_1390 : memref<!tpu.dma_semaphore, #tpu.memory_space<semaphore_mem>>) src(%dma_wait3A_1396 : memref<64x384xf32, #tpu.memory_space<hbm>>) dst(%arg11 : memref<64x384xf32, #tpu.memory_space<vmem>>)
      tpu.yield
    }) : () -> ()
    %broadcast_in_dim3A = arith.constant 0 : i32
    %broadcast_in_dim3A_3 = vector.broadcast %broadcast_in_dim3A : i32 to vector<16xi32>
    %broadcast_in_dim3A_4 = arith.constant 0 : i32
    %broadcast_in_dim3A_5 = vector.broadcast %broadcast_in_dim3A_4 : i32 to vector<16xi32>
    %get3A = arith.constant 0 : i32
    %get3A_6 = arith.index_cast %get3A : i32 to index
    %get3A_7 = arith.constant 0 : index
    %get3A_8 = tpu.vector_load %arg9[%get3A_6, %get3A_7] {strides = array<i32>} : memref<32x16xi32, #tpu.memory_space<vmem>>, vector<16xi32>,
    %add3A_9 = arith.addi %broadcast_in_dim3A_3, %get3A_8 : vector<16xi32>
    %gt3A = arith.constant 0 : i32
    %gt3A_10 = arith.cmpi sgt, %add3A, %gt3A : i32
    %convert_element_type3A = arith.extui %gt3A_10 : i1 to i32
    %mul3A_11 = vector.broadcast %convert_element_type3A : i32 to vector<16xi32>
    %mul3A_12 = arith.muli %get3A_8, %mul3A_11 : vector<16xi32>
    %add3A_13 = arith.addi %broadcast_in_dim3A_5, %mul3A_12 : vector<16xi32>
    %get3A_14 = arith.constant 1 : i32
    %get3A_15 = arith.index_cast %get3A_14 : i32 to index
    %get3A_16 = arith.constant 0 : index
    %get3A_17 = tpu.vector_load %arg9[%get3A_15, %get3A_16] {strides = array<i32>} : memref<32x16xi32, #tpu.memory_space<vmem>>, vector<16xi32>,
    %add3A_18 = arith.addi %add3A_9, %get3A_17 : vector<16xi32>
    %gt3A_19 = arith.constant 1 : i32
    %gt3A_20 = arith.cmpi sgt, %add3A, %gt3A_19 : i32
    %convert_element_type3A_21 = arith.extui %gt3A_20 : i1 to i32
    %mul3A_22 = vector.broadcast %convert_element_type3A_21 : i32 to vector<16xi32>
    %mul3A_23 = arith.muli %get3A_17, %mul3A_22 : vector<16xi32>
    %add3A_24 = arith.addi %add3A_13, %mul3A_23 : vector<16xi32>
    %get3A_25 = arith.constant 2 : i32
    %get3A_26 = arith.index_cast %get3A_25 : i32 to index
    %get3A_27 = arith.constant 0 : index
    %get3A_28 = tpu.vector_load %arg9[%get3A_26, %get3A_27] {strides = array<i32>} : memref<32x16xi32, #tpu.memory_space<vmem>>, vector<16xi32>,
    %add3A_29 = arith.addi %add3A_18, %get3A_28 : vector<16xi32>
    %gt3A_30 = arith.constant 2 : i32
    %gt3A_31 = arith.cmpi sgt, %add3A, %gt3A_30 : i32
    %convert_element_type3A_32 = arith.extui %gt3A_31 : i1 to i32
    %mul3A_33 = vector.broadcast %convert_element_type3A_32 : i32 to vector<16xi32>
    %mul3A_34 = arith.muli %get3A_28, %mul3A_33 : vector<16xi32>
    %add3A_35 = arith.addi %add3A_24, %mul3A_34 : vector<16xi32>
    %get3A_36 = arith.constant 3 : i32
    %get3A_37 = arith.index_cast %get3A_36 : i32 to index
    %get3A_38 = arith.constant 0 : index
    %get3A_39 = tpu.vector_load %arg9[%get3A_37, %get3A_38] {strides = array<i32>} : memref<32x16xi32, #tpu.memory_space<vmem>>, vector<16xi32>,
    %add3A_40 = arith.addi %add3A_29, %get3A_39 : vector<16xi32>
    %gt3A_41 = arith.constant 3 : i32
    %gt3A_42 = arith.cmpi sgt, %add3A, %gt3A_41 : i32
    %convert_element_type3A_43 = arith.extui %gt3A_42 : i1 to i32
    %mul3A_44 = vector.broadcast %convert_element_type3A_43 : i32 to vector<16xi32>
    %mul3A_45 = arith.muli %get3A_39, %mul3A_44 : vector<16xi32>
    %add3A_46 = arith.addi %add3A_35, %mul3A_45 : vector<16xi32>
    %get3A_47 = arith.constant 4 : i32
    %get3A_48 = arith.index_cast %get3A_47 : i32 to index
    %get3A_49 = arith.constant 0 : index
    %get3A_50 = tpu.vector_load %arg9[%get3A_48, %get3A_49] {strides = array<i32>} : memref<32x16xi32, #tpu.memory_space<vmem>>, vector<16xi32>,
    %add3A_51 = arith.addi %add3A_40, %get3A_50 : vector<16xi32>
    %gt3A_52 = arith.constant 4 : i32
    %gt3A_53 = arith.cmpi sgt, %add3A, %gt3A_52 : i32
    %convert_element_type3A_54 = arith.extui %gt3A_53 : i1 to i32
    %mul3A_55 = vector.broadcast %convert_element_type3A_54 : i32 to vector<16xi32>
    %mul3A_56 = arith.muli %get3A_50, %mul3A_55 : vector<16xi32>
    %add3A_57 = arith.addi %add3A_46, %mul3A_56 : vector<16xi32>
    %get3A_58 = arith.constant 5 : i32
    %get3A_59 = arith.index_cast %get3A_58 : i32 to index
    %get3A_60 = arith.constant 0 : index
    %get3A_61 = tpu.vector_load %arg9[%get3A_59, %get3A_60] {strides = array<i32>} : memref<32x16xi32, #tpu.memory_space<vmem>>, vector<16xi32>,
    %add3A_62 = arith.addi %add3A_51, %get3A_61 : vector<16xi32>
    %gt3A_63 = arith.constant 5 : i32
    %gt3A_64 = arith.cmpi sgt, %add3A, %gt3A_63 : i32
    %convert_element_type3A_65 = arith.extui %gt3A_64 : i1 to i32
    %mul3A_66 = vector.broadcast %convert_element_type3A_65 : i32 to vector<16xi32>
    %mul3A_67 = arith.muli %get3A_61, %mul3A_66 : vector<16xi32>
    %add3A_68 = arith.addi %add3A_57, %mul3A_67 : vector<16xi32>
    %get3A_69 = arith.constant 6 : i32
    %get3A_70 = arith.index_cast %get3A_69 : i32 to index
    %get3A_71 = arith.constant 0 : index
    %get3A_72 = tpu.vector_load %arg9[%get3A_70, %get3A_71] {strides = array<i32>} : memref<32x16xi32, #tpu.memory_space<vmem>>, vector<16xi32>,
    %add3A_73 = arith.addi %add3A_62, %get3A_72 : vector<16xi32>
    %gt3A_74 = arith.constant 6 : i32
    %gt3A_75 = arith.cmpi sgt, %add3A, %gt3A_74 : i32
    %convert_element_type3A_76 = arith.extui %gt3A_75 : i1 to i32
    %mul3A_77 = vector.broadcast %convert_element_type3A_76 : i32 to vector<16xi32>
    %mul3A_78 = arith.muli %get3A_72, %mul3A_77 : vector<16xi32>
    %add3A_79 = arith.addi %add3A_68, %mul3A_78 : vector<16xi32>
    %get3A_80 = arith.constant 7 : i32
    %get3A_81 = arith.index_cast %get3A_80 : i32 to index
    %get3A_82 = arith.constant 0 : index
    %get3A_83 = tpu.vector_load %arg9[%get3A_81, %get3A_82] {strides = array<i32>} : memref<32x16xi32, #tpu.memory_space<vmem>>, vector<16xi32>,
    %add3A_84 = arith.addi %add3A_73, %get3A_83 : vector<16xi32>
    %gt3A_85 = arith.constant 7 : i32
    %gt3A_86 = arith.cmpi sgt, %add3A, %gt3A_85 : i32
    %convert_element_type3A_87 = arith.extui %gt3A_86 : i1 to i32
    %mul3A_88 = vector.broadcast %convert_element_type3A_87 : i32 to vector<16xi32>
    %mul3A_89 = arith.muli %get3A_83, %mul3A_88 : vector<16xi32>
    %add3A_90 = arith.addi %add3A_79, %mul3A_89 : vector<16xi32>
    %get3A_91 = arith.constant 8 : i32
    %get3A_92 = arith.index_cast %get3A_91 : i32 to index
    %get3A_93 = arith.constant 0 : index
    %get3A_94 = tpu.vector_load %arg9[%get3A_92, %get3A_93] {strides = array<i32>} : memref<32x16xi32, #tpu.memory_space<vmem>>, vector<16xi32>,
    %add3A_95 = arith.addi %add3A_84, %get3A_94 : vector<16xi32>
    %gt3A_96 = arith.constant 8 : i32
    %gt3A_97 = arith.cmpi sgt, %add3A, %gt3A_96 : i32
    %convert_element_type3A_98 = arith.extui %gt3A_97 : i1 to i32
    %mul3A_99 = vector.broadcast %convert_element_type3A_98 : i32 to vector<16xi32>
    %mul3A_100 = arith.muli %get3A_94, %mul3A_99 : vector<16xi32>
    %add3A_101 = arith.addi %add3A_90, %mul3A_100 : vector<16xi32>
    %get3A_102 = arith.constant 9 : i32
    %get3A_103 = arith.index_cast %get3A_102 : i32 to index
    %get3A_104 = arith.constant 0 : index
    %get3A_105 = tpu.vector_load %arg9[%get3A_103, %get3A_104] {strides = array<i32>} : memref<32x16xi32, #tpu.memory_space<vmem>>, vector<16xi32>,
    %add3A_106 = arith.addi %add3A_95, %get3A_105 : vector<16xi32>
    %gt3A_107 = arith.constant 9 : i32
    %gt3A_108 = arith.cmpi sgt, %add3A, %gt3A_107 : i32
    %convert_element_type3A_109 = arith.extui %gt3A_108 : i1 to i32
    %mul3A_110 = vector.broadcast %convert_element_type3A_109 : i32 to vector<16xi32>
    %mul3A_111 = arith.muli %get3A_105, %mul3A_110 : vector<16xi32>
    %add3A_112 = arith.addi %add3A_101, %mul3A_111 : vector<16xi32>
    %get3A_113 = arith.constant 10 : i32
    %get3A_114 = arith.index_cast %get3A_113 : i32 to index
    %get3A_115 = arith.constant 0 : index
    %get3A_116 = tpu.vector_load %arg9[%get3A_114, %get3A_115] {strides = array<i32>} : memref<32x16xi32, #tpu.memory_space<vmem>>, vector<16xi32>,
    %add3A_117 = arith.addi %add3A_106, %get3A_116 : vector<16xi32>
    %gt3A_118 = arith.constant 10 : i32
    %gt3A_119 = arith.cmpi sgt, %add3A, %gt3A_118 : i32
    %convert_element_type3A_120 = arith.extui %gt3A_119 : i1 to i32
    %mul3A_121 = vector.broadcast %convert_element_type3A_120 : i32 to vector<16xi32>
    %mul3A_122 = arith.muli %get3A_116, %mul3A_121 : vector<16xi32>
    %add3A_123 = arith.addi %add3A_112, %mul3A_122 : vector<16xi32>
    %get3A_124 = arith.constant 11 : i32
    %get3A_125 = arith.index_cast %get3A_124 : i32 to index
    %get3A_126 = arith.constant 0 : index
    %get3A_127 = tpu.vector_load %arg9[%get3A_125, %get3A_126] {strides = array<i32>} : memref<32x16xi32, #tpu.memory_space<vmem>>, vector<16xi32>,
    %add3A_128 = arith.addi %add3A_117, %get3A_127 : vector<16xi32>
    %gt3A_129 = arith.constant 11 : i32
    %gt3A_130 = arith.cmpi sgt, %add3A, %gt3A_129 : i32
    %convert_element_type3A_131 = arith.extui %gt3A_130 : i1 to i32
    %mul3A_132 = vector.broadcast %convert_element_type3A_131 : i32 to vector<16xi32>
    %mul3A_133 = arith.muli %get3A_127, %mul3A_132 : vector<16xi32>
    %add3A_134 = arith.addi %add3A_123, %mul3A_133 : vector<16xi32>
    %get3A_135 = arith.constant 12 : i32
    %get3A_136 = arith.index_cast %get3A_135 : i32 to index
    %get3A_137 = arith.constant 0 : index
    %get3A_138 = tpu.vector_load %arg9[%get3A_136, %get3A_137] {strides = array<i32>} : memref<32x16xi32, #tpu.memory_space<vmem>>, vector<16xi32>,
    %add3A_139 = arith.addi %add3A_128, %get3A_138 : vector<16xi32>
    %gt3A_140 = arith.constant 12 : i32
    %gt3A_141 = arith.cmpi sgt, %add3A, %gt3A_140 : i32
    %convert_element_type3A_142 = arith.extui %gt3A_141 : i1 to i32
    %mul3A_143 = vector.broadcast %convert_element_type3A_142 : i32 to vector<16xi32>
    %mul3A_144 = arith.muli %get3A_138, %mul3A_143 : vector<16xi32>
    %add3A_145 = arith.addi %add3A_134, %mul3A_144 : vector<16xi32>
    %get3A_146 = arith.constant 13 : i32
    %get3A_147 = arith.index_cast %get3A_146 : i32 to index
    %get3A_148 = arith.constant 0 : index
    %get3A_149 = tpu.vector_load %arg9[%get3A_147, %get3A_148] {strides = array<i32>} : memref<32x16xi32, #tpu.memory_space<vmem>>, vector<16xi32>,
    %add3A_150 = arith.addi %add3A_139, %get3A_149 : vector<16xi32>
    %gt3A_151 = arith.constant 13 : i32
    %gt3A_152 = arith.cmpi sgt, %add3A, %gt3A_151 : i32
    %convert_element_type3A_153 = arith.extui %gt3A_152 : i1 to i32
    %mul3A_154 = vector.broadcast %convert_element_type3A_153 : i32 to vector<16xi32>
    %mul3A_155 = arith.muli %get3A_149, %mul3A_154 : vector<16xi32>
    %add3A_156 = arith.addi %add3A_145, %mul3A_155 : vector<16xi32>
    %get3A_157 = arith.constant 14 : i32
    %get3A_158 = arith.index_cast %get3A_157 : i32 to index
    %get3A_159 = arith.constant 0 : index
    %get3A_160 = tpu.vector_load %arg9[%get3A_158, %get3A_159] {strides = array<i32>} : memref<32x16xi32, #tpu.memory_space<vmem>>, vector<16xi32>,
    %add3A_161 = arith.addi %add3A_150, %get3A_160 : vector<16xi32>
    %gt3A_162 = arith.constant 14 : i32
    %gt3A_163 = arith.cmpi sgt, %add3A, %gt3A_162 : i32
    %convert_element_type3A_164 = arith.extui %gt3A_163 : i1 to i32
    %mul3A_165 = vector.broadcast %convert_element_type3A_164 : i32 to vector<16xi32>
    %mul3A_166 = arith.muli %get3A_160, %mul3A_165 : vector<16xi32>
    %add3A_167 = arith.addi %add3A_156, %mul3A_166 : vector<16xi32>
    %get3A_168 = arith.constant 15 : i32
    %get3A_169 = arith.index_cast %get3A_168 : i32 to index
    %get3A_170 = arith.constant 0 : index
    %get3A_171 = tpu.vector_load %arg9[%get3A_169, %get3A_170] {strides = array<i32>} : memref<32x16xi32, #tpu.memory_space<vmem>>, vector<16xi32>,
    %add3A_172 = arith.addi %add3A_161, %get3A_171 : vector<16xi32>
    %gt3A_173 = arith.constant 15 : i32
    %gt3A_174 = arith.cmpi sgt, %add3A, %gt3A_173 : i32
    %convert_element_type3A_175 = arith.extui %gt3A_174 : i1 to i32
    %mul3A_176 = vector.broadcast %convert_element_type3A_175 : i32 to vector<16xi32>
    %mul3A_177 = arith.muli %get3A_171, %mul3A_176 : vector<16xi32>
    %add3A_178 = arith.addi %add3A_167, %mul3A_177 : vector<16xi32>
    %get3A_179 = arith.constant 16 : i32
    %get3A_180 = arith.index_cast %get3A_179 : i32 to index
    %get3A_181 = arith.constant 0 : index
    %get3A_182 = tpu.vector_load %arg9[%get3A_180, %get3A_181] {strides = array<i32>} : memref<32x16xi32, #tpu.memory_space<vmem>>, vector<16xi32>,
    %add3A_183 = arith.addi %add3A_172, %get3A_182 : vector<16xi32>
    %gt3A_184 = arith.constant 16 : i32
    %gt3A_185 = arith.cmpi sgt, %add3A, %gt3A_184 : i32
    %convert_element_type3A_186 = arith.extui %gt3A_185 : i1 to i32
    %mul3A_187 = vector.broadcast %convert_element_type3A_186 : i32 to vector<16xi32>
    %mul3A_188 = arith.muli %get3A_182, %mul3A_187 : vector<16xi32>
    %add3A_189 = arith.addi %add3A_178, %mul3A_188 : vector<16xi32>
    %get3A_190 = arith.constant 17 : i32
    %get3A_191 = arith.index_cast %get3A_190 : i32 to index
    %get3A_192 = arith.constant 0 : index
    %get3A_193 = tpu.vector_load %arg9[%get3A_191, %get3A_192] {strides = array<i32>} : memref<32x16xi32, #tpu.memory_space<vmem>>, vector<16xi32>,
    %add3A_194 = arith.addi %add3A_183, %get3A_193 : vector<16xi32>
    %gt3A_195 = arith.constant 17 : i32
    %gt3A_196 = arith.cmpi sgt, %add3A, %gt3A_195 : i32
    %convert_element_type3A_197 = arith.extui %gt3A_196 : i1 to i32
    %mul3A_198 = vector.broadcast %convert_element_type3A_197 : i32 to vector<16xi32>
    %mul3A_199 = arith.muli %get3A_193, %mul3A_198 : vector<16xi32>
    %add3A_200 = arith.addi %add3A_189, %mul3A_199 : vector<16xi32>
    %get3A_201 = arith.constant 18 : i32
    %get3A_202 = arith.index_cast %get3A_201 : i32 to index
    %get3A_203 = arith.constant 0 : index
    %get3A_204 = tpu.vector_load %arg9[%get3A_202, %get3A_203] {strides = array<i32>} : memref<32x16xi32, #tpu.memory_space<vmem>>, vector<16xi32>,
    %add3A_205 = arith.addi %add3A_194, %get3A_204 : vector<16xi32>
    %gt3A_206 = arith.constant 18 : i32
    %gt3A_207 = arith.cmpi sgt, %add3A, %gt3A_206 : i32
    %convert_element_type3A_208 = arith.extui %gt3A_207 : i1 to i32
    %mul3A_209 = vector.broadcast %convert_element_type3A_208 : i32 to vector<16xi32>
    %mul3A_210 = arith.muli %get3A_204, %mul3A_209 : vector<16xi32>
    %add3A_211 = arith.addi %add3A_200, %mul3A_210 : vector<16xi32>
    %get3A_212 = arith.constant 19 : i32
    %get3A_213 = arith.index_cast %get3A_212 : i32 to index
    %get3A_214 = arith.constant 0 : index
    %get3A_215 = tpu.vector_load %arg9[%get3A_213, %get3A_214] {strides = array<i32>} : memref<32x16xi32, #tpu.memory_space<vmem>>, vector<16xi32>,
    %add3A_216 = arith.addi %add3A_205, %get3A_215 : vector<16xi32>
    %gt3A_217 = arith.constant 19 : i32
    %gt3A_218 = arith.cmpi sgt, %add3A, %gt3A_217 : i32
    %convert_element_type3A_219 = arith.extui %gt3A_218 : i1 to i32
    %mul3A_220 = vector.broadcast %convert_element_type3A_219 : i32 to vector<16xi32>
    %mul3A_221 = arith.muli %get3A_215, %mul3A_220 : vector<16xi32>
    %add3A_222 = arith.addi %add3A_211, %mul3A_221 : vector<16xi32>
    %get3A_223 = arith.constant 20 : i32
    %get3A_224 = arith.index_cast %get3A_223 : i32 to index
    %get3A_225 = arith.constant 0 : index
    %get3A_226 = tpu.vector_load %arg9[%get3A_224, %get3A_225] {strides = array<i32>} : memref<32x16xi32, #tpu.memory_space<vmem>>, vector<16xi32>,
    %add3A_227 = arith.addi %add3A_216, %get3A_226 : vector<16xi32>
    %gt3A_228 = arith.constant 20 : i32
    %gt3A_229 = arith.cmpi sgt, %add3A, %gt3A_228 : i32
    %convert_element_type3A_230 = arith.extui %gt3A_229 : i1 to i32
    %mul3A_231 = vector.broadcast %convert_element_type3A_230 : i32 to vector<16xi32>
    %mul3A_232 = arith.muli %get3A_226, %mul3A_231 : vector<16xi32>
    %add3A_233 = arith.addi %add3A_222, %mul3A_232 : vector<16xi32>
    %get3A_234 = arith.constant 21 : i32
    %get3A_235 = arith.index_cast %get3A_234 : i32 to index
    %get3A_236 = arith.constant 0 : index
    %get3A_237 = tpu.vector_load %arg9[%get3A_235, %get3A_236] {strides = array<i32>} : memref<32x16xi32, #tpu.memory_space<vmem>>, vector<16xi32>,
    %add3A_238 = arith.addi %add3A_227, %get3A_237 : vector<16xi32>
    %gt3A_239 = arith.constant 21 : i32
    %gt3A_240 = arith.cmpi sgt, %add3A, %gt3A_239 : i32
    %convert_element_type3A_241 = arith.extui %gt3A_240 : i1 to i32
    %mul3A_242 = vector.broadcast %convert_element_type3A_241 : i32 to vector<16xi32>
    %mul3A_243 = arith.muli %get3A_237, %mul3A_242 : vector<16xi32>
    %add3A_244 = arith.addi %add3A_233, %mul3A_243 : vector<16xi32>
    %get3A_245 = arith.constant 22 : i32
    %get3A_246 = arith.index_cast %get3A_245 : i32 to index
    %get3A_247 = arith.constant 0 : index
    %get3A_248 = tpu.vector_load %arg9[%get3A_246, %get3A_247] {strides = array<i32>} : memref<32x16xi32, #tpu.memory_space<vmem>>, vector<16xi32>,
    %add3A_249 = arith.addi %add3A_238, %get3A_248 : vector<16xi32>
    %gt3A_250 = arith.constant 22 : i32
    %gt3A_251 = arith.cmpi sgt, %add3A, %gt3A_250 : i32
    %convert_element_type3A_252 = arith.extui %gt3A_251 : i1 to i32
    %mul3A_253 = vector.broadcast %convert_element_type3A_252 : i32 to vector<16xi32>
    %mul3A_254 = arith.muli %get3A_248, %mul3A_253 : vector<16xi32>
    %add3A_255 = arith.addi %add3A_244, %mul3A_254 : vector<16xi32>
    %get3A_256 = arith.constant 23 : i32
    %get3A_257 = arith.index_cast %get3A_256 : i32 to index
    %get3A_258 = arith.constant 0 : index
    %get3A_259 = tpu.vector_load %arg9[%get3A_257, %get3A_258] {strides = array<i32>} : memref<32x16xi32, #tpu.memory_space<vmem>>, vector<16xi32>,
    %add3A_260 = arith.addi %add3A_249, %get3A_259 : vector<16xi32>
    %gt3A_261 = arith.constant 23 : i32
    %gt3A_262 = arith.cmpi sgt, %add3A, %gt3A_261 : i32
    %convert_element_type3A_263 = arith.extui %gt3A_262 : i1 to i32
    %mul3A_264 = vector.broadcast %convert_element_type3A_263 : i32 to vector<16xi32>
    %mul3A_265 = arith.muli %get3A_259, %mul3A_264 : vector<16xi32>
    %add3A_266 = arith.addi %add3A_255, %mul3A_265 : vector<16xi32>
    %get3A_267 = arith.constant 24 : i32
    %get3A_268 = arith.index_cast %get3A_267 : i32 to index
    %get3A_269 = arith.constant 0 : index
    %get3A_270 = tpu.vector_load %arg9[%get3A_268, %get3A_269] {strides = array<i32>} : memref<32x16xi32, #tpu.memory_space<vmem>>, vector<16xi32>,
    %add3A_271 = arith.addi %add3A_260, %get3A_270 : vector<16xi32>
    %gt3A_272 = arith.constant 24 : i32
    %gt3A_273 = arith.cmpi sgt, %add3A, %gt3A_272 : i32
    %convert_element_type3A_274 = arith.extui %gt3A_273 : i1 to i32
    %mul3A_275 = vector.broadcast %convert_element_type3A_274 : i32 to vector<16xi32>
    %mul3A_276 = arith.muli %get3A_270, %mul3A_275 : vector<16xi32>
    %add3A_277 = arith.addi %add3A_266, %mul3A_276 : vector<16xi32>
    %get3A_278 = arith.constant 25 : i32
    %get3A_279 = arith.index_cast %get3A_278 : i32 to index
    %get3A_280 = arith.constant 0 : index
    %get3A_281 = tpu.vector_load %arg9[%get3A_279, %get3A_280] {strides = array<i32>} : memref<32x16xi32, #tpu.memory_space<vmem>>, vector<16xi32>,
    %add3A_282 = arith.addi %add3A_271, %get3A_281 : vector<16xi32>
    %gt3A_283 = arith.constant 25 : i32
    %gt3A_284 = arith.cmpi sgt, %add3A, %gt3A_283 : i32
    %convert_element_type3A_285 = arith.extui %gt3A_284 : i1 to i32
    %mul3A_286 = vector.broadcast %convert_element_type3A_285 : i32 to vector<16xi32>
    %mul3A_287 = arith.muli %get3A_281, %mul3A_286 : vector<16xi32>
    %add3A_288 = arith.addi %add3A_277, %mul3A_287 : vector<16xi32>
    %get3A_289 = arith.constant 26 : i32
    %get3A_290 = arith.index_cast %get3A_289 : i32 to index
    %get3A_291 = arith.constant 0 : index
    %get3A_292 = tpu.vector_load %arg9[%get3A_290, %get3A_291] {strides = array<i32>} : memref<32x16xi32, #tpu.memory_space<vmem>>, vector<16xi32>,
    %add3A_293 = arith.addi %add3A_282, %get3A_292 : vector<16xi32>
    %gt3A_294 = arith.constant 26 : i32
    %gt3A_295 = arith.cmpi sgt, %add3A, %gt3A_294 : i32
    %convert_element_type3A_296 = arith.extui %gt3A_295 : i1 to i32
    %mul3A_297 = vector.broadcast %convert_element_type3A_296 : i32 to vector<16xi32>
    %mul3A_298 = arith.muli %get3A_292, %mul3A_297 : vector<16xi32>
    %add3A_299 = arith.addi %add3A_288, %mul3A_298 : vector<16xi32>
    %get3A_300 = arith.constant 27 : i32
    %get3A_301 = arith.index_cast %get3A_300 : i32 to index
    %get3A_302 = arith.constant 0 : index
    %get3A_303 = tpu.vector_load %arg9[%get3A_301, %get3A_302] {strides = array<i32>} : memref<32x16xi32, #tpu.memory_space<vmem>>, vector<16xi32>,
    %add3A_304 = arith.addi %add3A_293, %get3A_303 : vector<16xi32>
    %gt3A_305 = arith.constant 27 : i32
    %gt3A_306 = arith.cmpi sgt, %add3A, %gt3A_305 : i32
    %convert_element_type3A_307 = arith.extui %gt3A_306 : i1 to i32
    %mul3A_308 = vector.broadcast %convert_element_type3A_307 : i32 to vector<16xi32>
    %mul3A_309 = arith.muli %get3A_303, %mul3A_308 : vector<16xi32>
    %add3A_310 = arith.addi %add3A_299, %mul3A_309 : vector<16xi32>
    %get3A_311 = arith.constant 28 : i32
    %get3A_312 = arith.index_cast %get3A_311 : i32 to index
    %get3A_313 = arith.constant 0 : index
    %get3A_314 = tpu.vector_load %arg9[%get3A_312, %get3A_313] {strides = array<i32>} : memref<32x16xi32, #tpu.memory_space<vmem>>, vector<16xi32>,
    %add3A_315 = arith.addi %add3A_304, %get3A_314 : vector<16xi32>
    %gt3A_316 = arith.constant 28 : i32
    %gt3A_317 = arith.cmpi sgt, %add3A, %gt3A_316 : i32
    %convert_element_type3A_318 = arith.extui %gt3A_317 : i1 to i32
    %mul3A_319 = vector.broadcast %convert_element_type3A_318 : i32 to vector<16xi32>
    %mul3A_320 = arith.muli %get3A_314, %mul3A_319 : vector<16xi32>
    %add3A_321 = arith.addi %add3A_310, %mul3A_320 : vector<16xi32>
    %get3A_322 = arith.constant 29 : i32
    %get3A_323 = arith.index_cast %get3A_322 : i32 to index
    %get3A_324 = arith.constant 0 : index
    %get3A_325 = tpu.vector_load %arg9[%get3A_323, %get3A_324] {strides = array<i32>} : memref<32x16xi32, #tpu.memory_space<vmem>>, vector<16xi32>,
    %add3A_326 = arith.addi %add3A_315, %get3A_325 : vector<16xi32>
    %gt3A_327 = arith.constant 29 : i32
    %gt3A_328 = arith.cmpi sgt, %add3A, %gt3A_327 : i32
    %convert_element_type3A_329 = arith.extui %gt3A_328 : i1 to i32
    %mul3A_330 = vector.broadcast %convert_element_type3A_329 : i32 to vector<16xi32>
    %mul3A_331 = arith.muli %get3A_325, %mul3A_330 : vector<16xi32>
    %add3A_332 = arith.addi %add3A_321, %mul3A_331 : vector<16xi32>
    %get3A_333 = arith.constant 30 : i32
    %get3A_334 = arith.index_cast %get3A_333 : i32 to index
    %get3A_335 = arith.constant 0 : index
    %get3A_336 = tpu.vector_load %arg9[%get3A_334, %get3A_335] {strides = array<i32>} : memref<32x16xi32, #tpu.memory_space<vmem>>, vector<16xi32>,
    %add3A_337 = arith.addi %add3A_326, %get3A_336 : vector<16xi32>
    %gt3A_338 = arith.constant 30 : i32
    %gt3A_339 = arith.cmpi sgt, %add3A, %gt3A_338 : i32
    %convert_element_type3A_340 = arith.extui %gt3A_339 : i1 to i32
    %mul3A_341 = vector.broadcast %convert_element_type3A_340 : i32 to vector<16xi32>
    %mul3A_342 = arith.muli %get3A_336, %mul3A_341 : vector<16xi32>
    %add3A_343 = arith.addi %add3A_332, %mul3A_342 : vector<16xi32>
    %get3A_344 = arith.constant 31 : i32
    %get3A_345 = arith.index_cast %get3A_344 : i32 to index
    %get3A_346 = arith.constant 0 : index
    %get3A_347 = tpu.vector_load %arg9[%get3A_345, %get3A_346] {strides = array<i32>} : memref<32x16xi32, #tpu.memory_space<vmem>>, vector<16xi32>,
    %add3A_348 = arith.addi %add3A_337, %get3A_347 : vector<16xi32>
    %gt3A_349 = arith.constant 31 : i32
    %gt3A_350 = arith.cmpi sgt, %add3A, %gt3A_349 : i32
    %convert_element_type3A_351 = arith.extui %gt3A_350 : i1 to i32
    %mul3A_352 = vector.broadcast %convert_element_type3A_351 : i32 to vector<16xi32>
    %mul3A_353 = arith.muli %get3A_347, %mul3A_352 : vector<16xi32>
    %add3A_354 = arith.addi %add3A_343, %mul3A_353 : vector<16xi32>
    %add3A_355 = arith.constant 256 : i32
    %add3A_356 = vector.broadcast %add3A_355 : i32 to vector<16xi32>
    %add3A_357 = arith.addi %add3A_348, %add3A_356 : vector<16xi32>
    %sub3A = arith.constant 1 : i32
    %sub3A_358 = vector.broadcast %sub3A : i32 to vector<16xi32>
    %sub3A_359 = arith.subi %add3A_357, %sub3A_358 : vector<16xi32>
    %shift_right_arithmetic3A = arith.constant 8 : i32
    %shift_right_arithmetic3A_360 = vector.broadcast %shift_right_arithmetic3A : i32 to vector<16xi32>
    %shift_right_arithmetic3A_361 = arith.shrsi %sub3A_359, %shift_right_arithmetic3A_360 : vector<16xi32>
    %shift_left3A = arith.constant 8 : i32
    %shift_left3A_362 = vector.broadcast %shift_left3A : i32 to vector<16xi32>
    %shift_left3A_363 = arith.shli %shift_right_arithmetic3A_361, %shift_left3A_362 : vector<16xi32>
    %cumsum3A = arith.constant true
    %cumsum3A_364 = vector.broadcast %cumsum3A : i1 to vector<16xi1>
    %cumsum3A_365 = tpu.scan <sum>, %shift_left3A_363 masked %cumsum3A_364 : vector<16xi32>, vector<16xi1> -> vector<16xi32>
    %sub3A_366 = arith.subi %cumsum3A_365, %shift_left3A_363 : vector<16xi32>
    %add3A_367 = arith.addi %sub3A_366, %add3A_354 : vector<16xi32>
    %get3A_368 = arith.constant 0 : index
    %get3A_369 = tpu.vector_load %arg8[%get3A_368] {strides = array<i32>} : memref<64xi32, #tpu.memory_space<vmem>>, vector<16xi32>,
    %broadcast_in_dim3A_370 = arith.constant 0 : i32
    %broadcast_in_dim3A_371 = vector.broadcast %broadcast_in_dim3A_370 : i32 to vector<16xi32>
    %eq3A = arith.constant 0 : i32
    %eq3A_372 = vector.broadcast %eq3A : i32 to vector<16xi32>
    %eq3A_373 = arith.cmpi eq, %get3A_369, %eq3A_372 : vector<16xi32>
    %convert_element_type3A_374 = arith.extui %eq3A_373 : vector<16xi1> to vector<16xi32>
    %cumsum3A_375 = arith.constant true
    %cumsum3A_376 = vector.broadcast %cumsum3A_375 : i1 to vector<16xi1>
    %cumsum3A_377 = tpu.scan <sum>, %convert_element_type3A_374 masked %cumsum3A_376 : vector<16xi32>, vector<16xi1> -> vector<16xi32>
    %sub3A_378 = arith.constant 1 : i32
    %sub3A_379 = vector.broadcast %sub3A_378 : i32 to vector<16xi32>
    %sub3A_380 = arith.subi %cumsum3A_377, %sub3A_379 : vector<16xi32>
    %eq3A_381 = arith.constant 0 : i32
    %eq3A_382 = vector.broadcast %eq3A_381 : i32 to vector<16xi32>
    %eq3A_383 = arith.cmpi eq, %iota3A, %eq3A_382 : vector<16xi32>
    %jit3A = arith.constant 0 : i32
    %broadcast_in_dim3A_384 = vector.broadcast %jit3A : i32 to vector<16xi32>
    %select_n3A = arith.select %eq3A_383, %add3A_367, %broadcast_in_dim3A_384 : vector<16xi1>, vector<16xi32>
    %reduce_sum3A = arith.constant true
    %reduce_sum3A_385 = vector.broadcast %reduce_sum3A : i1 to vector<16xi1>
    %reduce_sum3A_386 = tpu.scan <sum>, %select_n3A masked %reduce_sum3A_385 : vector<16xi32>, vector<16xi1> -> vector<16xi32>
    %reduce_sum3A_387 = vector.extract %reduce_sum3A_386[15] : i32 from vector<16xi32>
    %add3A_388 = vector.broadcast %reduce_sum3A_387 : i32 to vector<16xi32>
    %add3A_389 = arith.addi %add3A_388, %sub3A_380 : vector<16xi32>
    %select_n3A_390 = arith.select %eq3A_373, %add3A_389, %broadcast_in_dim3A_371 : vector<16xi1>, vector<16xi32>
    %all_reduce_population_count3A = tpu.all_reduce %eq3A_373 {dim = 0 : i64, kind = #tpu.reduction_kind<sum>} : vector<16xi1> -> vector<16xi32>
    %eq3A_391 = arith.constant 0 : i32
    %eq3A_392 = vector.broadcast %eq3A_391 : i32 to vector<16xi32>
    %eq3A_393 = arith.cmpi eq, %iota3A, %eq3A_392 : vector<16xi32>
    %jit3A_394 = arith.constant 0 : i32
    %broadcast_in_dim3A_395 = vector.broadcast %jit3A_394 : i32 to vector<16xi32>
    %select_n3A_396 = arith.select %eq3A_393, %all_reduce_population_count3A, %broadcast_in_dim3A_395 : vector<16xi1>, vector<16xi32>
    %add3A_397 = arith.addi %add3A_367, %select_n3A_396 : vector<16xi32>
    %eq3A_398 = arith.constant 1 : i32
    %eq3A_399 = vector.broadcast %eq3A_398 : i32 to vector<16xi32>
    %eq3A_400 = arith.cmpi eq, %get3A_369, %eq3A_399 : vector<16xi32>
    %convert_element_type3A_401 = arith.extui %eq3A_400 : vector<16xi1> to vector<16xi32>
    %cumsum3A_402 = arith.constant true
    %cumsum3A_403 = vector.broadcast %cumsum3A_402 : i1 to vector<16xi1>
    %cumsum3A_404 = tpu.scan <sum>, %convert_element_type3A_401 masked %cumsum3A_403 : vector<16xi32>, vector<16xi1> -> vector<16xi32>
    %sub3A_405 = arith.constant 1 : i32
    %sub3A_406 = vector.broadcast %sub3A_405 : i32 to vector<16xi32>
    %sub3A_407 = arith.subi %cumsum3A_404, %sub3A_406 : vector<16xi32>
    %eq3A_408 = arith.constant 1 : i32
    %eq3A_409 = vector.broadcast %eq3A_408 : i32 to vector<16xi32>
    %eq3A_410 = arith.cmpi eq, %iota3A, %eq3A_409 : vector<16xi32>
    %jit3A_411 = arith.constant 0 : i32
    %broadcast_in_dim3A_412 = vector.broadcast %jit3A_411 : i32 to vector<16xi32>
    %select_n3A_413 = arith.select %eq3A_410, %add3A_397, %broadcast_in_dim3A_412 : vector<16xi1>, vector<16xi32>
    %reduce_sum3A_414 = arith.constant true
    %reduce_sum3A_415 = vector.broadcast %reduce_sum3A_414 : i1 to vector<16xi1>
    %reduce_sum3A_416 = tpu.scan <sum>, %select_n3A_413 masked %reduce_sum3A_415 : vector<16xi32>, vector<16xi1> -> vector<16xi32>
    %reduce_sum3A_417 = vector.extract %reduce_sum3A_416[15] : i32 from vector<16xi32>
    %add3A_418 = vector.broadcast %reduce_sum3A_417 : i32 to vector<16xi32>
    %add3A_419 = arith.addi %add3A_418, %sub3A_407 : vector<16xi32>
    %select_n3A_420 = arith.select %eq3A_400, %add3A_419, %select_n3A_390 : vector<16xi1>, vector<16xi32>
    %all_reduce_population_count3A_421 = tpu.all_reduce %eq3A_400 {dim = 0 : i64, kind = #tpu.reduction_kind<sum>} : vector<16xi1> -> vector<16xi32>
    %eq3A_422 = arith.constant 1 : i32
    %eq3A_423 = vector.broadcast %eq3A_422 : i32 to vector<16xi32>
    %eq3A_424 = arith.cmpi eq, %iota3A, %eq3A_423 : vector<16xi32>
    %jit3A_425 = arith.constant 0 : i32
    %broadcast_in_dim3A_426 = vector.broadcast %jit3A_425 : i32 to vector<16xi32>
    %select_n3A_427 = arith.select %eq3A_424, %all_reduce_population_count3A_421, %broadcast_in_dim3A_426 : vector<16xi1>, vector<16xi32>
    %add3A_428 = arith.addi %add3A_397, %select_n3A_427 : vector<16xi32>
    %eq3A_429 = arith.constant 2 : i32
    %eq3A_430 = vector.broadcast %eq3A_429 : i32 to vector<16xi32>
    %eq3A_431 = arith.cmpi eq, %get3A_369, %eq3A_430 : vector<16xi32>
    %convert_element_type3A_432 = arith.extui %eq3A_431 : vector<16xi1> to vector<16xi32>
    %cumsum3A_433 = arith.constant true
    %cumsum3A_434 = vector.broadcast %cumsum3A_433 : i1 to vector<16xi1>
    %cumsum3A_435 = tpu.scan <sum>, %convert_element_type3A_432 masked %cumsum3A_434 : vector<16xi32>, vector<16xi1> -> vector<16xi32>
    %sub3A_436 = arith.constant 1 : i32
    %sub3A_437 = vector.broadcast %sub3A_436 : i32 to vector<16xi32>
    %sub3A_438 = arith.subi %cumsum3A_435, %sub3A_437 : vector<16xi32>
    %eq3A_439 = arith.constant 2 : i32
    %eq3A_440 = vector.broadcast %eq3A_439 : i32 to vector<16xi32>
    %eq3A_441 = arith.cmpi eq, %iota3A, %eq3A_440 : vector<16xi32>
    %jit3A_442 = arith.constant 0 : i32
    %broadcast_in_dim3A_443 = vector.broadcast %jit3A_442 : i32 to vector<16xi32>
    %select_n3A_444 = arith.select %eq3A_441, %add3A_428, %broadcast_in_dim3A_443 : vector<16xi1>, vector<16xi32>
    %reduce_sum3A_445 = arith.constant true
    %reduce_sum3A_446 = vector.broadcast %reduce_sum3A_445 : i1 to vector<16xi1>
    %reduce_sum3A_447 = tpu.scan <sum>, %select_n3A_444 masked %reduce_sum3A_446 : vector<16xi32>, vector<16xi1> -> vector<16xi32>
    %reduce_sum3A_448 = vector.extract %reduce_sum3A_447[15] : i32 from vector<16xi32>
    %add3A_449 = vector.broadcast %reduce_sum3A_448 : i32 to vector<16xi32>
    %add3A_450 = arith.addi %add3A_449, %sub3A_438 : vector<16xi32>
    %select_n3A_451 = arith.select %eq3A_431, %add3A_450, %select_n3A_420 : vector<16xi1>, vector<16xi32>
    %all_reduce_population_count3A_452 = tpu.all_reduce %eq3A_431 {dim = 0 : i64, kind = #tpu.reduction_kind<sum>} : vector<16xi1> -> vector<16xi32>
    %eq3A_453 = arith.constant 2 : i32
    %eq3A_454 = vector.broadcast %eq3A_453 : i32 to vector<16xi32>
    %eq3A_455 = arith.cmpi eq, %iota3A, %eq3A_454 : vector<16xi32>
    %jit3A_456 = arith.constant 0 : i32
    %broadcast_in_dim3A_457 = vector.broadcast %jit3A_456 : i32 to vector<16xi32>
    %select_n3A_458 = arith.select %eq3A_455, %all_reduce_population_count3A_452, %broadcast_in_dim3A_457 : vector<16xi1>, vector<16xi32>
    %add3A_459 = arith.addi %add3A_428, %select_n3A_458 : vector<16xi32>
    %eq3A_460 = arith.constant 3 : i32
    %eq3A_461 = vector.broadcast %eq3A_460 : i32 to vector<16xi32>
    %eq3A_462 = arith.cmpi eq, %get3A_369, %eq3A_461 : vector<16xi32>
    %convert_element_type3A_463 = arith.extui %eq3A_462 : vector<16xi1> to vector<16xi32>
    %cumsum3A_464 = arith.constant true
    %cumsum3A_465 = vector.broadcast %cumsum3A_464 : i1 to vector<16xi1>
    %cumsum3A_466 = tpu.scan <sum>, %convert_element_type3A_463 masked %cumsum3A_465 : vector<16xi32>, vector<16xi1> -> vector<16xi32>
    %sub3A_467 = arith.constant 1 : i32
    %sub3A_468 = vector.broadcast %sub3A_467 : i32 to vector<16xi32>
    %sub3A_469 = arith.subi %cumsum3A_466, %sub3A_468 : vector<16xi32>
    %eq3A_470 = arith.constant 3 : i32
    %eq3A_471 = vector.broadcast %eq3A_470 : i32 to vector<16xi32>
    %eq3A_472 = arith.cmpi eq, %iota3A, %eq3A_471 : vector<16xi32>
    %jit3A_473 = arith.constant 0 : i32
    %broadcast_in_dim3A_474 = vector.broadcast %jit3A_473 : i32 to vector<16xi32>
    %select_n3A_475 = arith.select %eq3A_472, %add3A_459, %broadcast_in_dim3A_474 : vector<16xi1>, vector<16xi32>
    %reduce_sum3A_476 = arith.constant true
    %reduce_sum3A_477 = vector.broadcast %reduce_sum3A_476 : i1 to vector<16xi1>
    %reduce_sum3A_478 = tpu.scan <sum>, %select_n3A_475 masked %reduce_sum3A_477 : vector<16xi32>, vector<16xi1> -> vector<16xi32>
    %reduce_sum3A_479 = vector.extract %reduce_sum3A_478[15] : i32 from vector<16xi32>
    %add3A_480 = vector.broadcast %reduce_sum3A_479 : i32 to vector<16xi32>
    %add3A_481 = arith.addi %add3A_480, %sub3A_469 : vector<16xi32>
    %select_n3A_482 = arith.select %eq3A_462, %add3A_481, %select_n3A_451 : vector<16xi1>, vector<16xi32>
    %all_reduce_population_count3A_483 = tpu.all_reduce %eq3A_462 {dim = 0 : i64, kind = #tpu.reduction_kind<sum>} : vector<16xi1> -> vector<16xi32>
    %eq3A_484 = arith.constant 3 : i32
    %eq3A_485 = vector.broadcast %eq3A_484 : i32 to vector<16xi32>
    %eq3A_486 = arith.cmpi eq, %iota3A, %eq3A_485 : vector<16xi32>
    %jit3A_487 = arith.constant 0 : i32
    %broadcast_in_dim3A_488 = vector.broadcast %jit3A_487 : i32 to vector<16xi32>
    %select_n3A_489 = arith.select %eq3A_486, %all_reduce_population_count3A_483, %broadcast_in_dim3A_488 : vector<16xi1>, vector<16xi32>
    %add3A_490 = arith.addi %add3A_459, %select_n3A_489 : vector<16xi32>
    %eq3A_491 = arith.constant 4 : i32
    %eq3A_492 = vector.broadcast %eq3A_491 : i32 to vector<16xi32>
    %eq3A_493 = arith.cmpi eq, %get3A_369, %eq3A_492 : vector<16xi32>
    %convert_element_type3A_494 = arith.extui %eq3A_493 : vector<16xi1> to vector<16xi32>
    %cumsum3A_495 = arith.constant true
    %cumsum3A_496 = vector.broadcast %cumsum3A_495 : i1 to vector<16xi1>
    %cumsum3A_497 = tpu.scan <sum>, %convert_element_type3A_494 masked %cumsum3A_496 : vector<16xi32>, vector<16xi1> -> vector<16xi32>
    %sub3A_498 = arith.constant 1 : i32
    %sub3A_499 = vector.broadcast %sub3A_498 : i32 to vector<16xi32>
    %sub3A_500 = arith.subi %cumsum3A_497, %sub3A_499 : vector<16xi32>
    %eq3A_501 = arith.constant 4 : i32
    %eq3A_502 = vector.broadcast %eq3A_501 : i32 to vector<16xi32>
    %eq3A_503 = arith.cmpi eq, %iota3A, %eq3A_502 : vector<16xi32>
    %jit3A_504 = arith.constant 0 : i32
    %broadcast_in_dim3A_505 = vector.broadcast %jit3A_504 : i32 to vector<16xi32>
    %select_n3A_506 = arith.select %eq3A_503, %add3A_490, %broadcast_in_dim3A_505 : vector<16xi1>, vector<16xi32>
    %reduce_sum3A_507 = arith.constant true
    %reduce_sum3A_508 = vector.broadcast %reduce_sum3A_507 : i1 to vector<16xi1>
    %reduce_sum3A_509 = tpu.scan <sum>, %select_n3A_506 masked %reduce_sum3A_508 : vector<16xi32>, vector<16xi1> -> vector<16xi32>
    %reduce_sum3A_510 = vector.extract %reduce_sum3A_509[15] : i32 from vector<16xi32>
    %add3A_511 = vector.broadcast %reduce_sum3A_510 : i32 to vector<16xi32>
    %add3A_512 = arith.addi %add3A_511, %sub3A_500 : vector<16xi32>
    %select_n3A_513 = arith.select %eq3A_493, %add3A_512, %select_n3A_482 : vector<16xi1>, vector<16xi32>
    %all_reduce_population_count3A_514 = tpu.all_reduce %eq3A_493 {dim = 0 : i64, kind = #tpu.reduction_kind<sum>} : vector<16xi1> -> vector<16xi32>
    %eq3A_515 = arith.constant 4 : i32
    %eq3A_516 = vector.broadcast %eq3A_515 : i32 to vector<16xi32>
    %eq3A_517 = arith.cmpi eq, %iota3A, %eq3A_516 : vector<16xi32>
    %jit3A_518 = arith.constant 0 : i32
    %broadcast_in_dim3A_519 = vector.broadcast %jit3A_518 : i32 to vector<16xi32>
    %select_n3A_520 = arith.select %eq3A_517, %all_reduce_population_count3A_514, %broadcast_in_dim3A_519 : vector<16xi1>, vector<16xi32>
    %add3A_521 = arith.addi %add3A_490, %select_n3A_520 : vector<16xi32>
    %eq3A_522 = arith.constant 5 : i32
    %eq3A_523 = vector.broadcast %eq3A_522 : i32 to vector<16xi32>
    %eq3A_524 = arith.cmpi eq, %get3A_369, %eq3A_523 : vector<16xi32>
    %convert_element_type3A_525 = arith.extui %eq3A_524 : vector<16xi1> to vector<16xi32>
    %cumsum3A_526 = arith.constant true
    %cumsum3A_527 = vector.broadcast %cumsum3A_526 : i1 to vector<16xi1>
    %cumsum3A_528 = tpu.scan <sum>, %convert_element_type3A_525 masked %cumsum3A_527 : vector<16xi32>, vector<16xi1> -> vector<16xi32>
    %sub3A_529 = arith.constant 1 : i32
    %sub3A_530 = vector.broadcast %sub3A_529 : i32 to vector<16xi32>
    %sub3A_531 = arith.subi %cumsum3A_528, %sub3A_530 : vector<16xi32>
    %eq3A_532 = arith.constant 5 : i32
    %eq3A_533 = vector.broadcast %eq3A_532 : i32 to vector<16xi32>
    %eq3A_534 = arith.cmpi eq, %iota3A, %eq3A_533 : vector<16xi32>
    %jit3A_535 = arith.constant 0 : i32
    %broadcast_in_dim3A_536 = vector.broadcast %jit3A_535 : i32 to vector<16xi32>
    %select_n3A_537 = arith.select %eq3A_534, %add3A_521, %broadcast_in_dim3A_536 : vector<16xi1>, vector<16xi32>
    %reduce_sum3A_538 = arith.constant true
    %reduce_sum3A_539 = vector.broadcast %reduce_sum3A_538 : i1 to vector<16xi1>
    %reduce_sum3A_540 = tpu.scan <sum>, %select_n3A_537 masked %reduce_sum3A_539 : vector<16xi32>, vector<16xi1> -> vector<16xi32>
    %reduce_sum3A_541 = vector.extract %reduce_sum3A_540[15] : i32 from vector<16xi32>
    %add3A_542 = vector.broadcast %reduce_sum3A_541 : i32 to vector<16xi32>
    %add3A_543 = arith.addi %add3A_542, %sub3A_531 : vector<16xi32>
    %select_n3A_544 = arith.select %eq3A_524, %add3A_543, %select_n3A_513 : vector<16xi1>, vector<16xi32>
    %all_reduce_population_count3A_545 = tpu.all_reduce %eq3A_524 {dim = 0 : i64, kind = #tpu.reduction_kind<sum>} : vector<16xi1> -> vector<16xi32>
    %eq3A_546 = arith.constant 5 : i32
    %eq3A_547 = vector.broadcast %eq3A_546 : i32 to vector<16xi32>
    %eq3A_548 = arith.cmpi eq, %iota3A, %eq3A_547 : vector<16xi32>
    %jit3A_549 = arith.constant 0 : i32
    %broadcast_in_dim3A_550 = vector.broadcast %jit3A_549 : i32 to vector<16xi32>
    %select_n3A_551 = arith.select %eq3A_548, %all_reduce_population_count3A_545, %broadcast_in_dim3A_550 : vector<16xi1>, vector<16xi32>
    %add3A_552 = arith.addi %add3A_521, %select_n3A_551 : vector<16xi32>
    %eq3A_553 = arith.constant 6 : i32
    %eq3A_554 = vector.broadcast %eq3A_553 : i32 to vector<16xi32>
    %eq3A_555 = arith.cmpi eq, %get3A_369, %eq3A_554 : vector<16xi32>
    %convert_element_type3A_556 = arith.extui %eq3A_555 : vector<16xi1> to vector<16xi32>
    %cumsum3A_557 = arith.constant true
    %cumsum3A_558 = vector.broadcast %cumsum3A_557 : i1 to vector<16xi1>
    %cumsum3A_559 = tpu.scan <sum>, %convert_element_type3A_556 masked %cumsum3A_558 : vector<16xi32>, vector<16xi1> -> vector<16xi32>
    %sub3A_560 = arith.constant 1 : i32
    %sub3A_561 = vector.broadcast %sub3A_560 : i32 to vector<16xi32>
    %sub3A_562 = arith.subi %cumsum3A_559, %sub3A_561 : vector<16xi32>
    %eq3A_563 = arith.constant 6 : i32
    %eq3A_564 = vector.broadcast %eq3A_563 : i32 to vector<16xi32>
    %eq3A_565 = arith.cmpi eq, %iota3A, %eq3A_564 : vector<16xi32>
    %jit3A_566 = arith.constant 0 : i32
    %broadcast_in_dim3A_567 = vector.broadcast %jit3A_566 : i32 to vector<16xi32>
    %select_n3A_568 = arith.select %eq3A_565, %add3A_552, %broadcast_in_dim3A_567 : vector<16xi1>, vector<16xi32>
    %reduce_sum3A_569 = arith.constant true
    %reduce_sum3A_570 = vector.broadcast %reduce_sum3A_569 : i1 to vector<16xi1>
    %reduce_sum3A_571 = tpu.scan <sum>, %select_n3A_568 masked %reduce_sum3A_570 : vector<16xi32>, vector<16xi1> -> vector<16xi32>
    %reduce_sum3A_572 = vector.extract %reduce_sum3A_571[15] : i32 from vector<16xi32>
    %add3A_573 = vector.broadcast %reduce_sum3A_572 : i32 to vector<16xi32>
    %add3A_574 = arith.addi %add3A_573, %sub3A_562 : vector<16xi32>
    %select_n3A_575 = arith.select %eq3A_555, %add3A_574, %select_n3A_544 : vector<16xi1>, vector<16xi32>
    %all_reduce_population_count3A_576 = tpu.all_reduce %eq3A_555 {dim = 0 : i64, kind = #tpu.reduction_kind<sum>} : vector<16xi1> -> vector<16xi32>
    %eq3A_577 = arith.constant 6 : i32
    %eq3A_578 = vector.broadcast %eq3A_577 : i32 to vector<16xi32>
    %eq3A_579 = arith.cmpi eq, %iota3A, %eq3A_578 : vector<16xi32>
    %jit3A_580 = arith.constant 0 : i32
    %broadcast_in_dim3A_581 = vector.broadcast %jit3A_580 : i32 to vector<16xi32>
    %select_n3A_582 = arith.select %eq3A_579, %all_reduce_population_count3A_576, %broadcast_in_dim3A_581 : vector<16xi1>, vector<16xi32>
    %add3A_583 = arith.addi %add3A_552, %select_n3A_582 : vector<16xi32>
    %eq3A_584 = arith.constant 7 : i32
    %eq3A_585 = vector.broadcast %eq3A_584 : i32 to vector<16xi32>
    %eq3A_586 = arith.cmpi eq, %get3A_369, %eq3A_585 : vector<16xi32>
    %convert_element_type3A_587 = arith.extui %eq3A_586 : vector<16xi1> to vector<16xi32>
    %cumsum3A_588 = arith.constant true
    %cumsum3A_589 = vector.broadcast %cumsum3A_588 : i1 to vector<16xi1>
    %cumsum3A_590 = tpu.scan <sum>, %convert_element_type3A_587 masked %cumsum3A_589 : vector<16xi32>, vector<16xi1> -> vector<16xi32>
    %sub3A_591 = arith.constant 1 : i32
    %sub3A_592 = vector.broadcast %sub3A_591 : i32 to vector<16xi32>
    %sub3A_593 = arith.subi %cumsum3A_590, %sub3A_592 : vector<16xi32>
    %eq3A_594 = arith.constant 7 : i32
    %eq3A_595 = vector.broadcast %eq3A_594 : i32 to vector<16xi32>
    %eq3A_596 = arith.cmpi eq, %iota3A, %eq3A_595 : vector<16xi32>
    %jit3A_597 = arith.constant 0 : i32
    %broadcast_in_dim3A_598 = vector.broadcast %jit3A_597 : i32 to vector<16xi32>
    %select_n3A_599 = arith.select %eq3A_596, %add3A_583, %broadcast_in_dim3A_598 : vector<16xi1>, vector<16xi32>
    %reduce_sum3A_600 = arith.constant true
    %reduce_sum3A_601 = vector.broadcast %reduce_sum3A_600 : i1 to vector<16xi1>
    %reduce_sum3A_602 = tpu.scan <sum>, %select_n3A_599 masked %reduce_sum3A_601 : vector<16xi32>, vector<16xi1> -> vector<16xi32>
    %reduce_sum3A_603 = vector.extract %reduce_sum3A_602[15] : i32 from vector<16xi32>
    %add3A_604 = vector.broadcast %reduce_sum3A_603 : i32 to vector<16xi32>
    %add3A_605 = arith.addi %add3A_604, %sub3A_593 : vector<16xi32>
    %select_n3A_606 = arith.select %eq3A_586, %add3A_605, %select_n3A_575 : vector<16xi1>, vector<16xi32>
    %all_reduce_population_count3A_607 = tpu.all_reduce %eq3A_586 {dim = 0 : i64, kind = #tpu.reduction_kind<sum>} : vector<16xi1> -> vector<16xi32>
    %eq3A_608 = arith.constant 7 : i32
    %eq3A_609 = vector.broadcast %eq3A_608 : i32 to vector<16xi32>
    %eq3A_610 = arith.cmpi eq, %iota3A, %eq3A_609 : vector<16xi32>
    %jit3A_611 = arith.constant 0 : i32
    %broadcast_in_dim3A_612 = vector.broadcast %jit3A_611 : i32 to vector<16xi32>
    %select_n3A_613 = arith.select %eq3A_610, %all_reduce_population_count3A_607, %broadcast_in_dim3A_612 : vector<16xi1>, vector<16xi32>
    %add3A_614 = arith.addi %add3A_583, %select_n3A_613 : vector<16xi32>
    %swap3A = arith.constant 0 : i32
    %swap3A_615 = arith.index_cast %swap3A : i32 to index
    %swap3A_616 = arith.constant 0 : index
    %swap3A_617 = tpu.vector_load %arg10[%swap3A_615, %swap3A_616] {strides = array<i32>} : memref<1x64xi32, #tpu.memory_space<vmem>>, vector<16xi32>,
    tpu.vector_store %arg10[%swap3A_615, %swap3A_616], %select_n3A_606 {strides = array<i32>} : memref<1x64xi32, #tpu.memory_space<vmem>>, vector<16xi32>,
    %get3A_618 = arith.constant 16 : index
    %get3A_619 = tpu.vector_load %arg8[%get3A_618] {strides = array<i32>} : memref<64xi32, #tpu.memory_space<vmem>>, vector<16xi32>,
    %broadcast_in_dim3A_620 = arith.constant 0 : i32
    %broadcast_in_dim3A_621 = vector.broadcast %broadcast_in_dim3A_620 : i32 to vector<16xi32>
    %eq3A_622 = arith.constant 0 : i32
    %eq3A_623 = vector.broadcast %eq3A_622 : i32 to vector<16xi32>
    %eq3A_624 = arith.cmpi eq, %get3A_619, %eq3A_623 : vector<16xi32>
    %convert_element_type3A_625 = arith.extui %eq3A_624 : vector<16xi1> to vector<16xi32>
    %cumsum3A_626 = arith.constant true
    %cumsum3A_627 = vector.broadcast %cumsum3A_626 : i1 to vector<16xi1>
    %cumsum3A_628 = tpu.scan <sum>, %convert_element_type3A_625 masked %cumsum3A_627 : vector<16xi32>, vector<16xi1> -> vector<16xi32>
    %sub3A_629 = arith.constant 1 : i32
    %sub3A_630 = vector.broadcast %sub3A_629 : i32 to vector<16xi32>
    %sub3A_631 = arith.subi %cumsum3A_628, %sub3A_630 : vector<16xi32>
    %eq3A_632 = arith.constant 0 : i32
    %eq3A_633 = vector.broadcast %eq3A_632 : i32 to vector<16xi32>
    %eq3A_634 = arith.cmpi eq, %iota3A, %eq3A_633 : vector<16xi32>
    %jit3A_635 = arith.constant 0 : i32
    %broadcast_in_dim3A_636 = vector.broadcast %jit3A_635 : i32 to vector<16xi32>
    %select_n3A_637 = arith.select %eq3A_634, %add3A_614, %broadcast_in_dim3A_636 : vector<16xi1>, vector<16xi32>
    %reduce_sum3A_638 = arith.constant true
    %reduce_sum3A_639 = vector.broadcast %reduce_sum3A_638 : i1 to vector<16xi1>
    %reduce_sum3A_640 = tpu.scan <sum>, %select_n3A_637 masked %reduce_sum3A_639 : vector<16xi32>, vector<16xi1> -> vector<16xi32>
    %reduce_sum3A_641 = vector.extract %reduce_sum3A_640[15] : i32 from vector<16xi32>
    %add3A_642 = vector.broadcast %reduce_sum3A_641 : i32 to vector<16xi32>
    %add3A_643 = arith.addi %add3A_642, %sub3A_631 : vector<16xi32>
    %select_n3A_644 = arith.select %eq3A_624, %add3A_643, %broadcast_in_dim3A_621 : vector<16xi1>, vector<16xi32>
    %all_reduce_population_count3A_645 = tpu.all_reduce %eq3A_624 {dim = 0 : i64, kind = #tpu.reduction_kind<sum>} : vector<16xi1> -> vector<16xi32>
    %eq3A_646 = arith.constant 0 : i32
    %eq3A_647 = vector.broadcast %eq3A_646 : i32 to vector<16xi32>
    %eq3A_648 = arith.cmpi eq, %iota3A, %eq3A_647 : vector<16xi32>
    %jit3A_649 = arith.constant 0 : i32
    %broadcast_in_dim3A_650 = vector.broadcast %jit3A_649 : i32 to vector<16xi32>
    %select_n3A_651 = arith.select %eq3A_648, %all_reduce_population_count3A_645, %broadcast_in_dim3A_650 : vector<16xi1>, vector<16xi32>
    %add3A_652 = arith.addi %add3A_614, %select_n3A_651 : vector<16xi32>
    %eq3A_653 = arith.constant 1 : i32
    %eq3A_654 = vector.broadcast %eq3A_653 : i32 to vector<16xi32>
    %eq3A_655 = arith.cmpi eq, %get3A_619, %eq3A_654 : vector<16xi32>
    %convert_element_type3A_656 = arith.extui %eq3A_655 : vector<16xi1> to vector<16xi32>
    %cumsum3A_657 = arith.constant true
    %cumsum3A_658 = vector.broadcast %cumsum3A_657 : i1 to vector<16xi1>
    %cumsum3A_659 = tpu.scan <sum>, %convert_element_type3A_656 masked %cumsum3A_658 : vector<16xi32>, vector<16xi1> -> vector<16xi32>
    %sub3A_660 = arith.constant 1 : i32
    %sub3A_661 = vector.broadcast %sub3A_660 : i32 to vector<16xi32>
    %sub3A_662 = arith.subi %cumsum3A_659, %sub3A_661 : vector<16xi32>
    %eq3A_663 = arith.constant 1 : i32
    %eq3A_664 = vector.broadcast %eq3A_663 : i32 to vector<16xi32>
    %eq3A_665 = arith.cmpi eq, %iota3A, %eq3A_664 : vector<16xi32>
    %jit3A_666 = arith.constant 0 : i32
    %broadcast_in_dim3A_667 = vector.broadcast %jit3A_666 : i32 to vector<16xi32>
    %select_n3A_668 = arith.select %eq3A_665, %add3A_652, %broadcast_in_dim3A_667 : vector<16xi1>, vector<16xi32>
    %reduce_sum3A_669 = arith.constant true
    %reduce_sum3A_670 = vector.broadcast %reduce_sum3A_669 : i1 to vector<16xi1>
    %reduce_sum3A_671 = tpu.scan <sum>, %select_n3A_668 masked %reduce_sum3A_670 : vector<16xi32>, vector<16xi1> -> vector<16xi32>
    %reduce_sum3A_672 = vector.extract %reduce_sum3A_671[15] : i32 from vector<16xi32>
    %add3A_673 = vector.broadcast %reduce_sum3A_672 : i32 to vector<16xi32>
    %add3A_674 = arith.addi %add3A_673, %sub3A_662 : vector<16xi32>
    %select_n3A_675 = arith.select %eq3A_655, %add3A_674, %select_n3A_644 : vector<16xi1>, vector<16xi32>
    %all_reduce_population_count3A_676 = tpu.all_reduce %eq3A_655 {dim = 0 : i64, kind = #tpu.reduction_kind<sum>} : vector<16xi1> -> vector<16xi32>
    %eq3A_677 = arith.constant 1 : i32
    %eq3A_678 = vector.broadcast %eq3A_677 : i32 to vector<16xi32>
    %eq3A_679 = arith.cmpi eq, %iota3A, %eq3A_678 : vector<16xi32>
    %jit3A_680 = arith.constant 0 : i32
    %broadcast_in_dim3A_681 = vector.broadcast %jit3A_680 : i32 to vector<16xi32>
    %select_n3A_682 = arith.select %eq3A_679, %all_reduce_population_count3A_676, %broadcast_in_dim3A_681 : vector<16xi1>, vector<16xi32>
    %add3A_683 = arith.addi %add3A_652, %select_n3A_682 : vector<16xi32>
    %eq3A_684 = arith.constant 2 : i32
    %eq3A_685 = vector.broadcast %eq3A_684 : i32 to vector<16xi32>
    %eq3A_686 = arith.cmpi eq, %get3A_619, %eq3A_685 : vector<16xi32>
    %convert_element_type3A_687 = arith.extui %eq3A_686 : vector<16xi1> to vector<16xi32>
    %cumsum3A_688 = arith.constant true
    %cumsum3A_689 = vector.broadcast %cumsum3A_688 : i1 to vector<16xi1>
    %cumsum3A_690 = tpu.scan <sum>, %convert_element_type3A_687 masked %cumsum3A_689 : vector<16xi32>, vector<16xi1> -> vector<16xi32>
    %sub3A_691 = arith.constant 1 : i32
    %sub3A_692 = vector.broadcast %sub3A_691 : i32 to vector<16xi32>
    %sub3A_693 = arith.subi %cumsum3A_690, %sub3A_692 : vector<16xi32>
    %eq3A_694 = arith.constant 2 : i32
    %eq3A_695 = vector.broadcast %eq3A_694 : i32 to vector<16xi32>
    %eq3A_696 = arith.cmpi eq, %iota3A, %eq3A_695 : vector<16xi32>
    %jit3A_697 = arith.constant 0 : i32
    %broadcast_in_dim3A_698 = vector.broadcast %jit3A_697 : i32 to vector<16xi32>
    %select_n3A_699 = arith.select %eq3A_696, %add3A_683, %broadcast_in_dim3A_698 : vector<16xi1>, vector<16xi32>
    %reduce_sum3A_700 = arith.constant true
    %reduce_sum3A_701 = vector.broadcast %reduce_sum3A_700 : i1 to vector<16xi1>
    %reduce_sum3A_702 = tpu.scan <sum>, %select_n3A_699 masked %reduce_sum3A_701 : vector<16xi32>, vector<16xi1> -> vector<16xi32>
    %reduce_sum3A_703 = vector.extract %reduce_sum3A_702[15] : i32 from vector<16xi32>
    %add3A_704 = vector.broadcast %reduce_sum3A_703 : i32 to vector<16xi32>
    %add3A_705 = arith.addi %add3A_704, %sub3A_693 : vector<16xi32>
    %select_n3A_706 = arith.select %eq3A_686, %add3A_705, %select_n3A_675 : vector<16xi1>, vector<16xi32>
    %all_reduce_population_count3A_707 = tpu.all_reduce %eq3A_686 {dim = 0 : i64, kind = #tpu.reduction_kind<sum>} : vector<16xi1> -> vector<16xi32>
    %eq3A_708 = arith.constant 2 : i32
    %eq3A_709 = vector.broadcast %eq3A_708 : i32 to vector<16xi32>
    %eq3A_710 = arith.cmpi eq, %iota3A, %eq3A_709 : vector<16xi32>
    %jit3A_711 = arith.constant 0 : i32
    %broadcast_in_dim3A_712 = vector.broadcast %jit3A_711 : i32 to vector<16xi32>
    %select_n3A_713 = arith.select %eq3A_710, %all_reduce_population_count3A_707, %broadcast_in_dim3A_712 : vector<16xi1>, vector<16xi32>
    %add3A_714 = arith.addi %add3A_683, %select_n3A_713 : vector<16xi32>
    %eq3A_715 = arith.constant 3 : i32
    %eq3A_716 = vector.broadcast %eq3A_715 : i32 to vector<16xi32>
    %eq3A_717 = arith.cmpi eq, %get3A_619, %eq3A_716 : vector<16xi32>
    %convert_element_type3A_718 = arith.extui %eq3A_717 : vector<16xi1> to vector<16xi32>
    %cumsum3A_719 = arith.constant true
    %cumsum3A_720 = vector.broadcast %cumsum3A_719 : i1 to vector<16xi1>
    %cumsum3A_721 = tpu.scan <sum>, %convert_element_type3A_718 masked %cumsum3A_720 : vector<16xi32>, vector<16xi1> -> vector<16xi32>
    %sub3A_722 = arith.constant 1 : i32
    %sub3A_723 = vector.broadcast %sub3A_722 : i32 to vector<16xi32>
    %sub3A_724 = arith.subi %cumsum3A_721, %sub3A_723 : vector<16xi32>
    %eq3A_725 = arith.constant 3 : i32
    %eq3A_726 = vector.broadcast %eq3A_725 : i32 to vector<16xi32>
    %eq3A_727 = arith.cmpi eq, %iota3A, %eq3A_726 : vector<16xi32>
    %jit3A_728 = arith.constant 0 : i32
    %broadcast_in_dim3A_729 = vector.broadcast %jit3A_728 : i32 to vector<16xi32>
    %select_n3A_730 = arith.select %eq3A_727, %add3A_714, %broadcast_in_dim3A_729 : vector<16xi1>, vector<16xi32>
    %reduce_sum3A_731 = arith.constant true
    %reduce_sum3A_732 = vector.broadcast %reduce_sum3A_731 : i1 to vector<16xi1>
    %reduce_sum3A_733 = tpu.scan <sum>, %select_n3A_730 masked %reduce_sum3A_732 : vector<16xi32>, vector<16xi1> -> vector<16xi32>
    %reduce_sum3A_734 = vector.extract %reduce_sum3A_733[15] : i32 from vector<16xi32>
    %add3A_735 = vector.broadcast %reduce_sum3A_734 : i32 to vector<16xi32>
    %add3A_736 = arith.addi %add3A_735, %sub3A_724 : vector<16xi32>
    %select_n3A_737 = arith.select %eq3A_717, %add3A_736, %select_n3A_706 : vector<16xi1>, vector<16xi32>
    %all_reduce_population_count3A_738 = tpu.all_reduce %eq3A_717 {dim = 0 : i64, kind = #tpu.reduction_kind<sum>} : vector<16xi1> -> vector<16xi32>
    %eq3A_739 = arith.constant 3 : i32
    %eq3A_740 = vector.broadcast %eq3A_739 : i32 to vector<16xi32>
    %eq3A_741 = arith.cmpi eq, %iota3A, %eq3A_740 : vector<16xi32>
    %jit3A_742 = arith.constant 0 : i32
    %broadcast_in_dim3A_743 = vector.broadcast %jit3A_742 : i32 to vector<16xi32>
    %select_n3A_744 = arith.select %eq3A_741, %all_reduce_population_count3A_738, %broadcast_in_dim3A_743 : vector<16xi1>, vector<16xi32>
    %add3A_745 = arith.addi %add3A_714, %select_n3A_744 : vector<16xi32>
    %eq3A_746 = arith.constant 4 : i32
    %eq3A_747 = vector.broadcast %eq3A_746 : i32 to vector<16xi32>
    %eq3A_748 = arith.cmpi eq, %get3A_619, %eq3A_747 : vector<16xi32>
    %convert_element_type3A_749 = arith.extui %eq3A_748 : vector<16xi1> to vector<16xi32>
    %cumsum3A_750 = arith.constant true
    %cumsum3A_751 = vector.broadcast %cumsum3A_750 : i1 to vector<16xi1>
    %cumsum3A_752 = tpu.scan <sum>, %convert_element_type3A_749 masked %cumsum3A_751 : vector<16xi32>, vector<16xi1> -> vector<16xi32>
    %sub3A_753 = arith.constant 1 : i32
    %sub3A_754 = vector.broadcast %sub3A_753 : i32 to vector<16xi32>
    %sub3A_755 = arith.subi %cumsum3A_752, %sub3A_754 : vector<16xi32>
    %eq3A_756 = arith.constant 4 : i32
    %eq3A_757 = vector.broadcast %eq3A_756 : i32 to vector<16xi32>
    %eq3A_758 = arith.cmpi eq, %iota3A, %eq3A_757 : vector<16xi32>
    %jit3A_759 = arith.constant 0 : i32
    %broadcast_in_dim3A_760 = vector.broadcast %jit3A_759 : i32 to vector<16xi32>
    %select_n3A_761 = arith.select %eq3A_758, %add3A_745, %broadcast_in_dim3A_760 : vector<16xi1>, vector<16xi32>
    %reduce_sum3A_762 = arith.constant true
    %reduce_sum3A_763 = vector.broadcast %reduce_sum3A_762 : i1 to vector<16xi1>
    %reduce_sum3A_764 = tpu.scan <sum>, %select_n3A_761 masked %reduce_sum3A_763 : vector<16xi32>, vector<16xi1> -> vector<16xi32>
    %reduce_sum3A_765 = vector.extract %reduce_sum3A_764[15] : i32 from vector<16xi32>
    %add3A_766 = vector.broadcast %reduce_sum3A_765 : i32 to vector<16xi32>
    %add3A_767 = arith.addi %add3A_766, %sub3A_755 : vector<16xi32>
    %select_n3A_768 = arith.select %eq3A_748, %add3A_767, %select_n3A_737 : vector<16xi1>, vector<16xi32>
    %all_reduce_population_count3A_769 = tpu.all_reduce %eq3A_748 {dim = 0 : i64, kind = #tpu.reduction_kind<sum>} : vector<16xi1> -> vector<16xi32>
    %eq3A_770 = arith.constant 4 : i32
    %eq3A_771 = vector.broadcast %eq3A_770 : i32 to vector<16xi32>
    %eq3A_772 = arith.cmpi eq, %iota3A, %eq3A_771 : vector<16xi32>
    %jit3A_773 = arith.constant 0 : i32
    %broadcast_in_dim3A_774 = vector.broadcast %jit3A_773 : i32 to vector<16xi32>
    %select_n3A_775 = arith.select %eq3A_772, %all_reduce_population_count3A_769, %broadcast_in_dim3A_774 : vector<16xi1>, vector<16xi32>
    %add3A_776 = arith.addi %add3A_745, %select_n3A_775 : vector<16xi32>
    %eq3A_777 = arith.constant 5 : i32
    %eq3A_778 = vector.broadcast %eq3A_777 : i32 to vector<16xi32>
    %eq3A_779 = arith.cmpi eq, %get3A_619, %eq3A_778 : vector<16xi32>
    %convert_element_type3A_780 = arith.extui %eq3A_779 : vector<16xi1> to vector<16xi32>
    %cumsum3A_781 = arith.constant true
    %cumsum3A_782 = vector.broadcast %cumsum3A_781 : i1 to vector<16xi1>
    %cumsum3A_783 = tpu.scan <sum>, %convert_element_type3A_780 masked %cumsum3A_782 : vector<16xi32>, vector<16xi1> -> vector<16xi32>
    %sub3A_784 = arith.constant 1 : i32
    %sub3A_785 = vector.broadcast %sub3A_784 : i32 to vector<16xi32>
    %sub3A_786 = arith.subi %cumsum3A_783, %sub3A_785 : vector<16xi32>
    %eq3A_787 = arith.constant 5 : i32
    %eq3A_788 = vector.broadcast %eq3A_787 : i32 to vector<16xi32>
    %eq3A_789 = arith.cmpi eq, %iota3A, %eq3A_788 : vector<16xi32>
    %jit3A_790 = arith.constant 0 : i32
    %broadcast_in_dim3A_791 = vector.broadcast %jit3A_790 : i32 to vector<16xi32>
    %select_n3A_792 = arith.select %eq3A_789, %add3A_776, %broadcast_in_dim3A_791 : vector<16xi1>, vector<16xi32>
    %reduce_sum3A_793 = arith.constant true
    %reduce_sum3A_794 = vector.broadcast %reduce_sum3A_793 : i1 to vector<16xi1>
    %reduce_sum3A_795 = tpu.scan <sum>, %select_n3A_792 masked %reduce_sum3A_794 : vector<16xi32>, vector<16xi1> -> vector<16xi32>
    %reduce_sum3A_796 = vector.extract %reduce_sum3A_795[15] : i32 from vector<16xi32>
    %add3A_797 = vector.broadcast %reduce_sum3A_796 : i32 to vector<16xi32>
    %add3A_798 = arith.addi %add3A_797, %sub3A_786 : vector<16xi32>
    %select_n3A_799 = arith.select %eq3A_779, %add3A_798, %select_n3A_768 : vector<16xi1>, vector<16xi32>
    %all_reduce_population_count3A_800 = tpu.all_reduce %eq3A_779 {dim = 0 : i64, kind = #tpu.reduction_kind<sum>} : vector<16xi1> -> vector<16xi32>
    %eq3A_801 = arith.constant 5 : i32
    %eq3A_802 = vector.broadcast %eq3A_801 : i32 to vector<16xi32>
    %eq3A_803 = arith.cmpi eq, %iota3A, %eq3A_802 : vector<16xi32>
    %jit3A_804 = arith.constant 0 : i32
    %broadcast_in_dim3A_805 = vector.broadcast %jit3A_804 : i32 to vector<16xi32>
    %select_n3A_806 = arith.select %eq3A_803, %all_reduce_population_count3A_800, %broadcast_in_dim3A_805 : vector<16xi1>, vector<16xi32>
    %add3A_807 = arith.addi %add3A_776, %select_n3A_806 : vector<16xi32>
    %eq3A_808 = arith.constant 6 : i32
    %eq3A_809 = vector.broadcast %eq3A_808 : i32 to vector<16xi32>
    %eq3A_810 = arith.cmpi eq, %get3A_619, %eq3A_809 : vector<16xi32>
    %convert_element_type3A_811 = arith.extui %eq3A_810 : vector<16xi1> to vector<16xi32>
    %cumsum3A_812 = arith.constant true
    %cumsum3A_813 = vector.broadcast %cumsum3A_812 : i1 to vector<16xi1>
    %cumsum3A_814 = tpu.scan <sum>, %convert_element_type3A_811 masked %cumsum3A_813 : vector<16xi32>, vector<16xi1> -> vector<16xi32>
    %sub3A_815 = arith.constant 1 : i32
    %sub3A_816 = vector.broadcast %sub3A_815 : i32 to vector<16xi32>
    %sub3A_817 = arith.subi %cumsum3A_814, %sub3A_816 : vector<16xi32>
    %eq3A_818 = arith.constant 6 : i32
    %eq3A_819 = vector.broadcast %eq3A_818 : i32 to vector<16xi32>
    %eq3A_820 = arith.cmpi eq, %iota3A, %eq3A_819 : vector<16xi32>
    %jit3A_821 = arith.constant 0 : i32
    %broadcast_in_dim3A_822 = vector.broadcast %jit3A_821 : i32 to vector<16xi32>
    %select_n3A_823 = arith.select %eq3A_820, %add3A_807, %broadcast_in_dim3A_822 : vector<16xi1>, vector<16xi32>
    %reduce_sum3A_824 = arith.constant true
    %reduce_sum3A_825 = vector.broadcast %reduce_sum3A_824 : i1 to vector<16xi1>
    %reduce_sum3A_826 = tpu.scan <sum>, %select_n3A_823 masked %reduce_sum3A_825 : vector<16xi32>, vector<16xi1> -> vector<16xi32>
    %reduce_sum3A_827 = vector.extract %reduce_sum3A_826[15] : i32 from vector<16xi32>
    %add3A_828 = vector.broadcast %reduce_sum3A_827 : i32 to vector<16xi32>
    %add3A_829 = arith.addi %add3A_828, %sub3A_817 : vector<16xi32>
    %select_n3A_830 = arith.select %eq3A_810, %add3A_829, %select_n3A_799 : vector<16xi1>, vector<16xi32>
    %all_reduce_population_count3A_831 = tpu.all_reduce %eq3A_810 {dim = 0 : i64, kind = #tpu.reduction_kind<sum>} : vector<16xi1> -> vector<16xi32>
    %eq3A_832 = arith.constant 6 : i32
    %eq3A_833 = vector.broadcast %eq3A_832 : i32 to vector<16xi32>
    %eq3A_834 = arith.cmpi eq, %iota3A, %eq3A_833 : vector<16xi32>
    %jit3A_835 = arith.constant 0 : i32
    %broadcast_in_dim3A_836 = vector.broadcast %jit3A_835 : i32 to vector<16xi32>
    %select_n3A_837 = arith.select %eq3A_834, %all_reduce_population_count3A_831, %broadcast_in_dim3A_836 : vector<16xi1>, vector<16xi32>
    %add3A_838 = arith.addi %add3A_807, %select_n3A_837 : vector<16xi32>
    %eq3A_839 = arith.constant 7 : i32
    %eq3A_840 = vector.broadcast %eq3A_839 : i32 to vector<16xi32>
    %eq3A_841 = arith.cmpi eq, %get3A_619, %eq3A_840 : vector<16xi32>
    %convert_element_type3A_842 = arith.extui %eq3A_841 : vector<16xi1> to vector<16xi32>
    %cumsum3A_843 = arith.constant true
    %cumsum3A_844 = vector.broadcast %cumsum3A_843 : i1 to vector<16xi1>
    %cumsum3A_845 = tpu.scan <sum>, %convert_element_type3A_842 masked %cumsum3A_844 : vector<16xi32>, vector<16xi1> -> vector<16xi32>
    %sub3A_846 = arith.constant 1 : i32
    %sub3A_847 = vector.broadcast %sub3A_846 : i32 to vector<16xi32>
    %sub3A_848 = arith.subi %cumsum3A_845, %sub3A_847 : vector<16xi32>
    %eq3A_849 = arith.constant 7 : i32
    %eq3A_850 = vector.broadcast %eq3A_849 : i32 to vector<16xi32>
    %eq3A_851 = arith.cmpi eq, %iota3A, %eq3A_850 : vector<16xi32>
    %jit3A_852 = arith.constant 0 : i32
    %broadcast_in_dim3A_853 = vector.broadcast %jit3A_852 : i32 to vector<16xi32>
    %select_n3A_854 = arith.select %eq3A_851, %add3A_838, %broadcast_in_dim3A_853 : vector<16xi1>, vector<16xi32>
    %reduce_sum3A_855 = arith.constant true
    %reduce_sum3A_856 = vector.broadcast %reduce_sum3A_855 : i1 to vector<16xi1>
    %reduce_sum3A_857 = tpu.scan <sum>, %select_n3A_854 masked %reduce_sum3A_856 : vector<16xi32>, vector<16xi1> -> vector<16xi32>
    %reduce_sum3A_858 = vector.extract %reduce_sum3A_857[15] : i32 from vector<16xi32>
    %add3A_859 = vector.broadcast %reduce_sum3A_858 : i32 to vector<16xi32>
    %add3A_860 = arith.addi %add3A_859, %sub3A_848 : vector<16xi32>
    %select_n3A_861 = arith.select %eq3A_841, %add3A_860, %select_n3A_830 : vector<16xi1>, vector<16xi32>
    %all_reduce_population_count3A_862 = tpu.all_reduce %eq3A_841 {dim = 0 : i64, kind = #tpu.reduction_kind<sum>} : vector<16xi1> -> vector<16xi32>
    %eq3A_863 = arith.constant 7 : i32
    %eq3A_864 = vector.broadcast %eq3A_863 : i32 to vector<16xi32>
    %eq3A_865 = arith.cmpi eq, %iota3A, %eq3A_864 : vector<16xi32>
    %jit3A_866 = arith.constant 0 : i32
    %broadcast_in_dim3A_867 = vector.broadcast %jit3A_866 : i32 to vector<16xi32>
    %select_n3A_868 = arith.select %eq3A_865, %all_reduce_population_count3A_862, %broadcast_in_dim3A_867 : vector<16xi1>, vector<16xi32>
    %add3A_869 = arith.addi %add3A_838, %select_n3A_868 : vector<16xi32>
    %swap3A_870 = arith.constant 0 : i32
    %swap3A_871 = arith.index_cast %swap3A_870 : i32 to index
    %swap3A_872 = arith.constant 16 : index
    %swap3A_873 = tpu.vector_load %arg10[%swap3A_871, %swap3A_872] {strides = array<i32>} : memref<1x64xi32, #tpu.memory_space<vmem>>, vector<16xi32>,
    tpu.vector_store %arg10[%swap3A_871, %swap3A_872], %select_n3A_861 {strides = array<i32>} : memref<1x64xi32, #tpu.memory_space<vmem>>, vector<16xi32>,
    %get3A_874 = arith.constant 32 : index
    %get3A_875 = tpu.vector_load %arg8[%get3A_874] {strides = array<i32>} : memref<64xi32, #tpu.memory_space<vmem>>, vector<16xi32>,
    %broadcast_in_dim3A_876 = arith.constant 0 : i32
    %broadcast_in_dim3A_877 = vector.broadcast %broadcast_in_dim3A_876 : i32 to vector<16xi32>
    %eq3A_878 = arith.constant 0 : i32
    %eq3A_879 = vector.broadcast %eq3A_878 : i32 to vector<16xi32>
    %eq3A_880 = arith.cmpi eq, %get3A_875, %eq3A_879 : vector<16xi32>
    %convert_element_type3A_881 = arith.extui %eq3A_880 : vector<16xi1> to vector<16xi32>
    %cumsum3A_882 = arith.constant true
    %cumsum3A_883 = vector.broadcast %cumsum3A_882 : i1 to vector<16xi1>
    %cumsum3A_884 = tpu.scan <sum>, %convert_element_type3A_881 masked %cumsum3A_883 : vector<16xi32>, vector<16xi1> -> vector<16xi32>
    %sub3A_885 = arith.constant 1 : i32
    %sub3A_886 = vector.broadcast %sub3A_885 : i32 to vector<16xi32>
    %sub3A_887 = arith.subi %cumsum3A_884, %sub3A_886 : vector<16xi32>
    %eq3A_888 = arith.constant 0 : i32
    %eq3A_889 = vector.broadcast %eq3A_888 : i32 to vector<16xi32>
    %eq3A_890 = arith.cmpi eq, %iota3A, %eq3A_889 : vector<16xi32>
    %jit3A_891 = arith.constant 0 : i32
    %broadcast_in_dim3A_892 = vector.broadcast %jit3A_891 : i32 to vector<16xi32>
    %select_n3A_893 = arith.select %eq3A_890, %add3A_869, %broadcast_in_dim3A_892 : vector<16xi1>, vector<16xi32>
    %reduce_sum3A_894 = arith.constant true
    %reduce_sum3A_895 = vector.broadcast %reduce_sum3A_894 : i1 to vector<16xi1>
    %reduce_sum3A_896 = tpu.scan <sum>, %select_n3A_893 masked %reduce_sum3A_895 : vector<16xi32>, vector<16xi1> -> vector<16xi32>
    %reduce_sum3A_897 = vector.extract %reduce_sum3A_896[15] : i32 from vector<16xi32>
    %add3A_898 = vector.broadcast %reduce_sum3A_897 : i32 to vector<16xi32>
    %add3A_899 = arith.addi %add3A_898, %sub3A_887 : vector<16xi32>
    %select_n3A_900 = arith.select %eq3A_880, %add3A_899, %broadcast_in_dim3A_877 : vector<16xi1>, vector<16xi32>
    %all_reduce_population_count3A_901 = tpu.all_reduce %eq3A_880 {dim = 0 : i64, kind = #tpu.reduction_kind<sum>} : vector<16xi1> -> vector<16xi32>
    %eq3A_902 = arith.constant 0 : i32
    %eq3A_903 = vector.broadcast %eq3A_902 : i32 to vector<16xi32>
    %eq3A_904 = arith.cmpi eq, %iota3A, %eq3A_903 : vector<16xi32>
    %jit3A_905 = arith.constant 0 : i32
    %broadcast_in_dim3A_906 = vector.broadcast %jit3A_905 : i32 to vector<16xi32>
    %select_n3A_907 = arith.select %eq3A_904, %all_reduce_population_count3A_901, %broadcast_in_dim3A_906 : vector<16xi1>, vector<16xi32>
    %add3A_908 = arith.addi %add3A_869, %select_n3A_907 : vector<16xi32>
    %eq3A_909 = arith.constant 1 : i32
    %eq3A_910 = vector.broadcast %eq3A_909 : i32 to vector<16xi32>
    %eq3A_911 = arith.cmpi eq, %get3A_875, %eq3A_910 : vector<16xi32>
    %convert_element_type3A_912 = arith.extui %eq3A_911 : vector<16xi1> to vector<16xi32>
    %cumsum3A_913 = arith.constant true
    %cumsum3A_914 = vector.broadcast %cumsum3A_913 : i1 to vector<16xi1>
    %cumsum3A_915 = tpu.scan <sum>, %convert_element_type3A_912 masked %cumsum3A_914 : vector<16xi32>, vector<16xi1> -> vector<16xi32>
    %sub3A_916 = arith.constant 1 : i32
    %sub3A_917 = vector.broadcast %sub3A_916 : i32 to vector<16xi32>
    %sub3A_918 = arith.subi %cumsum3A_915, %sub3A_917 : vector<16xi32>
    %eq3A_919 = arith.constant 1 : i32
    %eq3A_920 = vector.broadcast %eq3A_919 : i32 to vector<16xi32>
    %eq3A_921 = arith.cmpi eq, %iota3A, %eq3A_920 : vector<16xi32>
    %jit3A_922 = arith.constant 0 : i32
    %broadcast_in_dim3A_923 = vector.broadcast %jit3A_922 : i32 to vector<16xi32>
    %select_n3A_924 = arith.select %eq3A_921, %add3A_908, %broadcast_in_dim3A_923 : vector<16xi1>, vector<16xi32>
    %reduce_sum3A_925 = arith.constant true
    %reduce_sum3A_926 = vector.broadcast %reduce_sum3A_925 : i1 to vector<16xi1>
    %reduce_sum3A_927 = tpu.scan <sum>, %select_n3A_924 masked %reduce_sum3A_926 : vector<16xi32>, vector<16xi1> -> vector<16xi32>
    %reduce_sum3A_928 = vector.extract %reduce_sum3A_927[15] : i32 from vector<16xi32>
    %add3A_929 = vector.broadcast %reduce_sum3A_928 : i32 to vector<16xi32>
    %add3A_930 = arith.addi %add3A_929, %sub3A_918 : vector<16xi32>
    %select_n3A_931 = arith.select %eq3A_911, %add3A_930, %select_n3A_900 : vector<16xi1>, vector<16xi32>
    %all_reduce_population_count3A_932 = tpu.all_reduce %eq3A_911 {dim = 0 : i64, kind = #tpu.reduction_kind<sum>} : vector<16xi1> -> vector<16xi32>
    %eq3A_933 = arith.constant 1 : i32
    %eq3A_934 = vector.broadcast %eq3A_933 : i32 to vector<16xi32>
    %eq3A_935 = arith.cmpi eq, %iota3A, %eq3A_934 : vector<16xi32>
    %jit3A_936 = arith.constant 0 : i32
    %broadcast_in_dim3A_937 = vector.broadcast %jit3A_936 : i32 to vector<16xi32>
    %select_n3A_938 = arith.select %eq3A_935, %all_reduce_population_count3A_932, %broadcast_in_dim3A_937 : vector<16xi1>, vector<16xi32>
    %add3A_939 = arith.addi %add3A_908, %select_n3A_938 : vector<16xi32>
    %eq3A_940 = arith.constant 2 : i32
    %eq3A_941 = vector.broadcast %eq3A_940 : i32 to vector<16xi32>
    %eq3A_942 = arith.cmpi eq, %get3A_875, %eq3A_941 : vector<16xi32>
    %convert_element_type3A_943 = arith.extui %eq3A_942 : vector<16xi1> to vector<16xi32>
    %cumsum3A_944 = arith.constant true
    %cumsum3A_945 = vector.broadcast %cumsum3A_944 : i1 to vector<16xi1>
    %cumsum3A_946 = tpu.scan <sum>, %convert_element_type3A_943 masked %cumsum3A_945 : vector<16xi32>, vector<16xi1> -> vector<16xi32>
    %sub3A_947 = arith.constant 1 : i32
    %sub3A_948 = vector.broadcast %sub3A_947 : i32 to vector<16xi32>
    %sub3A_949 = arith.subi %cumsum3A_946, %sub3A_948 : vector<16xi32>
    %eq3A_950 = arith.constant 2 : i32
    %eq3A_951 = vector.broadcast %eq3A_950 : i32 to vector<16xi32>
    %eq3A_952 = arith.cmpi eq, %iota3A, %eq3A_951 : vector<16xi32>
    %jit3A_953 = arith.constant 0 : i32
    %broadcast_in_dim3A_954 = vector.broadcast %jit3A_953 : i32 to vector<16xi32>
    %select_n3A_955 = arith.select %eq3A_952, %add3A_939, %broadcast_in_dim3A_954 : vector<16xi1>, vector<16xi32>
    %reduce_sum3A_956 = arith.constant true
    %reduce_sum3A_957 = vector.broadcast %reduce_sum3A_956 : i1 to vector<16xi1>
    %reduce_sum3A_958 = tpu.scan <sum>, %select_n3A_955 masked %reduce_sum3A_957 : vector<16xi32>, vector<16xi1> -> vector<16xi32>
    %reduce_sum3A_959 = vector.extract %reduce_sum3A_958[15] : i32 from vector<16xi32>
    %add3A_960 = vector.broadcast %reduce_sum3A_959 : i32 to vector<16xi32>
    %add3A_961 = arith.addi %add3A_960, %sub3A_949 : vector<16xi32>
    %select_n3A_962 = arith.select %eq3A_942, %add3A_961, %select_n3A_931 : vector<16xi1>, vector<16xi32>
    %all_reduce_population_count3A_963 = tpu.all_reduce %eq3A_942 {dim = 0 : i64, kind = #tpu.reduction_kind<sum>} : vector<16xi1> -> vector<16xi32>
    %eq3A_964 = arith.constant 2 : i32
    %eq3A_965 = vector.broadcast %eq3A_964 : i32 to vector<16xi32>
    %eq3A_966 = arith.cmpi eq, %iota3A, %eq3A_965 : vector<16xi32>
    %jit3A_967 = arith.constant 0 : i32
    %broadcast_in_dim3A_968 = vector.broadcast %jit3A_967 : i32 to vector<16xi32>
    %select_n3A_969 = arith.select %eq3A_966, %all_reduce_population_count3A_963, %broadcast_in_dim3A_968 : vector<16xi1>, vector<16xi32>
    %add3A_970 = arith.addi %add3A_939, %select_n3A_969 : vector<16xi32>
    %eq3A_971 = arith.constant 3 : i32
    %eq3A_972 = vector.broadcast %eq3A_971 : i32 to vector<16xi32>
    %eq3A_973 = arith.cmpi eq, %get3A_875, %eq3A_972 : vector<16xi32>
    %convert_element_type3A_974 = arith.extui %eq3A_973 : vector<16xi1> to vector<16xi32>
    %cumsum3A_975 = arith.constant true
    %cumsum3A_976 = vector.broadcast %cumsum3A_975 : i1 to vector<16xi1>
    %cumsum3A_977 = tpu.scan <sum>, %convert_element_type3A_974 masked %cumsum3A_976 : vector<16xi32>, vector<16xi1> -> vector<16xi32>
    %sub3A_978 = arith.constant 1 : i32
    %sub3A_979 = vector.broadcast %sub3A_978 : i32 to vector<16xi32>
    %sub3A_980 = arith.subi %cumsum3A_977, %sub3A_979 : vector<16xi32>
    %eq3A_981 = arith.constant 3 : i32
    %eq3A_982 = vector.broadcast %eq3A_981 : i32 to vector<16xi32>
    %eq3A_983 = arith.cmpi eq, %iota3A, %eq3A_982 : vector<16xi32>
    %jit3A_984 = arith.constant 0 : i32
    %broadcast_in_dim3A_985 = vector.broadcast %jit3A_984 : i32 to vector<16xi32>
    %select_n3A_986 = arith.select %eq3A_983, %add3A_970, %broadcast_in_dim3A_985 : vector<16xi1>, vector<16xi32>
    %reduce_sum3A_987 = arith.constant true
    %reduce_sum3A_988 = vector.broadcast %reduce_sum3A_987 : i1 to vector<16xi1>
    %reduce_sum3A_989 = tpu.scan <sum>, %select_n3A_986 masked %reduce_sum3A_988 : vector<16xi32>, vector<16xi1> -> vector<16xi32>
    %reduce_sum3A_990 = vector.extract %reduce_sum3A_989[15] : i32 from vector<16xi32>
    %add3A_991 = vector.broadcast %reduce_sum3A_990 : i32 to vector<16xi32>
    %add3A_992 = arith.addi %add3A_991, %sub3A_980 : vector<16xi32>
    %select_n3A_993 = arith.select %eq3A_973, %add3A_992, %select_n3A_962 : vector<16xi1>, vector<16xi32>
    %all_reduce_population_count3A_994 = tpu.all_reduce %eq3A_973 {dim = 0 : i64, kind = #tpu.reduction_kind<sum>} : vector<16xi1> -> vector<16xi32>
    %eq3A_995 = arith.constant 3 : i32
    %eq3A_996 = vector.broadcast %eq3A_995 : i32 to vector<16xi32>
    %eq3A_997 = arith.cmpi eq, %iota3A, %eq3A_996 : vector<16xi32>
    %jit3A_998 = arith.constant 0 : i32
    %broadcast_in_dim3A_999 = vector.broadcast %jit3A_998 : i32 to vector<16xi32>
    %select_n3A_1000 = arith.select %eq3A_997, %all_reduce_population_count3A_994, %broadcast_in_dim3A_999 : vector<16xi1>, vector<16xi32>
    %add3A_1001 = arith.addi %add3A_970, %select_n3A_1000 : vector<16xi32>
    %eq3A_1002 = arith.constant 4 : i32
    %eq3A_1003 = vector.broadcast %eq3A_1002 : i32 to vector<16xi32>
    %eq3A_1004 = arith.cmpi eq, %get3A_875, %eq3A_1003 : vector<16xi32>
    %convert_element_type3A_1005 = arith.extui %eq3A_1004 : vector<16xi1> to vector<16xi32>
    %cumsum3A_1006 = arith.constant true
    %cumsum3A_1007 = vector.broadcast %cumsum3A_1006 : i1 to vector<16xi1>
    %cumsum3A_1008 = tpu.scan <sum>, %convert_element_type3A_1005 masked %cumsum3A_1007 : vector<16xi32>, vector<16xi1> -> vector<16xi32>
    %sub3A_1009 = arith.constant 1 : i32
    %sub3A_1010 = vector.broadcast %sub3A_1009 : i32 to vector<16xi32>
    %sub3A_1011 = arith.subi %cumsum3A_1008, %sub3A_1010 : vector<16xi32>
    %eq3A_1012 = arith.constant 4 : i32
    %eq3A_1013 = vector.broadcast %eq3A_1012 : i32 to vector<16xi32>
    %eq3A_1014 = arith.cmpi eq, %iota3A, %eq3A_1013 : vector<16xi32>
    %jit3A_1015 = arith.constant 0 : i32
    %broadcast_in_dim3A_1016 = vector.broadcast %jit3A_1015 : i32 to vector<16xi32>
    %select_n3A_1017 = arith.select %eq3A_1014, %add3A_1001, %broadcast_in_dim3A_1016 : vector<16xi1>, vector<16xi32>
    %reduce_sum3A_1018 = arith.constant true
    %reduce_sum3A_1019 = vector.broadcast %reduce_sum3A_1018 : i1 to vector<16xi1>
    %reduce_sum3A_1020 = tpu.scan <sum>, %select_n3A_1017 masked %reduce_sum3A_1019 : vector<16xi32>, vector<16xi1> -> vector<16xi32>
    %reduce_sum3A_1021 = vector.extract %reduce_sum3A_1020[15] : i32 from vector<16xi32>
    %add3A_1022 = vector.broadcast %reduce_sum3A_1021 : i32 to vector<16xi32>
    %add3A_1023 = arith.addi %add3A_1022, %sub3A_1011 : vector<16xi32>
    %select_n3A_1024 = arith.select %eq3A_1004, %add3A_1023, %select_n3A_993 : vector<16xi1>, vector<16xi32>
    %all_reduce_population_count3A_1025 = tpu.all_reduce %eq3A_1004 {dim = 0 : i64, kind = #tpu.reduction_kind<sum>} : vector<16xi1> -> vector<16xi32>
    %eq3A_1026 = arith.constant 4 : i32
    %eq3A_1027 = vector.broadcast %eq3A_1026 : i32 to vector<16xi32>
    %eq3A_1028 = arith.cmpi eq, %iota3A, %eq3A_1027 : vector<16xi32>
    %jit3A_1029 = arith.constant 0 : i32
    %broadcast_in_dim3A_1030 = vector.broadcast %jit3A_1029 : i32 to vector<16xi32>
    %select_n3A_1031 = arith.select %eq3A_1028, %all_reduce_population_count3A_1025, %broadcast_in_dim3A_1030 : vector<16xi1>, vector<16xi32>
    %add3A_1032 = arith.addi %add3A_1001, %select_n3A_1031 : vector<16xi32>
    %eq3A_1033 = arith.constant 5 : i32
    %eq3A_1034 = vector.broadcast %eq3A_1033 : i32 to vector<16xi32>
    %eq3A_1035 = arith.cmpi eq, %get3A_875, %eq3A_1034 : vector<16xi32>
    %convert_element_type3A_1036 = arith.extui %eq3A_1035 : vector<16xi1> to vector<16xi32>
    %cumsum3A_1037 = arith.constant true
    %cumsum3A_1038 = vector.broadcast %cumsum3A_1037 : i1 to vector<16xi1>
    %cumsum3A_1039 = tpu.scan <sum>, %convert_element_type3A_1036 masked %cumsum3A_1038 : vector<16xi32>, vector<16xi1> -> vector<16xi32>
    %sub3A_1040 = arith.constant 1 : i32
    %sub3A_1041 = vector.broadcast %sub3A_1040 : i32 to vector<16xi32>
    %sub3A_1042 = arith.subi %cumsum3A_1039, %sub3A_1041 : vector<16xi32>
    %eq3A_1043 = arith.constant 5 : i32
    %eq3A_1044 = vector.broadcast %eq3A_1043 : i32 to vector<16xi32>
    %eq3A_1045 = arith.cmpi eq, %iota3A, %eq3A_1044 : vector<16xi32>
    %jit3A_1046 = arith.constant 0 : i32
    %broadcast_in_dim3A_1047 = vector.broadcast %jit3A_1046 : i32 to vector<16xi32>
    %select_n3A_1048 = arith.select %eq3A_1045, %add3A_1032, %broadcast_in_dim3A_1047 : vector<16xi1>, vector<16xi32>
    %reduce_sum3A_1049 = arith.constant true
    %reduce_sum3A_1050 = vector.broadcast %reduce_sum3A_1049 : i1 to vector<16xi1>
    %reduce_sum3A_1051 = tpu.scan <sum>, %select_n3A_1048 masked %reduce_sum3A_1050 : vector<16xi32>, vector<16xi1> -> vector<16xi32>
    %reduce_sum3A_1052 = vector.extract %reduce_sum3A_1051[15] : i32 from vector<16xi32>
    %add3A_1053 = vector.broadcast %reduce_sum3A_1052 : i32 to vector<16xi32>
    %add3A_1054 = arith.addi %add3A_1053, %sub3A_1042 : vector<16xi32>
    %select_n3A_1055 = arith.select %eq3A_1035, %add3A_1054, %select_n3A_1024 : vector<16xi1>, vector<16xi32>
    %all_reduce_population_count3A_1056 = tpu.all_reduce %eq3A_1035 {dim = 0 : i64, kind = #tpu.reduction_kind<sum>} : vector<16xi1> -> vector<16xi32>
    %eq3A_1057 = arith.constant 5 : i32
    %eq3A_1058 = vector.broadcast %eq3A_1057 : i32 to vector<16xi32>
    %eq3A_1059 = arith.cmpi eq, %iota3A, %eq3A_1058 : vector<16xi32>
    %jit3A_1060 = arith.constant 0 : i32
    %broadcast_in_dim3A_1061 = vector.broadcast %jit3A_1060 : i32 to vector<16xi32>
    %select_n3A_1062 = arith.select %eq3A_1059, %all_reduce_population_count3A_1056, %broadcast_in_dim3A_1061 : vector<16xi1>, vector<16xi32>
    %add3A_1063 = arith.addi %add3A_1032, %select_n3A_1062 : vector<16xi32>
    %eq3A_1064 = arith.constant 6 : i32
    %eq3A_1065 = vector.broadcast %eq3A_1064 : i32 to vector<16xi32>
    %eq3A_1066 = arith.cmpi eq, %get3A_875, %eq3A_1065 : vector<16xi32>
    %convert_element_type3A_1067 = arith.extui %eq3A_1066 : vector<16xi1> to vector<16xi32>
    %cumsum3A_1068 = arith.constant true
    %cumsum3A_1069 = vector.broadcast %cumsum3A_1068 : i1 to vector<16xi1>
    %cumsum3A_1070 = tpu.scan <sum>, %convert_element_type3A_1067 masked %cumsum3A_1069 : vector<16xi32>, vector<16xi1> -> vector<16xi32>
    %sub3A_1071 = arith.constant 1 : i32
    %sub3A_1072 = vector.broadcast %sub3A_1071 : i32 to vector<16xi32>
    %sub3A_1073 = arith.subi %cumsum3A_1070, %sub3A_1072 : vector<16xi32>
    %eq3A_1074 = arith.constant 6 : i32
    %eq3A_1075 = vector.broadcast %eq3A_1074 : i32 to vector<16xi32>
    %eq3A_1076 = arith.cmpi eq, %iota3A, %eq3A_1075 : vector<16xi32>
    %jit3A_1077 = arith.constant 0 : i32
    %broadcast_in_dim3A_1078 = vector.broadcast %jit3A_1077 : i32 to vector<16xi32>
    %select_n3A_1079 = arith.select %eq3A_1076, %add3A_1063, %broadcast_in_dim3A_1078 : vector<16xi1>, vector<16xi32>
    %reduce_sum3A_1080 = arith.constant true
    %reduce_sum3A_1081 = vector.broadcast %reduce_sum3A_1080 : i1 to vector<16xi1>
    %reduce_sum3A_1082 = tpu.scan <sum>, %select_n3A_1079 masked %reduce_sum3A_1081 : vector<16xi32>, vector<16xi1> -> vector<16xi32>
    %reduce_sum3A_1083 = vector.extract %reduce_sum3A_1082[15] : i32 from vector<16xi32>
    %add3A_1084 = vector.broadcast %reduce_sum3A_1083 : i32 to vector<16xi32>
    %add3A_1085 = arith.addi %add3A_1084, %sub3A_1073 : vector<16xi32>
    %select_n3A_1086 = arith.select %eq3A_1066, %add3A_1085, %select_n3A_1055 : vector<16xi1>, vector<16xi32>
    %all_reduce_population_count3A_1087 = tpu.all_reduce %eq3A_1066 {dim = 0 : i64, kind = #tpu.reduction_kind<sum>} : vector<16xi1> -> vector<16xi32>
    %eq3A_1088 = arith.constant 6 : i32
    %eq3A_1089 = vector.broadcast %eq3A_1088 : i32 to vector<16xi32>
    %eq3A_1090 = arith.cmpi eq, %iota3A, %eq3A_1089 : vector<16xi32>
    %jit3A_1091 = arith.constant 0 : i32
    %broadcast_in_dim3A_1092 = vector.broadcast %jit3A_1091 : i32 to vector<16xi32>
    %select_n3A_1093 = arith.select %eq3A_1090, %all_reduce_population_count3A_1087, %broadcast_in_dim3A_1092 : vector<16xi1>, vector<16xi32>
    %add3A_1094 = arith.addi %add3A_1063, %select_n3A_1093 : vector<16xi32>
    %eq3A_1095 = arith.constant 7 : i32
    %eq3A_1096 = vector.broadcast %eq3A_1095 : i32 to vector<16xi32>
    %eq3A_1097 = arith.cmpi eq, %get3A_875, %eq3A_1096 : vector<16xi32>
    %convert_element_type3A_1098 = arith.extui %eq3A_1097 : vector<16xi1> to vector<16xi32>
    %cumsum3A_1099 = arith.constant true
    %cumsum3A_1100 = vector.broadcast %cumsum3A_1099 : i1 to vector<16xi1>
    %cumsum3A_1101 = tpu.scan <sum>, %convert_element_type3A_1098 masked %cumsum3A_1100 : vector<16xi32>, vector<16xi1> -> vector<16xi32>
    %sub3A_1102 = arith.constant 1 : i32
    %sub3A_1103 = vector.broadcast %sub3A_1102 : i32 to vector<16xi32>
    %sub3A_1104 = arith.subi %cumsum3A_1101, %sub3A_1103 : vector<16xi32>
    %eq3A_1105 = arith.constant 7 : i32
    %eq3A_1106 = vector.broadcast %eq3A_1105 : i32 to vector<16xi32>
    %eq3A_1107 = arith.cmpi eq, %iota3A, %eq3A_1106 : vector<16xi32>
    %jit3A_1108 = arith.constant 0 : i32
    %broadcast_in_dim3A_1109 = vector.broadcast %jit3A_1108 : i32 to vector<16xi32>
    %select_n3A_1110 = arith.select %eq3A_1107, %add3A_1094, %broadcast_in_dim3A_1109 : vector<16xi1>, vector<16xi32>
    %reduce_sum3A_1111 = arith.constant true
    %reduce_sum3A_1112 = vector.broadcast %reduce_sum3A_1111 : i1 to vector<16xi1>
    %reduce_sum3A_1113 = tpu.scan <sum>, %select_n3A_1110 masked %reduce_sum3A_1112 : vector<16xi32>, vector<16xi1> -> vector<16xi32>
    %reduce_sum3A_1114 = vector.extract %reduce_sum3A_1113[15] : i32 from vector<16xi32>
    %add3A_1115 = vector.broadcast %reduce_sum3A_1114 : i32 to vector<16xi32>
    %add3A_1116 = arith.addi %add3A_1115, %sub3A_1104 : vector<16xi32>
    %select_n3A_1117 = arith.select %eq3A_1097, %add3A_1116, %select_n3A_1086 : vector<16xi1>, vector<16xi32>
    %all_reduce_population_count3A_1118 = tpu.all_reduce %eq3A_1097 {dim = 0 : i64, kind = #tpu.reduction_kind<sum>} : vector<16xi1> -> vector<16xi32>
    %eq3A_1119 = arith.constant 7 : i32
    %eq3A_1120 = vector.broadcast %eq3A_1119 : i32 to vector<16xi32>
    %eq3A_1121 = arith.cmpi eq, %iota3A, %eq3A_1120 : vector<16xi32>
    %jit3A_1122 = arith.constant 0 : i32
    %broadcast_in_dim3A_1123 = vector.broadcast %jit3A_1122 : i32 to vector<16xi32>
    %select_n3A_1124 = arith.select %eq3A_1121, %all_reduce_population_count3A_1118, %broadcast_in_dim3A_1123 : vector<16xi1>, vector<16xi32>
    %add3A_1125 = arith.addi %add3A_1094, %select_n3A_1124 : vector<16xi32>
    %swap3A_1126 = arith.constant 0 : i32
    %swap3A_1127 = arith.index_cast %swap3A_1126 : i32 to index
    %swap3A_1128 = arith.constant 32 : index
    %swap3A_1129 = tpu.vector_load %arg10[%swap3A_1127, %swap3A_1128] {strides = array<i32>} : memref<1x64xi32, #tpu.memory_space<vmem>>, vector<16xi32>,
    tpu.vector_store %arg10[%swap3A_1127, %swap3A_1128], %select_n3A_1117 {strides = array<i32>} : memref<1x64xi32, #tpu.memory_space<vmem>>, vector<16xi32>,
    %get3A_1130 = arith.constant 48 : index
    %get3A_1131 = tpu.vector_load %arg8[%get3A_1130] {strides = array<i32>} : memref<64xi32, #tpu.memory_space<vmem>>, vector<16xi32>,
    %broadcast_in_dim3A_1132 = arith.constant 0 : i32
    %broadcast_in_dim3A_1133 = vector.broadcast %broadcast_in_dim3A_1132 : i32 to vector<16xi32>
    %eq3A_1134 = arith.constant 0 : i32
    %eq3A_1135 = vector.broadcast %eq3A_1134 : i32 to vector<16xi32>
    %eq3A_1136 = arith.cmpi eq, %get3A_1131, %eq3A_1135 : vector<16xi32>
    %convert_element_type3A_1137 = arith.extui %eq3A_1136 : vector<16xi1> to vector<16xi32>
    %cumsum3A_1138 = arith.constant true
    %cumsum3A_1139 = vector.broadcast %cumsum3A_1138 : i1 to vector<16xi1>
    %cumsum3A_1140 = tpu.scan <sum>, %convert_element_type3A_1137 masked %cumsum3A_1139 : vector<16xi32>, vector<16xi1> -> vector<16xi32>
    %sub3A_1141 = arith.constant 1 : i32
    %sub3A_1142 = vector.broadcast %sub3A_1141 : i32 to vector<16xi32>
    %sub3A_1143 = arith.subi %cumsum3A_1140, %sub3A_1142 : vector<16xi32>
    %eq3A_1144 = arith.constant 0 : i32
    %eq3A_1145 = vector.broadcast %eq3A_1144 : i32 to vector<16xi32>
    %eq3A_1146 = arith.cmpi eq, %iota3A, %eq3A_1145 : vector<16xi32>
    %jit3A_1147 = arith.constant 0 : i32
    %broadcast_in_dim3A_1148 = vector.broadcast %jit3A_1147 : i32 to vector<16xi32>
    %select_n3A_1149 = arith.select %eq3A_1146, %add3A_1125, %broadcast_in_dim3A_1148 : vector<16xi1>, vector<16xi32>
    %reduce_sum3A_1150 = arith.constant true
    %reduce_sum3A_1151 = vector.broadcast %reduce_sum3A_1150 : i1 to vector<16xi1>
    %reduce_sum3A_1152 = tpu.scan <sum>, %select_n3A_1149 masked %reduce_sum3A_1151 : vector<16xi32>, vector<16xi1> -> vector<16xi32>
    %reduce_sum3A_1153 = vector.extract %reduce_sum3A_1152[15] : i32 from vector<16xi32>
    %add3A_1154 = vector.broadcast %reduce_sum3A_1153 : i32 to vector<16xi32>
    %add3A_1155 = arith.addi %add3A_1154, %sub3A_1143 : vector<16xi32>
    %select_n3A_1156 = arith.select %eq3A_1136, %add3A_1155, %broadcast_in_dim3A_1133 : vector<16xi1>, vector<16xi32>
    %all_reduce_population_count3A_1157 = tpu.all_reduce %eq3A_1136 {dim = 0 : i64, kind = #tpu.reduction_kind<sum>} : vector<16xi1> -> vector<16xi32>
    %eq3A_1158 = arith.constant 0 : i32
    %eq3A_1159 = vector.broadcast %eq3A_1158 : i32 to vector<16xi32>
    %eq3A_1160 = arith.cmpi eq, %iota3A, %eq3A_1159 : vector<16xi32>
    %jit3A_1161 = arith.constant 0 : i32
    %broadcast_in_dim3A_1162 = vector.broadcast %jit3A_1161 : i32 to vector<16xi32>
    %select_n3A_1163 = arith.select %eq3A_1160, %all_reduce_population_count3A_1157, %broadcast_in_dim3A_1162 : vector<16xi1>, vector<16xi32>
    %add3A_1164 = arith.addi %add3A_1125, %select_n3A_1163 : vector<16xi32>
    %eq3A_1165 = arith.constant 1 : i32
    %eq3A_1166 = vector.broadcast %eq3A_1165 : i32 to vector<16xi32>
    %eq3A_1167 = arith.cmpi eq, %get3A_1131, %eq3A_1166 : vector<16xi32>
    %convert_element_type3A_1168 = arith.extui %eq3A_1167 : vector<16xi1> to vector<16xi32>
    %cumsum3A_1169 = arith.constant true
    %cumsum3A_1170 = vector.broadcast %cumsum3A_1169 : i1 to vector<16xi1>
    %cumsum3A_1171 = tpu.scan <sum>, %convert_element_type3A_1168 masked %cumsum3A_1170 : vector<16xi32>, vector<16xi1> -> vector<16xi32>
    %sub3A_1172 = arith.constant 1 : i32
    %sub3A_1173 = vector.broadcast %sub3A_1172 : i32 to vector<16xi32>
    %sub3A_1174 = arith.subi %cumsum3A_1171, %sub3A_1173 : vector<16xi32>
    %eq3A_1175 = arith.constant 1 : i32
    %eq3A_1176 = vector.broadcast %eq3A_1175 : i32 to vector<16xi32>
    %eq3A_1177 = arith.cmpi eq, %iota3A, %eq3A_1176 : vector<16xi32>
    %jit3A_1178 = arith.constant 0 : i32
    %broadcast_in_dim3A_1179 = vector.broadcast %jit3A_1178 : i32 to vector<16xi32>
    %select_n3A_1180 = arith.select %eq3A_1177, %add3A_1164, %broadcast_in_dim3A_1179 : vector<16xi1>, vector<16xi32>
    %reduce_sum3A_1181 = arith.constant true
    %reduce_sum3A_1182 = vector.broadcast %reduce_sum3A_1181 : i1 to vector<16xi1>
    %reduce_sum3A_1183 = tpu.scan <sum>, %select_n3A_1180 masked %reduce_sum3A_1182 : vector<16xi32>, vector<16xi1> -> vector<16xi32>
    %reduce_sum3A_1184 = vector.extract %reduce_sum3A_1183[15] : i32 from vector<16xi32>
    %add3A_1185 = vector.broadcast %reduce_sum3A_1184 : i32 to vector<16xi32>
    %add3A_1186 = arith.addi %add3A_1185, %sub3A_1174 : vector<16xi32>
    %select_n3A_1187 = arith.select %eq3A_1167, %add3A_1186, %select_n3A_1156 : vector<16xi1>, vector<16xi32>
    %all_reduce_population_count3A_1188 = tpu.all_reduce %eq3A_1167 {dim = 0 : i64, kind = #tpu.reduction_kind<sum>} : vector<16xi1> -> vector<16xi32>
    %eq3A_1189 = arith.constant 1 : i32
    %eq3A_1190 = vector.broadcast %eq3A_1189 : i32 to vector<16xi32>
    %eq3A_1191 = arith.cmpi eq, %iota3A, %eq3A_1190 : vector<16xi32>
    %jit3A_1192 = arith.constant 0 : i32
    %broadcast_in_dim3A_1193 = vector.broadcast %jit3A_1192 : i32 to vector<16xi32>
    %select_n3A_1194 = arith.select %eq3A_1191, %all_reduce_population_count3A_1188, %broadcast_in_dim3A_1193 : vector<16xi1>, vector<16xi32>
    %add3A_1195 = arith.addi %add3A_1164, %select_n3A_1194 : vector<16xi32>
    %eq3A_1196 = arith.constant 2 : i32
    %eq3A_1197 = vector.broadcast %eq3A_1196 : i32 to vector<16xi32>
    %eq3A_1198 = arith.cmpi eq, %get3A_1131, %eq3A_1197 : vector<16xi32>
    %convert_element_type3A_1199 = arith.extui %eq3A_1198 : vector<16xi1> to vector<16xi32>
    %cumsum3A_1200 = arith.constant true
    %cumsum3A_1201 = vector.broadcast %cumsum3A_1200 : i1 to vector<16xi1>
    %cumsum3A_1202 = tpu.scan <sum>, %convert_element_type3A_1199 masked %cumsum3A_1201 : vector<16xi32>, vector<16xi1> -> vector<16xi32>
    %sub3A_1203 = arith.constant 1 : i32
    %sub3A_1204 = vector.broadcast %sub3A_1203 : i32 to vector<16xi32>
    %sub3A_1205 = arith.subi %cumsum3A_1202, %sub3A_1204 : vector<16xi32>
    %eq3A_1206 = arith.constant 2 : i32
    %eq3A_1207 = vector.broadcast %eq3A_1206 : i32 to vector<16xi32>
    %eq3A_1208 = arith.cmpi eq, %iota3A, %eq3A_1207 : vector<16xi32>
    %jit3A_1209 = arith.constant 0 : i32
    %broadcast_in_dim3A_1210 = vector.broadcast %jit3A_1209 : i32 to vector<16xi32>
    %select_n3A_1211 = arith.select %eq3A_1208, %add3A_1195, %broadcast_in_dim3A_1210 : vector<16xi1>, vector<16xi32>
    %reduce_sum3A_1212 = arith.constant true
    %reduce_sum3A_1213 = vector.broadcast %reduce_sum3A_1212 : i1 to vector<16xi1>
    %reduce_sum3A_1214 = tpu.scan <sum>, %select_n3A_1211 masked %reduce_sum3A_1213 : vector<16xi32>, vector<16xi1> -> vector<16xi32>
    %reduce_sum3A_1215 = vector.extract %reduce_sum3A_1214[15] : i32 from vector<16xi32>
    %add3A_1216 = vector.broadcast %reduce_sum3A_1215 : i32 to vector<16xi32>
    %add3A_1217 = arith.addi %add3A_1216, %sub3A_1205 : vector<16xi32>
    %select_n3A_1218 = arith.select %eq3A_1198, %add3A_1217, %select_n3A_1187 : vector<16xi1>, vector<16xi32>
    %all_reduce_population_count3A_1219 = tpu.all_reduce %eq3A_1198 {dim = 0 : i64, kind = #tpu.reduction_kind<sum>} : vector<16xi1> -> vector<16xi32>
    %eq3A_1220 = arith.constant 2 : i32
    %eq3A_1221 = vector.broadcast %eq3A_1220 : i32 to vector<16xi32>
    %eq3A_1222 = arith.cmpi eq, %iota3A, %eq3A_1221 : vector<16xi32>
    %jit3A_1223 = arith.constant 0 : i32
    %broadcast_in_dim3A_1224 = vector.broadcast %jit3A_1223 : i32 to vector<16xi32>
    %select_n3A_1225 = arith.select %eq3A_1222, %all_reduce_population_count3A_1219, %broadcast_in_dim3A_1224 : vector<16xi1>, vector<16xi32>
    %add3A_1226 = arith.addi %add3A_1195, %select_n3A_1225 : vector<16xi32>
    %eq3A_1227 = arith.constant 3 : i32
    %eq3A_1228 = vector.broadcast %eq3A_1227 : i32 to vector<16xi32>
    %eq3A_1229 = arith.cmpi eq, %get3A_1131, %eq3A_1228 : vector<16xi32>
    %convert_element_type3A_1230 = arith.extui %eq3A_1229 : vector<16xi1> to vector<16xi32>
    %cumsum3A_1231 = arith.constant true
    %cumsum3A_1232 = vector.broadcast %cumsum3A_1231 : i1 to vector<16xi1>
    %cumsum3A_1233 = tpu.scan <sum>, %convert_element_type3A_1230 masked %cumsum3A_1232 : vector<16xi32>, vector<16xi1> -> vector<16xi32>
    %sub3A_1234 = arith.constant 1 : i32
    %sub3A_1235 = vector.broadcast %sub3A_1234 : i32 to vector<16xi32>
    %sub3A_1236 = arith.subi %cumsum3A_1233, %sub3A_1235 : vector<16xi32>
    %eq3A_1237 = arith.constant 3 : i32
    %eq3A_1238 = vector.broadcast %eq3A_1237 : i32 to vector<16xi32>
    %eq3A_1239 = arith.cmpi eq, %iota3A, %eq3A_1238 : vector<16xi32>
    %jit3A_1240 = arith.constant 0 : i32
    %broadcast_in_dim3A_1241 = vector.broadcast %jit3A_1240 : i32 to vector<16xi32>
    %select_n3A_1242 = arith.select %eq3A_1239, %add3A_1226, %broadcast_in_dim3A_1241 : vector<16xi1>, vector<16xi32>
    %reduce_sum3A_1243 = arith.constant true
    %reduce_sum3A_1244 = vector.broadcast %reduce_sum3A_1243 : i1 to vector<16xi1>
    %reduce_sum3A_1245 = tpu.scan <sum>, %select_n3A_1242 masked %reduce_sum3A_1244 : vector<16xi32>, vector<16xi1> -> vector<16xi32>
    %reduce_sum3A_1246 = vector.extract %reduce_sum3A_1245[15] : i32 from vector<16xi32>
    %add3A_1247 = vector.broadcast %reduce_sum3A_1246 : i32 to vector<16xi32>
    %add3A_1248 = arith.addi %add3A_1247, %sub3A_1236 : vector<16xi32>
    %select_n3A_1249 = arith.select %eq3A_1229, %add3A_1248, %select_n3A_1218 : vector<16xi1>, vector<16xi32>
    %all_reduce_population_count3A_1250 = tpu.all_reduce %eq3A_1229 {dim = 0 : i64, kind = #tpu.reduction_kind<sum>} : vector<16xi1> -> vector<16xi32>
    %eq3A_1251 = arith.constant 3 : i32
    %eq3A_1252 = vector.broadcast %eq3A_1251 : i32 to vector<16xi32>
    %eq3A_1253 = arith.cmpi eq, %iota3A, %eq3A_1252 : vector<16xi32>
    %jit3A_1254 = arith.constant 0 : i32
    %broadcast_in_dim3A_1255 = vector.broadcast %jit3A_1254 : i32 to vector<16xi32>
    %select_n3A_1256 = arith.select %eq3A_1253, %all_reduce_population_count3A_1250, %broadcast_in_dim3A_1255 : vector<16xi1>, vector<16xi32>
    %add3A_1257 = arith.addi %add3A_1226, %select_n3A_1256 : vector<16xi32>
    %eq3A_1258 = arith.constant 4 : i32
    %eq3A_1259 = vector.broadcast %eq3A_1258 : i32 to vector<16xi32>
    %eq3A_1260 = arith.cmpi eq, %get3A_1131, %eq3A_1259 : vector<16xi32>
    %convert_element_type3A_1261 = arith.extui %eq3A_1260 : vector<16xi1> to vector<16xi32>
    %cumsum3A_1262 = arith.constant true
    %cumsum3A_1263 = vector.broadcast %cumsum3A_1262 : i1 to vector<16xi1>
    %cumsum3A_1264 = tpu.scan <sum>, %convert_element_type3A_1261 masked %cumsum3A_1263 : vector<16xi32>, vector<16xi1> -> vector<16xi32>
    %sub3A_1265 = arith.constant 1 : i32
    %sub3A_1266 = vector.broadcast %sub3A_1265 : i32 to vector<16xi32>
    %sub3A_1267 = arith.subi %cumsum3A_1264, %sub3A_1266 : vector<16xi32>
    %eq3A_1268 = arith.constant 4 : i32
    %eq3A_1269 = vector.broadcast %eq3A_1268 : i32 to vector<16xi32>
    %eq3A_1270 = arith.cmpi eq, %iota3A, %eq3A_1269 : vector<16xi32>
    %jit3A_1271 = arith.constant 0 : i32
    %broadcast_in_dim3A_1272 = vector.broadcast %jit3A_1271 : i32 to vector<16xi32>
    %select_n3A_1273 = arith.select %eq3A_1270, %add3A_1257, %broadcast_in_dim3A_1272 : vector<16xi1>, vector<16xi32>
    %reduce_sum3A_1274 = arith.constant true
    %reduce_sum3A_1275 = vector.broadcast %reduce_sum3A_1274 : i1 to vector<16xi1>
    %reduce_sum3A_1276 = tpu.scan <sum>, %select_n3A_1273 masked %reduce_sum3A_1275 : vector<16xi32>, vector<16xi1> -> vector<16xi32>
    %reduce_sum3A_1277 = vector.extract %reduce_sum3A_1276[15] : i32 from vector<16xi32>
    %add3A_1278 = vector.broadcast %reduce_sum3A_1277 : i32 to vector<16xi32>
    %add3A_1279 = arith.addi %add3A_1278, %sub3A_1267 : vector<16xi32>
    %select_n3A_1280 = arith.select %eq3A_1260, %add3A_1279, %select_n3A_1249 : vector<16xi1>, vector<16xi32>
    %all_reduce_population_count3A_1281 = tpu.all_reduce %eq3A_1260 {dim = 0 : i64, kind = #tpu.reduction_kind<sum>} : vector<16xi1> -> vector<16xi32>
    %eq3A_1282 = arith.constant 4 : i32
    %eq3A_1283 = vector.broadcast %eq3A_1282 : i32 to vector<16xi32>
    %eq3A_1284 = arith.cmpi eq, %iota3A, %eq3A_1283 : vector<16xi32>
    %jit3A_1285 = arith.constant 0 : i32
    %broadcast_in_dim3A_1286 = vector.broadcast %jit3A_1285 : i32 to vector<16xi32>
    %select_n3A_1287 = arith.select %eq3A_1284, %all_reduce_population_count3A_1281, %broadcast_in_dim3A_1286 : vector<16xi1>, vector<16xi32>
    %add3A_1288 = arith.addi %add3A_1257, %select_n3A_1287 : vector<16xi32>
    %eq3A_1289 = arith.constant 5 : i32
    %eq3A_1290 = vector.broadcast %eq3A_1289 : i32 to vector<16xi32>
    %eq3A_1291 = arith.cmpi eq, %get3A_1131, %eq3A_1290 : vector<16xi32>
    %convert_element_type3A_1292 = arith.extui %eq3A_1291 : vector<16xi1> to vector<16xi32>
    %cumsum3A_1293 = arith.constant true
    %cumsum3A_1294 = vector.broadcast %cumsum3A_1293 : i1 to vector<16xi1>
    %cumsum3A_1295 = tpu.scan <sum>, %convert_element_type3A_1292 masked %cumsum3A_1294 : vector<16xi32>, vector<16xi1> -> vector<16xi32>
    %sub3A_1296 = arith.constant 1 : i32
    %sub3A_1297 = vector.broadcast %sub3A_1296 : i32 to vector<16xi32>
    %sub3A_1298 = arith.subi %cumsum3A_1295, %sub3A_1297 : vector<16xi32>
    %eq3A_1299 = arith.constant 5 : i32
    %eq3A_1300 = vector.broadcast %eq3A_1299 : i32 to vector<16xi32>
    %eq3A_1301 = arith.cmpi eq, %iota3A, %eq3A_1300 : vector<16xi32>
    %jit3A_1302 = arith.constant 0 : i32
    %broadcast_in_dim3A_1303 = vector.broadcast %jit3A_1302 : i32 to vector<16xi32>
    %select_n3A_1304 = arith.select %eq3A_1301, %add3A_1288, %broadcast_in_dim3A_1303 : vector<16xi1>, vector<16xi32>
    %reduce_sum3A_1305 = arith.constant true
    %reduce_sum3A_1306 = vector.broadcast %reduce_sum3A_1305 : i1 to vector<16xi1>
    %reduce_sum3A_1307 = tpu.scan <sum>, %select_n3A_1304 masked %reduce_sum3A_1306 : vector<16xi32>, vector<16xi1> -> vector<16xi32>
    %reduce_sum3A_1308 = vector.extract %reduce_sum3A_1307[15] : i32 from vector<16xi32>
    %add3A_1309 = vector.broadcast %reduce_sum3A_1308 : i32 to vector<16xi32>
    %add3A_1310 = arith.addi %add3A_1309, %sub3A_1298 : vector<16xi32>
    %select_n3A_1311 = arith.select %eq3A_1291, %add3A_1310, %select_n3A_1280 : vector<16xi1>, vector<16xi32>
    %all_reduce_population_count3A_1312 = tpu.all_reduce %eq3A_1291 {dim = 0 : i64, kind = #tpu.reduction_kind<sum>} : vector<16xi1> -> vector<16xi32>
    %eq3A_1313 = arith.constant 5 : i32
    %eq3A_1314 = vector.broadcast %eq3A_1313 : i32 to vector<16xi32>
    %eq3A_1315 = arith.cmpi eq, %iota3A, %eq3A_1314 : vector<16xi32>
    %jit3A_1316 = arith.constant 0 : i32
    %broadcast_in_dim3A_1317 = vector.broadcast %jit3A_1316 : i32 to vector<16xi32>
    %select_n3A_1318 = arith.select %eq3A_1315, %all_reduce_population_count3A_1312, %broadcast_in_dim3A_1317 : vector<16xi1>, vector<16xi32>
    %add3A_1319 = arith.addi %add3A_1288, %select_n3A_1318 : vector<16xi32>
    %eq3A_1320 = arith.constant 6 : i32
    %eq3A_1321 = vector.broadcast %eq3A_1320 : i32 to vector<16xi32>
    %eq3A_1322 = arith.cmpi eq, %get3A_1131, %eq3A_1321 : vector<16xi32>
    %convert_element_type3A_1323 = arith.extui %eq3A_1322 : vector<16xi1> to vector<16xi32>
    %cumsum3A_1324 = arith.constant true
    %cumsum3A_1325 = vector.broadcast %cumsum3A_1324 : i1 to vector<16xi1>
    %cumsum3A_1326 = tpu.scan <sum>, %convert_element_type3A_1323 masked %cumsum3A_1325 : vector<16xi32>, vector<16xi1> -> vector<16xi32>
    %sub3A_1327 = arith.constant 1 : i32
    %sub3A_1328 = vector.broadcast %sub3A_1327 : i32 to vector<16xi32>
    %sub3A_1329 = arith.subi %cumsum3A_1326, %sub3A_1328 : vector<16xi32>
    %eq3A_1330 = arith.constant 6 : i32
    %eq3A_1331 = vector.broadcast %eq3A_1330 : i32 to vector<16xi32>
    %eq3A_1332 = arith.cmpi eq, %iota3A, %eq3A_1331 : vector<16xi32>
    %jit3A_1333 = arith.constant 0 : i32
    %broadcast_in_dim3A_1334 = vector.broadcast %jit3A_1333 : i32 to vector<16xi32>
    %select_n3A_1335 = arith.select %eq3A_1332, %add3A_1319, %broadcast_in_dim3A_1334 : vector<16xi1>, vector<16xi32>
    %reduce_sum3A_1336 = arith.constant true
    %reduce_sum3A_1337 = vector.broadcast %reduce_sum3A_1336 : i1 to vector<16xi1>
    %reduce_sum3A_1338 = tpu.scan <sum>, %select_n3A_1335 masked %reduce_sum3A_1337 : vector<16xi32>, vector<16xi1> -> vector<16xi32>
    %reduce_sum3A_1339 = vector.extract %reduce_sum3A_1338[15] : i32 from vector<16xi32>
    %add3A_1340 = vector.broadcast %reduce_sum3A_1339 : i32 to vector<16xi32>
    %add3A_1341 = arith.addi %add3A_1340, %sub3A_1329 : vector<16xi32>
    %select_n3A_1342 = arith.select %eq3A_1322, %add3A_1341, %select_n3A_1311 : vector<16xi1>, vector<16xi32>
    %all_reduce_population_count3A_1343 = tpu.all_reduce %eq3A_1322 {dim = 0 : i64, kind = #tpu.reduction_kind<sum>} : vector<16xi1> -> vector<16xi32>
    %eq3A_1344 = arith.constant 6 : i32
    %eq3A_1345 = vector.broadcast %eq3A_1344 : i32 to vector<16xi32>
    %eq3A_1346 = arith.cmpi eq, %iota3A, %eq3A_1345 : vector<16xi32>
    %jit3A_1347 = arith.constant 0 : i32
    %broadcast_in_dim3A_1348 = vector.broadcast %jit3A_1347 : i32 to vector<16xi32>
    %select_n3A_1349 = arith.select %eq3A_1346, %all_reduce_population_count3A_1343, %broadcast_in_dim3A_1348 : vector<16xi1>, vector<16xi32>
    %add3A_1350 = arith.addi %add3A_1319, %select_n3A_1349 : vector<16xi32>
    %eq3A_1351 = arith.constant 7 : i32
    %eq3A_1352 = vector.broadcast %eq3A_1351 : i32 to vector<16xi32>
    %eq3A_1353 = arith.cmpi eq, %get3A_1131, %eq3A_1352 : vector<16xi32>
    %convert_element_type3A_1354 = arith.extui %eq3A_1353 : vector<16xi1> to vector<16xi32>
    %cumsum3A_1355 = arith.constant true
    %cumsum3A_1356 = vector.broadcast %cumsum3A_1355 : i1 to vector<16xi1>
    %cumsum3A_1357 = tpu.scan <sum>, %convert_element_type3A_1354 masked %cumsum3A_1356 : vector<16xi32>, vector<16xi1> -> vector<16xi32>
    %sub3A_1358 = arith.constant 1 : i32
    %sub3A_1359 = vector.broadcast %sub3A_1358 : i32 to vector<16xi32>
    %sub3A_1360 = arith.subi %cumsum3A_1357, %sub3A_1359 : vector<16xi32>
    %eq3A_1361 = arith.constant 7 : i32
    %eq3A_1362 = vector.broadcast %eq3A_1361 : i32 to vector<16xi32>
    %eq3A_1363 = arith.cmpi eq, %iota3A, %eq3A_1362 : vector<16xi32>
    %jit3A_1364 = arith.constant 0 : i32
    %broadcast_in_dim3A_1365 = vector.broadcast %jit3A_1364 : i32 to vector<16xi32>
    %select_n3A_1366 = arith.select %eq3A_1363, %add3A_1350, %broadcast_in_dim3A_1365 : vector<16xi1>, vector<16xi32>
    %reduce_sum3A_1367 = arith.constant true
    %reduce_sum3A_1368 = vector.broadcast %reduce_sum3A_1367 : i1 to vector<16xi1>
    %reduce_sum3A_1369 = tpu.scan <sum>, %select_n3A_1366 masked %reduce_sum3A_1368 : vector<16xi32>, vector<16xi1> -> vector<16xi32>
    %reduce_sum3A_1370 = vector.extract %reduce_sum3A_1369[15] : i32 from vector<16xi32>
    %add3A_1371 = vector.broadcast %reduce_sum3A_1370 : i32 to vector<16xi32>
    %add3A_1372 = arith.addi %add3A_1371, %sub3A_1360 : vector<16xi32>
    %select_n3A_1373 = arith.select %eq3A_1353, %add3A_1372, %select_n3A_1342 : vector<16xi1>, vector<16xi32>
    %all_reduce_population_count3A_1374 = tpu.all_reduce %eq3A_1353 {dim = 0 : i64, kind = #tpu.reduction_kind<sum>} : vector<16xi1> -> vector<16xi32>
    %eq3A_1375 = arith.constant 7 : i32
    %eq3A_1376 = vector.broadcast %eq3A_1375 : i32 to vector<16xi32>
    %eq3A_1377 = arith.cmpi eq, %iota3A, %eq3A_1376 : vector<16xi32>
    %jit3A_1378 = arith.constant 0 : i32
    %broadcast_in_dim3A_1379 = vector.broadcast %jit3A_1378 : i32 to vector<16xi32>
    %select_n3A_1380 = arith.select %eq3A_1377, %all_reduce_population_count3A_1374, %broadcast_in_dim3A_1379 : vector<16xi1>, vector<16xi32>
    %add3A_1381 = arith.addi %add3A_1350, %select_n3A_1380 : vector<16xi32>
    %swap3A_1382 = arith.constant 0 : i32
    %swap3A_1383 = arith.index_cast %swap3A_1382 : i32 to index
    %swap3A_1384 = arith.constant 48 : index
    %swap3A_1385 = tpu.vector_load %arg10[%swap3A_1383, %swap3A_1384] {strides = array<i32>} : memref<1x64xi32, #tpu.memory_space<vmem>>, vector<16xi32>,
    tpu.vector_store %arg10[%swap3A_1383, %swap3A_1384], %select_n3A_1373 {strides = array<i32>} : memref<1x64xi32, #tpu.memory_space<vmem>>, vector<16xi32>,
    %run_scoped3A = arith.constant 0 : i32
    "tpu.region"() ({
      %run_scoped3A_1390 = tpu.sem_alloc : memref<!tpu.dma_semaphore, #tpu.memory_space<semaphore_mem>>
      %dma_start3A = arith.constant 0 : i32
      %dma_start3A_1391 = tpu.memref_slice %arg10[%run_scoped3A, %dma_start3A] : memref<1x64xi32, #tpu.memory_space<vmem>> -> memref<1x64xi32, #tpu.memory_space<vmem>>
      %dma_start3A_1392 = tpu.memref_squeeze %dma_start3A_1391 : memref<1x64xi32, #tpu.memory_space<vmem>> -> memref<64xi32, #tpu.memory_space<vmem>>
      %dma_start3A_1393 = arith.constant 0 : i32
      %dma_start3A_1394 = arith.constant 0 : i32
      %dma_start3A_1395 = tpu.memref_slice %arg6[%dma_start3A_1393, %dma_start3A_1394] : memref<4096x384xf32, #tpu.memory_space<hbm>> -> memref<4096x384xf32, #tpu.memory_space<hbm>>
      tpu.enqueue_indirect_dma source(%arg11 : memref<64x384xf32, #tpu.memory_space<vmem>>) target(%dma_start3A_1395 : memref<4096x384xf32, #tpu.memory_space<hbm>>) offsets(%dma_start3A_1392 : memref<64xi32, #tpu.memory_space<vmem>>) semaphore(%run_scoped3A_1390 : memref<!tpu.dma_semaphore, #tpu.memory_space<semaphore_mem>>)
      %dma_wait3A = arith.constant 0 : i32
      %dma_wait3A_1396 = tpu.memref_slice %arg10[%run_scoped3A, %dma_wait3A] : memref<1x64xi32, #tpu.memory_space<vmem>> -> memref<1x64xi32, #tpu.memory_space<vmem>>
      %dma_wait3A_1397 = tpu.memref_squeeze %dma_wait3A_1396 : memref<1x64xi32, #tpu.memory_space<vmem>> -> memref<64xi32, #tpu.memory_space<vmem>>
      %dma_wait3A_1398 = arith.constant 0 : i32
      %dma_wait3A_1399 = arith.constant 0 : i32
      %dma_wait3A_1400 = tpu.memref_slice %arg6[%dma_wait3A_1398, %dma_wait3A_1399] : memref<4096x384xf32, #tpu.memory_space<hbm>> -> memref<4096x384xf32, #tpu.memory_space<hbm>>
      tpu.wait_indirect_dma semaphore(%run_scoped3A_1390 : memref<!tpu.dma_semaphore, #tpu.memory_space<semaphore_mem>>) src(%arg11 : memref<64x384xf32, #tpu.memory_space<vmem>>) dst(%dma_wait3A_1400 : memref<4096x384xf32, #tpu.memory_space<hbm>>)
      tpu.yield
    }) : () -> ()
    "tpu.region"() ({
      %run_scoped3A_1390 = tpu.sem_alloc : memref<!tpu.dma_semaphore, #tpu.memory_space<semaphore_mem>>
      %dma_start3A = arith.constant 0 : i32
      %dma_start3A_1391 = arith.constant 0 : i32
      %dma_start3A_1392 = tpu.memref_slice %arg5[%add3A, %dma_start3A, %dma_start3A_1391] : memref<32x1x64xi32, #tpu.memory_space<hbm>> -> memref<1x1x64xi32, #tpu.memory_space<hbm>>
      %dma_start3A_1393 = tpu.memref_squeeze %dma_start3A_1392 : memref<1x1x64xi32, #tpu.memory_space<hbm>> -> memref<1x64xi32, #tpu.memory_space<hbm>>
      %dma_start3A_1394 = arith.constant 0 : i32
      %dma_start3A_1395 = arith.constant 0 : i32
      %dma_start3A_1396 = tpu.memref_slice %arg5[%add3A, %dma_start3A_1394, %dma_start3A_1395] : memref<32x1x64xi32, #tpu.memory_space<hbm>> -> memref<1x1x64xi32, #tpu.memory_space<hbm>>
      %dma_start3A_1397 = tpu.memref_squeeze %dma_start3A_1396 : memref<1x1x64xi32, #tpu.memory_space<hbm>> -> memref<1x64xi32, #tpu.memory_space<hbm>>
      tpu.enqueue_dma source(%arg10 : memref<1x64xi32, #tpu.memory_space<vmem>>) target(%dma_start3A_1397 : memref<1x64xi32, #tpu.memory_space<hbm>>) target_semaphore(%run_scoped3A_1390 : memref<!tpu.dma_semaphore, #tpu.memory_space<semaphore_mem>>)
      %dma_wait3A = arith.constant 0 : i32
      %dma_wait3A_1398 = arith.constant 0 : i32
      %dma_wait3A_1399 = tpu.memref_slice %arg5[%add3A, %dma_wait3A, %dma_wait3A_1398] : memref<32x1x64xi32, #tpu.memory_space<hbm>> -> memref<1x1x64xi32, #tpu.memory_space<hbm>>
      %dma_wait3A_1400 = tpu.memref_squeeze %dma_wait3A_1399 : memref<1x1x64xi32, #tpu.memory_space<hbm>> -> memref<1x64xi32, #tpu.memory_space<hbm>>
      %dma_wait3A_1401 = arith.constant 0 : i32
      %dma_wait3A_1402 = arith.constant 0 : i32
      %dma_wait3A_1403 = tpu.memref_slice %arg5[%add3A, %dma_wait3A_1401, %dma_wait3A_1402] : memref<32x1x64xi32, #tpu.memory_space<hbm>> -> memref<1x1x64xi32, #tpu.memory_space<hbm>>
      %dma_wait3A_1404 = tpu.memref_squeeze %dma_wait3A_1403 : memref<1x1x64xi32, #tpu.memory_space<hbm>> -> memref<1x64xi32, #tpu.memory_space<hbm>>
      tpu.wait_dma2 semaphore(%run_scoped3A_1390 : memref<!tpu.dma_semaphore, #tpu.memory_space<semaphore_mem>>) src(%arg10 : memref<1x64xi32, #tpu.memory_space<vmem>>) dst(%dma_wait3A_1404 : memref<1x64xi32, #tpu.memory_space<hbm>>)
      tpu.yield
    }) : () -> ()
    %eq3A_1386 = arith.constant 0 : i32
    %eq3A_1387 = arith.cmpi eq, %add3A, %eq3A_1386 : i32
    %convert_element_type3A_1388 = arith.extui %eq3A_1387 : i1 to i32
    %cond3A = arith.constant 0 : i32
    %cond3A_1389 = arith.cmpi ne, %convert_element_type3A_1388, %cond3A : i32
    scf.if %cond3A_1389 {
      %broadcast_in_dim3A_1390 = arith.constant 0 : i32
      %broadcast_in_dim3A_1391 = vector.broadcast %broadcast_in_dim3A_1390 : i32 to vector<16xi32>
      %mul3A_1392 = arith.constant 256 : i32
      %mul3A_1393 = vector.broadcast %mul3A_1392 : i32 to vector<16xi32>
      %mul3A_1394 = arith.muli %iota3A, %mul3A_1393 : vector<16xi32>
      %eq3A_1395 = arith.constant 0 : i32
      %eq3A_1396 = vector.broadcast %eq3A_1395 : i32 to vector<16xi32>
      %eq3A_1397 = arith.cmpi eq, %iota3A, %eq3A_1396 : vector<16xi32>
      %jit3A_1398 = arith.constant 0 : i32
      %broadcast_in_dim3A_1399 = vector.broadcast %jit3A_1398 : i32 to vector<16xi32>
      %select_n3A_1400 = arith.select %eq3A_1397, %sub3A_366, %broadcast_in_dim3A_1399 : vector<16xi1>, vector<16xi32>
      %reduce_sum3A_1401 = arith.constant true
      %reduce_sum3A_1402 = vector.broadcast %reduce_sum3A_1401 : i1 to vector<16xi1>
      %reduce_sum3A_1403 = tpu.scan <sum>, %select_n3A_1400 masked %reduce_sum3A_1402 : vector<16xi32>, vector<16xi1> -> vector<16xi32>
      %reduce_sum3A_1404 = vector.extract %reduce_sum3A_1403[15] : i32 from vector<16xi32>
      %eq3A_1405 = arith.constant 0 : i32
      %eq3A_1406 = vector.broadcast %eq3A_1405 : i32 to vector<16xi32>
      %eq3A_1407 = arith.cmpi eq, %iota3A, %eq3A_1406 : vector<16xi32>
      %jit3A_1408 = arith.constant 0 : i32
      %broadcast_in_dim3A_1409 = vector.broadcast %jit3A_1408 : i32 to vector<16xi32>
      %select_n3A_1410 = arith.select %eq3A_1407, %shift_left3A_363, %broadcast_in_dim3A_1409 : vector<16xi1>, vector<16xi32>
      %reduce_sum3A_1411 = arith.constant true
      %reduce_sum3A_1412 = vector.broadcast %reduce_sum3A_1411 : i1 to vector<16xi1>
      %reduce_sum3A_1413 = tpu.scan <sum>, %select_n3A_1410 masked %reduce_sum3A_1412 : vector<16xi32>, vector<16xi1> -> vector<16xi32>
      %reduce_sum3A_1414 = vector.extract %reduce_sum3A_1413[15] : i32 from vector<16xi32>
      %ge3A = vector.broadcast %reduce_sum3A_1404 : i32 to vector<16xi32>
      %ge3A_1415 = arith.cmpi sge, %mul3A_1394, %ge3A : vector<16xi32>
      %add3A_1416 = arith.addi %reduce_sum3A_1404, %reduce_sum3A_1414 : i32
      %lt3A = vector.broadcast %add3A_1416 : i32 to vector<16xi32>
      %lt3A_1417 = arith.cmpi slt, %mul3A_1394, %lt3A : vector<16xi32>
      %and3A = arith.andi %ge3A_1415, %lt3A_1417 : vector<16xi1>
      %jit3A_1418 = arith.constant 0 : i32
      %broadcast_in_dim3A_1419 = vector.broadcast %jit3A_1418 : i32 to vector<16xi32>
      %select_n3A_1420 = arith.select %and3A, %broadcast_in_dim3A_1419, %broadcast_in_dim3A_1391 : vector<16xi1>, vector<16xi32>
      %eq3A_1421 = arith.constant 1 : i32
      %eq3A_1422 = vector.broadcast %eq3A_1421 : i32 to vector<16xi32>
      %eq3A_1423 = arith.cmpi eq, %iota3A, %eq3A_1422 : vector<16xi32>
      %jit3A_1424 = arith.constant 0 : i32
      %broadcast_in_dim3A_1425 = vector.broadcast %jit3A_1424 : i32 to vector<16xi32>
      %select_n3A_1426 = arith.select %eq3A_1423, %sub3A_366, %broadcast_in_dim3A_1425 : vector<16xi1>, vector<16xi32>
      %reduce_sum3A_1427 = arith.constant true
      %reduce_sum3A_1428 = vector.broadcast %reduce_sum3A_1427 : i1 to vector<16xi1>
      %reduce_sum3A_1429 = tpu.scan <sum>, %select_n3A_1426 masked %reduce_sum3A_1428 : vector<16xi32>, vector<16xi1> -> vector<16xi32>
      %reduce_sum3A_1430 = vector.extract %reduce_sum3A_1429[15] : i32 from vector<16xi32>
      %eq3A_1431 = arith.constant 1 : i32
      %eq3A_1432 = vector.broadcast %eq3A_1431 : i32 to vector<16xi32>
      %eq3A_1433 = arith.cmpi eq, %iota3A, %eq3A_1432 : vector<16xi32>
      %jit3A_1434 = arith.constant 0 : i32
      %broadcast_in_dim3A_1435 = vector.broadcast %jit3A_1434 : i32 to vector<16xi32>
      %select_n3A_1436 = arith.select %eq3A_1433, %shift_left3A_363, %broadcast_in_dim3A_1435 : vector<16xi1>, vector<16xi32>
      %reduce_sum3A_1437 = arith.constant true
      %reduce_sum3A_1438 = vector.broadcast %reduce_sum3A_1437 : i1 to vector<16xi1>
      %reduce_sum3A_1439 = tpu.scan <sum>, %select_n3A_1436 masked %reduce_sum3A_1438 : vector<16xi32>, vector<16xi1> -> vector<16xi32>
      %reduce_sum3A_1440 = vector.extract %reduce_sum3A_1439[15] : i32 from vector<16xi32>
      %ge3A_1441 = vector.broadcast %reduce_sum3A_1430 : i32 to vector<16xi32>
      %ge3A_1442 = arith.cmpi sge, %mul3A_1394, %ge3A_1441 : vector<16xi32>
      %add3A_1443 = arith.addi %reduce_sum3A_1430, %reduce_sum3A_1440 : i32
      %lt3A_1444 = vector.broadcast %add3A_1443 : i32 to vector<16xi32>
      %lt3A_1445 = arith.cmpi slt, %mul3A_1394, %lt3A_1444 : vector<16xi32>
      %and3A_1446 = arith.andi %ge3A_1442, %lt3A_1445 : vector<16xi1>
      %jit3A_1447 = arith.constant 1 : i32
      %broadcast_in_dim3A_1448 = vector.broadcast %jit3A_1447 : i32 to vector<16xi32>
      %select_n3A_1449 = arith.select %and3A_1446, %broadcast_in_dim3A_1448, %select_n3A_1420 : vector<16xi1>, vector<16xi32>
      %eq3A_1450 = arith.constant 2 : i32
      %eq3A_1451 = vector.broadcast %eq3A_1450 : i32 to vector<16xi32>
      %eq3A_1452 = arith.cmpi eq, %iota3A, %eq3A_1451 : vector<16xi32>
      %jit3A_1453 = arith.constant 0 : i32
      %broadcast_in_dim3A_1454 = vector.broadcast %jit3A_1453 : i32 to vector<16xi32>
      %select_n3A_1455 = arith.select %eq3A_1452, %sub3A_366, %broadcast_in_dim3A_1454 : vector<16xi1>, vector<16xi32>
      %reduce_sum3A_1456 = arith.constant true
      %reduce_sum3A_1457 = vector.broadcast %reduce_sum3A_1456 : i1 to vector<16xi1>
      %reduce_sum3A_1458 = tpu.scan <sum>, %select_n3A_1455 masked %reduce_sum3A_1457 : vector<16xi32>, vector<16xi1> -> vector<16xi32>
      %reduce_sum3A_1459 = vector.extract %reduce_sum3A_1458[15] : i32 from vector<16xi32>
      %eq3A_1460 = arith.constant 2 : i32
      %eq3A_1461 = vector.broadcast %eq3A_1460 : i32 to vector<16xi32>
      %eq3A_1462 = arith.cmpi eq, %iota3A, %eq3A_1461 : vector<16xi32>
      %jit3A_1463 = arith.constant 0 : i32
      %broadcast_in_dim3A_1464 = vector.broadcast %jit3A_1463 : i32 to vector<16xi32>
      %select_n3A_1465 = arith.select %eq3A_1462, %shift_left3A_363, %broadcast_in_dim3A_1464 : vector<16xi1>, vector<16xi32>
      %reduce_sum3A_1466 = arith.constant true
      %reduce_sum3A_1467 = vector.broadcast %reduce_sum3A_1466 : i1 to vector<16xi1>
      %reduce_sum3A_1468 = tpu.scan <sum>, %select_n3A_1465 masked %reduce_sum3A_1467 : vector<16xi32>, vector<16xi1> -> vector<16xi32>
      %reduce_sum3A_1469 = vector.extract %reduce_sum3A_1468[15] : i32 from vector<16xi32>
      %ge3A_1470 = vector.broadcast %reduce_sum3A_1459 : i32 to vector<16xi32>
      %ge3A_1471 = arith.cmpi sge, %mul3A_1394, %ge3A_1470 : vector<16xi32>
      %add3A_1472 = arith.addi %reduce_sum3A_1459, %reduce_sum3A_1469 : i32
      %lt3A_1473 = vector.broadcast %add3A_1472 : i32 to vector<16xi32>
      %lt3A_1474 = arith.cmpi slt, %mul3A_1394, %lt3A_1473 : vector<16xi32>
      %and3A_1475 = arith.andi %ge3A_1471, %lt3A_1474 : vector<16xi1>
      %jit3A_1476 = arith.constant 2 : i32
      %broadcast_in_dim3A_1477 = vector.broadcast %jit3A_1476 : i32 to vector<16xi32>
      %select_n3A_1478 = arith.select %and3A_1475, %broadcast_in_dim3A_1477, %select_n3A_1449 : vector<16xi1>, vector<16xi32>
      %eq3A_1479 = arith.constant 3 : i32
      %eq3A_1480 = vector.broadcast %eq3A_1479 : i32 to vector<16xi32>
      %eq3A_1481 = arith.cmpi eq, %iota3A, %eq3A_1480 : vector<16xi32>
      %jit3A_1482 = arith.constant 0 : i32
      %broadcast_in_dim3A_1483 = vector.broadcast %jit3A_1482 : i32 to vector<16xi32>
      %select_n3A_1484 = arith.select %eq3A_1481, %sub3A_366, %broadcast_in_dim3A_1483 : vector<16xi1>, vector<16xi32>
      %reduce_sum3A_1485 = arith.constant true
      %reduce_sum3A_1486 = vector.broadcast %reduce_sum3A_1485 : i1 to vector<16xi1>
      %reduce_sum3A_1487 = tpu.scan <sum>, %select_n3A_1484 masked %reduce_sum3A_1486 : vector<16xi32>, vector<16xi1> -> vector<16xi32>
      %reduce_sum3A_1488 = vector.extract %reduce_sum3A_1487[15] : i32 from vector<16xi32>
      %eq3A_1489 = arith.constant 3 : i32
      %eq3A_1490 = vector.broadcast %eq3A_1489 : i32 to vector<16xi32>
      %eq3A_1491 = arith.cmpi eq, %iota3A, %eq3A_1490 : vector<16xi32>
      %jit3A_1492 = arith.constant 0 : i32
      %broadcast_in_dim3A_1493 = vector.broadcast %jit3A_1492 : i32 to vector<16xi32>
      %select_n3A_1494 = arith.select %eq3A_1491, %shift_left3A_363, %broadcast_in_dim3A_1493 : vector<16xi1>, vector<16xi32>
      %reduce_sum3A_1495 = arith.constant true
      %reduce_sum3A_1496 = vector.broadcast %reduce_sum3A_1495 : i1 to vector<16xi1>
      %reduce_sum3A_1497 = tpu.scan <sum>, %select_n3A_1494 masked %reduce_sum3A_1496 : vector<16xi32>, vector<16xi1> -> vector<16xi32>
      %reduce_sum3A_1498 = vector.extract %reduce_sum3A_1497[15] : i32 from vector<16xi32>
      %ge3A_1499 = vector.broadcast %reduce_sum3A_1488 : i32 to vector<16xi32>
      %ge3A_1500 = arith.cmpi sge, %mul3A_1394, %ge3A_1499 : vector<16xi32>
      %add3A_1501 = arith.addi %reduce_sum3A_1488, %reduce_sum3A_1498 : i32
      %lt3A_1502 = vector.broadcast %add3A_1501 : i32 to vector<16xi32>
      %lt3A_1503 = arith.cmpi slt, %mul3A_1394, %lt3A_1502 : vector<16xi32>
      %and3A_1504 = arith.andi %ge3A_1500, %lt3A_1503 : vector<16xi1>
      %jit3A_1505 = arith.constant 3 : i32
      %broadcast_in_dim3A_1506 = vector.broadcast %jit3A_1505 : i32 to vector<16xi32>
      %select_n3A_1507 = arith.select %and3A_1504, %broadcast_in_dim3A_1506, %select_n3A_1478 : vector<16xi1>, vector<16xi32>
      %eq3A_1508 = arith.constant 4 : i32
      %eq3A_1509 = vector.broadcast %eq3A_1508 : i32 to vector<16xi32>
      %eq3A_1510 = arith.cmpi eq, %iota3A, %eq3A_1509 : vector<16xi32>
      %jit3A_1511 = arith.constant 0 : i32
      %broadcast_in_dim3A_1512 = vector.broadcast %jit3A_1511 : i32 to vector<16xi32>
      %select_n3A_1513 = arith.select %eq3A_1510, %sub3A_366, %broadcast_in_dim3A_1512 : vector<16xi1>, vector<16xi32>
      %reduce_sum3A_1514 = arith.constant true
      %reduce_sum3A_1515 = vector.broadcast %reduce_sum3A_1514 : i1 to vector<16xi1>
      %reduce_sum3A_1516 = tpu.scan <sum>, %select_n3A_1513 masked %reduce_sum3A_1515 : vector<16xi32>, vector<16xi1> -> vector<16xi32>
      %reduce_sum3A_1517 = vector.extract %reduce_sum3A_1516[15] : i32 from vector<16xi32>
      %eq3A_1518 = arith.constant 4 : i32
      %eq3A_1519 = vector.broadcast %eq3A_1518 : i32 to vector<16xi32>
      %eq3A_1520 = arith.cmpi eq, %iota3A, %eq3A_1519 : vector<16xi32>
      %jit3A_1521 = arith.constant 0 : i32
      %broadcast_in_dim3A_1522 = vector.broadcast %jit3A_1521 : i32 to vector<16xi32>
      %select_n3A_1523 = arith.select %eq3A_1520, %shift_left3A_363, %broadcast_in_dim3A_1522 : vector<16xi1>, vector<16xi32>
      %reduce_sum3A_1524 = arith.constant true
      %reduce_sum3A_1525 = vector.broadcast %reduce_sum3A_1524 : i1 to vector<16xi1>
      %reduce_sum3A_1526 = tpu.scan <sum>, %select_n3A_1523 masked %reduce_sum3A_1525 : vector<16xi32>, vector<16xi1> -> vector<16xi32>
      %reduce_sum3A_1527 = vector.extract %reduce_sum3A_1526[15] : i32 from vector<16xi32>
      %ge3A_1528 = vector.broadcast %reduce_sum3A_1517 : i32 to vector<16xi32>
      %ge3A_1529 = arith.cmpi sge, %mul3A_1394, %ge3A_1528 : vector<16xi32>
      %add3A_1530 = arith.addi %reduce_sum3A_1517, %reduce_sum3A_1527 : i32
      %lt3A_1531 = vector.broadcast %add3A_1530 : i32 to vector<16xi32>
      %lt3A_1532 = arith.cmpi slt, %mul3A_1394, %lt3A_1531 : vector<16xi32>
      %and3A_1533 = arith.andi %ge3A_1529, %lt3A_1532 : vector<16xi1>
      %jit3A_1534 = arith.constant 4 : i32
      %broadcast_in_dim3A_1535 = vector.broadcast %jit3A_1534 : i32 to vector<16xi32>
      %select_n3A_1536 = arith.select %and3A_1533, %broadcast_in_dim3A_1535, %select_n3A_1507 : vector<16xi1>, vector<16xi32>
      %eq3A_1537 = arith.constant 5 : i32
      %eq3A_1538 = vector.broadcast %eq3A_1537 : i32 to vector<16xi32>
      %eq3A_1539 = arith.cmpi eq, %iota3A, %eq3A_1538 : vector<16xi32>
      %jit3A_1540 = arith.constant 0 : i32
      %broadcast_in_dim3A_1541 = vector.broadcast %jit3A_1540 : i32 to vector<16xi32>
      %select_n3A_1542 = arith.select %eq3A_1539, %sub3A_366, %broadcast_in_dim3A_1541 : vector<16xi1>, vector<16xi32>
      %reduce_sum3A_1543 = arith.constant true
      %reduce_sum3A_1544 = vector.broadcast %reduce_sum3A_1543 : i1 to vector<16xi1>
      %reduce_sum3A_1545 = tpu.scan <sum>, %select_n3A_1542 masked %reduce_sum3A_1544 : vector<16xi32>, vector<16xi1> -> vector<16xi32>
      %reduce_sum3A_1546 = vector.extract %reduce_sum3A_1545[15] : i32 from vector<16xi32>
      %eq3A_1547 = arith.constant 5 : i32
      %eq3A_1548 = vector.broadcast %eq3A_1547 : i32 to vector<16xi32>
      %eq3A_1549 = arith.cmpi eq, %iota3A, %eq3A_1548 : vector<16xi32>
      %jit3A_1550 = arith.constant 0 : i32
      %broadcast_in_dim3A_1551 = vector.broadcast %jit3A_1550 : i32 to vector<16xi32>
      %select_n3A_1552 = arith.select %eq3A_1549, %shift_left3A_363, %broadcast_in_dim3A_1551 : vector<16xi1>, vector<16xi32>
      %reduce_sum3A_1553 = arith.constant true
      %reduce_sum3A_1554 = vector.broadcast %reduce_sum3A_1553 : i1 to vector<16xi1>
      %reduce_sum3A_1555 = tpu.scan <sum>, %select_n3A_1552 masked %reduce_sum3A_1554 : vector<16xi32>, vector<16xi1> -> vector<16xi32>
      %reduce_sum3A_1556 = vector.extract %reduce_sum3A_1555[15] : i32 from vector<16xi32>
      %ge3A_1557 = vector.broadcast %reduce_sum3A_1546 : i32 to vector<16xi32>
      %ge3A_1558 = arith.cmpi sge, %mul3A_1394, %ge3A_1557 : vector<16xi32>
      %add3A_1559 = arith.addi %reduce_sum3A_1546, %reduce_sum3A_1556 : i32
      %lt3A_1560 = vector.broadcast %add3A_1559 : i32 to vector<16xi32>
      %lt3A_1561 = arith.cmpi slt, %mul3A_1394, %lt3A_1560 : vector<16xi32>
      %and3A_1562 = arith.andi %ge3A_1558, %lt3A_1561 : vector<16xi1>
      %jit3A_1563 = arith.constant 5 : i32
      %broadcast_in_dim3A_1564 = vector.broadcast %jit3A_1563 : i32 to vector<16xi32>
      %select_n3A_1565 = arith.select %and3A_1562, %broadcast_in_dim3A_1564, %select_n3A_1536 : vector<16xi1>, vector<16xi32>
      %eq3A_1566 = arith.constant 6 : i32
      %eq3A_1567 = vector.broadcast %eq3A_1566 : i32 to vector<16xi32>
      %eq3A_1568 = arith.cmpi eq, %iota3A, %eq3A_1567 : vector<16xi32>
      %jit3A_1569 = arith.constant 0 : i32
      %broadcast_in_dim3A_1570 = vector.broadcast %jit3A_1569 : i32 to vector<16xi32>
      %select_n3A_1571 = arith.select %eq3A_1568, %sub3A_366, %broadcast_in_dim3A_1570 : vector<16xi1>, vector<16xi32>
      %reduce_sum3A_1572 = arith.constant true
      %reduce_sum3A_1573 = vector.broadcast %reduce_sum3A_1572 : i1 to vector<16xi1>
      %reduce_sum3A_1574 = tpu.scan <sum>, %select_n3A_1571 masked %reduce_sum3A_1573 : vector<16xi32>, vector<16xi1> -> vector<16xi32>
      %reduce_sum3A_1575 = vector.extract %reduce_sum3A_1574[15] : i32 from vector<16xi32>
      %eq3A_1576 = arith.constant 6 : i32
      %eq3A_1577 = vector.broadcast %eq3A_1576 : i32 to vector<16xi32>
      %eq3A_1578 = arith.cmpi eq, %iota3A, %eq3A_1577 : vector<16xi32>
      %jit3A_1579 = arith.constant 0 : i32
      %broadcast_in_dim3A_1580 = vector.broadcast %jit3A_1579 : i32 to vector<16xi32>
      %select_n3A_1581 = arith.select %eq3A_1578, %shift_left3A_363, %broadcast_in_dim3A_1580 : vector<16xi1>, vector<16xi32>
      %reduce_sum3A_1582 = arith.constant true
      %reduce_sum3A_1583 = vector.broadcast %reduce_sum3A_1582 : i1 to vector<16xi1>
      %reduce_sum3A_1584 = tpu.scan <sum>, %select_n3A_1581 masked %reduce_sum3A_1583 : vector<16xi32>, vector<16xi1> -> vector<16xi32>
      %reduce_sum3A_1585 = vector.extract %reduce_sum3A_1584[15] : i32 from vector<16xi32>
      %ge3A_1586 = vector.broadcast %reduce_sum3A_1575 : i32 to vector<16xi32>
      %ge3A_1587 = arith.cmpi sge, %mul3A_1394, %ge3A_1586 : vector<16xi32>
      %add3A_1588 = arith.addi %reduce_sum3A_1575, %reduce_sum3A_1585 : i32
      %lt3A_1589 = vector.broadcast %add3A_1588 : i32 to vector<16xi32>
      %lt3A_1590 = arith.cmpi slt, %mul3A_1394, %lt3A_1589 : vector<16xi32>
      %and3A_1591 = arith.andi %ge3A_1587, %lt3A_1590 : vector<16xi1>
      %jit3A_1592 = arith.constant 6 : i32
      %broadcast_in_dim3A_1593 = vector.broadcast %jit3A_1592 : i32 to vector<16xi32>
      %select_n3A_1594 = arith.select %and3A_1591, %broadcast_in_dim3A_1593, %select_n3A_1565 : vector<16xi1>, vector<16xi32>
      %eq3A_1595 = arith.constant 7 : i32
      %eq3A_1596 = vector.broadcast %eq3A_1595 : i32 to vector<16xi32>
      %eq3A_1597 = arith.cmpi eq, %iota3A, %eq3A_1596 : vector<16xi32>
      %jit3A_1598 = arith.constant 0 : i32
      %broadcast_in_dim3A_1599 = vector.broadcast %jit3A_1598 : i32 to vector<16xi32>
      %select_n3A_1600 = arith.select %eq3A_1597, %sub3A_366, %broadcast_in_dim3A_1599 : vector<16xi1>, vector<16xi32>
      %reduce_sum3A_1601 = arith.constant true
      %reduce_sum3A_1602 = vector.broadcast %reduce_sum3A_1601 : i1 to vector<16xi1>
      %reduce_sum3A_1603 = tpu.scan <sum>, %select_n3A_1600 masked %reduce_sum3A_1602 : vector<16xi32>, vector<16xi1> -> vector<16xi32>
      %reduce_sum3A_1604 = vector.extract %reduce_sum3A_1603[15] : i32 from vector<16xi32>
      %eq3A_1605 = arith.constant 7 : i32
      %eq3A_1606 = vector.broadcast %eq3A_1605 : i32 to vector<16xi32>
      %eq3A_1607 = arith.cmpi eq, %iota3A, %eq3A_1606 : vector<16xi32>
      %jit3A_1608 = arith.constant 0 : i32
      %broadcast_in_dim3A_1609 = vector.broadcast %jit3A_1608 : i32 to vector<16xi32>
      %select_n3A_1610 = arith.select %eq3A_1607, %shift_left3A_363, %broadcast_in_dim3A_1609 : vector<16xi1>, vector<16xi32>
      %reduce_sum3A_1611 = arith.constant true
      %reduce_sum3A_1612 = vector.broadcast %reduce_sum3A_1611 : i1 to vector<16xi1>
      %reduce_sum3A_1613 = tpu.scan <sum>, %select_n3A_1610 masked %reduce_sum3A_1612 : vector<16xi32>, vector<16xi1> -> vector<16xi32>
      %reduce_sum3A_1614 = vector.extract %reduce_sum3A_1613[15] : i32 from vector<16xi32>
      %ge3A_1615 = vector.broadcast %reduce_sum3A_1604 : i32 to vector<16xi32>
      %ge3A_1616 = arith.cmpi sge, %mul3A_1394, %ge3A_1615 : vector<16xi32>
      %add3A_1617 = arith.addi %reduce_sum3A_1604, %reduce_sum3A_1614 : i32
      %lt3A_1618 = vector.broadcast %add3A_1617 : i32 to vector<16xi32>
      %lt3A_1619 = arith.cmpi slt, %mul3A_1394, %lt3A_1618 : vector<16xi32>
      %and3A_1620 = arith.andi %ge3A_1616, %lt3A_1619 : vector<16xi1>
      %jit3A_1621 = arith.constant 7 : i32
      %broadcast_in_dim3A_1622 = vector.broadcast %jit3A_1621 : i32 to vector<16xi32>
      %select_n3A_1623 = arith.select %and3A_1620, %broadcast_in_dim3A_1622, %select_n3A_1594 : vector<16xi1>, vector<16xi32>
      %swap3A_1624 = arith.constant 0 : index
      %swap3A_1625 = tpu.vector_load %arg12[%swap3A_1624] {strides = array<i32>} : memref<32xi32, #tpu.memory_space<vmem>>, vector<16xi32>,
      tpu.vector_store %arg12[%swap3A_1624], %select_n3A_1623 {strides = array<i32>} : memref<32xi32, #tpu.memory_space<vmem>>, vector<16xi32>,
      %broadcast_in_dim3A_1626 = arith.constant 0 : i32
      %broadcast_in_dim3A_1627 = vector.broadcast %broadcast_in_dim3A_1626 : i32 to vector<16xi32>
      %swap3A_1628 = arith.constant 16 : index
      %swap3A_1629 = tpu.vector_load %arg12[%swap3A_1628] {strides = array<i32>} : memref<32xi32, #tpu.memory_space<vmem>>, vector<16xi32>,
      tpu.vector_store %arg12[%swap3A_1628], %broadcast_in_dim3A_1627 {strides = array<i32>} : memref<32xi32, #tpu.memory_space<vmem>>, vector<16xi32>,
      "tpu.region"() ({
        %run_scoped3A_1630 = tpu.sem_alloc : memref<!tpu.dma_semaphore, #tpu.memory_space<semaphore_mem>>
        tpu.enqueue_dma source(%arg12 : memref<32xi32, #tpu.memory_space<vmem>>) target(%arg7 : memref<32xi32, #tpu.memory_space<hbm>>) target_semaphore(%run_scoped3A_1630 : memref<!tpu.dma_semaphore, #tpu.memory_space<semaphore_mem>>)
        tpu.wait_dma2 semaphore(%run_scoped3A_1630 : memref<!tpu.dma_semaphore, #tpu.memory_space<semaphore_mem>>) src(%arg12 : memref<32xi32, #tpu.memory_space<vmem>>) dst(%arg7 : memref<32xi32, #tpu.memory_space<hbm>>)
        tpu.yield
      }) : () -> ()
    } else {
    }
    return
  }
}

module attributes {stable_mosaic.version = 14 : i64} {
  func.func @_pre_body(%arg0: i32, %arg1: memref<32x16x264xf32, #tpu.memory_space<vmem>>, %arg2: memref<32x120xf32, #tpu.memory_space<vmem>>, %arg3: memref<384x512xf32, #tpu.memory_space<vmem>>, %arg4: memref<1x512xf32, #tpu.memory_space<vmem>>, %arg5: memref<512x512xf32, #tpu.memory_space<vmem>>, %arg6: memref<1x512xf32, #tpu.memory_space<vmem>>, %arg7: memref<512x512xf32, #tpu.memory_space<vmem>>, %arg8: memref<1x512xf32, #tpu.memory_space<vmem>>, %arg9: memref<512x1536xf32, #tpu.memory_space<vmem>>, %arg10: memref<1x1536xf32, #tpu.memory_space<vmem>>, %arg11: memref<512x1536xf32, #tpu.memory_space<vmem>>) attributes {dimension_semantics = [#tpu.dimension_semantics<arbitrary>], iteration_bounds = array<i64: 4>, scalar_prefetch = 0 : i64, scratch_operands = 0 : i64, tpu.core_type = #tpu.core_type<tc>, window_params = [{transform_indices = @transform_0, window_bounds = array<i64: 32, 16, 264>}, {pipeline_mode = #tpu.pipeline_mode<synchronous>, transform_indices = @transform_1, window_bounds = array<i64: 32, 120>}, {pipeline_mode = #tpu.pipeline_mode<synchronous>, transform_indices = @transform_2, window_bounds = array<i64: 384, 512>}, {pipeline_mode = #tpu.pipeline_mode<synchronous>, transform_indices = @transform_3, window_bounds = array<i64: 1, 512>}, {pipeline_mode = #tpu.pipeline_mode<synchronous>, transform_indices = @transform_4, window_bounds = array<i64: 512, 512>}, {pipeline_mode = #tpu.pipeline_mode<synchronous>, transform_indices = @transform_5, window_bounds = array<i64: 1, 512>}, {pipeline_mode = #tpu.pipeline_mode<synchronous>, transform_indices = @transform_6, window_bounds = array<i64: 512, 512>}, {pipeline_mode = #tpu.pipeline_mode<synchronous>, transform_indices = @transform_7, window_bounds = array<i64: 1, 512>}, {pipeline_mode = #tpu.pipeline_mode<synchronous>, transform_indices = @transform_8, window_bounds = array<i64: 512, 1536>}, {pipeline_mode = #tpu.pipeline_mode<synchronous>, transform_indices = @transform_9, window_bounds = array<i64: 1, 1536>}, {transform_indices = @transform_10, window_bounds = array<i64: 512, 1536>}]} {
    %get3A = arith.constant 0 : index
    %get3A_0 = arith.constant 0 : index
    %get3A_1 = arith.constant 0 : index
    %get3A_2 = vector.load %arg1[%get3A, %get3A_0, %get3A_1] : memref<32x16x264xf32, #tpu.memory_space<vmem>>, vector<32x16x264xf32>
    %transpose3A = tpu.transpose %get3A_2, [1, 0, 2] : vector<32x16x264xf32> -> vector<16x32x264xf32>
    %reshape3A = vector.shape_cast %transpose3A : vector<16x32x264xf32> to vector<512x264xf32>
    %get3A_3 = arith.constant 0 : index
    %get3A_4 = arith.constant 0 : index
    %get3A_5 = vector.load %arg2[%get3A_3, %get3A_4] : memref<32x120xf32, #tpu.memory_space<vmem>>, vector<32x120xf32>
    %concatenate3A = tpu.concatenate %get3A_5, %get3A_5, %get3A_5, %get3A_5, %get3A_5, %get3A_5, %get3A_5, %get3A_5, %get3A_5, %get3A_5, %get3A_5, %get3A_5, %get3A_5, %get3A_5, %get3A_5, %get3A_5 in 0 : vector<32x120xf32>, vector<32x120xf32>, vector<32x120xf32>, vector<32x120xf32>, vector<32x120xf32>, vector<32x120xf32>, vector<32x120xf32>, vector<32x120xf32>, vector<32x120xf32>, vector<32x120xf32>, vector<32x120xf32>, vector<32x120xf32>, vector<32x120xf32>, vector<32x120xf32>, vector<32x120xf32>, vector<32x120xf32> -> vector<512x120xf32>
    %concatenate3A_6 = tpu.concatenate %reshape3A, %concatenate3A in 1 : vector<512x264xf32>, vector<512x120xf32> -> vector<512x384xf32>
    %get3A_7 = arith.constant 0 : index
    %get3A_8 = arith.constant 0 : index
    %get3A_9 = vector.load %arg3[%get3A_7, %get3A_8] : memref<384x512xf32, #tpu.memory_space<vmem>>, vector<384x512xf32>
    %dot_general3A = arith.constant dense<0.000000e+00> : vector<512x512xf32>
    %dot_general3A_10 = tpu.matmul %concatenate3A_6, %get3A_9, %dot_general3A {dimension_numbers = #tpu.dot_dimension_numbers<[1], [0], [0], [1], [0, 0, 1, 1], [], []>, transpose_lhs_hint = false} : vector<512x384xf32>, vector<384x512xf32>, vector<512x512xf32> -> vector<512x512xf32>
    %get3A_11 = arith.constant 0 : index
    %get3A_12 = arith.constant 0 : index
    %get3A_13 = vector.load %arg4[%get3A_11, %get3A_12] : memref<1x512xf32, #tpu.memory_space<vmem>>, vector<1x512xf32>
    %add3A = vector.broadcast %get3A_13 : vector<1x512xf32> to vector<512x512xf32>
    %add3A_14 = arith.addf %dot_general3A_10, %add3A : vector<512x512xf32>
    %ge3A = arith.constant 0.000000e+00 : f32
    %ge3A_15 = vector.broadcast %ge3A : f32 to vector<512x512xf32>
    %ge3A_16 = arith.cmpf oge, %add3A_14, %ge3A_15 : vector<512x512xf32>
    %mul3A = arith.constant 2.000000e-01 : f32
    %mul3A_17 = vector.broadcast %mul3A : f32 to vector<512x512xf32>
    %mul3A_18 = arith.mulf %mul3A_17, %add3A_14 : vector<512x512xf32>
    %select_n3A = arith.select %ge3A_16, %add3A_14, %mul3A_18 : vector<512x512xi1>, vector<512x512xf32>
    %get3A_19 = arith.constant 0 : index
    %get3A_20 = arith.constant 0 : index
    %get3A_21 = vector.load %arg5[%get3A_19, %get3A_20] : memref<512x512xf32, #tpu.memory_space<vmem>>, vector<512x512xf32>
    %dot_general3A_22 = arith.constant dense<0.000000e+00> : vector<512x512xf32>
    %dot_general3A_23 = tpu.matmul %select_n3A, %get3A_21, %dot_general3A_22 {dimension_numbers = #tpu.dot_dimension_numbers<[1], [0], [0], [1], [0, 0, 1, 1], [], []>, transpose_lhs_hint = false} : vector<512x512xf32>, vector<512x512xf32>, vector<512x512xf32> -> vector<512x512xf32>
    %get3A_24 = arith.constant 0 : index
    %get3A_25 = arith.constant 0 : index
    %get3A_26 = vector.load %arg6[%get3A_24, %get3A_25] : memref<1x512xf32, #tpu.memory_space<vmem>>, vector<1x512xf32>
    %add3A_27 = vector.broadcast %get3A_26 : vector<1x512xf32> to vector<512x512xf32>
    %add3A_28 = arith.addf %dot_general3A_23, %add3A_27 : vector<512x512xf32>
    %ge3A_29 = arith.constant 0.000000e+00 : f32
    %ge3A_30 = vector.broadcast %ge3A_29 : f32 to vector<512x512xf32>
    %ge3A_31 = arith.cmpf oge, %add3A_28, %ge3A_30 : vector<512x512xf32>
    %mul3A_32 = arith.constant 2.000000e-01 : f32
    %mul3A_33 = vector.broadcast %mul3A_32 : f32 to vector<512x512xf32>
    %mul3A_34 = arith.mulf %mul3A_33, %add3A_28 : vector<512x512xf32>
    %select_n3A_35 = arith.select %ge3A_31, %add3A_28, %mul3A_34 : vector<512x512xi1>, vector<512x512xf32>
    %get3A_36 = arith.constant 0 : index
    %get3A_37 = arith.constant 0 : index
    %get3A_38 = vector.load %arg7[%get3A_36, %get3A_37] : memref<512x512xf32, #tpu.memory_space<vmem>>, vector<512x512xf32>
    %dot_general3A_39 = arith.constant dense<0.000000e+00> : vector<512x512xf32>
    %dot_general3A_40 = tpu.matmul %select_n3A_35, %get3A_38, %dot_general3A_39 {dimension_numbers = #tpu.dot_dimension_numbers<[1], [0], [0], [1], [0, 0, 1, 1], [], []>, transpose_lhs_hint = false} : vector<512x512xf32>, vector<512x512xf32>, vector<512x512xf32> -> vector<512x512xf32>
    %get3A_41 = arith.constant 0 : index
    %get3A_42 = arith.constant 0 : index
    %get3A_43 = vector.load %arg8[%get3A_41, %get3A_42] : memref<1x512xf32, #tpu.memory_space<vmem>>, vector<1x512xf32>
    %add3A_44 = vector.broadcast %get3A_43 : vector<1x512xf32> to vector<512x512xf32>
    %add3A_45 = arith.addf %dot_general3A_40, %add3A_44 : vector<512x512xf32>
    %get3A_46 = arith.constant 0 : index
    %get3A_47 = arith.constant 0 : index
    %get3A_48 = vector.load %arg9[%get3A_46, %get3A_47] : memref<512x1536xf32, #tpu.memory_space<vmem>>, vector<512x1536xf32>
    %dot_general3A_49 = arith.constant dense<0.000000e+00> : vector<512x1536xf32>
    %dot_general3A_50 = tpu.matmul %add3A_45, %get3A_48, %dot_general3A_49 {dimension_numbers = #tpu.dot_dimension_numbers<[1], [0], [0], [1], [0, 0, 1, 1], [], []>, transpose_lhs_hint = false} : vector<512x512xf32>, vector<512x1536xf32>, vector<512x1536xf32> -> vector<512x1536xf32>
    %get3A_51 = arith.constant 0 : index
    %get3A_52 = arith.constant 0 : index
    %get3A_53 = vector.load %arg10[%get3A_51, %get3A_52] : memref<1x1536xf32, #tpu.memory_space<vmem>>, vector<1x1536xf32>
    %add3A_54 = vector.broadcast %get3A_53 : vector<1x1536xf32> to vector<512x1536xf32>
    %add3A_55 = arith.addf %dot_general3A_50, %add3A_54 : vector<512x1536xf32>
    %swap3A = arith.constant 0 : index
    %swap3A_56 = arith.constant 0 : index
    %swap3A_57 = vector.load %arg11[%swap3A, %swap3A_56] : memref<512x1536xf32, #tpu.memory_space<vmem>>, vector<512x1536xf32>
    tpu.vector_store %arg11[%swap3A, %swap3A_56], %add3A_55 {strides = array<i32>} : memref<512x1536xf32, #tpu.memory_space<vmem>>, vector<512x1536xf32>,
    return
  }
  func.func @transform_0(%arg0: i32) -> (i32, i32, i32) {
    %c0_i32 = arith.constant 0 : i32
    %c0_i32_0 = arith.constant 0 : i32
    %c0_i32_1 = arith.constant 0 : i32
    return %c0_i32, %arg0, %c0_i32_0 : i32, i32, i32
  }
  func.func @transform_1(%arg0: i32) -> (i32, i32) {
    %c0_i32 = arith.constant 0 : i32
    %c0_i32_0 = arith.constant 0 : i32
    %c0_i32_1 = arith.constant 0 : i32
    return %c0_i32, %c0_i32_0 : i32, i32
  }
  func.func @transform_2(%arg0: i32) -> (i32, i32) {
    %c0_i32 = arith.constant 0 : i32
    %c0_i32_0 = arith.constant 0 : i32
    %c0_i32_1 = arith.constant 0 : i32
    return %c0_i32, %c0_i32_0 : i32, i32
  }
  func.func @transform_3(%arg0: i32) -> (i32, i32) {
    %c0_i32 = arith.constant 0 : i32
    %c0_i32_0 = arith.constant 0 : i32
    %c0_i32_1 = arith.constant 0 : i32
    return %c0_i32, %c0_i32_0 : i32, i32
  }
  func.func @transform_4(%arg0: i32) -> (i32, i32) {
    %c0_i32 = arith.constant 0 : i32
    %c0_i32_0 = arith.constant 0 : i32
    %c0_i32_1 = arith.constant 0 : i32
    return %c0_i32, %c0_i32_0 : i32, i32
  }
  func.func @transform_5(%arg0: i32) -> (i32, i32) {
    %c0_i32 = arith.constant 0 : i32
    %c0_i32_0 = arith.constant 0 : i32
    %c0_i32_1 = arith.constant 0 : i32
    return %c0_i32, %c0_i32_0 : i32, i32
  }
  func.func @transform_6(%arg0: i32) -> (i32, i32) {
    %c0_i32 = arith.constant 0 : i32
    %c0_i32_0 = arith.constant 0 : i32
    %c0_i32_1 = arith.constant 0 : i32
    return %c0_i32, %c0_i32_0 : i32, i32
  }
  func.func @transform_7(%arg0: i32) -> (i32, i32) {
    %c0_i32 = arith.constant 0 : i32
    %c0_i32_0 = arith.constant 0 : i32
    %c0_i32_1 = arith.constant 0 : i32
    return %c0_i32, %c0_i32_0 : i32, i32
  }
  func.func @transform_8(%arg0: i32) -> (i32, i32) {
    %c0_i32 = arith.constant 0 : i32
    %c0_i32_0 = arith.constant 0 : i32
    %c0_i32_1 = arith.constant 0 : i32
    return %c0_i32, %c0_i32_0 : i32, i32
  }
  func.func @transform_9(%arg0: i32) -> (i32, i32) {
    %c0_i32 = arith.constant 0 : i32
    %c0_i32_0 = arith.constant 0 : i32
    %c0_i32_1 = arith.constant 0 : i32
    return %c0_i32, %c0_i32_0 : i32, i32
  }
  func.func @transform_10(%arg0: i32) -> (i32, i32) {
    %c0_i32 = arith.constant 0 : i32
    %c0_i32_0 = arith.constant 0 : i32
    return %arg0, %c0_i32 : i32, i32
  }
}

module attributes {stable_mosaic.version = 14 : i64} {
  func.func @_gru_body(%arg0: i32, %arg1: memref<1x32x1536xf32, #tpu.memory_space<vmem>>, %arg2: memref<32x512xf32, #tpu.memory_space<vmem>>, %arg3: memref<512x1536xf32, #tpu.memory_space<vmem>>, %arg4: memref<1x1536xf32, #tpu.memory_space<vmem>>, %arg5: memref<1x32x512xf32, #tpu.memory_space<vmem>>, %arg6: memref<32x512xf32, #tpu.memory_space<vmem>>) attributes {dimension_semantics = [#tpu.dimension_semantics<arbitrary>], iteration_bounds = array<i64: 64>, scalar_prefetch = 0 : i64, scratch_operands = 1 : i64, tpu.core_type = #tpu.core_type<tc>, window_params = [{transform_indices = @transform_0, window_bounds = array<i64: 1, 32, 1536>}, {pipeline_mode = #tpu.pipeline_mode<synchronous>, transform_indices = @transform_1, window_bounds = array<i64: 32, 512>}, {pipeline_mode = #tpu.pipeline_mode<synchronous>, transform_indices = @transform_2, window_bounds = array<i64: 512, 1536>}, {pipeline_mode = #tpu.pipeline_mode<synchronous>, transform_indices = @transform_3, window_bounds = array<i64: 1, 1536>}, {transform_indices = @transform_4, window_bounds = array<i64: 1, 32, 512>}]} {
    %eq3A = arith.constant 0 : i32
    %eq3A_0 = arith.cmpi eq, %arg0, %eq3A : i32
    %convert_element_type3A = arith.extui %eq3A_0 : i1 to i32
    %cond3A = arith.constant 0 : i32
    %cond3A_1 = arith.cmpi ne, %convert_element_type3A, %cond3A : i32
    scf.if %cond3A_1 {
      %get3A_49 = arith.constant 0 : index
      %get3A_50 = arith.constant 0 : index
      %get3A_51 = vector.load %arg2[%get3A_49, %get3A_50] : memref<32x512xf32, #tpu.memory_space<vmem>>, vector<32x512xf32>
      %swap3A_52 = arith.constant 0 : index
      %swap3A_53 = arith.constant 0 : index
      %swap3A_54 = vector.load %arg6[%swap3A_52, %swap3A_53] : memref<32x512xf32, #tpu.memory_space<vmem>>, vector<32x512xf32>
      tpu.vector_store %arg6[%swap3A_52, %swap3A_53], %get3A_51 {strides = array<i32>} : memref<32x512xf32, #tpu.memory_space<vmem>>, vector<32x512xf32>,
    } else {
    }
    %get3A = arith.constant 0 : index
    %get3A_2 = arith.constant 0 : index
    %get3A_3 = vector.load %arg6[%get3A, %get3A_2] : memref<32x512xf32, #tpu.memory_space<vmem>>, vector<32x512xf32>
    %get3A_4 = arith.constant 0 : index
    %get3A_5 = arith.constant 0 : index
    %get3A_6 = vector.load %arg3[%get3A_4, %get3A_5] : memref<512x1536xf32, #tpu.memory_space<vmem>>, vector<512x1536xf32>
    %dot_general3A = arith.constant dense<0.000000e+00> : vector<32x1536xf32>
    %dot_general3A_7 = tpu.matmul %get3A_3, %get3A_6, %dot_general3A {dimension_numbers = #tpu.dot_dimension_numbers<[1], [0], [0], [1], [0, 0, 1, 1], [], []>, transpose_lhs_hint = false} : vector<32x512xf32>, vector<512x1536xf32>, vector<32x1536xf32> -> vector<32x1536xf32>
    %get3A_8 = arith.constant 0 : index
    %get3A_9 = arith.constant 0 : index
    %get3A_10 = vector.load %arg4[%get3A_8, %get3A_9] : memref<1x1536xf32, #tpu.memory_space<vmem>>, vector<1x1536xf32>
    %add3A = vector.broadcast %get3A_10 : vector<1x1536xf32> to vector<32x1536xf32>
    %add3A_11 = arith.addf %dot_general3A_7, %add3A : vector<32x1536xf32>
    %get3A_12 = arith.constant 0 : index
    %get3A_13 = arith.constant 0 : index
    %get3A_14 = arith.constant 0 : index
    %get3A_15 = vector.load %arg1[%get3A_12, %get3A_13, %get3A_14] : memref<1x32x1536xf32, #tpu.memory_space<vmem>>, vector<1x32x1536xf32>
    %get3A_16 = vector.shape_cast %get3A_15 : vector<1x32x1536xf32> to vector<32x1536xf32>
    %slice3A = vector.extract_strided_slice %get3A_16 {offsets = [0, 0], sizes = [32, 512], strides = [1, 1]} : vector<32x1536xf32> to vector<32x512xf32>
    %slice3A_17 = vector.extract_strided_slice %add3A_11 {offsets = [0, 0], sizes = [32, 512], strides = [1, 1]} : vector<32x1536xf32> to vector<32x512xf32>
    %add3A_18 = arith.addf %slice3A, %slice3A_17 : vector<32x512xf32>
    %logistic3A = arith.negf %add3A_18 : vector<32x512xf32>
    %logistic3A_19 = math.exp %logistic3A : vector<32x512xf32>
    %logistic3A_20 = arith.constant 1.000000e+00 : f32
    %logistic3A_21 = vector.broadcast %logistic3A_20 : f32 to vector<32x512xf32>
    %logistic3A_22 = arith.addf %logistic3A_21, %logistic3A_19 : vector<32x512xf32>
    %logistic3A_23 = arith.divf %logistic3A_21, %logistic3A_22 : vector<32x512xf32>
    %slice3A_24 = vector.extract_strided_slice %get3A_16 {offsets = [0, 512], sizes = [32, 512], strides = [1, 1]} : vector<32x1536xf32> to vector<32x512xf32>
    %slice3A_25 = vector.extract_strided_slice %add3A_11 {offsets = [0, 512], sizes = [32, 512], strides = [1, 1]} : vector<32x1536xf32> to vector<32x512xf32>
    %add3A_26 = arith.addf %slice3A_24, %slice3A_25 : vector<32x512xf32>
    %logistic3A_27 = arith.negf %add3A_26 : vector<32x512xf32>
    %logistic3A_28 = math.exp %logistic3A_27 : vector<32x512xf32>
    %logistic3A_29 = arith.constant 1.000000e+00 : f32
    %logistic3A_30 = vector.broadcast %logistic3A_29 : f32 to vector<32x512xf32>
    %logistic3A_31 = arith.addf %logistic3A_30, %logistic3A_28 : vector<32x512xf32>
    %logistic3A_32 = arith.divf %logistic3A_30, %logistic3A_31 : vector<32x512xf32>
    %slice3A_33 = vector.extract_strided_slice %get3A_16 {offsets = [0, 1024], sizes = [32, 512], strides = [1, 1]} : vector<32x1536xf32> to vector<32x512xf32>
    %slice3A_34 = vector.extract_strided_slice %add3A_11 {offsets = [0, 1024], sizes = [32, 512], strides = [1, 1]} : vector<32x1536xf32> to vector<32x512xf32>
    %mul3A = arith.mulf %logistic3A_23, %slice3A_34 : vector<32x512xf32>
    %add3A_35 = arith.addf %slice3A_33, %mul3A : vector<32x512xf32>
    %tanh3A = math.tanh %add3A_35 : vector<32x512xf32>
    %sub3A = arith.constant 1.000000e+00 : f32
    %sub3A_36 = vector.broadcast %sub3A : f32 to vector<32x512xf32>
    %sub3A_37 = arith.subf %sub3A_36, %logistic3A_32 : vector<32x512xf32>
    %mul3A_38 = arith.mulf %sub3A_37, %tanh3A : vector<32x512xf32>
    %mul3A_39 = arith.mulf %logistic3A_32, %get3A_3 : vector<32x512xf32>
    %add3A_40 = arith.addf %mul3A_38, %mul3A_39 : vector<32x512xf32>
    %swap3A = arith.constant 0 : index
    %swap3A_41 = arith.constant 0 : index
    %swap3A_42 = vector.load %arg6[%swap3A, %swap3A_41] : memref<32x512xf32, #tpu.memory_space<vmem>>, vector<32x512xf32>
    tpu.vector_store %arg6[%swap3A, %swap3A_41], %add3A_40 {strides = array<i32>} : memref<32x512xf32, #tpu.memory_space<vmem>>, vector<32x512xf32>,
    %swap3A_43 = arith.constant 0 : index
    %swap3A_44 = arith.constant 0 : index
    %swap3A_45 = arith.constant 0 : index
    %swap3A_46 = vector.load %arg5[%swap3A_43, %swap3A_44, %swap3A_45] : memref<1x32x512xf32, #tpu.memory_space<vmem>>, vector<1x32x512xf32>
    %swap3A_47 = vector.shape_cast %swap3A_46 : vector<1x32x512xf32> to vector<32x512xf32>
    %swap3A_48 = vector.shape_cast %add3A_40 : vector<32x512xf32> to vector<1x32x512xf32>
    tpu.vector_store %arg5[%swap3A_43, %swap3A_44, %swap3A_45], %swap3A_48 {strides = array<i32>} : memref<1x32x512xf32, #tpu.memory_space<vmem>>, vector<1x32x512xf32>,
    return
  }
  func.func @transform_0(%arg0: i32) -> (i32, i32, i32) {
    %c0_i32 = arith.constant 0 : i32
    %c0_i32_0 = arith.constant 0 : i32
    %c0_i32_1 = arith.constant 0 : i32
    return %arg0, %c0_i32, %c0_i32_0 : i32, i32, i32
  }
  func.func @transform_1(%arg0: i32) -> (i32, i32) {
    %c0_i32 = arith.constant 0 : i32
    %c0_i32_0 = arith.constant 0 : i32
    %c0_i32_1 = arith.constant 0 : i32
    return %c0_i32, %c0_i32_0 : i32, i32
  }
  func.func @transform_2(%arg0: i32) -> (i32, i32) {
    %c0_i32 = arith.constant 0 : i32
    %c0_i32_0 = arith.constant 0 : i32
    %c0_i32_1 = arith.constant 0 : i32
    return %c0_i32, %c0_i32_0 : i32, i32
  }
  func.func @transform_3(%arg0: i32) -> (i32, i32) {
    %c0_i32 = arith.constant 0 : i32
    %c0_i32_0 = arith.constant 0 : i32
    %c0_i32_1 = arith.constant 0 : i32
    return %c0_i32, %c0_i32_0 : i32, i32
  }
  func.func @transform_4(%arg0: i32) -> (i32, i32, i32) {
    %c0_i32 = arith.constant 0 : i32
    %c0_i32_0 = arith.constant 0 : i32
    %c0_i32_1 = arith.constant 0 : i32
    return %arg0, %c0_i32, %c0_i32_0 : i32, i32, i32
  }
}

module attributes {stable_mosaic.version = 14 : i64} {
  func.func @_grp_body(%arg0: i32, %arg1: memref<32xi32, #tpu.memory_space<smem>>, %arg2: memref<256x512xf32, #tpu.memory_space<vmem>>, %arg3: memref<256x384xf32, #tpu.memory_space<vmem>>, %arg4: memref<1x512x768xf32, #tpu.memory_space<vmem>>, %arg5: memref<1x384x256xf32, #tpu.memory_space<vmem>>, %arg6: memref<1x1x768xf32, #tpu.memory_space<vmem>>, %arg7: memref<1x256x128xf32, #tpu.memory_space<vmem>>, %arg8: memref<1x1x128xf32, #tpu.memory_space<vmem>>, %arg9: memref<1x256x128xf32, #tpu.memory_space<vmem>>, %arg10: memref<1x1x128xf32, #tpu.memory_space<vmem>>, %arg11: memref<1x256x128xf32, #tpu.memory_space<vmem>>, %arg12: memref<1x1x128xf32, #tpu.memory_space<vmem>>, %arg13: memref<1x128x32xf32, #tpu.memory_space<vmem>>, %arg14: memref<1x128x32xf32, #tpu.memory_space<vmem>>, %arg15: memref<1x128x32xf32, #tpu.memory_space<vmem>>, %arg16: memref<1x1x32xf32, #tpu.memory_space<vmem>>, %arg17: memref<1x32x256xf32, #tpu.memory_space<vmem>>, %arg18: memref<256x256xf32, #tpu.memory_space<vmem>>) attributes {dimension_semantics = [#tpu.dimension_semantics<arbitrary>], iteration_bounds = array<i64: 16>, scalar_prefetch = 1 : i64, scratch_operands = 0 : i64, tpu.core_type = #tpu.core_type<tc>, window_params = [{transform_indices = @transform_0, window_bounds = array<i64: 256, 512>}, {transform_indices = @transform_1, window_bounds = array<i64: 256, 384>}, {transform_indices = @transform_2, window_bounds = array<i64: 1, 512, 768>}, {transform_indices = @transform_3, window_bounds = array<i64: 1, 384, 256>}, {transform_indices = @transform_4, window_bounds = array<i64: 1, 1, 768>}, {transform_indices = @transform_5, window_bounds = array<i64: 1, 256, 128>}, {transform_indices = @transform_6, window_bounds = array<i64: 1, 1, 128>}, {transform_indices = @transform_7, window_bounds = array<i64: 1, 256, 128>}, {transform_indices = @transform_8, window_bounds = array<i64: 1, 1, 128>}, {transform_indices = @transform_9, window_bounds = array<i64: 1, 256, 128>}, {transform_indices = @transform_10, window_bounds = array<i64: 1, 1, 128>}, {transform_indices = @transform_11, window_bounds = array<i64: 1, 128, 32>}, {transform_indices = @transform_12, window_bounds = array<i64: 1, 128, 32>}, {transform_indices = @transform_13, window_bounds = array<i64: 1, 128, 32>}, {transform_indices = @transform_14, window_bounds = array<i64: 1, 1, 32>}, {transform_indices = @transform_15, window_bounds = array<i64: 1, 32, 256>}, {transform_indices = @transform_16, window_bounds = array<i64: 256, 256>}]} {
    %get3A = arith.constant 0 : index
    %get3A_0 = arith.constant 0 : index
    %get3A_1 = vector.load %arg3[%get3A, %get3A_0] : memref<256x384xf32, #tpu.memory_space<vmem>>, vector<256x384xf32>
    %get3A_2 = arith.constant 0 : index
    %get3A_3 = arith.constant 0 : index
    %get3A_4 = arith.constant 0 : index
    %get3A_5 = vector.load %arg5[%get3A_2, %get3A_3, %get3A_4] : memref<1x384x256xf32, #tpu.memory_space<vmem>>, vector<1x384x256xf32>
    %get3A_6 = vector.shape_cast %get3A_5 : vector<1x384x256xf32> to vector<384x256xf32>
    %dot_general3A = arith.constant dense<0.000000e+00> : vector<256x256xf32>
    %dot_general3A_7 = tpu.matmul %get3A_1, %get3A_6, %dot_general3A {dimension_numbers = #tpu.dot_dimension_numbers<[1], [0], [0], [1], [0, 0, 1, 1], [], []>, transpose_lhs_hint = false} : vector<256x384xf32>, vector<384x256xf32>, vector<256x256xf32> -> vector<256x256xf32>
    %broadcast_in_dim3A = arith.constant 0.000000e+00 : f32
    %broadcast_in_dim3A_8 = vector.broadcast %broadcast_in_dim3A : f32 to vector<256x256xf32>
    %get3A_9 = arith.constant 0 : index
    %get3A_10 = arith.constant 0 : index
    %get3A_11 = vector.load %arg2[%get3A_9, %get3A_10] : memref<256x512xf32, #tpu.memory_space<vmem>>, vector<256x512xf32>
    %get3A_12 = arith.constant 0 : index
    %get3A_13 = arith.constant 0 : index
    %get3A_14 = arith.constant 0 : index
    %get3A_15 = vector.load %arg4[%get3A_12, %get3A_13, %get3A_14] : memref<1x512x768xf32, #tpu.memory_space<vmem>>, vector<1x512x768xf32>
    %get3A_16 = vector.shape_cast %get3A_15 : vector<1x512x768xf32> to vector<512x768xf32>
    %dot_general3A_17 = arith.constant dense<0.000000e+00> : vector<256x768xf32>
    %dot_general3A_18 = tpu.matmul %get3A_11, %get3A_16, %dot_general3A_17 {dimension_numbers = #tpu.dot_dimension_numbers<[1], [0], [0], [1], [0, 0, 1, 1], [], []>, transpose_lhs_hint = false} : vector<256x512xf32>, vector<512x768xf32>, vector<256x768xf32> -> vector<256x768xf32>
    %concatenate3A = tpu.concatenate %broadcast_in_dim3A_8, %dot_general3A_7, %broadcast_in_dim3A_8 in 1 : vector<256x256xf32>, vector<256x256xf32>, vector<256x256xf32> -> vector<256x768xf32>
    %add3A = arith.addf %dot_general3A_18, %concatenate3A : vector<256x768xf32>
    %get3A_19 = arith.constant 0 : index
    %get3A_20 = arith.constant 0 : index
    %get3A_21 = arith.constant 0 : index
    %get3A_22 = vector.load %arg6[%get3A_19, %get3A_20, %get3A_21] : memref<1x1x768xf32, #tpu.memory_space<vmem>>, vector<1x1x768xf32>
    %get3A_23 = vector.shape_cast %get3A_22 : vector<1x1x768xf32> to vector<1x768xf32>
    %add3A_24 = vector.broadcast %get3A_23 : vector<1x768xf32> to vector<256x768xf32>
    %add3A_25 = arith.addf %add3A, %add3A_24 : vector<256x768xf32>
    %ge3A = arith.constant 0.000000e+00 : f32
    %ge3A_26 = vector.broadcast %ge3A : f32 to vector<256x768xf32>
    %ge3A_27 = arith.cmpf oge, %add3A_25, %ge3A_26 : vector<256x768xf32>
    %mul3A = arith.constant 2.000000e-01 : f32
    %mul3A_28 = vector.broadcast %mul3A : f32 to vector<256x768xf32>
    %mul3A_29 = arith.mulf %mul3A_28, %add3A_25 : vector<256x768xf32>
    %select_n3A = arith.select %ge3A_27, %add3A_25, %mul3A_29 : vector<256x768xi1>, vector<256x768xf32>
    %slice3A = vector.extract_strided_slice %select_n3A {offsets = [0, 0], sizes = [256, 256], strides = [1, 1]} : vector<256x768xf32> to vector<256x256xf32>
    %get3A_30 = arith.constant 0 : index
    %get3A_31 = arith.constant 0 : index
    %get3A_32 = arith.constant 0 : index
    %get3A_33 = vector.load %arg7[%get3A_30, %get3A_31, %get3A_32] : memref<1x256x128xf32, #tpu.memory_space<vmem>>, vector<1x256x128xf32>
    %get3A_34 = vector.shape_cast %get3A_33 : vector<1x256x128xf32> to vector<256x128xf32>
    %dot_general3A_35 = arith.constant dense<0.000000e+00> : vector<256x128xf32>
    %dot_general3A_36 = tpu.matmul %slice3A, %get3A_34, %dot_general3A_35 {dimension_numbers = #tpu.dot_dimension_numbers<[1], [0], [0], [1], [0, 0, 1, 1], [], []>, transpose_lhs_hint = false} : vector<256x256xf32>, vector<256x128xf32>, vector<256x128xf32> -> vector<256x128xf32>
    %get3A_37 = arith.constant 0 : index
    %get3A_38 = arith.constant 0 : index
    %get3A_39 = arith.constant 0 : index
    %get3A_40 = vector.load %arg8[%get3A_37, %get3A_38, %get3A_39] : memref<1x1x128xf32, #tpu.memory_space<vmem>>, vector<1x1x128xf32>
    %get3A_41 = vector.shape_cast %get3A_40 : vector<1x1x128xf32> to vector<1x128xf32>
    %add3A_42 = vector.broadcast %get3A_41 : vector<1x128xf32> to vector<256x128xf32>
    %add3A_43 = arith.addf %dot_general3A_36, %add3A_42 : vector<256x128xf32>
    %ge3A_44 = arith.constant 0.000000e+00 : f32
    %ge3A_45 = vector.broadcast %ge3A_44 : f32 to vector<256x128xf32>
    %ge3A_46 = arith.cmpf oge, %add3A_43, %ge3A_45 : vector<256x128xf32>
    %mul3A_47 = arith.constant 2.000000e-01 : f32
    %mul3A_48 = vector.broadcast %mul3A_47 : f32 to vector<256x128xf32>
    %mul3A_49 = arith.mulf %mul3A_48, %add3A_43 : vector<256x128xf32>
    %select_n3A_50 = arith.select %ge3A_46, %add3A_43, %mul3A_49 : vector<256x128xi1>, vector<256x128xf32>
    %slice3A_51 = vector.extract_strided_slice %select_n3A {offsets = [0, 256], sizes = [256, 256], strides = [1, 1]} : vector<256x768xf32> to vector<256x256xf32>
    %get3A_52 = arith.constant 0 : index
    %get3A_53 = arith.constant 0 : index
    %get3A_54 = arith.constant 0 : index
    %get3A_55 = vector.load %arg9[%get3A_52, %get3A_53, %get3A_54] : memref<1x256x128xf32, #tpu.memory_space<vmem>>, vector<1x256x128xf32>
    %get3A_56 = vector.shape_cast %get3A_55 : vector<1x256x128xf32> to vector<256x128xf32>
    %dot_general3A_57 = arith.constant dense<0.000000e+00> : vector<256x128xf32>
    %dot_general3A_58 = tpu.matmul %slice3A_51, %get3A_56, %dot_general3A_57 {dimension_numbers = #tpu.dot_dimension_numbers<[1], [0], [0], [1], [0, 0, 1, 1], [], []>, transpose_lhs_hint = false} : vector<256x256xf32>, vector<256x128xf32>, vector<256x128xf32> -> vector<256x128xf32>
    %get3A_59 = arith.constant 0 : index
    %get3A_60 = arith.constant 0 : index
    %get3A_61 = arith.constant 0 : index
    %get3A_62 = vector.load %arg10[%get3A_59, %get3A_60, %get3A_61] : memref<1x1x128xf32, #tpu.memory_space<vmem>>, vector<1x1x128xf32>
    %get3A_63 = vector.shape_cast %get3A_62 : vector<1x1x128xf32> to vector<1x128xf32>
    %add3A_64 = vector.broadcast %get3A_63 : vector<1x128xf32> to vector<256x128xf32>
    %add3A_65 = arith.addf %dot_general3A_58, %add3A_64 : vector<256x128xf32>
    %ge3A_66 = arith.constant 0.000000e+00 : f32
    %ge3A_67 = vector.broadcast %ge3A_66 : f32 to vector<256x128xf32>
    %ge3A_68 = arith.cmpf oge, %add3A_65, %ge3A_67 : vector<256x128xf32>
    %mul3A_69 = arith.constant 2.000000e-01 : f32
    %mul3A_70 = vector.broadcast %mul3A_69 : f32 to vector<256x128xf32>
    %mul3A_71 = arith.mulf %mul3A_70, %add3A_65 : vector<256x128xf32>
    %select_n3A_72 = arith.select %ge3A_68, %add3A_65, %mul3A_71 : vector<256x128xi1>, vector<256x128xf32>
    %slice3A_73 = vector.extract_strided_slice %select_n3A {offsets = [0, 512], sizes = [256, 256], strides = [1, 1]} : vector<256x768xf32> to vector<256x256xf32>
    %get3A_74 = arith.constant 0 : index
    %get3A_75 = arith.constant 0 : index
    %get3A_76 = arith.constant 0 : index
    %get3A_77 = vector.load %arg11[%get3A_74, %get3A_75, %get3A_76] : memref<1x256x128xf32, #tpu.memory_space<vmem>>, vector<1x256x128xf32>
    %get3A_78 = vector.shape_cast %get3A_77 : vector<1x256x128xf32> to vector<256x128xf32>
    %dot_general3A_79 = arith.constant dense<0.000000e+00> : vector<256x128xf32>
    %dot_general3A_80 = tpu.matmul %slice3A_73, %get3A_78, %dot_general3A_79 {dimension_numbers = #tpu.dot_dimension_numbers<[1], [0], [0], [1], [0, 0, 1, 1], [], []>, transpose_lhs_hint = false} : vector<256x256xf32>, vector<256x128xf32>, vector<256x128xf32> -> vector<256x128xf32>
    %get3A_81 = arith.constant 0 : index
    %get3A_82 = arith.constant 0 : index
    %get3A_83 = arith.constant 0 : index
    %get3A_84 = vector.load %arg12[%get3A_81, %get3A_82, %get3A_83] : memref<1x1x128xf32, #tpu.memory_space<vmem>>, vector<1x1x128xf32>
    %get3A_85 = vector.shape_cast %get3A_84 : vector<1x1x128xf32> to vector<1x128xf32>
    %add3A_86 = vector.broadcast %get3A_85 : vector<1x128xf32> to vector<256x128xf32>
    %add3A_87 = arith.addf %dot_general3A_80, %add3A_86 : vector<256x128xf32>
    %ge3A_88 = arith.constant 0.000000e+00 : f32
    %ge3A_89 = vector.broadcast %ge3A_88 : f32 to vector<256x128xf32>
    %ge3A_90 = arith.cmpf oge, %add3A_87, %ge3A_89 : vector<256x128xf32>
    %mul3A_91 = arith.constant 2.000000e-01 : f32
    %mul3A_92 = vector.broadcast %mul3A_91 : f32 to vector<256x128xf32>
    %mul3A_93 = arith.mulf %mul3A_92, %add3A_87 : vector<256x128xf32>
    %select_n3A_94 = arith.select %ge3A_90, %add3A_87, %mul3A_93 : vector<256x128xi1>, vector<256x128xf32>
    %get3A_95 = arith.constant 0 : index
    %get3A_96 = arith.constant 0 : index
    %get3A_97 = arith.constant 0 : index
    %get3A_98 = vector.load %arg13[%get3A_95, %get3A_96, %get3A_97] : memref<1x128x32xf32, #tpu.memory_space<vmem>>, vector<1x128x32xf32>
    %get3A_99 = vector.shape_cast %get3A_98 : vector<1x128x32xf32> to vector<128x32xf32>
    %dot_general3A_100 = arith.constant dense<0.000000e+00> : vector<256x32xf32>
    %dot_general3A_101 = tpu.matmul %select_n3A_50, %get3A_99, %dot_general3A_100 {dimension_numbers = #tpu.dot_dimension_numbers<[1], [0], [0], [1], [0, 0, 1, 1], [], []>, transpose_lhs_hint = false} : vector<256x128xf32>, vector<128x32xf32>, vector<256x32xf32> -> vector<256x32xf32>
    %get3A_102 = arith.constant 0 : index
    %get3A_103 = arith.constant 0 : index
    %get3A_104 = arith.constant 0 : index
    %get3A_105 = vector.load %arg14[%get3A_102, %get3A_103, %get3A_104] : memref<1x128x32xf32, #tpu.memory_space<vmem>>, vector<1x128x32xf32>
    %get3A_106 = vector.shape_cast %get3A_105 : vector<1x128x32xf32> to vector<128x32xf32>
    %dot_general3A_107 = arith.constant dense<0.000000e+00> : vector<256x32xf32>
    %dot_general3A_108 = tpu.matmul %select_n3A_72, %get3A_106, %dot_general3A_107 {dimension_numbers = #tpu.dot_dimension_numbers<[1], [0], [0], [1], [0, 0, 1, 1], [], []>, transpose_lhs_hint = false} : vector<256x128xf32>, vector<128x32xf32>, vector<256x32xf32> -> vector<256x32xf32>
    %add3A_109 = arith.addf %dot_general3A_101, %dot_general3A_108 : vector<256x32xf32>
    %get3A_110 = arith.constant 0 : index
    %get3A_111 = arith.constant 0 : index
    %get3A_112 = arith.constant 0 : index
    %get3A_113 = vector.load %arg15[%get3A_110, %get3A_111, %get3A_112] : memref<1x128x32xf32, #tpu.memory_space<vmem>>, vector<1x128x32xf32>
    %get3A_114 = vector.shape_cast %get3A_113 : vector<1x128x32xf32> to vector<128x32xf32>
    %dot_general3A_115 = arith.constant dense<0.000000e+00> : vector<256x32xf32>
    %dot_general3A_116 = tpu.matmul %select_n3A_94, %get3A_114, %dot_general3A_115 {dimension_numbers = #tpu.dot_dimension_numbers<[1], [0], [0], [1], [0, 0, 1, 1], [], []>, transpose_lhs_hint = false} : vector<256x128xf32>, vector<128x32xf32>, vector<256x32xf32> -> vector<256x32xf32>
    %add3A_117 = arith.addf %add3A_109, %dot_general3A_116 : vector<256x32xf32>
    %get3A_118 = arith.constant 0 : index
    %get3A_119 = arith.constant 0 : index
    %get3A_120 = arith.constant 0 : index
    %get3A_121 = vector.load %arg16[%get3A_118, %get3A_119, %get3A_120] : memref<1x1x32xf32, #tpu.memory_space<vmem>>, vector<1x1x32xf32>
    %get3A_122 = vector.shape_cast %get3A_121 : vector<1x1x32xf32> to vector<1x32xf32>
    %add3A_123 = vector.broadcast %get3A_122 : vector<1x32xf32> to vector<256x32xf32>
    %add3A_124 = arith.addf %add3A_117, %add3A_123 : vector<256x32xf32>
    %get3A_125 = arith.constant 0 : index
    %get3A_126 = arith.constant 0 : index
    %get3A_127 = arith.constant 0 : index
    %get3A_128 = vector.load %arg17[%get3A_125, %get3A_126, %get3A_127] : memref<1x32x256xf32, #tpu.memory_space<vmem>>, vector<1x32x256xf32>
    %get3A_129 = vector.shape_cast %get3A_128 : vector<1x32x256xf32> to vector<32x256xf32>
    %dot_general3A_130 = arith.constant dense<0.000000e+00> : vector<256x256xf32>
    %dot_general3A_131 = tpu.matmul %add3A_124, %get3A_129, %dot_general3A_130 {dimension_numbers = #tpu.dot_dimension_numbers<[1], [0], [0], [1], [0, 0, 1, 1], [], []>, transpose_lhs_hint = false} : vector<256x32xf32>, vector<32x256xf32>, vector<256x256xf32> -> vector<256x256xf32>
    %swap3A = arith.constant 0 : index
    %swap3A_132 = arith.constant 0 : index
    %swap3A_133 = vector.load %arg18[%swap3A, %swap3A_132] : memref<256x256xf32, #tpu.memory_space<vmem>>, vector<256x256xf32>
    tpu.vector_store %arg18[%swap3A, %swap3A_132], %dot_general3A_131 {strides = array<i32>} : memref<256x256xf32, #tpu.memory_space<vmem>>, vector<256x256xf32>,
    return
  }
  func.func @transform_0(%arg0: i32, %arg1: memref<32xi32, #tpu.memory_space<smem>>) -> (i32, i32) {
    %c0_i32 = arith.constant 0 : i32
    %c0_i32_0 = arith.constant 0 : i32
    return %arg0, %c0_i32 : i32, i32
  }
  func.func @transform_1(%arg0: i32, %arg1: memref<32xi32, #tpu.memory_space<smem>>) -> (i32, i32) {
    %c0_i32 = arith.constant 0 : i32
    %c0_i32_0 = arith.constant 0 : i32
    return %arg0, %c0_i32 : i32, i32
  }
  func.func @transform_2(%arg0: i32, %arg1: memref<32xi32, #tpu.memory_space<smem>>) -> (i32, i32, i32) {
    %get3A = arith.index_cast %arg0 : i32 to index
    %get3A_0 = memref.load %arg1[%get3A] : memref<32xi32, #tpu.memory_space<smem>>
    %c0_i32 = arith.constant 0 : i32
    %c0_i32_1 = arith.constant 0 : i32
    %c0_i32_2 = arith.constant 0 : i32
    return %get3A_0, %c0_i32, %c0_i32_1 : i32, i32, i32
  }
  func.func @transform_3(%arg0: i32, %arg1: memref<32xi32, #tpu.memory_space<smem>>) -> (i32, i32, i32) {
    %get3A = arith.index_cast %arg0 : i32 to index
    %get3A_0 = memref.load %arg1[%get3A] : memref<32xi32, #tpu.memory_space<smem>>
    %c0_i32 = arith.constant 0 : i32
    %c0_i32_1 = arith.constant 0 : i32
    %c0_i32_2 = arith.constant 0 : i32
    return %get3A_0, %c0_i32, %c0_i32_1 : i32, i32, i32
  }
  func.func @transform_4(%arg0: i32, %arg1: memref<32xi32, #tpu.memory_space<smem>>) -> (i32, i32, i32) {
    %get3A = arith.index_cast %arg0 : i32 to index
    %get3A_0 = memref.load %arg1[%get3A] : memref<32xi32, #tpu.memory_space<smem>>
    %c0_i32 = arith.constant 0 : i32
    %c0_i32_1 = arith.constant 0 : i32
    %c0_i32_2 = arith.constant 0 : i32
    return %get3A_0, %c0_i32, %c0_i32_1 : i32, i32, i32
  }
  func.func @transform_5(%arg0: i32, %arg1: memref<32xi32, #tpu.memory_space<smem>>) -> (i32, i32, i32) {
    %get3A = arith.index_cast %arg0 : i32 to index
    %get3A_0 = memref.load %arg1[%get3A] : memref<32xi32, #tpu.memory_space<smem>>
    %c0_i32 = arith.constant 0 : i32
    %c0_i32_1 = arith.constant 0 : i32
    %c0_i32_2 = arith.constant 0 : i32
    return %get3A_0, %c0_i32, %c0_i32_1 : i32, i32, i32
  }
  func.func @transform_6(%arg0: i32, %arg1: memref<32xi32, #tpu.memory_space<smem>>) -> (i32, i32, i32) {
    %get3A = arith.index_cast %arg0 : i32 to index
    %get3A_0 = memref.load %arg1[%get3A] : memref<32xi32, #tpu.memory_space<smem>>
    %c0_i32 = arith.constant 0 : i32
    %c0_i32_1 = arith.constant 0 : i32
    %c0_i32_2 = arith.constant 0 : i32
    return %get3A_0, %c0_i32, %c0_i32_1 : i32, i32, i32
  }
  func.func @transform_7(%arg0: i32, %arg1: memref<32xi32, #tpu.memory_space<smem>>) -> (i32, i32, i32) {
    %get3A = arith.index_cast %arg0 : i32 to index
    %get3A_0 = memref.load %arg1[%get3A] : memref<32xi32, #tpu.memory_space<smem>>
    %c0_i32 = arith.constant 0 : i32
    %c0_i32_1 = arith.constant 0 : i32
    %c0_i32_2 = arith.constant 0 : i32
    return %get3A_0, %c0_i32, %c0_i32_1 : i32, i32, i32
  }
  func.func @transform_8(%arg0: i32, %arg1: memref<32xi32, #tpu.memory_space<smem>>) -> (i32, i32, i32) {
    %get3A = arith.index_cast %arg0 : i32 to index
    %get3A_0 = memref.load %arg1[%get3A] : memref<32xi32, #tpu.memory_space<smem>>
    %c0_i32 = arith.constant 0 : i32
    %c0_i32_1 = arith.constant 0 : i32
    %c0_i32_2 = arith.constant 0 : i32
    return %get3A_0, %c0_i32, %c0_i32_1 : i32, i32, i32
  }
  func.func @transform_9(%arg0: i32, %arg1: memref<32xi32, #tpu.memory_space<smem>>) -> (i32, i32, i32) {
    %get3A = arith.index_cast %arg0 : i32 to index
    %get3A_0 = memref.load %arg1[%get3A] : memref<32xi32, #tpu.memory_space<smem>>
    %c0_i32 = arith.constant 0 : i32
    %c0_i32_1 = arith.constant 0 : i32
    %c0_i32_2 = arith.constant 0 : i32
    return %get3A_0, %c0_i32, %c0_i32_1 : i32, i32, i32
  }
  func.func @transform_10(%arg0: i32, %arg1: memref<32xi32, #tpu.memory_space<smem>>) -> (i32, i32, i32) {
    %get3A = arith.index_cast %arg0 : i32 to index
    %get3A_0 = memref.load %arg1[%get3A] : memref<32xi32, #tpu.memory_space<smem>>
    %c0_i32 = arith.constant 0 : i32
    %c0_i32_1 = arith.constant 0 : i32
    %c0_i32_2 = arith.constant 0 : i32
    return %get3A_0, %c0_i32, %c0_i32_1 : i32, i32, i32
  }
  func.func @transform_11(%arg0: i32, %arg1: memref<32xi32, #tpu.memory_space<smem>>) -> (i32, i32, i32) {
    %get3A = arith.index_cast %arg0 : i32 to index
    %get3A_0 = memref.load %arg1[%get3A] : memref<32xi32, #tpu.memory_space<smem>>
    %c0_i32 = arith.constant 0 : i32
    %c0_i32_1 = arith.constant 0 : i32
    %c0_i32_2 = arith.constant 0 : i32
    return %get3A_0, %c0_i32, %c0_i32_1 : i32, i32, i32
  }
  func.func @transform_12(%arg0: i32, %arg1: memref<32xi32, #tpu.memory_space<smem>>) -> (i32, i32, i32) {
    %get3A = arith.index_cast %arg0 : i32 to index
    %get3A_0 = memref.load %arg1[%get3A] : memref<32xi32, #tpu.memory_space<smem>>
    %c0_i32 = arith.constant 0 : i32
    %c0_i32_1 = arith.constant 0 : i32
    %c0_i32_2 = arith.constant 0 : i32
    return %get3A_0, %c0_i32, %c0_i32_1 : i32, i32, i32
  }
  func.func @transform_13(%arg0: i32, %arg1: memref<32xi32, #tpu.memory_space<smem>>) -> (i32, i32, i32) {
    %get3A = arith.index_cast %arg0 : i32 to index
    %get3A_0 = memref.load %arg1[%get3A] : memref<32xi32, #tpu.memory_space<smem>>
    %c0_i32 = arith.constant 0 : i32
    %c0_i32_1 = arith.constant 0 : i32
    %c0_i32_2 = arith.constant 0 : i32
    return %get3A_0, %c0_i32, %c0_i32_1 : i32, i32, i32
  }
  func.func @transform_14(%arg0: i32, %arg1: memref<32xi32, #tpu.memory_space<smem>>) -> (i32, i32, i32) {
    %get3A = arith.index_cast %arg0 : i32 to index
    %get3A_0 = memref.load %arg1[%get3A] : memref<32xi32, #tpu.memory_space<smem>>
    %c0_i32 = arith.constant 0 : i32
    %c0_i32_1 = arith.constant 0 : i32
    %c0_i32_2 = arith.constant 0 : i32
    return %get3A_0, %c0_i32, %c0_i32_1 : i32, i32, i32
  }
  func.func @transform_15(%arg0: i32, %arg1: memref<32xi32, #tpu.memory_space<smem>>) -> (i32, i32, i32) {
    %get3A = arith.index_cast %arg0 : i32 to index
    %get3A_0 = memref.load %arg1[%get3A] : memref<32xi32, #tpu.memory_space<smem>>
    %c0_i32 = arith.constant 0 : i32
    %c0_i32_1 = arith.constant 0 : i32
    %c0_i32_2 = arith.constant 0 : i32
    return %get3A_0, %c0_i32, %c0_i32_1 : i32, i32, i32
  }
  func.func @transform_16(%arg0: i32, %arg1: memref<32xi32, #tpu.memory_space<smem>>) -> (i32, i32) {
    %c0_i32 = arith.constant 0 : i32
    %c0_i32_0 = arith.constant 0 : i32
    return %arg0, %c0_i32 : i32, i32
  }
}

module attributes {stable_mosaic.version = 14 : i64} {
  func.func @_tail_body(%arg0: i32, %arg1: memref<512x512xf32, #tpu.memory_space<vmem>>, %arg2: memref<32x512xf32, #tpu.memory_space<vmem>>, %arg3: memref<512x256xf32, #tpu.memory_space<vmem>>, %arg4: memref<1x256xf32, #tpu.memory_space<vmem>>, %arg5: memref<256x128xf32, #tpu.memory_space<vmem>>, %arg6: memref<1x128xf32, #tpu.memory_space<vmem>>, %arg7: memref<128x8xf32, #tpu.memory_space<vmem>>, %arg8: memref<1x8xf32, #tpu.memory_space<vmem>>, %arg9: memref<512x256xf32, #tpu.memory_space<vmem>>, %arg10: memref<512x256xf32, #tpu.memory_space<vmem>>, %arg11: memref<1x256xf32, #tpu.memory_space<vmem>>, %arg12: memref<256x64xf32, #tpu.memory_space<vmem>>, %arg13: memref<1x64xf32, #tpu.memory_space<vmem>>, %arg14: memref<64x4xf32, #tpu.memory_space<vmem>>, %arg15: memref<1x4xf32, #tpu.memory_space<vmem>>, %arg16: memref<512x512xf32, #tpu.memory_space<vmem>>, %arg17: memref<512x512xf32, #tpu.memory_space<vmem>>, %arg18: memref<1x512xf32, #tpu.memory_space<vmem>>, %arg19: memref<512x512xf32, #tpu.memory_space<vmem>>, %arg20: memref<1x512xf32, #tpu.memory_space<vmem>>, %arg21: memref<512x2048xf32, #tpu.memory_space<vmem>>, %arg22: memref<1x2048xf32, #tpu.memory_space<vmem>>, %arg23: memref<32x16x8xf32, #tpu.memory_space<vmem>>, %arg24: memref<32x16x4xf32, #tpu.memory_space<vmem>>, %arg25: memref<32x16x2048xf32, #tpu.memory_space<vmem>>) attributes {dimension_semantics = [#tpu.dimension_semantics<arbitrary>], iteration_bounds = array<i64: 4>, scalar_prefetch = 0 : i64, scratch_operands = 0 : i64, tpu.core_type = #tpu.core_type<tc>, window_params = [{transform_indices = @transform_0, window_bounds = array<i64: 512, 512>}, {pipeline_mode = #tpu.pipeline_mode<synchronous>, transform_indices = @transform_1, window_bounds = array<i64: 32, 512>}, {pipeline_mode = #tpu.pipeline_mode<synchronous>, transform_indices = @transform_2, window_bounds = array<i64: 512, 256>}, {pipeline_mode = #tpu.pipeline_mode<synchronous>, transform_indices = @transform_3, window_bounds = array<i64: 1, 256>}, {pipeline_mode = #tpu.pipeline_mode<synchronous>, transform_indices = @transform_4, window_bounds = array<i64: 256, 128>}, {pipeline_mode = #tpu.pipeline_mode<synchronous>, transform_indices = @transform_5, window_bounds = array<i64: 1, 128>}, {pipeline_mode = #tpu.pipeline_mode<synchronous>, transform_indices = @transform_6, window_bounds = array<i64: 128, 8>}, {pipeline_mode = #tpu.pipeline_mode<synchronous>, transform_indices = @transform_7, window_bounds = array<i64: 1, 8>}, {pipeline_mode = #tpu.pipeline_mode<synchronous>, transform_indices = @transform_8, window_bounds = array<i64: 512, 256>}, {pipeline_mode = #tpu.pipeline_mode<synchronous>, transform_indices = @transform_9, window_bounds = array<i64: 512, 256>}, {pipeline_mode = #tpu.pipeline_mode<synchronous>, transform_indices = @transform_10, window_bounds = array<i64: 1, 256>}, {pipeline_mode = #tpu.pipeline_mode<synchronous>, transform_indices = @transform_11, window_bounds = array<i64: 256, 64>}, {pipeline_mode = #tpu.pipeline_mode<synchronous>, transform_indices = @transform_12, window_bounds = array<i64: 1, 64>}, {pipeline_mode = #tpu.pipeline_mode<synchronous>, transform_indices = @transform_13, window_bounds = array<i64: 64, 4>}, {pipeline_mode = #tpu.pipeline_mode<synchronous>, transform_indices = @transform_14, window_bounds = array<i64: 1, 4>}, {pipeline_mode = #tpu.pipeline_mode<synchronous>, transform_indices = @transform_15, window_bounds = array<i64: 512, 512>}, {pipeline_mode = #tpu.pipeline_mode<synchronous>, transform_indices = @transform_16, window_bounds = array<i64: 512, 512>}, {pipeline_mode = #tpu.pipeline_mode<synchronous>, transform_indices = @transform_17, window_bounds = array<i64: 1, 512>}, {pipeline_mode = #tpu.pipeline_mode<synchronous>, transform_indices = @transform_18, window_bounds = array<i64: 512, 512>}, {pipeline_mode = #tpu.pipeline_mode<synchronous>, transform_indices = @transform_19, window_bounds = array<i64: 1, 512>}, {pipeline_mode = #tpu.pipeline_mode<synchronous>, transform_indices = @transform_20, window_bounds = array<i64: 512, 2048>}, {pipeline_mode = #tpu.pipeline_mode<synchronous>, transform_indices = @transform_21, window_bounds = array<i64: 1, 2048>}, {transform_indices = @transform_22, window_bounds = array<i64: 32, 16, 8>}, {transform_indices = @transform_23, window_bounds = array<i64: 32, 16, 4>}, {transform_indices = @transform_24, window_bounds = array<i64: 32, 16, 2048>}]} {
    %get3A = arith.constant 0 : index
    %get3A_0 = arith.constant 0 : index
    %get3A_1 = vector.load %arg1[%get3A, %get3A_0] : memref<512x512xf32, #tpu.memory_space<vmem>>, vector<512x512xf32>
    %get3A_2 = arith.constant 0 : index
    %get3A_3 = arith.constant 0 : index
    %get3A_4 = vector.load %arg2[%get3A_2, %get3A_3] : memref<32x512xf32, #tpu.memory_space<vmem>>, vector<32x512xf32>
    %get3A_5 = arith.constant 0 : index
    %get3A_6 = arith.constant 0 : index
    %get3A_7 = vector.load %arg3[%get3A_5, %get3A_6] : memref<512x256xf32, #tpu.memory_space<vmem>>, vector<512x256xf32>
    %get3A_8 = arith.constant 0 : index
    %get3A_9 = arith.constant 0 : index
    %get3A_10 = vector.load %arg4[%get3A_8, %get3A_9] : memref<1x256xf32, #tpu.memory_space<vmem>>, vector<1x256xf32>
    %get3A_11 = arith.constant 0 : index
    %get3A_12 = arith.constant 0 : index
    %get3A_13 = vector.load %arg5[%get3A_11, %get3A_12] : memref<256x128xf32, #tpu.memory_space<vmem>>, vector<256x128xf32>
    %get3A_14 = arith.constant 0 : index
    %get3A_15 = arith.constant 0 : index
    %get3A_16 = vector.load %arg6[%get3A_14, %get3A_15] : memref<1x128xf32, #tpu.memory_space<vmem>>, vector<1x128xf32>
    %get3A_17 = arith.constant 0 : index
    %get3A_18 = arith.constant 0 : index
    %get3A_19 = vector.load %arg7[%get3A_17, %get3A_18] : memref<128x8xf32, #tpu.memory_space<vmem>>, vector<128x8xf32>
    %get3A_20 = arith.constant 0 : index
    %get3A_21 = arith.constant 0 : index
    %get3A_22 = vector.load %arg8[%get3A_20, %get3A_21] : memref<1x8xf32, #tpu.memory_space<vmem>>, vector<1x8xf32>
    %dot_general3A = arith.constant dense<0.000000e+00> : vector<512x256xf32>
    %dot_general3A_23 = tpu.matmul %get3A_1, %get3A_7, %dot_general3A {dimension_numbers = #tpu.dot_dimension_numbers<[1], [0], [0], [1], [0, 0, 1, 1], [], []>, transpose_lhs_hint = false} : vector<512x512xf32>, vector<512x256xf32>, vector<512x256xf32> -> vector<512x256xf32>
    %add3A = vector.broadcast %get3A_10 : vector<1x256xf32> to vector<512x256xf32>
    %add3A_24 = arith.addf %dot_general3A_23, %add3A : vector<512x256xf32>
    %ge3A = arith.constant 0.000000e+00 : f32
    %ge3A_25 = vector.broadcast %ge3A : f32 to vector<512x256xf32>
    %ge3A_26 = arith.cmpf oge, %add3A_24, %ge3A_25 : vector<512x256xf32>
    %mul3A = arith.constant 2.000000e-01 : f32
    %mul3A_27 = vector.broadcast %mul3A : f32 to vector<512x256xf32>
    %mul3A_28 = arith.mulf %mul3A_27, %add3A_24 : vector<512x256xf32>
    %select_n3A = arith.select %ge3A_26, %add3A_24, %mul3A_28 : vector<512x256xi1>, vector<512x256xf32>
    %dot_general3A_29 = arith.constant dense<0.000000e+00> : vector<512x128xf32>
    %dot_general3A_30 = tpu.matmul %select_n3A, %get3A_13, %dot_general3A_29 {dimension_numbers = #tpu.dot_dimension_numbers<[1], [0], [0], [1], [0, 0, 1, 1], [], []>, transpose_lhs_hint = false} : vector<512x256xf32>, vector<256x128xf32>, vector<512x128xf32> -> vector<512x128xf32>
    %add3A_31 = vector.broadcast %get3A_16 : vector<1x128xf32> to vector<512x128xf32>
    %add3A_32 = arith.addf %dot_general3A_30, %add3A_31 : vector<512x128xf32>
    %ge3A_33 = arith.constant 0.000000e+00 : f32
    %ge3A_34 = vector.broadcast %ge3A_33 : f32 to vector<512x128xf32>
    %ge3A_35 = arith.cmpf oge, %add3A_32, %ge3A_34 : vector<512x128xf32>
    %mul3A_36 = arith.constant 2.000000e-01 : f32
    %mul3A_37 = vector.broadcast %mul3A_36 : f32 to vector<512x128xf32>
    %mul3A_38 = arith.mulf %mul3A_37, %add3A_32 : vector<512x128xf32>
    %select_n3A_39 = arith.select %ge3A_35, %add3A_32, %mul3A_38 : vector<512x128xi1>, vector<512x128xf32>
    %dot_general3A_40 = arith.constant dense<0.000000e+00> : vector<512x8xf32>
    %dot_general3A_41 = tpu.matmul %select_n3A_39, %get3A_19, %dot_general3A_40 {dimension_numbers = #tpu.dot_dimension_numbers<[1], [0], [0], [1], [0, 0, 1, 1], [], []>, transpose_lhs_hint = false} : vector<512x128xf32>, vector<128x8xf32>, vector<512x8xf32> -> vector<512x8xf32>
    %add3A_42 = vector.broadcast %get3A_22 : vector<1x8xf32> to vector<512x8xf32>
    %add3A_43 = arith.addf %dot_general3A_41, %add3A_42 : vector<512x8xf32>
    %reshape3A = vector.shape_cast %add3A_43 : vector<512x8xf32> to vector<16x32x8xf32>
    %transpose3A = tpu.transpose %reshape3A, [1, 0, 2] : vector<16x32x8xf32> -> vector<32x16x8xf32>
    %swap3A = arith.constant 0 : index
    %swap3A_44 = arith.constant 0 : index
    %swap3A_45 = arith.constant 0 : index
    %swap3A_46 = vector.load %arg23[%swap3A, %swap3A_44, %swap3A_45] : memref<32x16x8xf32, #tpu.memory_space<vmem>>, vector<32x16x8xf32>
    tpu.vector_store %arg23[%swap3A, %swap3A_44, %swap3A_45], %transpose3A {strides = array<i32>} : memref<32x16x8xf32, #tpu.memory_space<vmem>>, vector<32x16x8xf32>,
    %get3A_47 = arith.constant 0 : index
    %get3A_48 = arith.constant 0 : index
    %get3A_49 = vector.load %arg9[%get3A_47, %get3A_48] : memref<512x256xf32, #tpu.memory_space<vmem>>, vector<512x256xf32>
    %get3A_50 = arith.constant 0 : index
    %get3A_51 = arith.constant 0 : index
    %get3A_52 = vector.load %arg10[%get3A_50, %get3A_51] : memref<512x256xf32, #tpu.memory_space<vmem>>, vector<512x256xf32>
    %get3A_53 = arith.constant 0 : index
    %get3A_54 = arith.constant 0 : index
    %get3A_55 = vector.load %arg11[%get3A_53, %get3A_54] : memref<1x256xf32, #tpu.memory_space<vmem>>, vector<1x256xf32>
    %get3A_56 = arith.constant 0 : index
    %get3A_57 = arith.constant 0 : index
    %get3A_58 = vector.load %arg12[%get3A_56, %get3A_57] : memref<256x64xf32, #tpu.memory_space<vmem>>, vector<256x64xf32>
    %get3A_59 = arith.constant 0 : index
    %get3A_60 = arith.constant 0 : index
    %get3A_61 = vector.load %arg13[%get3A_59, %get3A_60] : memref<1x64xf32, #tpu.memory_space<vmem>>, vector<1x64xf32>
    %get3A_62 = arith.constant 0 : index
    %get3A_63 = arith.constant 0 : index
    %get3A_64 = vector.load %arg14[%get3A_62, %get3A_63] : memref<64x4xf32, #tpu.memory_space<vmem>>, vector<64x4xf32>
    %get3A_65 = arith.constant 0 : index
    %get3A_66 = arith.constant 0 : index
    %get3A_67 = vector.load %arg15[%get3A_65, %get3A_66] : memref<1x4xf32, #tpu.memory_space<vmem>>, vector<1x4xf32>
    %dot_general3A_68 = arith.constant dense<0.000000e+00> : vector<32x256xf32>
    %dot_general3A_69 = tpu.matmul %get3A_4, %get3A_52, %dot_general3A_68 {dimension_numbers = #tpu.dot_dimension_numbers<[1], [0], [0], [1], [0, 0, 1, 1], [], []>, transpose_lhs_hint = false} : vector<32x512xf32>, vector<512x256xf32>, vector<32x256xf32> -> vector<32x256xf32>
    %concatenate3A = tpu.concatenate %dot_general3A_69, %dot_general3A_69, %dot_general3A_69, %dot_general3A_69, %dot_general3A_69, %dot_general3A_69, %dot_general3A_69, %dot_general3A_69, %dot_general3A_69, %dot_general3A_69, %dot_general3A_69, %dot_general3A_69, %dot_general3A_69, %dot_general3A_69, %dot_general3A_69, %dot_general3A_69 in 0 : vector<32x256xf32>, vector<32x256xf32>, vector<32x256xf32>, vector<32x256xf32>, vector<32x256xf32>, vector<32x256xf32>, vector<32x256xf32>, vector<32x256xf32>, vector<32x256xf32>, vector<32x256xf32>, vector<32x256xf32>, vector<32x256xf32>, vector<32x256xf32>, vector<32x256xf32>, vector<32x256xf32>, vector<32x256xf32> -> vector<512x256xf32>
    %dot_general3A_70 = arith.constant dense<0.000000e+00> : vector<512x256xf32>
    %dot_general3A_71 = tpu.matmul %get3A_1, %get3A_49, %dot_general3A_70 {dimension_numbers = #tpu.dot_dimension_numbers<[1], [0], [0], [1], [0, 0, 1, 1], [], []>, transpose_lhs_hint = false} : vector<512x512xf32>, vector<512x256xf32>, vector<512x256xf32> -> vector<512x256xf32>
    %add3A_72 = arith.addf %dot_general3A_71, %concatenate3A : vector<512x256xf32>
    %add3A_73 = vector.broadcast %get3A_55 : vector<1x256xf32> to vector<512x256xf32>
    %add3A_74 = arith.addf %add3A_72, %add3A_73 : vector<512x256xf32>
    %ge3A_75 = arith.constant 0.000000e+00 : f32
    %ge3A_76 = vector.broadcast %ge3A_75 : f32 to vector<512x256xf32>
    %ge3A_77 = arith.cmpf oge, %add3A_74, %ge3A_76 : vector<512x256xf32>
    %mul3A_78 = arith.constant 2.000000e-01 : f32
    %mul3A_79 = vector.broadcast %mul3A_78 : f32 to vector<512x256xf32>
    %mul3A_80 = arith.mulf %mul3A_79, %add3A_74 : vector<512x256xf32>
    %select_n3A_81 = arith.select %ge3A_77, %add3A_74, %mul3A_80 : vector<512x256xi1>, vector<512x256xf32>
    %dot_general3A_82 = arith.constant dense<0.000000e+00> : vector<512x64xf32>
    %dot_general3A_83 = tpu.matmul %select_n3A_81, %get3A_58, %dot_general3A_82 {dimension_numbers = #tpu.dot_dimension_numbers<[1], [0], [0], [1], [0, 0, 1, 1], [], []>, transpose_lhs_hint = false} : vector<512x256xf32>, vector<256x64xf32>, vector<512x64xf32> -> vector<512x64xf32>
    %add3A_84 = vector.broadcast %get3A_61 : vector<1x64xf32> to vector<512x64xf32>
    %add3A_85 = arith.addf %dot_general3A_83, %add3A_84 : vector<512x64xf32>
    %ge3A_86 = arith.constant 0.000000e+00 : f32
    %ge3A_87 = vector.broadcast %ge3A_86 : f32 to vector<512x64xf32>
    %ge3A_88 = arith.cmpf oge, %add3A_85, %ge3A_87 : vector<512x64xf32>
    %mul3A_89 = arith.constant 2.000000e-01 : f32
    %mul3A_90 = vector.broadcast %mul3A_89 : f32 to vector<512x64xf32>
    %mul3A_91 = arith.mulf %mul3A_90, %add3A_85 : vector<512x64xf32>
    %select_n3A_92 = arith.select %ge3A_88, %add3A_85, %mul3A_91 : vector<512x64xi1>, vector<512x64xf32>
    %dot_general3A_93 = arith.constant dense<0.000000e+00> : vector<512x4xf32>
    %dot_general3A_94 = tpu.matmul %select_n3A_92, %get3A_64, %dot_general3A_93 {dimension_numbers = #tpu.dot_dimension_numbers<[1], [0], [0], [1], [0, 0, 1, 1], [], []>, transpose_lhs_hint = false} : vector<512x64xf32>, vector<64x4xf32>, vector<512x4xf32> -> vector<512x4xf32>
    %add3A_95 = vector.broadcast %get3A_67 : vector<1x4xf32> to vector<512x4xf32>
    %add3A_96 = arith.addf %dot_general3A_94, %add3A_95 : vector<512x4xf32>
    %reshape3A_97 = vector.shape_cast %add3A_96 : vector<512x4xf32> to vector<16x32x4xf32>
    %transpose3A_98 = tpu.transpose %reshape3A_97, [1, 0, 2] : vector<16x32x4xf32> -> vector<32x16x4xf32>
    %swap3A_99 = arith.constant 0 : index
    %swap3A_100 = arith.constant 0 : index
    %swap3A_101 = arith.constant 0 : index
    %swap3A_102 = vector.load %arg24[%swap3A_99, %swap3A_100, %swap3A_101] : memref<32x16x4xf32, #tpu.memory_space<vmem>>, vector<32x16x4xf32>
    tpu.vector_store %arg24[%swap3A_99, %swap3A_100, %swap3A_101], %transpose3A_98 {strides = array<i32>} : memref<32x16x4xf32, #tpu.memory_space<vmem>>, vector<32x16x4xf32>,
    %get3A_103 = arith.constant 0 : index
    %get3A_104 = arith.constant 0 : index
    %get3A_105 = vector.load %arg16[%get3A_103, %get3A_104] : memref<512x512xf32, #tpu.memory_space<vmem>>, vector<512x512xf32>
    %get3A_106 = arith.constant 0 : index
    %get3A_107 = arith.constant 0 : index
    %get3A_108 = vector.load %arg17[%get3A_106, %get3A_107] : memref<512x512xf32, #tpu.memory_space<vmem>>, vector<512x512xf32>
    %get3A_109 = arith.constant 0 : index
    %get3A_110 = arith.constant 0 : index
    %get3A_111 = vector.load %arg18[%get3A_109, %get3A_110] : memref<1x512xf32, #tpu.memory_space<vmem>>, vector<1x512xf32>
    %get3A_112 = arith.constant 0 : index
    %get3A_113 = arith.constant 0 : index
    %get3A_114 = vector.load %arg19[%get3A_112, %get3A_113] : memref<512x512xf32, #tpu.memory_space<vmem>>, vector<512x512xf32>
    %get3A_115 = arith.constant 0 : index
    %get3A_116 = arith.constant 0 : index
    %get3A_117 = vector.load %arg20[%get3A_115, %get3A_116] : memref<1x512xf32, #tpu.memory_space<vmem>>, vector<1x512xf32>
    %get3A_118 = arith.constant 0 : index
    %get3A_119 = arith.constant 0 : index
    %get3A_120 = vector.load %arg21[%get3A_118, %get3A_119] : memref<512x2048xf32, #tpu.memory_space<vmem>>, vector<512x2048xf32>
    %get3A_121 = arith.constant 0 : index
    %get3A_122 = arith.constant 0 : index
    %get3A_123 = vector.load %arg22[%get3A_121, %get3A_122] : memref<1x2048xf32, #tpu.memory_space<vmem>>, vector<1x2048xf32>
    %dot_general3A_124 = arith.constant dense<0.000000e+00> : vector<32x512xf32>
    %dot_general3A_125 = tpu.matmul %get3A_4, %get3A_108, %dot_general3A_124 {dimension_numbers = #tpu.dot_dimension_numbers<[1], [0], [0], [1], [0, 0, 1, 1], [], []>, transpose_lhs_hint = false} : vector<32x512xf32>, vector<512x512xf32>, vector<32x512xf32> -> vector<32x512xf32>
    %concatenate3A_126 = tpu.concatenate %dot_general3A_125, %dot_general3A_125, %dot_general3A_125, %dot_general3A_125, %dot_general3A_125, %dot_general3A_125, %dot_general3A_125, %dot_general3A_125, %dot_general3A_125, %dot_general3A_125, %dot_general3A_125, %dot_general3A_125, %dot_general3A_125, %dot_general3A_125, %dot_general3A_125, %dot_general3A_125 in 0 : vector<32x512xf32>, vector<32x512xf32>, vector<32x512xf32>, vector<32x512xf32>, vector<32x512xf32>, vector<32x512xf32>, vector<32x512xf32>, vector<32x512xf32>, vector<32x512xf32>, vector<32x512xf32>, vector<32x512xf32>, vector<32x512xf32>, vector<32x512xf32>, vector<32x512xf32>, vector<32x512xf32>, vector<32x512xf32> -> vector<512x512xf32>
    %dot_general3A_127 = arith.constant dense<0.000000e+00> : vector<512x512xf32>
    %dot_general3A_128 = tpu.matmul %get3A_1, %get3A_105, %dot_general3A_127 {dimension_numbers = #tpu.dot_dimension_numbers<[1], [0], [0], [1], [0, 0, 1, 1], [], []>, transpose_lhs_hint = false} : vector<512x512xf32>, vector<512x512xf32>, vector<512x512xf32> -> vector<512x512xf32>
    %add3A_129 = arith.addf %dot_general3A_128, %concatenate3A_126 : vector<512x512xf32>
    %add3A_130 = vector.broadcast %get3A_111 : vector<1x512xf32> to vector<512x512xf32>
    %add3A_131 = arith.addf %add3A_129, %add3A_130 : vector<512x512xf32>
    %ge3A_132 = arith.constant 0.000000e+00 : f32
    %ge3A_133 = vector.broadcast %ge3A_132 : f32 to vector<512x512xf32>
    %ge3A_134 = arith.cmpf oge, %add3A_131, %ge3A_133 : vector<512x512xf32>
    %mul3A_135 = arith.constant 2.000000e-01 : f32
    %mul3A_136 = vector.broadcast %mul3A_135 : f32 to vector<512x512xf32>
    %mul3A_137 = arith.mulf %mul3A_136, %add3A_131 : vector<512x512xf32>
    %select_n3A_138 = arith.select %ge3A_134, %add3A_131, %mul3A_137 : vector<512x512xi1>, vector<512x512xf32>
    %dot_general3A_139 = arith.constant dense<0.000000e+00> : vector<512x512xf32>
    %dot_general3A_140 = tpu.matmul %select_n3A_138, %get3A_114, %dot_general3A_139 {dimension_numbers = #tpu.dot_dimension_numbers<[1], [0], [0], [1], [0, 0, 1, 1], [], []>, transpose_lhs_hint = false} : vector<512x512xf32>, vector<512x512xf32>, vector<512x512xf32> -> vector<512x512xf32>
    %add3A_141 = vector.broadcast %get3A_117 : vector<1x512xf32> to vector<512x512xf32>
    %add3A_142 = arith.addf %dot_general3A_140, %add3A_141 : vector<512x512xf32>
    %ge3A_143 = arith.constant 0.000000e+00 : f32
    %ge3A_144 = vector.broadcast %ge3A_143 : f32 to vector<512x512xf32>
    %ge3A_145 = arith.cmpf oge, %add3A_142, %ge3A_144 : vector<512x512xf32>
    %mul3A_146 = arith.constant 2.000000e-01 : f32
    %mul3A_147 = vector.broadcast %mul3A_146 : f32 to vector<512x512xf32>
    %mul3A_148 = arith.mulf %mul3A_147, %add3A_142 : vector<512x512xf32>
    %select_n3A_149 = arith.select %ge3A_145, %add3A_142, %mul3A_148 : vector<512x512xi1>, vector<512x512xf32>
    %dot_general3A_150 = arith.constant dense<0.000000e+00> : vector<512x2048xf32>
    %dot_general3A_151 = tpu.matmul %select_n3A_149, %get3A_120, %dot_general3A_150 {dimension_numbers = #tpu.dot_dimension_numbers<[1], [0], [0], [1], [0, 0, 1, 1], [], []>, transpose_lhs_hint = false} : vector<512x512xf32>, vector<512x2048xf32>, vector<512x2048xf32> -> vector<512x2048xf32>
    %add3A_152 = vector.broadcast %get3A_123 : vector<1x2048xf32> to vector<512x2048xf32>
    %add3A_153 = arith.addf %dot_general3A_151, %add3A_152 : vector<512x2048xf32>
    %reshape3A_154 = vector.shape_cast %add3A_153 : vector<512x2048xf32> to vector<16x32x2048xf32>
    %transpose3A_155 = tpu.transpose %reshape3A_154, [1, 0, 2] : vector<16x32x2048xf32> -> vector<32x16x2048xf32>
    %swap3A_156 = arith.constant 0 : index
    %swap3A_157 = arith.constant 0 : index
    %swap3A_158 = arith.constant 0 : index
    %swap3A_159 = vector.load %arg25[%swap3A_156, %swap3A_157, %swap3A_158] : memref<32x16x2048xf32, #tpu.memory_space<vmem>>, vector<32x16x2048xf32>
    tpu.vector_store %arg25[%swap3A_156, %swap3A_157, %swap3A_158], %transpose3A_155 {strides = array<i32>} : memref<32x16x2048xf32, #tpu.memory_space<vmem>>, vector<32x16x2048xf32>,
    return
  }
  func.func @transform_0(%arg0: i32) -> (i32, i32) {
    %c0_i32 = arith.constant 0 : i32
    %c0_i32_0 = arith.constant 0 : i32
    return %arg0, %c0_i32 : i32, i32
  }
  func.func @transform_1(%arg0: i32) -> (i32, i32) {
    %c0_i32 = arith.constant 0 : i32
    %c0_i32_0 = arith.constant 0 : i32
    %c0_i32_1 = arith.constant 0 : i32
    return %c0_i32, %c0_i32_0 : i32, i32
  }
  func.func @transform_2(%arg0: i32) -> (i32, i32) {
    %c0_i32 = arith.constant 0 : i32
    %c0_i32_0 = arith.constant 0 : i32
    %c0_i32_1 = arith.constant 0 : i32
    return %c0_i32, %c0_i32_0 : i32, i32
  }
  func.func @transform_3(%arg0: i32) -> (i32, i32) {
    %c0_i32 = arith.constant 0 : i32
    %c0_i32_0 = arith.constant 0 : i32
    %c0_i32_1 = arith.constant 0 : i32
    return %c0_i32, %c0_i32_0 : i32, i32
  }
  func.func @transform_4(%arg0: i32) -> (i32, i32) {
    %c0_i32 = arith.constant 0 : i32
    %c0_i32_0 = arith.constant 0 : i32
    %c0_i32_1 = arith.constant 0 : i32
    return %c0_i32, %c0_i32_0 : i32, i32
  }
  func.func @transform_5(%arg0: i32) -> (i32, i32) {
    %c0_i32 = arith.constant 0 : i32
    %c0_i32_0 = arith.constant 0 : i32
    %c0_i32_1 = arith.constant 0 : i32
    return %c0_i32, %c0_i32_0 : i32, i32
  }
  func.func @transform_6(%arg0: i32) -> (i32, i32) {
    %c0_i32 = arith.constant 0 : i32
    %c0_i32_0 = arith.constant 0 : i32
    %c0_i32_1 = arith.constant 0 : i32
    return %c0_i32, %c0_i32_0 : i32, i32
  }
  func.func @transform_7(%arg0: i32) -> (i32, i32) {
    %c0_i32 = arith.constant 0 : i32
    %c0_i32_0 = arith.constant 0 : i32
    %c0_i32_1 = arith.constant 0 : i32
    return %c0_i32, %c0_i32_0 : i32, i32
  }
  func.func @transform_8(%arg0: i32) -> (i32, i32) {
    %c0_i32 = arith.constant 0 : i32
    %c0_i32_0 = arith.constant 0 : i32
    %c0_i32_1 = arith.constant 0 : i32
    return %c0_i32, %c0_i32_0 : i32, i32
  }
  func.func @transform_9(%arg0: i32) -> (i32, i32) {
    %c0_i32 = arith.constant 0 : i32
    %c0_i32_0 = arith.constant 0 : i32
    %c0_i32_1 = arith.constant 0 : i32
    return %c0_i32, %c0_i32_0 : i32, i32
  }
  func.func @transform_10(%arg0: i32) -> (i32, i32) {
    %c0_i32 = arith.constant 0 : i32
    %c0_i32_0 = arith.constant 0 : i32
    %c0_i32_1 = arith.constant 0 : i32
    return %c0_i32, %c0_i32_0 : i32, i32
  }
  func.func @transform_11(%arg0: i32) -> (i32, i32) {
    %c0_i32 = arith.constant 0 : i32
    %c0_i32_0 = arith.constant 0 : i32
    %c0_i32_1 = arith.constant 0 : i32
    return %c0_i32, %c0_i32_0 : i32, i32
  }
  func.func @transform_12(%arg0: i32) -> (i32, i32) {
    %c0_i32 = arith.constant 0 : i32
    %c0_i32_0 = arith.constant 0 : i32
    %c0_i32_1 = arith.constant 0 : i32
    return %c0_i32, %c0_i32_0 : i32, i32
  }
  func.func @transform_13(%arg0: i32) -> (i32, i32) {
    %c0_i32 = arith.constant 0 : i32
    %c0_i32_0 = arith.constant 0 : i32
    %c0_i32_1 = arith.constant 0 : i32
    return %c0_i32, %c0_i32_0 : i32, i32
  }
  func.func @transform_14(%arg0: i32) -> (i32, i32) {
    %c0_i32 = arith.constant 0 : i32
    %c0_i32_0 = arith.constant 0 : i32
    %c0_i32_1 = arith.constant 0 : i32
    return %c0_i32, %c0_i32_0 : i32, i32
  }
  func.func @transform_15(%arg0: i32) -> (i32, i32) {
    %c0_i32 = arith.constant 0 : i32
    %c0_i32_0 = arith.constant 0 : i32
    %c0_i32_1 = arith.constant 0 : i32
    return %c0_i32, %c0_i32_0 : i32, i32
  }
  func.func @transform_16(%arg0: i32) -> (i32, i32) {
    %c0_i32 = arith.constant 0 : i32
    %c0_i32_0 = arith.constant 0 : i32
    %c0_i32_1 = arith.constant 0 : i32
    return %c0_i32, %c0_i32_0 : i32, i32
  }
  func.func @transform_17(%arg0: i32) -> (i32, i32) {
    %c0_i32 = arith.constant 0 : i32
    %c0_i32_0 = arith.constant 0 : i32
    %c0_i32_1 = arith.constant 0 : i32
    return %c0_i32, %c0_i32_0 : i32, i32
  }
  func.func @transform_18(%arg0: i32) -> (i32, i32) {
    %c0_i32 = arith.constant 0 : i32
    %c0_i32_0 = arith.constant 0 : i32
    %c0_i32_1 = arith.constant 0 : i32
    return %c0_i32, %c0_i32_0 : i32, i32
  }
  func.func @transform_19(%arg0: i32) -> (i32, i32) {
    %c0_i32 = arith.constant 0 : i32
    %c0_i32_0 = arith.constant 0 : i32
    %c0_i32_1 = arith.constant 0 : i32
    return %c0_i32, %c0_i32_0 : i32, i32
  }
  func.func @transform_20(%arg0: i32) -> (i32, i32) {
    %c0_i32 = arith.constant 0 : i32
    %c0_i32_0 = arith.constant 0 : i32
    %c0_i32_1 = arith.constant 0 : i32
    return %c0_i32, %c0_i32_0 : i32, i32
  }
  func.func @transform_21(%arg0: i32) -> (i32, i32) {
    %c0_i32 = arith.constant 0 : i32
    %c0_i32_0 = arith.constant 0 : i32
    %c0_i32_1 = arith.constant 0 : i32
    return %c0_i32, %c0_i32_0 : i32, i32
  }
  func.func @transform_22(%arg0: i32) -> (i32, i32, i32) {
    %c0_i32 = arith.constant 0 : i32
    %c0_i32_0 = arith.constant 0 : i32
    %c0_i32_1 = arith.constant 0 : i32
    return %c0_i32, %arg0, %c0_i32_0 : i32, i32, i32
  }
  func.func @transform_23(%arg0: i32) -> (i32, i32, i32) {
    %c0_i32 = arith.constant 0 : i32
    %c0_i32_0 = arith.constant 0 : i32
    %c0_i32_1 = arith.constant 0 : i32
    return %c0_i32, %arg0, %c0_i32_0 : i32, i32, i32
  }
  func.func @transform_24(%arg0: i32) -> (i32, i32, i32) {
    %c0_i32 = arith.constant 0 : i32
    %c0_i32_0 = arith.constant 0 : i32
    %c0_i32_1 = arith.constant 0 : i32
    return %c0_i32, %arg0, %c0_i32_0 : i32, i32, i32
  }
}

</mosaic_0001>

<sc_bundles>
// kernel: kernel.10.cloned.1.call-start
scs
__scs_entry_jumppad:
0x0: {  	(pc) =	sbr.rel $0x88, $3  }
0x1: {  	(tag) =	ssettag $0x0;
	lr =	simm.s32 $0x1  }
0x2: {  	[smem:$0x3EF0] =	sst lr;
	_ =	strace $0xD0000000  }
0x3: {  	_ = 	snop  }
0x4: {  	_ = 	snop  }
0x5: {  	_ = 	snop  }
0x6: {  	_ = 	snop  }
0x7: {  	_ = 	snop  }
__scs_overlays_trampoline_lowered:
0x8: {  	[smem:$0x3EFF] =	sst s0  }
0x9: {  	[smem:$0x3F00] =	sst s1  }
0xa: {  	[smem:$0x3F01] =	sst s2  }
0xb: {  	[smem:$0x3F02] =	sst s3  }
0xc: {  	[smem:$0x3F03] =	sst s4  }
0xd: {  	[smem:$0x3F04] =	sst s5  }
0xe: {  	[smem:$0x3F05] =	sst s6  }
0xf: {  	[smem:$0x3F06] =	sst s7  }
0x10: {  	[smem:$0x3F07] =	sst s8  }
0x11: {  	[smem:$0x3F08] =	sst s9;
	s0 =	simm.s32 @!p0 $0x0  }
0x12: {  	s1 =	sld [smem:$0x3EEE];
	s0 =	simm.s32 @p0 $0x1  }
0x13: {  	[smem:$0x3F09] =	sst s0;
	s0 =	simm.s32 @!p1 $0x0  }
0x14: {  	s2 =	sld [smem:$0x3EED];
	s0 =	simm.s32 @p1 $0x1  }
0x15: {  	[smem:$0x3F0A] =	sst s0;
	s0 =	simm.s32 @!p2 $0x0  }
0x16: {  	s3 =	sld [smem:$0x3FDB];
	s0 =	simm.s32 @p2 $0x1  }
0x17: {  	s4 =	simm.s32 $0x1BF5;
	[smem:$0x3F0C] =	sst s0  }
0x18: {  	s0 =	sld [smem:$0x3EEF];
	_ =	swait.ge [sflag:s4], $0x0  }
0x19: {  	s7 =	sld [smem:$0x3EF0]  }
0x1a: {  	s8 =	sadd.s32 $0xFFFFE003, lr  }
0x1b: {  	s9 =	sadd.s32 $0xFFFFFEF7, lr;
	s5 =	simm.s32 $0xFFFFFFFF;
	p2 =	slt.u32 s8, $0xFFFFF086  }
0x1c: {  	p1 =	slt.u32 s9, $0xF7A;
	s5 =	simm.s32 @!p2 $0x0  }
0x1d: {  	s5 =	simm.s32 @p1 $0x1;
	p0 =	seq.s32 s7, s2  }
0x1e: {  	s7 =	smul.u32 @!p0 $0xF7A, s2;
	p2 =	seq.s32 @!p0 s5, $0x0  }
0x1f: {  	s9 =	smul.u32 $0xF7A, s1;
	s8 =	simm.s32 @!p0 $0x1BF5;
	p2 =	por !p2, p0  }
0x20: {  	[sflag:s8] =	ssyncset.s32 @!p0 $0xFFFFF086;
	s6 =	sadd.s32 @!p0 s3, s7;
	s7 =	simm.s32 @!p0 $0x108  }
0x21: {  	s3 =	sadd.s32 s3, s9;
	s6 =	sadd.s32 @!p0 $0x88, s6;
	s7 =	simm.s32 @p2 $0x1082  }
0x22: {  	[simem:s7], [sflag:s8] =	dma.local @!p0 [hbm:s6], $0xF7A  }
0x23: {  	s9 =	sor.u32 $0xD0000000, s2;
	s6 =	simm.s32 $0x108;
	_ =	swait.ge @!p0 [sflag:s8], $0x0  }
0x24: {  	s3 =	sadd.s32 $0x88, s3;
	s6 =	simm.s32 @!p1 $0x1082;
	[sflag:s4] =	ssyncset.s32 $0xFFFFF086  }
0x25: {  	[simem:s6], [sflag:s4] =	dma.local [hbm:s3], $0xF7A  }
0x26: {  	[smem:$0x3EF0] =	sst s1;
	(tag) =	ssettag s2;
	_ =	strace s9  }
0x27: {  	s1 =	sld [smem:$0x3F00]  }
0x28: {  	s2 =	sld [smem:$0x3F01]  }
0x29: {  	s4 =	sld [smem:$0x3F03]  }
0x2a: {  	p0 =	seq.s32 s5, $0x0;
	s5 =	sld [smem:$0x3F04]  }
0x2b: {  	s6 =	sld [smem:$0x3F05]  }
0x2c: {  	s7 =	sld [smem:$0x3F06]  }
0x2d: {  	s3 =	simm.s32 $0x108;
	s8 =	sld [smem:$0x3F07]  }
0x2e: {  	s3 =	simm.s32 @!p0 $0x1082;
	s9 =	sld [smem:$0x3F08]  }
0x2f: {  	lr =	sadd.s32 s0, s3;
	s0 =	sld [smem:$0x3EFF]  }
0x30: {  	s3 =	sld [smem:$0x3F02]  }
0x31: {  	[smem:$0x3F0B] =	sst s10  }
0x32: {  	s10 =	sld [smem:$0x3F09];
	_ =	sdelay $0x3  }
0x33: {  	p0 =	seq.s32 s10, $0x1;
	s10 =	sld [smem:$0x3F0B];
	_ =	sdelay $0x3  }
0x34: {  	[smem:$0x3F0B] =	sst s10  }
0x35: {  	s10 =	sld [smem:$0x3F0A];
	_ =	sdelay $0x3  }
0x36: {  	p1 =	seq.s32 s10, $0x1;
	s10 =	sld [smem:$0x3F0B];
	_ =	sdelay $0x3  }
0x37: {  	[smem:$0x3F0B] =	sst s10  }
0x38: {  	s10 =	sld [smem:$0x3F0C]  }
0x39: {  	_ = 	snop;
	(pc) =	sbr.ind lr, $3  }
0x3a: {  	_ = 	snop  }
0x3b: {  	_ = 	snop  }
0x3c: {  	p2 =	seq.s32 s10, $0x1;
	s10 =	sld [smem:$0x3F0B]  }
0x3d: {  	_ =	shalt  }
0x3e: {  	_ =	shalt  }
0x3f: {  	_ =	shalt  }
0x40: {  	_ =	shalt  }
0x41: {  	_ =	shalt  }
0x42: {  	_ =	shalt  }
0x43: {  	_ =	shalt  }
0x44: {  	_ =	shalt  }
0x45: {  	_ =	shalt  }
0x46: {  	_ =	shalt  }
0x47: {  	_ =	shalt  }
0x48: {  	_ =	shalt  }
0x49: {  	_ =	shalt  }
0x4a: {  	_ =	shalt  }
0x4b: {  	_ =	shalt  }
0x4c: {  	_ =	shalt  }
0x4d: {  	_ =	shalt  }
0x4e: {  	_ =	shalt  }
0x4f: {  	_ =	shalt  }
0x50: {  	_ =	shalt  }
0x51: {  	_ =	shalt  }
0x52: {  	_ =	shalt  }
0x53: {  	_ =	shalt  }
0x54: {  	_ =	shalt  }
0x55: {  	_ =	shalt  }
0x56: {  	_ =	shalt  }
0x57: {  	_ =	shalt  }
0x58: {  	_ =	shalt  }
0x59: {  	_ =	shalt  }
0x5a: {  	_ =	shalt  }
0x5b: {  	_ =	shalt  }
0x5c: {  	_ =	shalt  }
0x5d: {  	_ =	shalt  }
0x5e: {  	_ =	shalt  }
0x5f: {  	_ =	shalt  }
0x60: {  	_ =	shalt  }
0x61: {  	_ =	shalt  }
0x62: {  	_ =	shalt  }
0x63: {  	_ =	shalt  }
0x64: {  	_ =	shalt  }
0x65: {  	_ =	shalt  }
0x66: {  	_ =	shalt  }
0x67: {  	_ =	shalt  }
0x68: {  	_ =	shalt  }
0x69: {  	_ =	shalt  }
0x6a: {  	_ =	shalt  }
0x6b: {  	_ =	shalt  }
0x6c: {  	_ =	shalt  }
0x6d: {  	_ =	shalt  }
0x6e: {  	_ =	shalt  }
0x6f: {  	_ =	shalt  }
0x70: {  	_ =	shalt  }
0x71: {  	_ =	shalt  }
0x72: {  	_ =	shalt  }
0x73: {  	_ =	shalt  }
0x74: {  	_ =	shalt  }
0x75: {  	_ =	shalt  }
0x76: {  	_ =	shalt  }
0x77: {  	_ =	shalt  }
0x78: {  	_ =	shalt  }
0x79: {  	_ =	shalt  }
0x7a: {  	_ =	shalt  }
0x7b: {  	_ =	shalt  }
0x7c: {  	_ =	shalt  }
0x7d: {  	_ =	shalt  }
0x7e: {  	_ =	shalt  }
0x7f: {  	_ =	shalt  }
0x80: {  	_ =	shalt  }
0x81: {  	_ =	shalt  }
0x82: {  	_ =	shalt  }
0x83: {  	_ =	shalt  }
0x84: {  	_ =	shalt  }
0x85: {  	_ =	shalt  }
0x86: {  	_ =	shalt  }
0x87: {  	_ =	shalt  }
.Lfunc_end0:
.L_simem_size_0:
called_computation_lowered:
.L_overlay_start_0:
0x88: {  	s2 =	sld [smem:$0x3FD9]  }
0x89: {  	s3 =	sld [smem:$0x3FFE];
	_ =	sdelay $0x1  }
0x8a: {  	s1 =	srdreg.scid  }
0x8b: {  	s0 =	sand.u32 $0x1, s1  }
0x8c: {  	s14 =	sshll.u32 s0, $0xA;
	s2 =	sadd.s32 s3, s2  }
0x8d: {  	s2 =	sadd.s32 s2, s14  }
0x8e: {  	[smem:$0x3F17] =	sst s2  }
0x8f: {  	_ = 	snop  }
0x90: {  	s2 =	sld [smem:$0x3FD0];
	_ =	sdelay $0x2  }
0x91: {  	s15 =	simm.s32 $0xA;
	s4 =	simm.s32 $0x10  }
0x92: {  	[smem:s4], [sflag:s15] =	dma.local [hbm:s2], $0x1  }
0x93: {  	_ =	swait.eq [sflag:s15], $0x1  }
0x94: {  	[sflag:s15] =	ssyncset.done $0x0  }
0x95: {  	s16 =	sld [smem:$0x11];
	[sflag:s15] =	ssyncadd.s32 $0xFFFFFFFF  }
0x96: {  	s17 =	sld [smem:$0x12];
	(tm) =	ssettm $0x1  }
0x97: {  	s18 =	sld [smem:$0x3FFB];
	_ =	sdelay $0x3  }
0x98: {  	_ =	strace s18  }
0x99: {  	s4 =	sld [smem:$0x3FFC];
	_ =	sdelay $0x3  }
0x9a: {  	_ =	strace s4  }
0x9b: {  	s4 =	sld [smem:$0x3FFD];
	_ =	sdelay $0x3  }
0x9c: {  	_ =	strace s4  }
0x9d: {  	_ =	strace $0x8FFFFFFF  }
0x9e: {  	s19 =	sld [smem:$0x3FDB];
	_ =	sdelay $0x1  }
0x9f: {  	s5 =	simm.s32 $_scs_section_size  }
0xa0: {  	s6 =	simm.s32 $_size__tile_overlayer_lowered;
	s7 =	simm.s32 $_tile_overlayer_lowered  }
0xa1: {  	s22 =	simm.s32 $0x1BFF;
	s21 =	sshll.u32 s7, $0x1;
	s4 =	sadd.s32 s5, s19  }
0xa2: {  	s8 =	simm.s32 $0x0;
	s20 =	sshll.u32 s6, $0x1;
	s6 =	sadd.s32 s21, s4  }
0xa3: {  	[timem:s8], [sflag:s22] =	dma.local [hbm:s6], s20  }
0xa4: {  	_ =	swait.ge [sflag:s22], s20  }
0xa5: {  	s5 =	ssub.s32 $0x0, s20;
	[sflag:s22] =	ssyncset.done $0x0  }
0xa6: {  	[sflag:s22] =	ssyncadd.s32 s5;
	_ =	sdelay $0x1  }
0xa7: {  	s23 =	simm.s32 $0x1B8B  }
0xa8: {  	_ =	swait.ge [sflag:s23], $0x1  }
0xa9: {  	[sflag:s23] =	ssyncset.done $0x0  }
0xaa: {  	s25 =	simm.s32 $0x1B8E;
	s24 =	sld [smem:$0x3FFE];
	[sflag:s23] =	ssyncadd.s32 $0xFFFFFFFF  }
0xab: {  	s26 =	simm.s32 $execute0_lowered;
	[smem:$0x3FD2] =	sst s25  }
0xac: {  	s6 =	sshll.u32 s26, $0x1;
	_ =	strace $0x80000046;
	[dreg:$0x1] =	wrdreg $0xFFFFFFFF  }
0xad: {  	s28 =	simm.s32 $_size_execute0_lowered;
	s4 =	sadd.s32 s4, s6;
	[dreg:$0x0] =	wrdreg $0x0  }
0xae: {  	s6 =	sshll.u32 s28, $0x1;
	[dreg:$0x2] =	wrdreg s4  }
0xaf: {  	[dreg:$0x3] =	wrdreg s6  }
0xb0: {  	[dreg:$0x4] =	wrdreg $0xC0  }
0xb1: {  	_ =	task [dreg:s8], $0x5FFFF  }
0xb2: {  	[dreg:$0x1] =	wrdreg $0xFFFFFFFF  }
0xb3: {  	[dreg:$0x0] =	wrdreg $0x60  }
0xb4: {  	[dreg:$0x2] =	wrdreg s16  }
0xb5: {  	[dreg:$0x3] =	wrdreg s24  }
0xb6: {  	[dreg:$0x4] =	wrdreg s17  }
0xb7: {  	[dreg:$0x5] =	wrdreg $0x9  }
0xb8: {  	_ =	task.clear_ibuf [dreg:s8], $0x6FFFF;
	_ =	strace $0x90000046  }
0xb9: {  	s29 =	simm.s32 $0x9;
	_ =	strace $0x80000048  }
0xba: {  	_ =	swait.ge [sflag:s29], $0x1  }
0xbb: {  	[sflag:s29] =	ssyncadd.s32 $0xFFFFFFFF  }
0xbc: {  	_ =	strace $0x90000048  }
0xbd: {  	_ =	sfence  }
0xbe: {  	s30 =	sld [smem:$0x0];
	_ =	sdelay $0x2  }
0xbf: {  	s31 =	sshll.u32 s1, $0xD;
	s1 =	sshrl.u32 s1, $0x2  }
0xc0: {  	s3 =	sand.u32 $0x4000, s31;
	s1 =	sadd.s32 s1, s30  }
0xc1: {  	s0 =	sor.u32 s3, s0;
	s1 =	sshll.u32 s1, $0x11  }
0xc2: {  	s0 =	sor.u32 s1, s0  }
0xc3: {  	s0 =	sadd.s32 $0x8F2B, s0  }
0xc4: {  	[sflag:s0] =	ssyncadd.remote.s32 $0x1  }
0xc5: {  	_ =	sfence.sel $0xFFFF  }
0xc6: {  	[dreg:$0x0] =	wrdreg $0xFFFFFFFF;
	(pc) =	sbr.abs _section_cstart, $3  }
0xc7: {  	[dreg:$0x1] =	wrdreg $0xFFFFFFFF  }
0xc8: {  	_ =	task.clear_ibuf [dreg:s8], $0x2FFFF;
	_ =	strace $0x9FFFFFFF  }
0xc9: {  	(tm) =	ssettm $0x7FFFFFFF  }
tec
execute0_lowered:
.L_overlay_start_1:
0x0: {  	(tag) =	ssettag $0x1  }
0x1: {  	s3 =	rddreg [dreg:$0x0]  }
0x2: {  	s5 =	rddreg [dreg:$0x1]  }
0x3: {  	s1 =	srdreg.scid;
	s0 =	stileid.u32  }
0x4: {  	s7 =	rddreg [dreg:$0x2];
	s6 =	sand.u32 $0x1, s1;
	s4 =	sshll.u32 s0, $0x1  }
0x5: {  	s2 =	simm.s32 $0x0;
	v0 =	vlaneseq.u32;
	s1 =	rddreg [dreg:$0x3];
	s8 =	sor.u32 s6, s4  }
0x6: {  	[smem:$0x7FF] =	sst s2;
	v0 =	vmul.u32 $0x80, v0;
	s4 =	sshll.u32 s8, $0xA  }
0x7: {  	_ =	strace $0x80000047;
	s4 =	sadd.s32 s3, s4;
	s3 =	simm.s32 $0x1  }
0x8: {  	v1 =	vor.u32 $0x1, v0;
	[tilespmem:s2], [sflag:$0x1] =	stream.linear.gather [hbm4b:s4+s2], $0x2000, $0x38;
	[tilespmem:$0x2100] =	vst v63  }
0x9: {  	_ =	swait.ge [sflag:s3], $0x2000  }
0xa: {  	v2 =	vor.u32 $0x2, v0;
	[sflag:s3] =	ssyncset.done $0x0  }
0xb: {  	[sflag:s3] =	ssyncadd.s32 $0xFFFFE000  }
0xc: {  	v3 =	vor.u32 $0x3, v0;
	v7 =	vld.idx.msk [tilespmem:v0+s2+$0x0], $0xffff  }
0xd: {  	v8 =	vld.idx.msk [tilespmem:v1+s2+$0x0], $0xffff  }
0xe: {  	v4 =	vor.u32 $0x4, v0  }
0xf: {  	v9 =	vld.idx.msk [tilespmem:v2+s2+$0x0], $0xffff  }
0x10: {  	v5 =	vor.u32 $0x5, v0  }
0x11: {  	v10 =	vld.idx.msk [tilespmem:v3+s2+$0x0], $0xffff  }
0x12: {  	v6 =	vor.u32 $0x6, v0;
	vm0 =	vgt.f32 v8, v7  }
0x13: {  	v11 =	vld.idx.msk [tilespmem:v4+s2+$0x0], $0xffff;
	v8 =	vsel vm0, v8, v7  }
0x14: {  	v7 =	vor.u32 $0x7, v0;
	vm1 =	vgt.f32 v9, v8  }
0x15: {  	v12 =	vld.idx.msk [tilespmem:v5+s2+$0x0], $0xffff;
	v8 =	vsel vm1, v9, v8  }
0x16: {  	vm2 =	vgt.f32 v10, v8  }
0x17: {  	v13 =	vld.idx.msk [tilespmem:v6+s2+$0x0], $0xffff;
	v9 =	vsel vm2, v10, v8  }
0x18: {  	v8 =	vimm.s32 $0x0;
	vm3 =	vgt.f32 v11, v9  }
0x19: {  	v14 =	vld.idx.msk [tilespmem:v7+s2+$0x0], $0xffff;
	v10 =	vsel vm0, $0x1, v8;
	v9 =	vsel vm3, v11, v9  }
0x1a: {  	v10 =	vsel vm1, $0x2, v10;
	vm0 =	vgt.f32 v12, v9  }
0x1b: {  	v10 =	vsel vm2, $0x3, v10;
	v11 =	vsel vm0, v12, v9  }
0x1c: {  	v9 =	vor.u32 $0x800, v0;
	v12 =	vsel vm3, $0x4, v10;
	vm9 =	vgt.f32 v13, v11  }
0x1d: {  	v10 =	vor.u32 $0x801, v0;
	v12 =	vsel vm0, $0x5, v12;
	v11 =	vsel vm9, v13, v11  }
0x1e: {  	v12 =	vsel vm9, $0x6, v12;
	vm12 =	vgt.f32 v14, v11  }
0x1f: {  	v11 =	vor.u32 $0x802, v0;
	v29 =	vsel vm12, $0x7, v12  }
0x20: {  	vm4 =	vcmask $0xF14;
	vm5 =	vcmask $0x1318;
	[tilespmem:$0x2000] =	vst v29  }
0x21: {  	vm6 =	vcmask $0x171C;
	vm7 =	vcmask $0x1B20;
	v12 =	vor.u32 $0x803, v0;
	v25 =	vld.idx.msk [tilespmem:v9+s2+$0x0], $0xffff  }
0x22: {  	v39 =	vimm.s32 $0x0;
	v15 =	vor.u32 $0x806, v0;
	v16 =	vor.u32 $0x807, v0;
	v26 =	vld.idx.msk [tilespmem:v10+s2+$0x0], $0xffff  }
0x23: {  	v17 =	vor.u32 $0x1000, v0;
	v18 =	vor.u32 $0x1001, v0;
	v13 =	vor.u32 $0x804, v0  }
0x24: {  	v19 =	vor.u32 $0x1002, v0;
	v20 =	vor.u32 $0x1003, v0;
	v21 =	vor.u32 $0x1004, v0;
	v30 =	vld.idx.msk [tilespmem:v11+s2+$0x0], $0xffff  }
0x25: {  	v22 =	vor.u32 $0x1005, v0;
	v23 =	vor.u32 $0x1006, v0;
	v14 =	vor.u32 $0x805, v0  }
0x26: {  	v24 =	vor.u32 $0x1007, v0;
	v27 =	vor.u32 $0x1802, v0;
	vm1 =	vcmask $0x308;
	v31 =	vld.idx.msk [tilespmem:v12+s2+$0x0], $0xffff  }
0x27: {  	vm2 =	vcmask $0x70C;
	vm3 =	vcmask $0xB10;
	vm10 =	vgt.f32 v26, v25  }
0x28: {  	vm0 =	vmmov $0x1;
	vm8 =	vmneg vm12;
	v32 =	vld.idx.msk [tilespmem:v13+s2+$0x0], $0xffff;
	v33 =	vsel vm10, v26, v25  }
0x29: {  	v49 =	vmpcnt.ones.xlane vm12;
	vm13 =	veq.s32 v29, $0x0;
	vm11 =	vgt.f32 v30, v33  }
0x2a: {  	vm15 =	veq.s32 v29, $0x1;
	v40 =	vmpcnt.ones.xlane vm13;
	v34 =	vld.idx.msk [tilespmem:v14+s2+$0x0], $0xffff;
	v30 =	vsel vm11, v30, v33  }
0x2b: {  	vm13 =	veq.s32 v29, $0x4;
	v51 =	vsel vm7, $0x0, v49;
	vm14 =	vgt.f32 v31, v30  }
0x2c: {  	v35 =	vld.idx.msk [tilespmem:v15+s2+$0x0], $0xffff;
	v36 =	vsel vm10, $0x1, v8;
	vm10 =	veq.s32 v29, $0x2;
	v30 =	vsel vm14, v31, v30  }
0x2d: {  	v41 =	vmpcnt.ones.xlane vm10;
	v31 =	vmpcnt.ones.xlane vm15;
	vm15 =	vgt.f32 v32, v30  }
0x2e: {  	v37 =	vld.idx.msk [tilespmem:v16+s2+$0x0], $0xffff;
	v33 =	vsel vm8, $0xFFFFFFFF, v39;
	v36 =	vsel vm11, $0x2, v36;
	v30 =	vsel vm15, v32, v30  }
0x2f: {  	vm8 =	veq.s32 v29, $0x3;
	[tilespmem:$0x1FFF0] =	vst v33;
	v33 =	vnsel vm0, $0x0, v40;
	vm10 =	vgt.f32 v34, v30  }
0x30: {  	v44 =	vmpcnt.ones.xlane vm8;
	v36 =	vsel vm14, $0x3, v36;
	v30 =	vsel vm10, v34, v30  }
0x31: {  	vm8 =	veq.s32 v29, $0x5;
	v45 =	vld [tilespmem:$0x1FFF0];
	v42 =	vsel vm15, $0x4, v36;
	vm11 =	vgt.f32 v35, v30  }
0x32: {  	v29 =	vmpcnt.ones.xlane vm13;
	v34 =	vsel vm10, $0x5, v42;
	v30 =	vsel vm11, v35, v30  }
0x33: {  	v31 =	vsel vm1, $0x0, v31;
	v43 =	vsel vm11, $0x6, v34;
	vm10 =	vgt.f32 v37, v30  }
0x34: {  	v25 =	vor.u32 $0x1800, v0;
	v31 =	vadd.s32 v33, v31;
	v33 =	vsel vm10, $0x7, v43  }
0x35: {  	v26 =	vor.u32 $0x1801, v0;
	v29 =	vsel vm4, $0x0, v29;
	v30 =	vsel vm2, $0x0, v41;
	[tilespmem:$0x2010] =	vst v33  }
0x36: {  	v30 =	vadd.s32 v30, v31;
	v31 =	vmpcnt.ones.xlane vm8;
	vm8 =	vnez.u8 v45;
	v46 =	vld.idx.msk [tilespmem:v17+s2+$0x0], $0xffff  }
0x37: {  	v32 =	vsel vm3, $0x0, v44;
	v43 =	vmpcnt.ones.xlane vm10;
	vm8 =	vmand vm8, vm9;
	v48 =	vld.idx.msk [tilespmem:v18+s2+$0x0], $0xffff  }
0x38: {  	v30 =	vadd.s32 v32, v30;
	vm9 =	veq.s32 v33, $0x0;
	vm12 =	veq.s32 v33, $0x2  }
0x39: {  	vm13 =	veq.s32 v33, $0x5;
	vm15 =	veq.s32 v33, $0x4;
	v47 =	vmpcnt.ones.xlane vm8;
	v50 =	vld.idx.msk [tilespmem:v19+s2+$0x0], $0xffff  }
0x3a: {  	v31 =	vsel vm5, $0x0, v31;
	v30 =	vadd.s32 v29, v30;
	vm8 =	vmneg vm10  }
0x3b: {  	v52 =	vld.idx.msk [tilespmem:v20+s2+$0x0], $0xffff;
	v53 =	vmpcnt.ones.xlane vm9;
	vm9 =	veq.s32 v33, $0x3;
	v54 =	vmpcnt.ones.xlane vm12  }
0x3c: {  	v57 =	vmpcnt.ones.xlane vm13;
	v40 =	vmpcnt.ones.xlane vm15;
	vm14 =	vgt.f32 v48, v46  }
0x3d: {  	v38 =	vld.idx.msk [tilespmem:v21+s2+$0x0], $0xffff;
	v31 =	vadd.s32 v31, v30;
	v39 =	vmpcnt.ones.xlane vm9;
	v34 =	vsel vm14, v48, v46  }
0x3e: {  	vm9 =	veq.s32 v33, $0x1;
	vm11 =	vmand vm8, vm11;
	vm12 =	vgt.f32 v50, v34  }
0x3f: {  	v56 =	vld.idx.msk [tilespmem:v22+s2+$0x0], $0xffff;
	v32 =	vsel vm6, $0x0, v47;
	v36 =	vnsel vm0, $0x0, v53;
	v55 =	vsel vm12, v50, v34  }
0x40: {  	v59 =	vmpcnt.ones.xlane vm9;
	v35 =	vsel vm2, $0x0, v54;
	vm8 =	vgt.f32 v52, v55  }
0x41: {  	v58 =	vld.idx.msk [tilespmem:v23+s2+$0x0], $0xffff;
	v63 =	vsel vm4, $0x0, v40;
	v31 =	vadd.s32 v32, v31;
	v32 =	vsel vm8, v52, v55  }
0x42: {  	v42 =	vmpcnt.ones.xlane vm11;
	v62 =	vsel vm3, $0x0, v39;
	vm9 =	vgt.f32 v38, v32  }
0x43: {  	v60 =	vld.idx.msk [tilespmem:v24+s2+$0x0], $0xffff;
	v31 =	vadd.s32 v51, v31;
	v41 =	vsel vm14, $0x1, v8;
	v32 =	vsel vm9, v38, v32  }
0x44: {  	v33 =	vsel vm1, $0x0, v59;
	v41 =	vsel vm12, $0x2, v41;
	vm12 =	vgt.f32 v56, v32  }
0x45: {  	v31 =	vadd.s32 v36, v31;
	v61 =	vsel vm8, $0x3, v41;
	v32 =	vsel vm12, v56, v32  }
0x46: {  	v31 =	vadd.s32 v33, v31;
	v33 =	vsel vm9, $0x4, v61;
	vm9 =	vgt.f32 v58, v32  }
0x47: {  	v31 =	vadd.s32 v35, v31;
	v33 =	vsel vm12, $0x5, v33;
	v32 =	vsel vm9, v58, v32  }
0x48: {  	v31 =	vadd.s32 v62, v31;
	v33 =	vsel vm9, $0x6, v33;
	vm8 =	vgt.f32 v60, v32  }
0x49: {  	v44 =	vsel vm5, $0x0, v57;
	v45 =	vadd.s32 v63, v31;
	v33 =	vsel vm8, $0x7, v33  }
0x4a: {  	v28 =	vor.u32 $0x1803, v0;
	v46 =	vsel vm6, $0x0, v42;
	v35 =	vadd.s32 v44, v45;
	[tilespmem:$0x2020] =	vst v33  }
0x4b: {  	v29 =	vor.u32 $0x1804, v0;
	v34 =	vsel vm7, $0x0, v43;
	v35 =	vadd.s32 v46, v35;
	v47 =	vld.idx.msk [tilespmem:v25+s2+$0x0], $0xffff  }
0x4c: {  	v30 =	vor.u32 $0x1805, v0;
	v31 =	vor.u32 $0x1806, v0;
	v34 =	vadd.s32 v34, v35;
	v48 =	vld.idx.msk [tilespmem:v26+s2+$0x0], $0xffff  }
0x4d: {  	v32 =	vor.u32 $0x1807, v0;
	vm10 =	vmneg vm8;
	v46 =	vmpcnt.ones.xlane vm8  }
0x4e: {  	vm11 =	veq.s32 v33, $0x0;
	vm12 =	veq.s32 v33, $0x1;
	vm9 =	vmand vm10, vm9;
	v50 =	vld.idx.msk [tilespmem:v27+s2+$0x0], $0xffff  }
0x4f: {  	vm10 =	veq.s32 v33, $0x5;
	vm13 =	veq.s32 v33, $0x4;
	v49 =	vmpcnt.ones.xlane vm11  }
0x50: {  	v51 =	vmpcnt.ones.xlane vm12;
	vm11 =	veq.s32 v33, $0x2;
	vm12 =	veq.s32 v33, $0x3;
	v53 =	vld.idx.msk [tilespmem:v28+s2+$0x0], $0xffff  }
0x51: {  	v59 =	vmpcnt.ones.xlane vm10;
	v54 =	vmpcnt.ones.xlane vm11;
	vm11 =	vgt.f32 v48, v47  }
0x52: {  	v57 =	vld.idx.msk [tilespmem:v29+s2+$0x0], $0xffff;
	v62 =	vmpcnt.ones.xlane vm13;
	v63 =	vmpcnt.ones.xlane vm9;
	v36 =	vsel vm11, v48, v47  }
0x53: {  	v56 =	vmpcnt.ones.xlane vm12;
	v52 =	vnsel vm0, $0x0, v49;
	vm12 =	vgt.f32 v50, v36  }
0x54: {  	v60 =	vld.idx.msk [tilespmem:v30+s2+$0x0], $0xffff;
	v55 =	vsel vm1, $0x0, v51;
	v39 =	vsel vm4, $0x0, v62;
	v36 =	vsel vm12, v50, v36  }
0x55: {  	v37 =	vsel vm5, $0x0, v59;
	v40 =	vsel vm6, $0x0, v63;
	vm13 =	vgt.f32 v53, v36  }
0x56: {  	v45 =	vld.idx.msk [tilespmem:v31+s2+$0x0], $0xffff;
	v33 =	vadd.s32 v52, v34;
	v58 =	vsel vm2, $0x0, v54;
	v35 =	vsel vm13, v53, v36  }
0x57: {  	v61 =	vsel vm3, $0x0, v56;
	v33 =	vadd.s32 v55, v33;
	vm8 =	vgt.f32 v57, v35  }
0x58: {  	v42 =	vld.idx.msk [tilespmem:v32+s2+$0x0], $0xffff;
	v33 =	vadd.s32 v58, v33;
	v43 =	vsel vm11, $0x1, v8;
	v35 =	vsel vm8, v57, v35  }
0x59: {  	v33 =	vadd.s32 v61, v33;
	v47 =	vsel vm12, $0x2, v43;
	vm14 =	vgt.f32 v60, v35  }
0x5a: {  	v33 =	vadd.s32 v39, v33;
	v39 =	vsel vm13, $0x3, v47;
	v34 =	vsel vm14, v60, v35  }
0x5b: {  	v33 =	vadd.s32 v37, v33;
	v48 =	vsel vm8, $0x4, v39;
	vm8 =	vgt.f32 v45, v34  }
0x5c: {  	v33 =	vadd.s32 v40, v33;
	v35 =	vsel vm14, $0x5, v48;
	v34 =	vsel vm8, v45, v34  }
0x5d: {  	v36 =	vsel vm7, $0x0, v46;
	v35 =	vsel vm8, $0x6, v35;
	vm9 =	vgt.f32 v42, v34  }
0x5e: {  	v33 =	vadd.s32 v36, v33;
	v34 =	vsel vm9, $0x7, v35  }
0x5f: {  	vm10 =	vmneg vm9;
	vm11 =	veq.s32 v34, $0x0;
	vm12 =	veq.s32 v34, $0x1  }
0x60: {  	vm13 =	veq.s32 v34, $0x2;
	vm15 =	veq.s32 v34, $0x5;
	v49 =	vmpcnt.ones.xlane vm11  }
0x61: {  	vm8 =	vmand vm10, vm8;
	v50 =	vmpcnt.ones.xlane vm12;
	vm11 =	veq.s32 v34, $0x3  }
0x62: {  	v51 =	vmpcnt.ones.xlane vm13;
	vm12 =	veq.s32 v34, $0x4;
	v35 =	vnsel vm0, $0x0, v49  }
0x63: {  	s6 =	ssub.s32 $0x2, s6;
	v52 =	vmpcnt.ones.xlane vm11;
	v54 =	vsel vm1, $0x0, v50;
	v33 =	vadd.s32 v35, v33  }
0x64: {  	s10 =	sshrl.u32 s6, $0x1;
	v53 =	vmpcnt.ones.xlane vm12;
	v56 =	vsel vm2, $0x0, v51;
	v33 =	vadd.s32 v54, v33  }
0x65: {  	s6 =	ssub.s32 s6, s10;
	v55 =	vmpcnt.ones.xlane vm15;
	v57 =	vsel vm3, $0x0, v52;
	v33 =	vadd.s32 v56, v33  }
0x66: {  	s31 =	smax.u32 s6, $0x1;
	v58 =	vmpcnt.ones.xlane vm8;
	v59 =	vsel vm4, $0x0, v53;
	v33 =	vadd.s32 v57, v33  }
0x67: {  	p0 =	sne.s32 s31, $0x1;
	v60 =	vmpcnt.ones.xlane vm9;
	v61 =	vsel vm5, $0x0, v55;
	v33 =	vadd.s32 v59, v33  }
.Ltmp0:
0x68: {  	v62 =	vsel vm6, $0x0, v58;
	v33 =	vadd.s32 v61, v33;
	(pc) =	sbr.rel @!p0 .LBB2_2-.Ltmp0, $4  }
0x69: {  	s9 =	sshll.u32 s8, $0x3;
	s8 =	sshll.u32 s8, $0x4;
	v63 =	vsel vm7, $0x0, v60;
	v33 =	vadd.s32 v62, v33  }
0x6a: {  	s5 =	sadd.s32 s9, s5;
	s7 =	sadd.s32 s7, s8;
	s8 =	simm.s32 $0x2080;
	[tilespmem:$0x2030] =	vst v34;
	v33 =	vadd.s32 v63, v33  }
0x6b: {  	s5 =	sadd.s32 $0x19600, s5;
	s6 =	simm.s32 $0x2000;
	s9 =	sadd.s32 $0xFFFFFFFF, s31;
	[tilespmem:$0x2080] =	vst v33  }
0x6c: {  	[hbm4b:s5+s2] =	stream.linear.scatter [tilespmem:s6], [sflag:$0x1], $0x40, $0x38;
	[tilespmem:$0x2100] =	vst v63  }
.LBB2_1:
0x6d: {  	p0 =	sne.s32 s9, $0x1;
	s9 =	sadd.s32 $0xFFFFFFFF, s9;
	_ =	swait.ge [sflag:s3], $0x40  }
0x6e: {  	[sflag:s3] =	ssyncset.done $0x0  }
0x6f: {  	[sflag:s3] =	ssyncadd.s32 $0xFFFFFFC0  }
0x70: {  	[hbm4b:s7+s2] =	stream.linear.scatter [tilespmem:s8], [sflag:$0x1], $0x80, $0x38;
	[tilespmem:$0x2100] =	vst v63  }
0x71: {  	_ =	swait.ge [sflag:s3], $0x80  }
0x72: {  	[sflag:s3] =	ssyncset.done $0x0  }
0x73: {  	[sflag:s3] =	ssyncadd.s32 $0xFFFFFF80  }
0x74: {  	[tilespmem:s2], [sflag:$0x1] =	stream.linear.gather [hbm4b:s4+s2], $0x2000, $0x38;
	[tilespmem:$0x2100] =	vst v63  }
0x75: {  	_ =	swait.ge [sflag:s3], $0x2000  }
0x76: {  	[sflag:s3] =	ssyncset.done $0x0  }
0x77: {  	[sflag:s3] =	ssyncadd.s32 $0xFFFFE000  }
0x78: {  	v33 =	vld.idx.msk [tilespmem:v0+s2+$0x0], $0xffff  }
0x79: {  	v34 =	vld.idx.msk [tilespmem:v1+s2+$0x0], $0xffff  }
0x7a: {  	v35 =	vld.idx.msk [tilespmem:v2+s2+$0x0], $0xffff;
	_ =	sdelay $0x2  }
0x7b: {  	v36 =	vld.idx.msk [tilespmem:v3+s2+$0x0], $0xffff;
	_ =	sdelay $0x1  }
0x7c: {  	vm8 =	vgt.f32 v34, v33;
	v37 =	vld.idx.msk [tilespmem:v4+s2+$0x0], $0xffff  }
0x7d: {  	v33 =	vsel vm8, v34, v33  }
0x7e: {  	vm9 =	vgt.f32 v35, v33;
	v34 =	vld.idx.msk [tilespmem:v5+s2+$0x0], $0xffff  }
0x7f: {  	v33 =	vsel vm9, v35, v33  }
0x80: {  	vm10 =	vgt.f32 v36, v33;
	v35 =	vld.idx.msk [tilespmem:v6+s2+$0x0], $0xffff  }
0x81: {  	v33 =	vsel vm10, v36, v33  }
0x82: {  	vm11 =	vgt.f32 v37, v33;
	v36 =	vld.idx.msk [tilespmem:v7+s2+$0x0], $0xffff  }
0x83: {  	v38 =	vsel vm8, $0x1, v8;
	v33 =	vsel vm11, v37, v33  }
0x84: {  	v37 =	vsel vm9, $0x2, v38;
	vm9 =	vgt.f32 v34, v33  }
0x85: {  	v37 =	vsel vm10, $0x3, v37;
	v33 =	vsel vm9, v34, v33  }
0x86: {  	v34 =	vsel vm11, $0x4, v37;
	vm8 =	vgt.f32 v35, v33  }
0x87: {  	v34 =	vsel vm9, $0x5, v34;
	v33 =	vsel vm8, v35, v33  }
0x88: {  	v34 =	vsel vm8, $0x6, v34;
	vm9 =	vgt.f32 v36, v33  }
0x89: {  	vm10 =	vmneg vm9;
	v33 =	vsel vm9, $0x7, v34;
	v34 =	vmpcnt.ones.xlane vm9  }
0x8a: {  	vm9 =	veq.s32 v33, $0x0;
	vm11 =	veq.s32 v33, $0x1;
	vm12 =	veq.s32 v33, $0x4;
	[tilespmem:$0x2000] =	vst v33  }
0x8b: {  	v35 =	vmpcnt.ones.xlane vm9;
	v36 =	vmpcnt.ones.xlane vm11;
	vm9 =	veq.s32 v33, $0x2;
	v37 =	vld.idx.msk [tilespmem:v9+s2+$0x0], $0xffff  }
0x8c: {  	vm11 =	veq.s32 v33, $0x5;
	v38 =	vmpcnt.ones.xlane vm9;
	vm9 =	veq.s32 v33, $0x3;
	v33 =	vld.idx.msk [tilespmem:v10+s2+$0x0], $0xffff  }
0x8d: {  	v39 =	vmpcnt.ones.xlane vm12;
	v35 =	vnsel vm0, $0x0, v35;
	v36 =	vsel vm1, $0x0, v36  }
0x8e: {  	v35 =	vadd.s32 v35, v36;
	v36 =	vsel vm2, $0x0, v38;
	v38 =	vmpcnt.ones.xlane vm9;
	v40 =	vld.idx.msk [tilespmem:v11+s2+$0x0], $0xffff  }
0x8f: {  	vm8 =	vmand vm10, vm8;
	v35 =	vadd.s32 v36, v35;
	v36 =	vmpcnt.ones.xlane vm11  }
0x90: {  	v39 =	vsel vm4, $0x0, v39;
	v38 =	vsel vm3, $0x0, v38;
	v41 =	vld.idx.msk [tilespmem:v12+s2+$0x0], $0xffff  }
0x91: {  	v35 =	vadd.s32 v38, v35;
	v36 =	vsel vm5, $0x0, v36;
	v38 =	vmpcnt.ones.xlane vm8  }
0x92: {  	v35 =	vadd.s32 v39, v35;
	vm8 =	vgt.f32 v33, v37;
	v39 =	vld.idx.msk [tilespmem:v13+s2+$0x0], $0xffff  }
0x93: {  	v35 =	vadd.s32 v36, v35;
	v36 =	vsel vm6, $0x0, v38;
	v33 =	vsel vm8, v33, v37  }
0x94: {  	v35 =	vadd.s32 v36, v35;
	vm9 =	vgt.f32 v40, v33;
	v36 =	vld.idx.msk [tilespmem:v14+s2+$0x0], $0xffff  }
0x95: {  	v33 =	vsel vm9, v40, v33  }
0x96: {  	vm10 =	vgt.f32 v41, v33;
	v37 =	vld.idx.msk [tilespmem:v15+s2+$0x0], $0xffff  }
0x97: {  	v33 =	vsel vm10, v41, v33  }
0x98: {  	vm11 =	vgt.f32 v39, v33;
	v38 =	vld.idx.msk [tilespmem:v16+s2+$0x0], $0xffff  }
0x99: {  	v40 =	vsel vm8, $0x1, v8;
	v33 =	vsel vm11, v39, v33  }
0x9a: {  	v39 =	vsel vm9, $0x2, v40;
	vm8 =	vgt.f32 v36, v33  }
0x9b: {  	v39 =	vsel vm10, $0x3, v39;
	v33 =	vsel vm8, v36, v33  }
0x9c: {  	v36 =	vsel vm11, $0x4, v39;
	vm9 =	vgt.f32 v37, v33  }
0x9d: {  	v36 =	vsel vm8, $0x5, v36;
	v33 =	vsel vm9, v37, v33  }
0x9e: {  	v34 =	vsel vm7, $0x0, v34;
	v36 =	vsel vm9, $0x6, v36;
	vm8 =	vgt.f32 v38, v33  }
0x9f: {  	v33 =	vadd.s32 v34, v35;
	vm10 =	vmneg vm8;
	v34 =	vsel vm8, $0x7, v36  }
0xa0: {  	vm11 =	veq.s32 v34, $0x0;
	vm12 =	veq.s32 v34, $0x2;
	vm13 =	veq.s32 v34, $0x5;
	[tilespmem:$0x2010] =	vst v34  }
0xa1: {  	vm14 =	veq.s32 v34, $0x4;
	v35 =	vmpcnt.ones.xlane vm11;
	vm11 =	veq.s32 v34, $0x3;
	v36 =	vld.idx.msk [tilespmem:v17+s2+$0x0], $0xffff  }
0xa2: {  	vm15 =	veq.s32 v34, $0x1;
	v34 =	vmpcnt.ones.xlane vm12;
	v37 =	vmpcnt.ones.xlane vm11;
	v38 =	vld.idx.msk [tilespmem:v18+s2+$0x0], $0xffff  }
0xa3: {  	vm9 =	vmand vm10, vm9;
	v39 =	vmpcnt.ones.xlane vm13;
	v35 =	vnsel vm0, $0x0, v35  }
0xa4: {  	v40 =	vmpcnt.ones.xlane vm8;
	v33 =	vadd.s32 v35, v33;
	v35 =	vmpcnt.ones.xlane vm15;
	v41 =	vld.idx.msk [tilespmem:v19+s2+$0x0], $0xffff  }
0xa5: {  	v42 =	vmpcnt.ones.xlane vm14;
	v34 =	vsel vm2, $0x0, v34  }
0xa6: {  	v35 =	vsel vm1, $0x0, v35;
	v43 =	vld.idx.msk [tilespmem:v20+s2+$0x0], $0xffff  }
0xa7: {  	v33 =	vadd.s32 v35, v33;
	v35 =	vsel vm3, $0x0, v37;
	v37 =	vsel vm4, $0x0, v42  }
0xa8: {  	v33 =	vadd.s32 v34, v33;
	v34 =	vsel vm5, $0x0, v39;
	vm8 =	vgt.f32 v38, v36;
	v39 =	vld.idx.msk [tilespmem:v21+s2+$0x0], $0xffff  }
0xa9: {  	v33 =	vadd.s32 v35, v33;
	v35 =	vmpcnt.ones.xlane vm9;
	v36 =	vsel vm8, v38, v36  }
0xaa: {  	v33 =	vadd.s32 v37, v33;
	vm9 =	vgt.f32 v41, v36;
	v37 =	vld.idx.msk [tilespmem:v22+s2+$0x0], $0xffff  }
0xab: {  	v33 =	vadd.s32 v34, v33;
	v34 =	vsel vm6, $0x0, v35;
	v35 =	vsel vm9, v41, v36  }
0xac: {  	v33 =	vadd.s32 v34, v33;
	vm10 =	vgt.f32 v43, v35;
	v34 =	vld.idx.msk [tilespmem:v23+s2+$0x0], $0xffff  }
0xad: {  	v35 =	vsel vm10, v43, v35  }
0xae: {  	vm11 =	vgt.f32 v39, v35;
	v36 =	vld.idx.msk [tilespmem:v24+s2+$0x0], $0xffff  }
0xaf: {  	v38 =	vsel vm8, $0x1, v8;
	v35 =	vsel vm11, v39, v35  }
0xb0: {  	v38 =	vsel vm9, $0x2, v38;
	vm8 =	vgt.f32 v37, v35  }
0xb1: {  	v38 =	vsel vm10, $0x3, v38;
	v35 =	vsel vm8, v37, v35  }
0xb2: {  	v37 =	vsel vm11, $0x4, v38;
	vm9 =	vgt.f32 v34, v35  }
0xb3: {  	v37 =	vsel vm8, $0x5, v37;
	v34 =	vsel vm9, v34, v35  }
0xb4: {  	v35 =	vsel vm7, $0x0, v40;
	v37 =	vsel vm9, $0x6, v37;
	vm8 =	vgt.f32 v36, v34  }
0xb5: {  	v33 =	vadd.s32 v35, v33;
	vm10 =	vmneg vm8;
	v34 =	vsel vm8, $0x7, v37  }
0xb6: {  	vm11 =	veq.s32 v34, $0x0;
	vm12 =	veq.s32 v34, $0x1;
	vm9 =	vmand vm10, vm9;
	[tilespmem:$0x2020] =	vst v34  }
0xb7: {  	vm10 =	veq.s32 v34, $0x5;
	v35 =	vmpcnt.ones.xlane vm11;
	v36 =	vmpcnt.ones.xlane vm12;
	v37 =	vld.idx.msk [tilespmem:v25+s2+$0x0], $0xffff  }
0xb8: {  	vm13 =	veq.s32 v34, $0x4;
	vm11 =	veq.s32 v34, $0x2;
	vm12 =	veq.s32 v34, $0x3;
	v34 =	vld.idx.msk [tilespmem:v26+s2+$0x0], $0xffff  }
0xb9: {  	v39 =	vmpcnt.ones.xlane vm10;
	v38 =	vmpcnt.ones.xlane vm11;
	v35 =	vnsel vm0, $0x0, v35;
	v40 =	vld.idx.msk [tilespmem:v27+s2+$0x0], $0xffff  }
0xba: {  	v33 =	vadd.s32 v35, v33;
	v35 =	vsel vm1, $0x0, v36;
	v36 =	vmpcnt.ones.xlane vm12;
	v41 =	vld.idx.msk [tilespmem:v28+s2+$0x0], $0xffff  }
0xbb: {  	v33 =	vadd.s32 v35, v33;
	v35 =	vsel vm2, $0x0, v38;
	v38 =	vmpcnt.ones.xlane vm9;
	v42 =	vld.idx.msk [tilespmem:v29+s2+$0x0], $0xffff  }
0xbc: {  	v33 =	vadd.s32 v35, v33;
	v35 =	vsel vm3, $0x0, v36;
	v36 =	vmpcnt.ones.xlane vm13;
	v43 =	vld.idx.msk [tilespmem:v30+s2+$0x0], $0xffff  }
0xbd: {  	v33 =	vadd.s32 v35, v33;
	v35 =	vmpcnt.ones.xlane vm8;
	v44 =	vld.idx.msk [tilespmem:v31+s2+$0x0], $0xffff  }
0xbe: {  	v39 =	vsel vm5, $0x0, v39;
	v36 =	vsel vm4, $0x0, v36;
	vm8 =	vgt.f32 v34, v37;
	v45 =	vld.idx.msk [tilespmem:v32+s2+$0x0], $0xffff  }
0xbf: {  	v33 =	vadd.s32 v36, v33;
	v36 =	vsel vm6, $0x0, v38;
	v34 =	vsel vm8, v34, v37  }
0xc0: {  	v33 =	vadd.s32 v39, v33;
	vm9 =	vgt.f32 v40, v34  }
0xc1: {  	v33 =	vadd.s32 v36, v33;
	v34 =	vsel vm9, v40, v34  }
0xc2: {  	vm10 =	vgt.f32 v41, v34  }
0xc3: {  	v34 =	vsel vm10, v41, v34  }
0xc4: {  	vm11 =	vgt.f32 v42, v34  }
0xc5: {  	v36 =	vsel vm8, $0x1, v8;
	v34 =	vsel vm11, v42, v34  }
0xc6: {  	v36 =	vsel vm9, $0x2, v36;
	vm9 =	vgt.f32 v43, v34  }
0xc7: {  	v36 =	vsel vm10, $0x3, v36;
	v34 =	vsel vm9, v43, v34  }
0xc8: {  	v36 =	vsel vm11, $0x4, v36;
	vm8 =	vgt.f32 v44, v34  }
0xc9: {  	v35 =	vsel vm7, $0x0, v35;
	v36 =	vsel vm9, $0x5, v36;
	v34 =	vsel vm8, v44, v34  }
0xca: {  	v33 =	vadd.s32 v35, v33;
	v35 =	vsel vm8, $0x6, v36;
	vm9 =	vgt.f32 v45, v34  }
0xcb: {  	vm10 =	vmneg vm9;
	v34 =	vsel vm9, $0x7, v35;
	v35 =	vmpcnt.ones.xlane vm9  }
0xcc: {  	vm9 =	veq.s32 v34, $0x0;
	vm11 =	veq.s32 v34, $0x1;
	vm12 =	veq.s32 v34, $0x2;
	[tilespmem:$0x2030] =	vst v34  }
0xcd: {  	v36 =	vmpcnt.ones.xlane vm9;
	v37 =	vmpcnt.ones.xlane vm11;
	vm9 =	veq.s32 v34, $0x3  }
0xce: {  	v38 =	vmpcnt.ones.xlane vm12;
	v39 =	vmpcnt.ones.xlane vm9;
	vm9 =	veq.s32 v34, $0x4  }
0xcf: {  	v36 =	vnsel vm0, $0x0, v36;
	v40 =	vmpcnt.ones.xlane vm9;
	vm9 =	veq.s32 v34, $0x5  }
0xd0: {  	v34 =	vsel vm1, $0x0, v37;
	v33 =	vadd.s32 v36, v33;
	v36 =	vmpcnt.ones.xlane vm9  }
0xd1: {  	vm8 =	vmand vm10, vm8;
	v33 =	vadd.s32 v34, v33;
	v34 =	vsel vm2, $0x0, v38  }
0xd2: {  	v37 =	vmpcnt.ones.xlane vm8;
	v33 =	vadd.s32 v34, v33;
	v34 =	vsel vm3, $0x0, v39  }
0xd3: {  	v33 =	vadd.s32 v34, v33;
	v34 =	vsel vm4, $0x0, v40  }
0xd4: {  	v33 =	vadd.s32 v34, v33;
	v34 =	vsel vm5, $0x0, v36  }
.Ltmp1:
0xd5: {  	v33 =	vadd.s32 v34, v33;
	v34 =	vsel vm6, $0x0, v37;
	(pc) =	sbr.rel @p0 .LBB2_1-.Ltmp1, $4  }
0xd6: {  	v33 =	vadd.s32 v34, v33;
	v34 =	vsel vm7, $0x0, v35  }
0xd7: {  	v33 =	vadd.s32 v34, v33  }
0xd8: {  	[tilespmem:$0x2080] =	vst v33  }
0xd9: {  	[hbm4b:s5+s2] =	stream.linear.scatter [tilespmem:s6], [sflag:$0x1], $0x40, $0x38;
	[tilespmem:$0x2100] =	vst v63  }
.LBB2_2:
0xda: {  	_ =	swait.ge [sflag:s3], $0x40  }
0xdb: {  	[sflag:s3] =	ssyncset.done $0x0  }
0xdc: {  	[sflag:s3] =	ssyncadd.s32 $0xFFFFFFC0  }
0xdd: {  	[hbm4b:s7+s2] =	stream.linear.scatter [tilespmem:s8], [sflag:$0x1], $0x80, $0x38;
	[tilespmem:$0x2100] =	vst v63  }
0xde: {  	_ =	swait.ge [sflag:s3], $0x80  }
0xdf: {  	[sflag:s3] =	ssyncset.done $0x0  }
0xe0: {  	[sflag:s3] =	ssyncadd.s32 $0xFFFFFF80  }
0xe1: {  	_ =	sfence.sel $0x180000  }
0xe2: {  	[bflag:$0x0] =	sbarrier.arrive $0xFFFF  }
0xe3: {  	p0 =	sne.s32 s0, $0x0;
	_ =	strace $0x90000047  }
0xe4: {  	s0 =	sadd.s32 @!p0 $0x100000, s1;
	[bflag:$0x2] =	sbarrier.arrive $0xFFFF  }
0xe5: {  	[sflag:s0] =	ssyncadd.tile.s32 @!p0 $0x1;
	_ =	shalt  }
.Lfunc_end2:
_tile_overlayer_lowered:
.L_overlay_start_2:
0xe6: {  	(tag) =	ssettag $0x2  }
0xe7: {  	s0 =	rddreg [dreg:$0x0];
	s2 =	stileid.u32  }
0xe8: {  	s1 =	rddreg [dreg:$0x1];
	p0 =	sne.s32 s2, $0x0  }
0xe9: {  	s3 =	rddreg [dreg:$0x2];
	[bflag:$0x3] =	sbarrier.arrive $0xFFFF;
	s2 =	simm.s32 @!p0 $0x1C01  }
0xea: {  	[timem:s3], [sflag:s2] =	dma.local @!p0 [hbm:s0], s1  }
0xeb: {  	s0 =	simm.s32 @!p0 $0x1  }
0xec: {  	_ =	swait.ge @!p0 [sflag:s0], s1  }
0xed: {  	s1 =	ssub.s32 @!p0 $0x0, s1;
	[sflag:s0] =	ssyncset.done @!p0 $0x0  }
0xee: {  	[sflag:s0] =	ssyncadd.s32 @!p0 s1  }
0xef: {  	[bflag:$0x3] =	sbarrier.arrive $0xFFFF  }
0xf0: {  	_ =	shalt  }

// kernel: kernel.13.cloned.1.call-start
scs
__scs_entry_jumppad:
0x0: {  	(pc) =	sbr.rel $0x88, $3  }
0x1: {  	(tag) =	ssettag $0x0;
	lr =	simm.s32 $0x1  }
0x2: {  	[smem:$0x3EF0] =	sst lr;
	_ =	strace $0xD0000000  }
0x3: {  	_ = 	snop  }
0x4: {  	_ = 	snop  }
0x5: {  	_ = 	snop  }
0x6: {  	_ = 	snop  }
0x7: {  	_ = 	snop  }
__scs_overlays_trampoline_lowered:
0x8: {  	[smem:$0x3EFF] =	sst s0  }
0x9: {  	[smem:$0x3F00] =	sst s1  }
0xa: {  	[smem:$0x3F01] =	sst s2  }
0xb: {  	[smem:$0x3F02] =	sst s3  }
0xc: {  	[smem:$0x3F03] =	sst s4  }
0xd: {  	[smem:$0x3F04] =	sst s5  }
0xe: {  	[smem:$0x3F05] =	sst s6  }
0xf: {  	[smem:$0x3F06] =	sst s7  }
0x10: {  	[smem:$0x3F07] =	sst s8  }
0x11: {  	[smem:$0x3F08] =	sst s9;
	s0 =	simm.s32 @!p0 $0x0  }
0x12: {  	s1 =	sld [smem:$0x3EEE];
	s0 =	simm.s32 @p0 $0x1  }
0x13: {  	[smem:$0x3F09] =	sst s0;
	s0 =	simm.s32 @!p1 $0x0  }
0x14: {  	s2 =	sld [smem:$0x3EED];
	s0 =	simm.s32 @p1 $0x1  }
0x15: {  	[smem:$0x3F0A] =	sst s0;
	s0 =	simm.s32 @!p2 $0x0  }
0x16: {  	s3 =	sld [smem:$0x3FDB];
	s0 =	simm.s32 @p2 $0x1  }
0x17: {  	s4 =	simm.s32 $0x1BF5;
	[smem:$0x3F0C] =	sst s0  }
0x18: {  	s0 =	sld [smem:$0x3EEF];
	_ =	swait.ge [sflag:s4], $0x0  }
0x19: {  	s7 =	sld [smem:$0x3EF0]  }
0x1a: {  	s8 =	sadd.s32 $0xFFFFE003, lr  }
0x1b: {  	s9 =	sadd.s32 $0xFFFFFEF7, lr;
	s5 =	simm.s32 $0xFFFFFFFF;
	p2 =	slt.u32 s8, $0xFFFFF086  }
0x1c: {  	p1 =	slt.u32 s9, $0xF7A;
	s5 =	simm.s32 @!p2 $0x0  }
0x1d: {  	s5 =	simm.s32 @p1 $0x1;
	p0 =	seq.s32 s7, s2  }
0x1e: {  	s7 =	smul.u32 @!p0 $0xF7A, s2;
	p2 =	seq.s32 @!p0 s5, $0x0  }
0x1f: {  	s9 =	smul.u32 $0xF7A, s1;
	s8 =	simm.s32 @!p0 $0x1BF5;
	p2 =	por !p2, p0  }
0x20: {  	[sflag:s8] =	ssyncset.s32 @!p0 $0xFFFFF086;
	s6 =	sadd.s32 @!p0 s3, s7;
	s7 =	simm.s32 @!p0 $0x108  }
0x21: {  	s3 =	sadd.s32 s3, s9;
	s6 =	sadd.s32 @!p0 $0x88, s6;
	s7 =	simm.s32 @p2 $0x1082  }
0x22: {  	[simem:s7], [sflag:s8] =	dma.local @!p0 [hbm:s6], $0xF7A  }
0x23: {  	s9 =	sor.u32 $0xD0000000, s2;
	s6 =	simm.s32 $0x108;
	_ =	swait.ge @!p0 [sflag:s8], $0x0  }
0x24: {  	s3 =	sadd.s32 $0x88, s3;
	s6 =	simm.s32 @!p1 $0x1082;
	[sflag:s4] =	ssyncset.s32 $0xFFFFF086  }
0x25: {  	[simem:s6], [sflag:s4] =	dma.local [hbm:s3], $0xF7A  }
0x26: {  	[smem:$0x3EF0] =	sst s1;
	(tag) =	ssettag s2;
	_ =	strace s9  }
0x27: {  	s1 =	sld [smem:$0x3F00]  }
0x28: {  	s2 =	sld [smem:$0x3F01]  }
0x29: {  	s4 =	sld [smem:$0x3F03]  }
0x2a: {  	p0 =	seq.s32 s5, $0x0;
	s5 =	sld [smem:$0x3F04]  }
0x2b: {  	s6 =	sld [smem:$0x3F05]  }
0x2c: {  	s7 =	sld [smem:$0x3F06]  }
0x2d: {  	s3 =	simm.s32 $0x108;
	s8 =	sld [smem:$0x3F07]  }
0x2e: {  	s3 =	simm.s32 @!p0 $0x1082;
	s9 =	sld [smem:$0x3F08]  }
0x2f: {  	lr =	sadd.s32 s0, s3;
	s0 =	sld [smem:$0x3EFF]  }
0x30: {  	s3 =	sld [smem:$0x3F02]  }
0x31: {  	[smem:$0x3F0B] =	sst s10  }
0x32: {  	s10 =	sld [smem:$0x3F09];
	_ =	sdelay $0x3  }
0x33: {  	p0 =	seq.s32 s10, $0x1;
	s10 =	sld [smem:$0x3F0B];
	_ =	sdelay $0x3  }
0x34: {  	[smem:$0x3F0B] =	sst s10  }
0x35: {  	s10 =	sld [smem:$0x3F0A];
	_ =	sdelay $0x3  }
0x36: {  	p1 =	seq.s32 s10, $0x1;
	s10 =	sld [smem:$0x3F0B];
	_ =	sdelay $0x3  }
0x37: {  	[smem:$0x3F0B] =	sst s10  }
0x38: {  	s10 =	sld [smem:$0x3F0C]  }
0x39: {  	_ = 	snop;
	(pc) =	sbr.ind lr, $3  }
0x3a: {  	_ = 	snop  }
0x3b: {  	_ = 	snop  }
0x3c: {  	p2 =	seq.s32 s10, $0x1;
	s10 =	sld [smem:$0x3F0B]  }
0x3d: {  	_ =	shalt  }
0x3e: {  	_ =	shalt  }
0x3f: {  	_ =	shalt  }
0x40: {  	_ =	shalt  }
0x41: {  	_ =	shalt  }
0x42: {  	_ =	shalt  }
0x43: {  	_ =	shalt  }
0x44: {  	_ =	shalt  }
0x45: {  	_ =	shalt  }
0x46: {  	_ =	shalt  }
0x47: {  	_ =	shalt  }
0x48: {  	_ =	shalt  }
0x49: {  	_ =	shalt  }
0x4a: {  	_ =	shalt  }
0x4b: {  	_ =	shalt  }
0x4c: {  	_ =	shalt  }
0x4d: {  	_ =	shalt  }
0x4e: {  	_ =	shalt  }
0x4f: {  	_ =	shalt  }
0x50: {  	_ =	shalt  }
0x51: {  	_ =	shalt  }
0x52: {  	_ =	shalt  }
0x53: {  	_ =	shalt  }
0x54: {  	_ =	shalt  }
0x55: {  	_ =	shalt  }
0x56: {  	_ =	shalt  }
0x57: {  	_ =	shalt  }
0x58: {  	_ =	shalt  }
0x59: {  	_ =	shalt  }
0x5a: {  	_ =	shalt  }
0x5b: {  	_ =	shalt  }
0x5c: {  	_ =	shalt  }
0x5d: {  	_ =	shalt  }
0x5e: {  	_ =	shalt  }
0x5f: {  	_ =	shalt  }
0x60: {  	_ =	shalt  }
0x61: {  	_ =	shalt  }
0x62: {  	_ =	shalt  }
0x63: {  	_ =	shalt  }
0x64: {  	_ =	shalt  }
0x65: {  	_ =	shalt  }
0x66: {  	_ =	shalt  }
0x67: {  	_ =	shalt  }
0x68: {  	_ =	shalt  }
0x69: {  	_ =	shalt  }
0x6a: {  	_ =	shalt  }
0x6b: {  	_ =	shalt  }
0x6c: {  	_ =	shalt  }
0x6d: {  	_ =	shalt  }
0x6e: {  	_ =	shalt  }
0x6f: {  	_ =	shalt  }
0x70: {  	_ =	shalt  }
0x71: {  	_ =	shalt  }
0x72: {  	_ =	shalt  }
0x73: {  	_ =	shalt  }
0x74: {  	_ =	shalt  }
0x75: {  	_ =	shalt  }
0x76: {  	_ =	shalt  }
0x77: {  	_ =	shalt  }
0x78: {  	_ =	shalt  }
0x79: {  	_ =	shalt  }
0x7a: {  	_ =	shalt  }
0x7b: {  	_ =	shalt  }
0x7c: {  	_ =	shalt  }
0x7d: {  	_ =	shalt  }
0x7e: {  	_ =	shalt  }
0x7f: {  	_ =	shalt  }
0x80: {  	_ =	shalt  }
0x81: {  	_ =	shalt  }
0x82: {  	_ =	shalt  }
0x83: {  	_ =	shalt  }
0x84: {  	_ =	shalt  }
0x85: {  	_ =	shalt  }
0x86: {  	_ =	shalt  }
0x87: {  	_ =	shalt  }
.Lfunc_end0:
.L_simem_size_0:
called_computation.1_lowered:
.L_overlay_start_0:
0x88: {  	s2 =	sld [smem:$0x3FD9]  }
0x89: {  	s3 =	sld [smem:$0x3FFE];
	_ =	sdelay $0x1  }
0x8a: {  	s1 =	srdreg.scid  }
0x8b: {  	s0 =	sand.u32 $0x1, s1  }
0x8c: {  	s14 =	sshll.u32 s0, $0xA;
	s2 =	sadd.s32 s3, s2  }
0x8d: {  	s2 =	sadd.s32 s2, s14  }
0x8e: {  	[smem:$0x3F17] =	sst s2  }
0x8f: {  	_ = 	snop  }
0x90: {  	s2 =	sld [smem:$0x3FD0];
	_ =	sdelay $0x2  }
0x91: {  	s15 =	simm.s32 $0xA;
	s4 =	simm.s32 $0x10  }
0x92: {  	[smem:s4], [sflag:s15] =	dma.local [hbm:s2], $0x1  }
0x93: {  	_ =	swait.eq [sflag:s15], $0x1  }
0x94: {  	[sflag:s15] =	ssyncset.done $0x0  }
0x95: {  	s16 =	sld [smem:$0x10];
	[sflag:s15] =	ssyncadd.s32 $0xFFFFFFFF  }
0x96: {  	s17 =	sld [smem:$0x12];
	(tm) =	ssettm $0x1  }
0x97: {  	s18 =	sld [smem:$0x3FFB];
	_ =	sdelay $0x3  }
0x98: {  	_ =	strace s18  }
0x99: {  	s4 =	sld [smem:$0x3FFC];
	_ =	sdelay $0x3  }
0x9a: {  	_ =	strace s4  }
0x9b: {  	s4 =	sld [smem:$0x3FFD];
	_ =	sdelay $0x3  }
0x9c: {  	_ =	strace s4  }
0x9d: {  	_ =	strace $0x8FFFFFFF  }
0x9e: {  	s19 =	sld [smem:$0x3FDB];
	_ =	sdelay $0x1  }
0x9f: {  	s5 =	simm.s32 $_scs_section_size  }
0xa0: {  	s6 =	simm.s32 $_size__tile_overlayer_lowered;
	s7 =	simm.s32 $_tile_overlayer_lowered  }
0xa1: {  	s22 =	simm.s32 $0x1BFF;
	s21 =	sshll.u32 s7, $0x1;
	s4 =	sadd.s32 s5, s19  }
0xa2: {  	s8 =	simm.s32 $0x0;
	s20 =	sshll.u32 s6, $0x1;
	s6 =	sadd.s32 s21, s4  }
0xa3: {  	[timem:s8], [sflag:s22] =	dma.local [hbm:s6], s20  }
0xa4: {  	_ =	swait.ge [sflag:s22], s20  }
0xa5: {  	s5 =	ssub.s32 $0x0, s20;
	[sflag:s22] =	ssyncset.done $0x0  }
0xa6: {  	[sflag:s22] =	ssyncadd.s32 s5;
	_ =	sdelay $0x1  }
0xa7: {  	s23 =	simm.s32 $0x1B8B  }
0xa8: {  	_ =	swait.ge [sflag:s23], $0x1  }
0xa9: {  	[sflag:s23] =	ssyncset.done $0x0  }
0xaa: {  	s25 =	simm.s32 $0x1B8E;
	s24 =	sld [smem:$0x3FFE];
	[sflag:s23] =	ssyncadd.s32 $0xFFFFFFFF  }
0xab: {  	s26 =	simm.s32 $execute0_lowered;
	[smem:$0x3FD2] =	sst s25  }
0xac: {  	s6 =	sshll.u32 s26, $0x1;
	_ =	strace $0x80000049;
	[dreg:$0x1] =	wrdreg $0xFFFFFFFF  }
0xad: {  	s28 =	simm.s32 $_size_execute0_lowered;
	s4 =	sadd.s32 s4, s6;
	[dreg:$0x0] =	wrdreg $0x0  }
0xae: {  	s6 =	sshll.u32 s28, $0x1;
	[dreg:$0x2] =	wrdreg s4  }
0xaf: {  	[dreg:$0x3] =	wrdreg s6  }
0xb0: {  	[dreg:$0x4] =	wrdreg $0xC0  }
0xb1: {  	_ =	task [dreg:s8], $0x5FFFF  }
0xb2: {  	[dreg:$0x1] =	wrdreg $0xFFFFFFFF  }
0xb3: {  	[dreg:$0x0] =	wrdreg $0x60  }
0xb4: {  	[dreg:$0x2] =	wrdreg s24  }
0xb5: {  	[dreg:$0x3] =	wrdreg s17  }
0xb6: {  	[dreg:$0x4] =	wrdreg s16  }
0xb7: {  	[dreg:$0x5] =	wrdreg $0x9  }
0xb8: {  	_ =	task.clear_ibuf [dreg:s8], $0x6FFFF;
	_ =	strace $0x90000049  }
0xb9: {  	s29 =	simm.s32 $0x9;
	_ =	strace $0x8000004B  }
0xba: {  	_ =	swait.ge [sflag:s29], $0x1  }
0xbb: {  	[sflag:s29] =	ssyncadd.s32 $0xFFFFFFFF  }
0xbc: {  	_ =	strace $0x9000004B  }
0xbd: {  	_ =	sfence  }
0xbe: {  	s30 =	sld [smem:$0x0];
	_ =	sdelay $0x2  }
0xbf: {  	s31 =	sshll.u32 s1, $0xD;
	s1 =	sshrl.u32 s1, $0x2  }
0xc0: {  	s3 =	sand.u32 $0x4000, s31;
	s1 =	sadd.s32 s1, s30  }
0xc1: {  	s0 =	sor.u32 s3, s0;
	s1 =	sshll.u32 s1, $0x11  }
0xc2: {  	s0 =	sor.u32 s1, s0  }
0xc3: {  	s0 =	sadd.s32 $0x8F2B, s0  }
0xc4: {  	[sflag:s0] =	ssyncadd.remote.s32 $0x1  }
0xc5: {  	_ =	sfence.sel $0xFFFF  }
0xc6: {  	[dreg:$0x0] =	wrdreg $0xFFFFFFFF;
	(pc) =	sbr.abs _section_cstart, $3  }
0xc7: {  	[dreg:$0x1] =	wrdreg $0xFFFFFFFF  }
0xc8: {  	_ =	task.clear_ibuf [dreg:s8], $0x2FFFF;
	_ =	strace $0x9FFFFFFF  }
0xc9: {  	(tm) =	ssettm $0x7FFFFFFF  }
tec
execute0_lowered:
.L_overlay_start_1:
0x0: {  	(tag) =	ssettag $0x1  }
0x1: {  	s8 =	rddreg [dreg:$0x0]  }
0x2: {  	s3 =	rddreg [dreg:$0x2];
	s4 =	srdreg.scid  }
0x3: {  	s11 =	stileid.u32;
	s2 =	simm.s32 $0x0;
	s13 =	simm.s32 $0x1  }
0x4: {  	s15 =	simm.s32 $0x1;
	s14 =	simm.s32 $0x1;
	s16 =	simm.s32 $0x1  }
0x5: {  	s18 =	simm.s32 $0x1;
	s17 =	simm.s32 $0x1;
	s19 =	simm.s32 $0x1  }
0x6: {  	s20 =	simm.s32 $0x1;
	s21 =	simm.s32 $0x1;
	s22 =	simm.s32 $0x1  }
0x7: {  	s23 =	simm.s32 $0x1;
	s24 =	simm.s32 $0x1;
	s25 =	simm.s32 $0x1  }
0x8: {  	s26 =	simm.s32 $0x1;
	s28 =	simm.s32 $0x1;
	s29 =	simm.s32 $0x1  }
0x9: {  	s30 =	simm.s32 $0x1;
	s31 =	simm.s32 $0x1;
	s1 =	simm.s32 $0x1  }
0xa: {  	s4 =	sand.u32 $0x1, s4;
	s5 =	sshll.u32 s11, $0x1;
	[smem:$0x7FF] =	sst s2  }
0xb: {  	p0 =	sne.s32 s11, $0x0;
	s7 =	sor.u32 s4, s5;
	_ =	strace $0x8000004A  }
0xc: {  	s6 =	ssub.s32 $0x2, s4;
	s5 =	sshll.u32 s7, $0x3;
	s9 =	sshll.u32 s7, $0x4  }
0xd: {  	s10 =	sshrl.u32 s6, $0x1;
	s12 =	smul.u32 $0xC00, s7;
	p1 =	sne.s32 s7, $0x0  }
0xe: {  	p2 =	sgt.u32 s7, $0x2;
	s4 =	sadd.s32 s5, s8;
	s9 =	sadd.s32 s9, s8  }
0xf: {  	s10 =	ssub.s32 s6, s10;
	s5 =	simm.s32 $0x1;
	s6 =	simm.s32 $0x1  }
0x10: {  	s0 =	sadd.s32 s3, s12;
	s5 =	simm.s32 @!p1 $0x0;
	s12 =	simm.s32 $0x1  }
0x11: {  	s6 =	simm.s32 @!p2 $0x0;
	p2 =	sgt.u32 s11, $0x1;
	s3 =	simm.s32 $0x1  }
0x12: {  	s4 =	sadd.s32 $0x19600, s4;
	s9 =	sadd.s32 $0x49A00, s9;
	s10 =	smax.u32 s10, $0x1  }
0x13: {  	[dreg:$0x4] =	wrdreg s0;
	s12 =	simm.s32 @!p0 $0x0;
	s13 =	simm.s32 @!p2 $0x0  }
0x14: {  	p2 =	sgt.u32 s7, $0x4;
	s0 =	simm.s32 $0x1;
	v0 =	vmov s5;
	s5 =	sadd.s32 $0x19800, s8  }
0x15: {  	v2 =	vmov s6;
	s6 =	sadd.s32 $0x49800, s8;
	s15 =	simm.s32 @!p2 $0x0;
	p2 =	sgt.u32 s11, $0x2  }
0x16: {  	s8 =	sadd.s32 $0x19900, s8;
	s14 =	simm.s32 @!p2 $0x0;
	p2 =	sgt.u32 s7, $0x6  }
0x17: {  	v1 =	vmov s12;
	s12 =	simm.s32 $0x1;
	s16 =	simm.s32 @!p2 $0x0;
	p2 =	sgt.u32 s11, $0x3  }
0x18: {  	v3 =	vmov s13;
	s13 =	simm.s32 $0x1;
	s18 =	simm.s32 @!p2 $0x0;
	p2 =	sgt.u32 s7, $0x8  }
0x19: {  	v4 =	vmov s15;
	s15 =	simm.s32 $0x1;
	s17 =	simm.s32 @!p2 $0x0;
	p2 =	sgt.u32 s11, $0x4  }
0x1a: {  	v5 =	vmov s14;
	s14 =	simm.s32 $0x1;
	s19 =	simm.s32 @!p2 $0x0;
	p2 =	sgt.u32 s7, $0xA  }
0x1b: {  	v6 =	vmov s16;
	s16 =	simm.s32 $0x1;
	s20 =	simm.s32 @!p2 $0x0;
	p2 =	sgt.u32 s11, $0x5  }
0x1c: {  	v7 =	vmov s18;
	s18 =	simm.s32 $0x3500;
	s21 =	simm.s32 @!p2 $0x0;
	p2 =	sgt.u32 s7, $0xC  }
0x1d: {  	v8 =	vmov s17;
	s17 =	simm.s32 $0x1;
	s22 =	simm.s32 @!p2 $0x0;
	p2 =	sgt.u32 s11, $0x6  }
0x1e: {  	v9 =	vmov s19;
	s19 =	simm.s32 $0x3D00;
	s23 =	simm.s32 @!p2 $0x0;
	p2 =	sgt.u32 s7, $0xE  }
0x1f: {  	v10 =	vmov s20;
	s20 =	simm.s32 $0x4100;
	s24 =	simm.s32 @!p2 $0x0;
	p2 =	sgt.u32 s11, $0x7  }
0x20: {  	v11 =	vmov s21;
	s21 =	simm.s32 $0x4900;
	s25 =	simm.s32 @!p2 $0x0;
	p2 =	sgt.u32 s7, $0x10  }
0x21: {  	v12 =	vmov s22;
	s22 =	simm.s32 $0x4D00;
	s26 =	simm.s32 @!p2 $0x0;
	p2 =	sgt.u32 s11, $0x8  }
0x22: {  	v13 =	vmov s23;
	s23 =	simm.s32 $0x5500;
	s28 =	simm.s32 @!p2 $0x0;
	p2 =	sgt.u32 s7, $0x12  }
0x23: {  	v14 =	vmov s24;
	s24 =	simm.s32 $0x5900;
	s29 =	simm.s32 @!p2 $0x0;
	p2 =	sgt.u32 s11, $0x9  }
0x24: {  	v15 =	vmov s25;
	s25 =	simm.s32 $0x6100;
	s30 =	simm.s32 @!p2 $0x0;
	p2 =	sgt.u32 s7, $0x14  }
0x25: {  	v16 =	vmov s26;
	s26 =	simm.s32 $0x6500;
	s31 =	simm.s32 @!p2 $0x0;
	p2 =	sgt.u32 s11, $0xA  }
0x26: {  	vm0 =	vmmov $0xffff;
	v17 =	vmov s28;
	s28 =	simm.s32 $0x6D00;
	s0 =	simm.s32 @!p2 $0x0;
	p2 =	sgt.u32 s7, $0x16  }
0x27: {  	v31 =	vimm.s32 $0x0;
	v32 =	vimm.s32 $0x0;
	v18 =	vmov s29;
	s29 =	simm.s32 $0x1080;
	s1 =	simm.s32 @!p2 $0x0;
	p2 =	sgt.u32 s11, $0xB  }
0x28: {  	v35 =	vimm.s32 $0x0;
	vm3 =	vcmask $0x308;
	v19 =	vmov s30;
	s30 =	rddreg [dreg:$0x4];
	s3 =	simm.s32 @!p2 $0x0;
	p2 =	sgt.u32 s7, $0x18  }
0x29: {  	vm4 =	vcmask $0x70C;
	vm5 =	vcmask $0xB10;
	v20 =	vmov s31;
	s31 =	rddreg [dreg:$0x1];
	s12 =	simm.s32 @!p2 $0x0;
	p2 =	sgt.u32 s11, $0xC  }
0x2a: {  	v31 =	vsel vm0, $0xFFFFFFFF, v31;
	vm0 =	vmmov $0x1;
	v21 =	vmov s0;
	s0 =	simm.s32 $0x1;
	s13 =	simm.s32 @!p2 $0x0;
	p2 =	sgt.u32 s7, $0x1A  }
0x2b: {  	[tilespmem:$0x1FFD0] =	vst v31;
	v32 =	vsel vm0, $0xFFFFFFFF, v32;
	vm0 =	vmmov $0xff;
	v24 =	vmov s12;
	s12 =	simm.s32 $0x1100;
	s14 =	simm.s32 @!p2 $0x0;
	p2 =	sgt.u32 s11, $0xD  }
.Ltmp0:
0x2c: {  	v31 =	vimm.s32 $0x0;
	[tilespmem:$0x1FFE0] =	vst v32;
	v32 =	vlaneseq.u32;
	v35 =	vsel vm0, $0xFFFFFFFF, v35;
	s15 =	simm.s32 @!p2 $0x0;
	p2 =	sgt.u32 s7, $0x1C;
	(pc) =	sbr.rel .LBB2_1-.Ltmp0, $4  }
0x2d: {  	v33 =	vand.u32 $0x7, v32;
	v34 =	vshrl.u32 v32, $0x3;
	v25 =	vmov s13;
	s13 =	simm.s32 $0x1900;
	s16 =	simm.s32 @!p2 $0x0;
	p2 =	seq.s32 s11, $0xF  }
0x2e: {  	[tilespmem:$0x1FFF0] =	vst v35;
	v35 =	vor.u32 $0x8, v32;
	v34 =	vmul.u32 $0x8, v34;
	v26 =	vmov s14;
	s14 =	simm.s32 $0x1D00;
	s17 =	simm.s32 @!p2 $0x0;
	p2 =	seq.s32 s7, $0x1F  }
0x2f: {  	v22 =	vmov s1;
	v23 =	vmov s3;
	v27 =	vmov s15;
	s11 =	simm.s32 $0x80;
	s15 =	simm.s32 $0x2500;
	s0 =	simm.s32 @!p2 $0x0  }
0x30: {  	s7 =	simm.s32 $0x1;
	v28 =	vmov s16;
	s16 =	simm.s32 $0x2900;
	v29 =	vmov s17;
	s17 =	simm.s32 $0x3100;
	v30 =	vmov s0  }
.LBB2_3:
0x31: {  	s10 =	sadd.s32 $0xFFFFFFFF, s10  }
0x32: {  	p2 =	sne.s32 s10, $0x0  }
.Ltmp1:
0x33: {  	_ = 	snop;
	(pc) =	sbr.rel @!p2 .LBB2_4-.Ltmp1, $1  }
0x34: {  	_ =	sdelay $0x3  }
.LBB2_1:
0x35: {  	[tilespmem:s2], [sflag:$0x1] =	stream.linear.gather [hbm4b:s4+s2], $0x40, $0x38;
	[tilespmem:$0x7180] =	vst v63  }
0x36: {  	_ =	swait.ge [sflag:s7], $0x40  }
0x37: {  	[sflag:s7] =	ssyncset.done $0x0  }
0x38: {  	[sflag:s7] =	ssyncadd.s32 $0xFFFFFFC0  }
0x39: {  	[tilespmem:s11], [sflag:$0x1] =	stream.linear.gather [hbm4b:s31+s2], $0x1000, $0x38;
	[tilespmem:$0x7180] =	vst v63  }
0x3a: {  	_ =	swait.ge [sflag:s7], $0x1000  }
0x3b: {  	[sflag:s7] =	ssyncset.done $0x0  }
0x3c: {  	[sflag:s7] =	ssyncadd.s32 $0xFFFFF000  }
0x3d: {  	[tilespmem:s12], [sflag:$0x1] =	stream.linear.gather [hbm4b:s30+s2], $0x6000, $0x38;
	[tilespmem:$0x7180] =	vst v63  }
0x3e: {  	_ =	swait.ge [sflag:s7], $0x6000  }
0x3f: {  	[sflag:s7] =	ssyncset.done $0x0  }
0x40: {  	[sflag:s7] =	ssyncadd.s32 $0xFFFFA000  }
0x41: {  	v36 =	vld [tilespmem:$0x80]  }
0x42: {  	v37 =	vld [tilespmem:$0x100]  }
0x43: {  	v38 =	vld [tilespmem:$0x180]  }
0x44: {  	v39 =	vld [tilespmem:$0x200]  }
0x45: {  	v40 =	vld [tilespmem:$0x280]  }
0x46: {  	v41 =	vld [tilespmem:$0x300]  }
0x47: {  	v42 =	vld [tilespmem:$0x380];
	v43 =	vadd.s32 v37, v36  }
0x48: {  	v44 =	vld [tilespmem:$0x400];
	v43 =	vadd.s32 v38, v43  }
0x49: {  	v45 =	vld [tilespmem:$0x480];
	v43 =	vadd.s32 v39, v43  }
0x4a: {  	v46 =	vld [tilespmem:$0x500];
	v43 =	vadd.s32 v40, v43  }
0x4b: {  	v47 =	vld [tilespmem:$0x580];
	v43 =	vadd.s32 v41, v43  }
0x4c: {  	v48 =	vld [tilespmem:$0x600];
	v43 =	vadd.s32 v42, v43  }
0x4d: {  	v49 =	vld [tilespmem:$0x680];
	v43 =	vadd.s32 v44, v43  }
0x4e: {  	v50 =	vld [tilespmem:$0x700];
	v43 =	vadd.s32 v45, v43  }
0x4f: {  	v51 =	vld [tilespmem:$0x780];
	v43 =	vadd.s32 v46, v43  }
0x50: {  	v52 =	vld [tilespmem:$0x800];
	v36 =	vmul.u32 v0, v36;
	v37 =	vmul.u32 v1, v37;
	v43 =	vadd.s32 v47, v43  }
0x51: {  	v53 =	vld [tilespmem:$0x880];
	v38 =	vmul.u32 v2, v38;
	v43 =	vadd.s32 v48, v43  }
0x52: {  	v55 =	vmul.u32 v3, v39;
	v36 =	vadd.s32 v36, v37;
	v39 =	vld [tilespmem:$0x900];
	v43 =	vadd.s32 v49, v43  }
0x53: {  	v56 =	vmul.u32 v4, v40;
	v36 =	vadd.s32 v38, v36;
	v40 =	vld [tilespmem:$0x980];
	v43 =	vadd.s32 v50, v43  }
0x54: {  	v57 =	vmul.u32 v5, v41;
	v36 =	vadd.s32 v55, v36;
	v41 =	vld [tilespmem:$0xA00];
	v43 =	vadd.s32 v51, v43  }
0x55: {  	v58 =	vmul.u32 v6, v42;
	v36 =	vadd.s32 v56, v36;
	v42 =	vld [tilespmem:$0xA80];
	v43 =	vadd.s32 v52, v43  }
0x56: {  	v59 =	vmul.u32 v7, v44;
	v36 =	vadd.s32 v57, v36;
	v44 =	vld [tilespmem:$0xB00];
	v43 =	vadd.s32 v53, v43  }
0x57: {  	v60 =	vmul.u32 v8, v45;
	v36 =	vadd.s32 v58, v36;
	v45 =	vld [tilespmem:$0xB80];
	v43 =	vadd.s32 v39, v43  }
0x58: {  	v61 =	vmul.u32 v9, v46;
	v36 =	vadd.s32 v59, v36;
	v46 =	vld [tilespmem:$0xC00];
	v43 =	vadd.s32 v40, v43  }
0x59: {  	v62 =	vmul.u32 v10, v47;
	v36 =	vadd.s32 v60, v36;
	v47 =	vld [tilespmem:$0xC80];
	v43 =	vadd.s32 v41, v43  }
0x5a: {  	v63 =	vmul.u32 v11, v48;
	v36 =	vadd.s32 v61, v36;
	v48 =	vld [tilespmem:$0xD00];
	v43 =	vadd.s32 v42, v43  }
0x5b: {  	v54 =	vmul.u32 v12, v49;
	v36 =	vadd.s32 v62, v36;
	v49 =	vld [tilespmem:$0xD80];
	v43 =	vadd.s32 v44, v43  }
0x5c: {  	v55 =	vmul.u32 v13, v50;
	v36 =	vadd.s32 v63, v36;
	v50 =	vld [tilespmem:$0xE00];
	v43 =	vadd.s32 v45, v43  }
0x5d: {  	v56 =	vmul.u32 v14, v51;
	v36 =	vadd.s32 v54, v36;
	v51 =	vld [tilespmem:$0xE80];
	v43 =	vadd.s32 v46, v43  }
0x5e: {  	v57 =	vmul.u32 v15, v52;
	v36 =	vadd.s32 v55, v36;
	v52 =	vld [tilespmem:$0xF00];
	v43 =	vadd.s32 v47, v43  }
0x5f: {  	v58 =	vmul.u32 v16, v53;
	v36 =	vadd.s32 v56, v36;
	v53 =	vld [tilespmem:$0xF80];
	v43 =	vadd.s32 v48, v43  }
0x60: {  	v59 =	vmul.u32 v17, v39;
	v60 =	vld [tilespmem:$0x1000];
	v36 =	vadd.s32 v57, v36;
	v43 =	vadd.s32 v49, v43  }
0x61: {  	v61 =	vmul.u32 v18, v40;
	v36 =	vadd.s32 v58, v36;
	v62 =	vadd.s32 v50, v43  }
0x62: {  	v63 =	vmul.u32 v19, v41;
	v36 =	vadd.s32 v59, v36;
	v40 =	vadd.s32 v51, v62  }
0x63: {  	v54 =	vmul.u32 v20, v42;
	v36 =	vadd.s32 v61, v36;
	v40 =	vadd.s32 v52, v40  }
0x64: {  	v55 =	vmul.u32 v21, v44;
	v36 =	vadd.s32 v63, v36;
	v40 =	vadd.s32 v53, v40  }
0x65: {  	v56 =	vmul.u32 v22, v45;
	v36 =	vadd.s32 v54, v36;
	v39 =	vadd.s32 v60, v40  }
0x66: {  	v57 =	vmul.u32 v23, v46;
	v36 =	vadd.s32 v55, v36;
	v39 =	vadd.s32 $0xFF, v39  }
0x67: {  	v58 =	vmul.u32 v24, v47;
	v38 =	vadd.s32 v56, v36;
	v36 =	vand.u32 $0xFFFFFF00, v39  }
0x68: {  	v59 =	vmul.u32 v25, v48;
	v46 =	vld [tilespmem:$0x1FFE0];
	v37 =	vadd.s32 v57, v38;
	(xrf0) =	vadd.scan.msk.s32 $0xffff, v36  }
0x69: {  	v37 =	vadd.s32 v58, v37;
	v60 =	vmul.u32 v26, v49;
	v40 =	vld [tilespmem:$0x0]  }
0x6a: {  	vm6 =	vcmask $0xF14;
	v61 =	vmul.u32 v27, v50;
	v37 =	vadd.s32 v59, v37  }
0x6b: {  	vm1 =	vcmask $0x171C;
	v62 =	vmul.u32 v28, v51;
	v37 =	vadd.s32 v60, v37  }
0x6c: {  	vm0 =	vcmask $0xF14;
	v63 =	vmul.u32 v29, v52;
	v37 =	vadd.s32 v61, v37  }
0x6d: {  	v42 =	vmul.u32 v30, v53;
	vm9 =	vnez.u8 v46;
	v37 =	vadd.s32 v62, v37  }
0x6e: {  	v37 =	vadd.s32 v63, v37;
	vm12 =	veq.s32 v40, $0x0;
	vm11 =	veq.s32 v40, $0x1;
	v43, _, _ =	vpop (xrf0)  }
0x6f: {  	v39 =	vadd.s32 v42, v37;
	v44 =	vmpcnt.ones.xlane vm12;
	v37 =	vsub.s32 v43, v36  }
0x70: {  	vm7 =	veq.s32 v40, $0x2;
	v45 =	vsel vm12, $0x1, v31;
	v39 =	vadd.s32 v37, v39  }
0x71: {  	vm8 =	veq.s32 v40, $0x3;
	v38 =	vnsel vm9, $0x0, v44;
	(xrf0) =	vadd.scan.msk.s32 $0xffff, v45;
	v41 =	vnsel vm9, $0x0, v39  }
0x72: {  	v47 =	vmpcnt.ones.xlane vm11;
	v48 =	vsel vm11, $0x1, v31;
	v38 =	vadd.s32 v38, v39;
	(xrf0) =	vadd.scan.msk.s32 $0xffff, v41  }
0x73: {  	vm2 =	veq.s32 v40, $0x4;
	vm13 =	veq.s32 v40, $0x5;
	v49 =	vsel vm3, $0x0, v38;
	(xrf0) =	vadd.scan.msk.s32 $0xffff, v48  }
0x74: {  	v51 =	vmpcnt.ones.xlane vm7;
	v52 =	vsel vm7, $0x1, v31;
	v50 =	vsel vm3, $0x0, v47;
	(xrf0) =	vadd.scan.msk.s32 $0xffff, v49  }
0x75: {  	v55 =	vmpcnt.ones.xlane vm8;
	v56 =	vsel vm8, $0x1, v31;
	v38 =	vadd.s32 v50, v38  }
0x76: {  	v59 =	vmpcnt.ones.xlane vm2;
	v54 =	vsel vm4, $0x0, v51;
	v53 =	vsel vm4, $0x0, v38;
	(xrf0) =	vadd.scan.msk.s32 $0xffff, v52  }
0x77: {  	v61 =	vsel vm2, $0x1, v31;
	v42 =	vsel vm5, $0x0, v55;
	v38 =	vadd.s32 v54, v38;
	v57, _, _ =	vpop (xrf0);
	(xrf0) =	vadd.scan.msk.s32 $0xffff, v53  }
0x78: {  	v43 =	vsel vm6, $0x0, v59;
	v58 =	vsel vm5, $0x0, v38;
	v38 =	vadd.s32 v42, v38;
	(xrf0) =	vadd.scan.msk.s32 $0xffff, v56;
	v60, _, _ =	vpop (xrf0)  }
0x79: {  	v49 =	vsel vm13, $0x1, v31;
	v53 =	vmpcnt.ones.xlane vm13;
	(xrf0) =	vadd.scan.msk.s32 $0xffff, v58;
	v62, _, _ =	vpop (xrf0);
	v44 =	vadd.s32 $0xFFFFFFFF, v60  }
0x7a: {  	v63 =	vsel vm6, $0x0, v38;
	v38 =	vadd.s32 v43, v38;
	vm6 =	vcmask $0x1318;
	(xrf0) =	vadd.scan.msk.s32 $0xffff, v61;
	v48, _, _ =	vpop (xrf0)  }
0x7b: {  	v39 =	vsel vm6, $0x0, v53;
	(xrf0) =	vadd.scan.msk.s32 $0xffff, v63;
	v50 =	vbroadcast v44, $0xF;
	v45 =	vadd.s32 $0xFFFFFFFF, v48  }
0x7c: {  	v51 =	vsel vm6, $0x0, v38;
	v38 =	vadd.s32 v39, v38;
	v44, _, _ =	vpop (xrf0);
	(xrf0) =	vadd.scan.msk.s32 $0xffff, v49;
	v45 =	vbroadcast v45, $0xF  }
0x7d: {  	vm10 =	veq.s32 v40, $0x6;
	v59 =	vsel vm1, $0x0, v38;
	v41 =	vadd.s32 v57, v50;
	v52, _, _ =	vpop (xrf0);
	(xrf0) =	vadd.scan.msk.s32 $0xffff, v51  }
0x7e: {  	v41 =	vnsel vm12, $0x0, v41;
	v54, _, _ =	vpop (xrf0);
	v46 =	vadd.s32 $0xFFFFFFFF, v52;
	v42 =	vadd.s32 v62, v45  }
0x7f: {  	v57 =	vsel vm10, $0x1, v31;
	v55, _, _ =	vpop (xrf0);
	v60 =	vbroadcast v46, $0xF;
	v63 =	vsel vm11, v42, v41  }
0x80: {  	vm11 =	veq.s32 v40, $0x7;
	v56, _, _ =	vpop (xrf0);
	(xrf0) =	vadd.scan.msk.s32 $0xffff, v57;
	v61 =	vadd.s32 $0xFFFFFFFF, v55;
	v57 =	vmpcnt.ones.xlane vm10  }
0x81: {  	v58, _, _ =	vpop (xrf0);
	v50 =	vbroadcast v61, $0xF;
	v44 =	vadd.s32 v44, v60;
	v60 =	vmpcnt.ones.xlane vm11  }
0x82: {  	v61 =	vsel vm11, $0x1, v31;
	v62, _, _ =	vpop (xrf0);
	v51 =	vadd.s32 $0xFFFFFFFF, v58;
	v39 =	vsel vm7, v44, v63;
	v44 =	vld [tilespmem:$0x10]  }
0x83: {  	(xrf0) =	vadd.scan.msk.s32 $0xffff, v59;
	v59 =	vsel vm1, $0x0, v57;
	v52, _, _ =	vpop (xrf0);
	v42 =	vbroadcast v51, $0xF;
	v41 =	vadd.s32 v54, v50  }
0x84: {  	v53 =	vadd.s32 $0xFFFFFFFF, v52;
	v39 =	vsel vm8, v41, v39;
	vm8 =	vmmov vm1  }
0x85: {  	vm1 =	vcmask $0x1B20;
	v54 =	vbroadcast v53, $0xF;
	v55 =	vadd.s32 v56, v42  }
0x86: {  	v38 =	vadd.s32 v59, v38;
	v43 =	vsel vm1, $0x0, v60;
	v39 =	vsel vm2, v55, v39  }
0x87: {  	v56 =	vadd.s32 v62, v54;
	vm12 =	veq.s32 v44, $0x0;
	v62 =	vsel vm1, $0x0, v38  }
0x88: {  	v38 =	vadd.s32 v43, v38;
	vm14 =	veq.s32 v44, $0x2;
	vm15 =	veq.s32 v44, $0x3  }
0x89: {  	vm7 =	veq.s32 v44, $0x4;
	vm2 =	veq.s32 v44, $0x5;
	v39 =	vsel vm13, v56, v39  }
0x8a: {  	(xrf0) =	vadd.scan.msk.s32 $0xffff, v61;
	v63 =	vmpcnt.ones.xlane vm12;
	v48 =	vsel vm12, $0x1, v31;
	vm13 =	veq.s32 v44, $0x1  }
0x8b: {  	(xrf0) =	vadd.scan.msk.s32 $0xffff, v62;
	v49 =	vnsel vm9, $0x0, v38;
	v55 =	vmpcnt.ones.xlane vm14;
	v56 =	vsel vm14, $0x1, v31  }
0x8c: {  	v42, _, _ =	vpop (xrf0);
	v60 =	vsel vm15, $0x1, v31;
	(xrf0) =	vadd.scan.msk.s32 $0xffff, v48;
	v51 =	vmpcnt.ones.xlane vm13;
	v50 =	vnsel vm9, $0x0, v63  }
0x8d: {  	v58, _, _ =	vpop (xrf0);
	v62 =	vmpcnt.ones.xlane vm7;
	v52 =	vsel vm13, $0x1, v31;
	(xrf0) =	vadd.scan.msk.s32 $0xffff, v49;
	v38 =	vadd.s32 v50, v38  }
0x8e: {  	v40 =	vadd.s32 $0xFFFFFFFF, v58;
	(xrf0) =	vadd.scan.msk.s32 $0xffff, v52;
	v54 =	vsel vm3, $0x0, v51;
	v53 =	vsel vm3, $0x0, v38  }
0x8f: {  	v58 =	vmpcnt.ones.xlane vm15;
	v45 =	vsel vm4, $0x0, v55;
	v38 =	vadd.s32 v54, v38;
	(xrf0) =	vadd.scan.msk.s32 $0xffff, v53  }
0x90: {  	v43, _, _ =	vpop (xrf0);
	v40 =	vbroadcast v40, $0xF;
	v48 =	vsel vm0, $0x0, v62;
	v57 =	vsel vm4, $0x0, v38;
	(xrf0) =	vadd.scan.msk.s32 $0xffff, v56  }
0x91: {  	v46 =	vsel vm5, $0x0, v58;
	v51 =	vsel vm7, $0x1, v31;
	v38 =	vadd.s32 v45, v38;
	v59, _, _ =	vpop (xrf0);
	(xrf0) =	vadd.scan.msk.s32 $0xffff, v57  }
0x92: {  	v40 =	vadd.s32 v42, v40;
	v54 =	vsel vm2, $0x1, v31;
	v61 =	vsel vm5, $0x0, v38;
	v45, _, _ =	vpop (xrf0);
	(xrf0) =	vadd.scan.msk.s32 $0xffff, v60  }
0x93: {  	v39 =	vsel vm10, v40, v39;
	vm10 =	veq.s32 v44, $0x6;
	v38 =	vadd.s32 v46, v38;
	v63, _, _ =	vpop (xrf0);
	(xrf0) =	vadd.scan.msk.s32 $0xffff, v61  }
0x94: {  	v56 =	vmpcnt.ones.xlane vm2;
	v52 =	vsel vm0, $0x0, v38;
	v38 =	vadd.s32 v48, v38;
	v46, _, _ =	vpop (xrf0);
	(xrf0) =	vadd.scan.msk.s32 $0xffff, v51  }
0x95: {  	v62 =	vsel vm10, $0x1, v31;
	v47 =	vadd.s32 $0xFFFFFFFF, v59;
	v55 =	vsel vm6, $0x0, v38;
	v53, _, _ =	vpop (xrf0);
	(xrf0) =	vadd.scan.msk.s32 $0xffff, v52  }
0x96: {  	v57 =	vbroadcast v47, $0xF;
	v50 =	vsel vm6, $0x0, v56;
	v58 =	vadd.s32 $0xFFFFFFFF, v63;
	v48, _, _ =	vpop (xrf0)  }
0x97: {  	v50 =	vadd.s32 v50, v38;
	v60 =	vbroadcast v58, $0xF;
	(xrf0) =	vadd.scan.msk.s32 $0xffff, v54;
	v42 =	vadd.s32 $0xFFFFFFFF, v53;
	v59, _, _ =	vpop (xrf0)  }
0x98: {  	v63 =	vsel vm8, $0x0, v50;
	(xrf0) =	vadd.scan.msk.s32 $0xffff, v55;
	v42 =	vbroadcast v42, $0xF;
	v47, _, _ =	vpop (xrf0);
	v52 =	vadd.s32 $0xFFFFFFFF, v59  }
0x99: {  	v40 =	vadd.s32 v43, v57;
	v41 =	vadd.s32 v45, v60;
	v61, _, _ =	vpop (xrf0);
	v55 =	vbroadcast v52, $0xF  }
0x9a: {  	v51 =	vmpcnt.ones.xlane vm10;
	v41 =	vnsel vm12, $0x0, v41;
	v54 =	vadd.s32 v46, v42;
	v45, _, _ =	vpop (xrf0)  }
0x9b: {  	v56 =	vadd.s32 $0xFFFFFFFF, v61;
	v38 =	vsel vm13, v54, v41;
	v53, _, _ =	vpop (xrf0);
	v42 =	vadd.s32 v48, v55  }
0x9c: {  	v58 =	vbroadcast v56, $0xF;
	v59 =	vadd.s32 $0xFFFFFFFF, v53;
	v42 =	vsel vm14, v42, v38  }
0x9d: {  	v48 =	vld [tilespmem:$0x20];
	v57, _, _ =	vpop (xrf0);
	v38 =	vsel vm11, v40, v39;
	vm11 =	veq.s32 v44, $0x7;
	v53 =	vsel vm8, $0x0, v51  }
0x9e: {  	(xrf0) =	vadd.scan.msk.s32 $0xffff, v62;
	v60, _, _ =	vpop (xrf0);
	v43 =	vbroadcast v59, $0xF;
	v41 =	vadd.s32 v47, v58;
	v54 =	vmpcnt.ones.xlane vm11  }
0x9f: {  	(xrf0) =	vadd.scan.msk.s32 $0xffff, v63;
	v44 =	vsel vm11, $0x1, v31;
	v61 =	vadd.s32 $0xFFFFFFFF, v60;
	v63 =	vsel vm15, v41, v42  }
0xa0: {  	v42 =	vadd.s32 v53, v50;
	v62 =	vbroadcast v61, $0xF;
	v45 =	vadd.s32 v45, v43  }
0xa1: {  	v55 =	vsel vm1, $0x0, v42;
	v43 =	vsel vm1, $0x0, v54;
	v39 =	vsel vm7, v45, v63  }
0xa2: {  	vm13 =	veq.s32 v48, $0x0;
	v42 =	vadd.s32 v43, v42;
	vm14 =	veq.s32 v48, $0x1  }
0xa3: {  	vm15 =	veq.s32 v48, $0x2;
	vm7 =	veq.s32 v48, $0x3;
	vm8 =	veq.s32 v48, $0x4  }
0xa4: {  	vm12 =	veq.s32 v48, $0x6;
	v47 =	vadd.s32 v57, v62;
	v56 =	vmpcnt.ones.xlane vm13  }
0xa5: {  	(xrf0) =	vadd.scan.msk.s32 $0xffff, v44;
	v57 =	vsel vm13, $0x1, v31;
	v58 =	vnsel vm9, $0x0, v42;
	v60 =	vmpcnt.ones.xlane vm14  }
0xa6: {  	v41, _, _ =	vpop (xrf0);
	(xrf0) =	vadd.scan.msk.s32 $0xffff, v55;
	v61 =	vsel vm14, $0x1, v31;
	v50 =	vsel vm15, $0x1, v31;
	v53 =	vsel vm7, $0x1, v31  }
0xa7: {  	v49, _, _ =	vpop (xrf0);
	v55 =	vmpcnt.ones.xlane vm8;
	v39 =	vsel vm2, v47, v39;
	(xrf0) =	vadd.scan.msk.s32 $0xffff, v57;
	v59 =	vnsel vm9, $0x0, v56  }
0xa8: {  	v52 =	vadd.s32 $0xFFFFFFFF, v49;
	v49 =	vmpcnt.ones.xlane vm15;
	(xrf0) =	vadd.scan.msk.s32 $0xffff, v58;
	v42 =	vadd.s32 v59, v42  }
0xa9: {  	v40 =	vbroadcast v52, $0xF;
	v63 =	vsel vm3, $0x0, v60;
	(xrf0) =	vadd.scan.msk.s32 $0xffff, v61;
	v62 =	vsel vm3, $0x0, v42  }
0xaa: {  	v52 =	vmpcnt.ones.xlane vm7;
	v45 =	vsel vm4, $0x0, v49;
	v42 =	vadd.s32 v63, v42;
	(xrf0) =	vadd.scan.msk.s32 $0xffff, v62  }
0xab: {  	v57 =	vsel vm8, $0x1, v31;
	vm2 =	veq.s32 v48, $0x5;
	v44, _, _ =	vpop (xrf0);
	v51 =	vsel vm4, $0x0, v42;
	(xrf0) =	vadd.scan.msk.s32 $0xffff, v50  }
0xac: {  	v49 =	vsel vm0, $0x0, v55;
	v46 =	vsel vm5, $0x0, v52;
	v47, _, _ =	vpop (xrf0);
	v42 =	vadd.s32 v45, v42;
	(xrf0) =	vadd.scan.msk.s32 $0xffff, v51  }
0xad: {  	v59 =	vmpcnt.ones.xlane vm2;
	v61 =	vsel vm2, $0x1, v31;
	v54 =	vsel vm5, $0x0, v42;
	v45, _, _ =	vpop (xrf0);
	(xrf0) =	vadd.scan.msk.s32 $0xffff, v53  }
0xae: {  	v55 =	vsel vm12, $0x1, v31;
	v40 =	vadd.s32 v41, v40;
	v42 =	vadd.s32 v46, v42;
	v56, _, _ =	vpop (xrf0);
	(xrf0) =	vadd.scan.msk.s32 $0xffff, v54  }
0xaf: {  	v39 =	vsel vm10, v40, v39;
	vm10 =	veq.s32 v48, $0x7;
	v58 =	vsel vm0, $0x0, v42;
	v46, _, _ =	vpop (xrf0);
	(xrf0) =	vadd.scan.msk.s32 $0xffff, v57  }
0xb0: {  	v47 =	vadd.s32 $0xFFFFFFFF, v47;
	v42 =	vadd.s32 v49, v42;
	v51 =	vsel vm6, $0x0, v59;
	v60, _, _ =	vpop (xrf0);
	(xrf0) =	vadd.scan.msk.s32 $0xffff, v58  }
0xb1: {  	vm0 =	vcmask $0x171C;
	v40 =	vbroadcast v47, $0xF;
	v62 =	vsel vm6, $0x0, v42;
	v49, _, _ =	vpop (xrf0)  }
0xb2: {  	v42 =	vadd.s32 v51, v42;
	v53 =	vmpcnt.ones.xlane vm10;
	v50 =	vadd.s32 $0xFFFFFFFF, v56;
	(xrf0) =	vadd.scan.msk.s32 $0xffff, v61;
	v63, _, _ =	vpop (xrf0)  }
0xb3: {  	v56 =	vsel vm0, $0x0, v42;
	v50 =	vbroadcast v50, $0xF;
	v41 =	vadd.s32 $0xFFFFFFFF, v60;
	(xrf0) =	vadd.scan.msk.s32 $0xffff, v62;
	v51, _, _ =	vpop (xrf0)  }
0xb4: {  	v40 =	vadd.s32 v44, v40;
	v41 =	vbroadcast v41, $0xF;
	(xrf0) =	vadd.scan.msk.s32 $0xffff, v55;
	v59 =	vadd.s32 $0xFFFFFFFF, v63;
	v57, _, _ =	vpop (xrf0)  }
0xb5: {  	v39 =	vsel vm11, v40, v39;
	v58 =	vadd.s32 v45, v50;
	(xrf0) =	vadd.scan.msk.s32 $0xffff, v56;
	v45 =	vbroadcast v59, $0xF;
	v60, _, _ =	vpop (xrf0)  }
0xb6: {  	v43 =	vnsel vm13, $0x0, v58;
	v41 =	vadd.s32 v46, v41;
	v47 =	vadd.s32 $0xFFFFFFFF, v57;
	v61, _, _ =	vpop (xrf0)  }
0xb7: {  	v62 =	vbroadcast v47, $0xF;
	v54 =	vadd.s32 v49, v45;
	v49 =	vld [tilespmem:$0x30];
	v63 =	vadd.s32 $0xFFFFFFFF, v61  }
0xb8: {  	v44 =	vsel vm1, $0x0, v53;
	v41 =	vsel vm14, v41, v43;
	v52, _, _ =	vpop (xrf0);
	v55 =	vbroadcast v63, $0xF  }
0xb9: {  	v41 =	vsel vm15, v54, v41;
	v54 =	vsel vm10, $0x1, v31;
	v56, _, _ =	vpop (xrf0);
	v57 =	vadd.s32 v51, v62  }
0xba: {  	v58 =	vadd.s32 $0xFFFFFFFF, v56;
	v59, _, _ =	vpop (xrf0);
	v41 =	vsel vm7, v57, v41;
	v60 =	vadd.s32 v60, v55  }
0xbb: {  	v51 =	vmpcnt.ones.xlane vm12;
	v61 =	vbroadcast v58, $0xF;
	v62, _, _ =	vpop (xrf0);
	v41 =	vsel vm8, v60, v41  }
0xbc: {  	v63 =	vadd.s32 $0xFFFFFFFF, v62;
	vm11 =	veq.s32 v49, $0x0;
	vm13 =	veq.s32 v49, $0x1  }
0xbd: {  	vm14 =	veq.s32 v49, $0x2;
	v50 =	vadd.s32 v52, v61;
	v52 =	vsel vm0, $0x0, v51  }
0xbe: {  	vm15 =	veq.s32 v49, $0x3;
	v43 =	vbroadcast v63, $0xF;
	v42 =	vadd.s32 v52, v42  }
0xbf: {  	(xrf0) =	vadd.scan.msk.s32 $0xffff, v54;
	v56 =	vmpcnt.ones.xlane vm11;
	v57 =	vsel vm11, $0x1, v31;
	v55 =	vsel vm1, $0x0, v42  }
0xc0: {  	v60 =	vmpcnt.ones.xlane vm13;
	v40 =	vsel vm2, v50, v41;
	v42 =	vadd.s32 v44, v42;
	(xrf0) =	vadd.scan.msk.s32 $0xffff, v55  }
0xc1: {  	v41 =	vadd.s32 v59, v43;
	v59 =	vnsel vm9, $0x0, v56;
	v58 =	vnsel vm9, $0x0, v42;
	(xrf0) =	vadd.scan.msk.s32 $0xffff, v57  }
0xc2: {  	v61 =	vsel vm13, $0x1, v31;
	v48 =	vmpcnt.ones.xlane vm14;
	v42 =	vadd.s32 v42, v59;
	(xrf0) =	vadd.scan.msk.s32 $0xffff, v58  }
0xc3: {  	vm7 =	veq.s32 v49, $0x5;
	v63 =	vsel vm3, $0x0, v60;
	v62 =	vsel vm3, $0x0, v42;
	(xrf0) =	vadd.scan.msk.s32 $0xffff, v61  }
0xc4: {  	v50 =	vsel vm14, $0x1, v31;
	v45 =	vsel vm4, $0x0, v48;
	v42 =	vadd.s32 v63, v42;
	(xrf0) =	vadd.scan.msk.s32 $0xffff, v62  }
0xc5: {  	v53 =	vsel vm15, $0x1, v31;
	v52 =	vmpcnt.ones.xlane vm15;
	v44, _, _ =	vpop (xrf0);
	v51 =	vsel vm4, $0x0, v42;
	(xrf0) =	vadd.scan.msk.s32 $0xffff, v50  }
0xc6: {  	vm2 =	veq.s32 v49, $0x4;
	v40 =	vsel vm12, v41, v40;
	v42 =	vadd.s32 v45, v42;
	v41, _, _ =	vpop (xrf0);
	(xrf0) =	vadd.scan.msk.s32 $0xffff, v51  }
0xc7: {  	v46 =	vsel vm5, $0x0, v52;
	v57 =	vmpcnt.ones.xlane vm2;
	v54 =	vsel vm5, $0x0, v42;
	v45, _, _ =	vpop (xrf0);
	(xrf0) =	vadd.scan.msk.s32 $0xffff, v53  }
0xc8: {  	vm0 =	vcmask $0xF14;
	v56 =	vsel vm2, $0x1, v31;
	v42 =	vadd.s32 v46, v42;
	v55, _, _ =	vpop (xrf0);
	(xrf0) =	vadd.scan.msk.s32 $0xffff, v54  }
0xc9: {  	v60 =	vsel vm0, $0x0, v57;
	v61 =	vmpcnt.ones.xlane vm7;
	v58 =	vsel vm0, $0x0, v42;
	v48, _, _ =	vpop (xrf0);
	(xrf0) =	vadd.scan.msk.s32 $0xffff, v56  }
0xca: {  	vm8 =	veq.s32 v49, $0x6;
	v42 =	vadd.s32 v60, v42;
	v62 =	vsel vm7, $0x1, v31;
	v59, _, _ =	vpop (xrf0);
	(xrf0) =	vadd.scan.msk.s32 $0xffff, v58  }
0xcb: {  	v46 =	vsel vm6, $0x0, v61;
	v47 =	vadd.s32 $0xFFFFFFFF, v55;
	v55 =	vsel vm6, $0x0, v42;
	v51, _, _ =	vpop (xrf0);
	(xrf0) =	vadd.scan.msk.s32 $0xffff, v62  }
0xcc: {  	v57 =	vsel vm8, $0x1, v31;
	vm0 =	vcmask $0x171C;
	v42 =	vadd.s32 v46, v42;
	v63, _, _ =	vpop (xrf0);
	(xrf0) =	vadd.scan.msk.s32 $0xffff, v55  }
0xcd: {  	vm9 =	veq.s32 v49, $0x7;
	v50 =	vadd.s32 $0xFFFFFFFF, v59;
	v59 =	vsel vm0, $0x0, v42;
	v56, _, _ =	vpop (xrf0);
	(xrf0) =	vadd.scan.msk.s32 $0xffff, v57  }
0xce: {  	v62 =	vsel vm9, $0x1, v31;
	v42 =	vsel vm1, $0x0, v42;
	v58, _, _ =	vpop (xrf0);
	(xrf0) =	vadd.scan.msk.s32 $0xffff, v59  }
0xcf: {  	v47 =	vbroadcast v47, $0xF;
	v61, _, _ =	vpop (xrf0);
	(xrf0) =	vadd.scan.msk.s32 $0xffff, v62  }
0xd0: {  	v50 =	vbroadcast v50, $0xF;
	v60 =	vadd.s32 $0xFFFFFFFF, v63;
	v63, _, _ =	vpop (xrf0);
	(xrf0) =	vadd.scan.msk.s32 $0xffff, v42  }
0xd1: {  	v41 =	vadd.s32 $0xFFFFFFFF, v41;
	v45 =	vadd.s32 v45, v47;
	v42, _, _ =	vpop (xrf0)  }
0xd2: {  	v45 =	vnsel vm11, $0x0, v45;
	v48 =	vadd.s32 v48, v50;
	v46 =	vadd.s32 $0xFFFFFFFF, v58;
	v53, _, _ =	vpop (xrf0)  }
0xd3: {  	v49 =	vbroadcast v60, $0xF;
	v46 =	vbroadcast v46, $0xF;
	v47 =	vadd.s32 $0xFFFFFFFF, v63;
	v55, _, _ =	vpop (xrf0)  }
0xd4: {  	v54 =	vshrl.u32 v38, $0x3;
	v45 =	vsel vm13, v48, v45;
	v47 =	vbroadcast v47, $0xF;
	v57, _, _ =	vpop (xrf0)  }
0xd5: {  	v58 =	vand.u32 $0x7, v38;
	v52 =	vadd.s32 v51, v49;
	v43 =	vadd.s32 v56, v46;
	v59, _, _ =	vpop (xrf0)  }
0xd6: {  	v46 =	vmul.u32 $0x18, v54;
	v49 =	vadd.s32 $0xFFFFFFFF, v53;
	v56 =	vadd.s32 v61, v47;
	v61, _, _ =	vpop (xrf0)  }
0xd7: {  	v45 =	vsel vm14, v52, v45;
	v60 =	vbroadcast v49, $0xF;
	v49 =	vadd.s32 $0xFFFFFFFF, v61  }
0xd8: {  	v43 =	vsel vm15, v43, v45;
	v45 =	vor.u32 v58, v46;
	v52 =	vbroadcast v49, $0xF  }
0xd9: {  	v41 =	vbroadcast v41, $0xF;
	v47 =	vadd.s32 $0xFFFFFFFF, v57;
	v62 =	vperm.xlane v45, v33  }
0xda: {  	v43 =	vsel vm2, v56, v43;
	v63 =	vbroadcast v47, $0xF;
	v56 =	vadd.s32 v59, v52;
	v59 =	vld [tilespmem:$0x1FFD0]  }
0xdb: {  	v42 =	vadd.s32 v42, v60;
	v53 =	vadd.s32 v34, v62  }
0xdc: {  	[tilespmem:$0x1080] =	vst v38;
	v41 =	vadd.s32 v44, v41;
	v60 =	vld [tilespmem:$0x1FFF0];
	v54 =	vsel vm7, v42, v43;
	v55 =	vadd.s32 v55, v63  }
0xdd: {  	[tilespmem:$0x1090] =	vst v39;
	v40 =	vsel vm10, v41, v40;
	v57 =	vperm.xlane v45, v35;
	v38 =	vsel vm8, v55, v54  }
0xde: {  	[tilespmem:$0x10A0] =	vst v40;
	v38 =	vsel vm9, v56, v38  }
0xdf: {  	v58 =	vadd.s32 v34, v57;
	[tilespmem:$0x10B0] =	vst v38;
	vm0 =	vnez.u8 v59  }
0xe0: {  	[hbm4b:s5+s2] =	stream.indirect_vreg.scatter [tilespmem:s12], [sflag:$0x1], $0x80, v53, vm0, $0xb8;
	[tilespmem:$0x7180] =	vst v63  }
0xe1: {  	vm1 =	vnez.u8 v60  }
0xe2: {  	[hbm4b:s8+s2] =	stream.indirect_vreg.scatter [tilespmem:s13], [sflag:$0x1], $0x80, v53, vm1, $0xb8;
	[tilespmem:$0x7180] =	vst v63  }
0xe3: {  	_ = 	snop  }
0xe4: {  	[hbm4b:s5+s2] =	stream.indirect_vreg.scatter [tilespmem:s14], [sflag:$0x1], $0x80, v58, vm0, $0xb8;
	[tilespmem:$0x7180] =	vst v63  }
0xe5: {  	_ = 	snop  }
0xe6: {  	[hbm4b:s8+s2] =	stream.indirect_vreg.scatter [tilespmem:s15], [sflag:$0x1], $0x80, v58, vm1, $0xb8;
	[tilespmem:$0x7180] =	vst v63  }
0xe7: {  	v38 =	vld [tilespmem:$0x1090];
	_ =	sdelay $0x4  }
0xe8: {  	v61 =	vshrl.u32 v38, $0x3  }
0xe9: {  	v39 =	vmul.u32 $0x18, v61  }
0xea: {  	v38 =	vand.u32 $0x7, v38  }
0xeb: {  	v38 =	vor.u32 v38, v39  }
0xec: {  	v39 =	vperm.xlane v38, v33;
	_ =	sdelay $0x1  }
0xed: {  	v39 =	vadd.s32 v34, v39;
	_ =	sdelay $0x1  }
0xee: {  	v38 =	vperm.xlane v38, v35;
	_ =	sdelay $0x1  }
0xef: {  	v38 =	vadd.s32 v34, v38  }
0xf0: {  	[hbm4b:s5+s2] =	stream.indirect_vreg.scatter [tilespmem:s16], [sflag:$0x1], $0x80, v39, vm0, $0xb8;
	[tilespmem:$0x7180] =	vst v63  }
0xf1: {  	_ = 	snop  }
0xf2: {  	[hbm4b:s8+s2] =	stream.indirect_vreg.scatter [tilespmem:s17], [sflag:$0x1], $0x80, v39, vm1, $0xb8;
	[tilespmem:$0x7180] =	vst v63  }
0xf3: {  	_ = 	snop  }
0xf4: {  	[hbm4b:s5+s2] =	stream.indirect_vreg.scatter [tilespmem:s18], [sflag:$0x1], $0x80, v38, vm0, $0xb8;
	[tilespmem:$0x7180] =	vst v63  }
0xf5: {  	_ = 	snop  }
0xf6: {  	[hbm4b:s8+s2] =	stream.indirect_vreg.scatter [tilespmem:s19], [sflag:$0x1], $0x80, v38, vm1, $0xb8;
	[tilespmem:$0x7180] =	vst v63  }
0xf7: {  	v38 =	vld [tilespmem:$0x10A0];
	_ =	sdelay $0x4  }
0xf8: {  	v62 =	vshrl.u32 v38, $0x3  }
0xf9: {  	v39 =	vmul.u32 $0x18, v62  }
0xfa: {  	v38 =	vand.u32 $0x7, v38  }
0xfb: {  	v38 =	vor.u32 v38, v39  }
0xfc: {  	v39 =	vperm.xlane v38, v33;
	_ =	sdelay $0x1  }
0xfd: {  	v39 =	vadd.s32 v34, v39;
	_ =	sdelay $0x1  }
0xfe: {  	v38 =	vperm.xlane v38, v35;
	_ =	sdelay $0x1  }
0xff: {  	v38 =	vadd.s32 v34, v38  }
0x100: {  	[hbm4b:s5+s2] =	stream.indirect_vreg.scatter [tilespmem:s20], [sflag:$0x1], $0x80, v39, vm0, $0xb8;
	[tilespmem:$0x7180] =	vst v63  }
0x101: {  	_ = 	snop  }
0x102: {  	[hbm4b:s8+s2] =	stream.indirect_vreg.scatter [tilespmem:s21], [sflag:$0x1], $0x80, v39, vm1, $0xb8;
	[tilespmem:$0x7180] =	vst v63  }
0x103: {  	_ = 	snop  }
0x104: {  	[hbm4b:s5+s2] =	stream.indirect_vreg.scatter [tilespmem:s22], [sflag:$0x1], $0x80, v38, vm0, $0xb8;
	[tilespmem:$0x7180] =	vst v63  }
0x105: {  	_ = 	snop  }
0x106: {  	[hbm4b:s8+s2] =	stream.indirect_vreg.scatter [tilespmem:s23], [sflag:$0x1], $0x80, v38, vm1, $0xb8;
	[tilespmem:$0x7180] =	vst v63  }
0x107: {  	v38 =	vld [tilespmem:$0x10B0];
	_ =	sdelay $0x4  }
0x108: {  	v63 =	vshrl.u32 v38, $0x3  }
0x109: {  	v39 =	vmul.u32 $0x18, v63  }
0x10a: {  	v38 =	vand.u32 $0x7, v38  }
0x10b: {  	v38 =	vor.u32 v38, v39  }
0x10c: {  	v39 =	vperm.xlane v38, v33;
	_ =	sdelay $0x1  }
0x10d: {  	v39 =	vadd.s32 v34, v39;
	_ =	sdelay $0x1  }
0x10e: {  	v38 =	vperm.xlane v38, v35;
	_ =	sdelay $0x1  }
0x10f: {  	v38 =	vadd.s32 v34, v38  }
0x110: {  	[hbm4b:s5+s2] =	stream.indirect_vreg.scatter [tilespmem:s24], [sflag:$0x1], $0x80, v39, vm0, $0xb8;
	[tilespmem:$0x7180] =	vst v63  }
0x111: {  	_ = 	snop  }
0x112: {  	[hbm4b:s8+s2] =	stream.indirect_vreg.scatter [tilespmem:s25], [sflag:$0x1], $0x80, v39, vm1, $0xb8;
	[tilespmem:$0x7180] =	vst v63  }
0x113: {  	_ = 	snop  }
0x114: {  	[hbm4b:s5+s2] =	stream.indirect_vreg.scatter [tilespmem:s26], [sflag:$0x1], $0x80, v38, vm0, $0xb8;
	[tilespmem:$0x7180] =	vst v63  }
0x115: {  	_ = 	snop  }
0x116: {  	[hbm4b:s8+s2] =	stream.indirect_vreg.scatter [tilespmem:s28], [sflag:$0x1], $0x80, v38, vm1, $0xb8;
	[tilespmem:$0x7180] =	vst v63  }
0x117: {  	_ =	swait.ge [sflag:s7], $0x6000  }
0x118: {  	[sflag:s7] =	ssyncset.done $0x0  }
.Ltmp2:
0x119: {  	[sflag:s7] =	ssyncadd.s32 $0xFFFFA000;
	(pc) =	sbr.rel @p1 .LBB2_3-.Ltmp2, $4  }
0x11a: {  	[hbm4b:s9+s2] =	stream.linear.scatter [tilespmem:s29], [sflag:$0x1], $0x80, $0x38;
	[tilespmem:$0x7180] =	vst v63  }
0x11b: {  	_ =	swait.ge [sflag:s7], $0x80  }
0x11c: {  	[sflag:s7] =	ssyncset.done $0x0  }
0x11d: {  	[sflag:s7] =	ssyncadd.s32 $0xFFFFFF80  }
0x11e: {  	vm2 =	vcmask $0x308  }
0x11f: {  	v38 =	vsel vm2, $0x0, v37  }
0x120: {  	v46 =	vsel vm2, $0x0, v36;
	vm2 =	vcmask $0x70C;
	(xrf0) =	vadd.scan.msk.s32 $0xffff, v38  }
0x121: {  	v47 =	vsel vm2, $0x0, v37;
	(xrf0) =	vadd.scan.msk.s32 $0xffff, v46  }
0x122: {  	v48 =	vsel vm2, $0x0, v36;
	vm2 =	vcmask $0xB10;
	(xrf0) =	vadd.scan.msk.s32 $0xffff, v47  }
0x123: {  	v49 =	vsel vm2, $0x0, v37;
	(xrf0) =	vadd.scan.msk.s32 $0xffff, v48  }
0x124: {  	v50 =	vsel vm2, $0x0, v36;
	vm2 =	vcmask $0xF14;
	(xrf0) =	vadd.scan.msk.s32 $0xffff, v49  }
0x125: {  	v51 =	vsel vm2, $0x0, v37;
	(xrf0) =	vadd.scan.msk.s32 $0xffff, v50  }
0x126: {  	vm0 =	vcmask $0x1318;
	v52 =	vsel vm2, $0x0, v36;
	v39, _, _ =	vpop (xrf0);
	(xrf0) =	vadd.scan.msk.s32 $0xffff, v51  }
0x127: {  	v53 =	vsel vm0, $0x0, v37;
	(v2sf) =	vpush v39, $0xF;
	v40, _, _ =	vpop (xrf0);
	(xrf0) =	vadd.scan.msk.s32 $0xffff, v52  }
0x128: {  	v55 =	vsel vm0, $0x0, v36;
	vm0 =	vcmask $0x171C;
	(v2sf) =	vpush v40, $0xF;
	v54, _, _ =	vpop (xrf0);
	(xrf0) =	vadd.scan.msk.s32 $0xffff, v53  }
0x129: {  	v56 =	vsel vm0, $0x0, v37;
	(v2sf) =	vpush v54, $0xF;
	v41, _, _ =	vpop (xrf0);
	(xrf0) =	vadd.scan.msk.s32 $0xffff, v55  }
0x12a: {  	v58 =	vsel vm0, $0x0, v36;
	vm0 =	vcmask $0x1B20;
	(v2sf) =	vpush v41, $0xF;
	v57, _, _ =	vpop (xrf0);
	(xrf0) =	vadd.scan.msk.s32 $0xffff, v56  }
0x12b: {  	v59 =	vsel vm0, $0x0, v37;
	(v2sf) =	vpush v57, $0xF;
	v42, _, _ =	vpop (xrf0);
	(xrf0) =	vadd.scan.msk.s32 $0xffff, v58  }
0x12c: {  	v61 =	vsel vm0, $0x0, v36;
	(v2sf) =	vpush v42, $0xF;
	v60, _, _ =	vpop (xrf0);
	(xrf0) =	vadd.scan.msk.s32 $0xffff, v59  }
0x12d: {  	(v2sf) =	vpush v60, $0xF;
	v62, _, _ =	vpop (xrf0);
	(xrf0) =	vadd.scan.msk.s32 $0xffff, v61  }
0x12e: {  	v63, _, _ =	vpop (xrf0);
	(v2sf) =	vpush v62, $0xF  }
0x12f: {  	v47, _, _ =	vpop (xrf0);
	(v2sf) =	vpush v63, $0xF  }
0x130: {  	v48, _, _ =	vpop (xrf0);
	(v2sf) =	vpush v47, $0xF  }
0x131: {  	v49, _, _ =	vpop (xrf0);
	(v2sf) =	vpush v48, $0xF  }
0x132: {  	v43, _, _ =	vpop (xrf0);
	(v2sf) =	vpush v49, $0xF  }
0x133: {  	(v2sf) =	vpush v43, $0xF;
	v50, _, _ =	vpop (xrf0)  }
0x134: {  	(v2sf) =	vpush v50, $0xF;
	_ =	sdelay $0x1  }
0x135: {  	s0 =	spop (v2sf)  }
0x136: {  	s1 =	spop (v2sf)  }
0x137: {  	v51 =	vmul.u32 $0x100, v32;
	s3 =	spop (v2sf)  }
0x138: {  	v39 =	vbroadcast v39, $0xF;
	v40 =	vbroadcast v54, $0xF;
	s0 =	sadd.s32 s1, s0;
	s1 =	spop (v2sf)  }
0x139: {  	v45 =	vor.u32 $0x1, v51;
	v44 =	vmov s0;
	s0 =	spop (v2sf)  }
0x13a: {  	vm2 =	vlt.s32 v39, v45;
	vm8 =	vlt.s32 v40, v45;
	v53 =	vbroadcast v57, $0xF;
	s1 =	sadd.s32 s1, s3;
	s3 =	spop (v2sf)  }
0x13b: {  	v38 =	vbroadcast v60, $0xF;
	vm7 =	vgt.s32 v44, v51;
	v52 =	vmov s1;
	s1 =	spop (v2sf)  }
0x13c: {  	vm13 =	vlt.s32 v53, v45;
	vm2 =	vmand vm2, vm7;
	s0 =	sadd.s32 s3, s0;
	vm7 =	vgt.s32 v52, v51;
	s3 =	spop (v2sf)  }
0x13d: {  	v55 =	vsel vm2, $0x1, v31;
	v54 =	vmov s0;
	vm7 =	vmand vm8, vm7;
	s0 =	spop (v2sf)  }
0x13e: {  	v36 =	vbroadcast v63, $0xF;
	vm2 =	vgt.s32 v54, v51;
	s1 =	sadd.s32 s3, s1;
	v56 =	vsel vm7, $0x2, v55;
	s3 =	spop (v2sf)  }
0x13f: {  	vm7 =	vlt.s32 v38, v45;
	v57 =	vmov s1;
	vm2 =	vmand vm13, vm2;
	s1 =	spop (v2sf);
	s0 =	sadd.s32 s3, s0  }
0x140: {  	v39 =	vsel vm2, $0x3, v56;
	vm2 =	vgt.s32 v57, v51;
	s3 =	spop (v2sf);
	v58 =	vmov s0  }
0x141: {  	vm2 =	vmand vm7, vm2;
	vm7 =	vlt.s32 v36, v45;
	s0 =	spop (v2sf);
	vm14 =	vgt.s32 v58, v51  }
0x142: {  	v60 =	vbroadcast v48, $0xF;
	v59 =	vsel vm2, $0x4, v39;
	s1 =	sadd.s32 s3, s1;
	vm2 =	vmand vm7, vm14;
	s3 =	spop (v2sf)  }
0x143: {  	v62 =	vbroadcast v43, $0xF;
	v61 =	vmov s1;
	v36 =	vsel vm2, $0x5, v59;
	s0 =	sadd.s32 s3, s0  }
0x144: {  	vm2 =	vlt.s32 v60, v45;
	vm7 =	vgt.s32 v61, v51;
	v63 =	vmov s0  }
0x145: {  	vm2 =	vmand vm2, vm7;
	vm7 =	vlt.s32 v62, v45;
	vm15 =	vgt.s32 v63, v51  }
0x146: {  	v36 =	vsel vm2, $0x6, v36;
	vm2 =	vmand vm7, vm15  }
0x147: {  	[tilespmem:$0x7110] =	vst v31;
	v36 =	vsel vm2, $0x7, v36  }
.Ltmp3:
0x148: {  	s3 =	simm.s32 $0x7100;
	[tilespmem:$0x7100] =	vst v36;
	(pc) =	sbr.rel .LBB2_3-.Ltmp3, $4  }
0x149: {  	[hbm4b:s6+s2] =	stream.linear.scatter [tilespmem:s3], [sflag:$0x1], $0x80, $0x38;
	[tilespmem:$0x7180] =	vst v63  }
0x14a: {  	_ =	swait.ge [sflag:s7], $0x80  }
0x14b: {  	[sflag:s7] =	ssyncset.done $0x0  }
0x14c: {  	[sflag:s7] =	ssyncadd.s32 $0xFFFFFF80  }
.LBB2_4:
0x14d: {  	_ =	sfence.sel $0x180000  }
0x14e: {  	[bflag:$0x0] =	sbarrier.arrive $0xFFFF  }
0x14f: {  	_ =	strace $0x9000004A  }
0x150: {  	[bflag:$0x2] =	sbarrier.arrive $0xFFFF  }
0x151: {  	s0 =	rddreg [dreg:$0x3]  }
0x152: {  	s0 =	sadd.s32 @!p0 $0x100000, s0  }
0x153: {  	[sflag:s0] =	ssyncadd.tile.s32 @!p0 $0x1;
	_ =	shalt  }
.Lfunc_end2:
_tile_overlayer_lowered:
.L_overlay_start_2:
0x154: {  	(tag) =	ssettag $0x2  }
0x155: {  	s0 =	rddreg [dreg:$0x0];
	s2 =	stileid.u32  }
0x156: {  	s1 =	rddreg [dreg:$0x1];
	p0 =	sne.s32 s2, $0x0  }
0x157: {  	s3 =	rddreg [dreg:$0x2];
	[bflag:$0x3] =	sbarrier.arrive $0xFFFF;
	s2 =	simm.s32 @!p0 $0x1C01  }
0x158: {  	[timem:s3], [sflag:s2] =	dma.local @!p0 [hbm:s0], s1  }
0x159: {  	s0 =	simm.s32 @!p0 $0x1  }
0x15a: {  	_ =	swait.ge @!p0 [sflag:s0], s1  }
0x15b: {  	s1 =	ssub.s32 @!p0 $0x0, s1;
	[sflag:s0] =	ssyncset.done @!p0 $0x0  }
0x15c: {  	[sflag:s0] =	ssyncadd.s32 @!p0 s1  }
0x15d: {  	[bflag:$0x3] =	sbarrier.arrive $0xFFFF  }
0x15e: {  	_ =	shalt  }

// kernel: kernel.16.cloned.1.call-start
scs
__scs_entry_jumppad:
0x0: {  	(pc) =	sbr.rel $0x88, $3  }
0x1: {  	(tag) =	ssettag $0x0;
	lr =	simm.s32 $0x1  }
0x2: {  	[smem:$0x3EF0] =	sst lr;
	_ =	strace $0xD0000000  }
0x3: {  	_ = 	snop  }
0x4: {  	_ = 	snop  }
0x5: {  	_ = 	snop  }
0x6: {  	_ = 	snop  }
0x7: {  	_ = 	snop  }
__scs_overlays_trampoline_lowered:
0x8: {  	[smem:$0x3EFF] =	sst s0  }
0x9: {  	[smem:$0x3F00] =	sst s1  }
0xa: {  	[smem:$0x3F01] =	sst s2  }
0xb: {  	[smem:$0x3F02] =	sst s3  }
0xc: {  	[smem:$0x3F03] =	sst s4  }
0xd: {  	[smem:$0x3F04] =	sst s5  }
0xe: {  	[smem:$0x3F05] =	sst s6  }
0xf: {  	[smem:$0x3F06] =	sst s7  }
0x10: {  	[smem:$0x3F07] =	sst s8  }
0x11: {  	[smem:$0x3F08] =	sst s9;
	s0 =	simm.s32 @!p0 $0x0  }
0x12: {  	s1 =	sld [smem:$0x3EEE];
	s0 =	simm.s32 @p0 $0x1  }
0x13: {  	[smem:$0x3F09] =	sst s0;
	s0 =	simm.s32 @!p1 $0x0  }
0x14: {  	s2 =	sld [smem:$0x3EED];
	s0 =	simm.s32 @p1 $0x1  }
0x15: {  	[smem:$0x3F0A] =	sst s0;
	s0 =	simm.s32 @!p2 $0x0  }
0x16: {  	s3 =	sld [smem:$0x3FDB];
	s0 =	simm.s32 @p2 $0x1  }
0x17: {  	s4 =	simm.s32 $0x1BF5;
	[smem:$0x3F0C] =	sst s0  }
0x18: {  	s0 =	sld [smem:$0x3EEF];
	_ =	swait.ge [sflag:s4], $0x0  }
0x19: {  	s7 =	sld [smem:$0x3EF0]  }
0x1a: {  	s8 =	sadd.s32 $0xFFFFE003, lr  }
0x1b: {  	s9 =	sadd.s32 $0xFFFFFEF7, lr;
	s5 =	simm.s32 $0xFFFFFFFF;
	p2 =	slt.u32 s8, $0xFFFFF086  }
0x1c: {  	p1 =	slt.u32 s9, $0xF7A;
	s5 =	simm.s32 @!p2 $0x0  }
0x1d: {  	s5 =	simm.s32 @p1 $0x1;
	p0 =	seq.s32 s7, s2  }
0x1e: {  	s7 =	smul.u32 @!p0 $0xF7A, s2;
	p2 =	seq.s32 @!p0 s5, $0x0  }
0x1f: {  	s9 =	smul.u32 $0xF7A, s1;
	s8 =	simm.s32 @!p0 $0x1BF5;
	p2 =	por !p2, p0  }
0x20: {  	[sflag:s8] =	ssyncset.s32 @!p0 $0xFFFFF086;
	s6 =	sadd.s32 @!p0 s3, s7;
	s7 =	simm.s32 @!p0 $0x108  }
0x21: {  	s3 =	sadd.s32 s3, s9;
	s6 =	sadd.s32 @!p0 $0x88, s6;
	s7 =	simm.s32 @p2 $0x1082  }
0x22: {  	[simem:s7], [sflag:s8] =	dma.local @!p0 [hbm:s6], $0xF7A  }
0x23: {  	s9 =	sor.u32 $0xD0000000, s2;
	s6 =	simm.s32 $0x108;
	_ =	swait.ge @!p0 [sflag:s8], $0x0  }
0x24: {  	s3 =	sadd.s32 $0x88, s3;
	s6 =	simm.s32 @!p1 $0x1082;
	[sflag:s4] =	ssyncset.s32 $0xFFFFF086  }
0x25: {  	[simem:s6], [sflag:s4] =	dma.local [hbm:s3], $0xF7A  }
0x26: {  	[smem:$0x3EF0] =	sst s1;
	(tag) =	ssettag s2;
	_ =	strace s9  }
0x27: {  	s1 =	sld [smem:$0x3F00]  }
0x28: {  	s2 =	sld [smem:$0x3F01]  }
0x29: {  	s4 =	sld [smem:$0x3F03]  }
0x2a: {  	p0 =	seq.s32 s5, $0x0;
	s5 =	sld [smem:$0x3F04]  }
0x2b: {  	s6 =	sld [smem:$0x3F05]  }
0x2c: {  	s7 =	sld [smem:$0x3F06]  }
0x2d: {  	s3 =	simm.s32 $0x108;
	s8 =	sld [smem:$0x3F07]  }
0x2e: {  	s3 =	simm.s32 @!p0 $0x1082;
	s9 =	sld [smem:$0x3F08]  }
0x2f: {  	lr =	sadd.s32 s0, s3;
	s0 =	sld [smem:$0x3EFF]  }
0x30: {  	s3 =	sld [smem:$0x3F02]  }
0x31: {  	[smem:$0x3F0B] =	sst s10  }
0x32: {  	s10 =	sld [smem:$0x3F09];
	_ =	sdelay $0x3  }
0x33: {  	p0 =	seq.s32 s10, $0x1;
	s10 =	sld [smem:$0x3F0B];
	_ =	sdelay $0x3  }
0x34: {  	[smem:$0x3F0B] =	sst s10  }
0x35: {  	s10 =	sld [smem:$0x3F0A];
	_ =	sdelay $0x3  }
0x36: {  	p1 =	seq.s32 s10, $0x1;
	s10 =	sld [smem:$0x3F0B];
	_ =	sdelay $0x3  }
0x37: {  	[smem:$0x3F0B] =	sst s10  }
0x38: {  	s10 =	sld [smem:$0x3F0C]  }
0x39: {  	_ = 	snop;
	(pc) =	sbr.ind lr, $3  }
0x3a: {  	_ = 	snop  }
0x3b: {  	_ = 	snop  }
0x3c: {  	p2 =	seq.s32 s10, $0x1;
	s10 =	sld [smem:$0x3F0B]  }
0x3d: {  	_ =	shalt  }
0x3e: {  	_ =	shalt  }
0x3f: {  	_ =	shalt  }
0x40: {  	_ =	shalt  }
0x41: {  	_ =	shalt  }
0x42: {  	_ =	shalt  }
0x43: {  	_ =	shalt  }
0x44: {  	_ =	shalt  }
0x45: {  	_ =	shalt  }
0x46: {  	_ =	shalt  }
0x47: {  	_ =	shalt  }
0x48: {  	_ =	shalt  }
0x49: {  	_ =	shalt  }
0x4a: {  	_ =	shalt  }
0x4b: {  	_ =	shalt  }
0x4c: {  	_ =	shalt  }
0x4d: {  	_ =	shalt  }
0x4e: {  	_ =	shalt  }
0x4f: {  	_ =	shalt  }
0x50: {  	_ =	shalt  }
0x51: {  	_ =	shalt  }
0x52: {  	_ =	shalt  }
0x53: {  	_ =	shalt  }
0x54: {  	_ =	shalt  }
0x55: {  	_ =	shalt  }
0x56: {  	_ =	shalt  }
0x57: {  	_ =	shalt  }
0x58: {  	_ =	shalt  }
0x59: {  	_ =	shalt  }
0x5a: {  	_ =	shalt  }
0x5b: {  	_ =	shalt  }
0x5c: {  	_ =	shalt  }
0x5d: {  	_ =	shalt  }
0x5e: {  	_ =	shalt  }
0x5f: {  	_ =	shalt  }
0x60: {  	_ =	shalt  }
0x61: {  	_ =	shalt  }
0x62: {  	_ =	shalt  }
0x63: {  	_ =	shalt  }
0x64: {  	_ =	shalt  }
0x65: {  	_ =	shalt  }
0x66: {  	_ =	shalt  }
0x67: {  	_ =	shalt  }
0x68: {  	_ =	shalt  }
0x69: {  	_ =	shalt  }
0x6a: {  	_ =	shalt  }
0x6b: {  	_ =	shalt  }
0x6c: {  	_ =	shalt  }
0x6d: {  	_ =	shalt  }
0x6e: {  	_ =	shalt  }
0x6f: {  	_ =	shalt  }
0x70: {  	_ =	shalt  }
0x71: {  	_ =	shalt  }
0x72: {  	_ =	shalt  }
0x73: {  	_ =	shalt  }
0x74: {  	_ =	shalt  }
0x75: {  	_ =	shalt  }
0x76: {  	_ =	shalt  }
0x77: {  	_ =	shalt  }
0x78: {  	_ =	shalt  }
0x79: {  	_ =	shalt  }
0x7a: {  	_ =	shalt  }
0x7b: {  	_ =	shalt  }
0x7c: {  	_ =	shalt  }
0x7d: {  	_ =	shalt  }
0x7e: {  	_ =	shalt  }
0x7f: {  	_ =	shalt  }
0x80: {  	_ =	shalt  }
0x81: {  	_ =	shalt  }
0x82: {  	_ =	shalt  }
0x83: {  	_ =	shalt  }
0x84: {  	_ =	shalt  }
0x85: {  	_ =	shalt  }
0x86: {  	_ =	shalt  }
0x87: {  	_ =	shalt  }
.Lfunc_end0:
.L_simem_size_0:
called_computation.2_lowered:
.L_overlay_start_0:
0x88: {  	s2 =	sld [smem:$0x3FD9]  }
0x89: {  	s3 =	sld [smem:$0x3FFE];
	_ =	sdelay $0x1  }
0x8a: {  	s1 =	srdreg.scid  }
0x8b: {  	s0 =	sand.u32 $0x1, s1  }
0x8c: {  	s16 =	sshll.u32 s0, $0xA;
	s2 =	sadd.s32 s3, s2  }
0x8d: {  	s2 =	sadd.s32 s2, s16  }
0x8e: {  	[smem:$0x3F17] =	sst s2  }
0x8f: {  	_ = 	snop  }
0x90: {  	(tm) =	ssettm $0x1  }
0x91: {  	s17 =	sld [smem:$0x3FFB];
	_ =	sdelay $0x3  }
0x92: {  	_ =	strace s17  }
0x93: {  	s2 =	sld [smem:$0x3FFC];
	_ =	sdelay $0x3  }
0x94: {  	_ =	strace s2  }
0x95: {  	s2 =	sld [smem:$0x3FFD];
	_ =	sdelay $0x3  }
0x96: {  	_ =	strace s2  }
0x97: {  	_ =	strace $0x8FFFFFFF  }
0x98: {  	s18 =	sld [smem:$0x3FDB];
	_ =	sdelay $0x1  }
0x99: {  	s19 =	simm.s32 $_scs_section_size  }
0x9a: {  	s4 =	simm.s32 $_size__tile_overlayer_lowered;
	s5 =	simm.s32 $_tile_overlayer_lowered  }
0x9b: {  	s22 =	simm.s32 $0x1BFF;
	s21 =	sshll.u32 s5, $0x1;
	s2 =	sadd.s32 s19, s18  }
0x9c: {  	s6 =	simm.s32 $0x0;
	s20 =	sshll.u32 s4, $0x1;
	s4 =	sadd.s32 s21, s2  }
0x9d: {  	[timem:s6], [sflag:s22] =	dma.local [hbm:s4], s20  }
0x9e: {  	_ =	swait.ge [sflag:s22], s20  }
0x9f: {  	s3 =	ssub.s32 $0x0, s20;
	[sflag:s22] =	ssyncset.done $0x0  }
0xa0: {  	[sflag:s22] =	ssyncadd.s32 s3;
	_ =	sdelay $0x1  }
0xa1: {  	s23 =	simm.s32 $0x1B8B  }
0xa2: {  	_ =	swait.ge [sflag:s23], $0x1  }
0xa3: {  	[sflag:s23] =	ssyncset.done $0x0  }
0xa4: {  	s25 =	simm.s32 $0x1B8E;
	s24 =	sld [smem:$0x3FFE];
	[sflag:s23] =	ssyncadd.s32 $0xFFFFFFFF  }
0xa5: {  	s26 =	simm.s32 $execute0_lowered;
	[smem:$0x3FD2] =	sst s25  }
0xa6: {  	s4 =	sshll.u32 s26, $0x1;
	_ =	strace $0x8000004C;
	[dreg:$0x1] =	wrdreg $0xFFFFFFFF  }
0xa7: {  	s28 =	simm.s32 $_size_execute0_lowered;
	s2 =	sadd.s32 s2, s4;
	[dreg:$0x0] =	wrdreg $0x0  }
0xa8: {  	s4 =	sshll.u32 s28, $0x1;
	[dreg:$0x2] =	wrdreg s2  }
0xa9: {  	[dreg:$0x3] =	wrdreg s4  }
0xaa: {  	[dreg:$0x4] =	wrdreg $0xC0  }
0xab: {  	_ =	task [dreg:s6], $0x5FFFF  }
0xac: {  	[dreg:$0x1] =	wrdreg $0xFFFFFFFF  }
0xad: {  	[dreg:$0x0] =	wrdreg $0x60  }
0xae: {  	[dreg:$0x2] =	wrdreg s24  }
0xaf: {  	[dreg:$0x3] =	wrdreg $0x9  }
0xb0: {  	_ =	task.clear_ibuf [dreg:s6], $0x4FFFF;
	_ =	strace $0x9000004C  }
0xb1: {  	s29 =	simm.s32 $0x9;
	_ =	strace $0x8000004E  }
0xb2: {  	_ =	swait.ge [sflag:s29], $0x1  }
0xb3: {  	[sflag:s29] =	ssyncadd.s32 $0xFFFFFFFF  }
0xb4: {  	_ =	strace $0x9000004E  }
0xb5: {  	_ =	sfence  }
0xb6: {  	s30 =	sld [smem:$0x0];
	_ =	sdelay $0x2  }
0xb7: {  	s31 =	sshll.u32 s1, $0xD;
	s1 =	sshrl.u32 s1, $0x2  }
0xb8: {  	s3 =	sand.u32 $0x4000, s31;
	s1 =	sadd.s32 s1, s30  }
0xb9: {  	s0 =	sor.u32 s3, s0;
	s1 =	sshll.u32 s1, $0x11  }
0xba: {  	s0 =	sor.u32 s1, s0  }
0xbb: {  	s0 =	sadd.s32 $0x8F2B, s0  }
0xbc: {  	[sflag:s0] =	ssyncadd.remote.s32 $0x1  }
0xbd: {  	_ =	sfence.sel $0xFFFF  }
0xbe: {  	[dreg:$0x0] =	wrdreg $0xFFFFFFFF;
	(pc) =	sbr.abs _section_cstart, $3  }
0xbf: {  	[dreg:$0x1] =	wrdreg $0xFFFFFFFF  }
0xc0: {  	_ =	task.clear_ibuf [dreg:s6], $0x2FFFF;
	_ =	strace $0x9FFFFFFF  }
0xc1: {  	(tm) =	ssettm $0x7FFFFFFF  }
tec
execute0_lowered:
.L_overlay_start_1:
0x0: {  	(tag) =	ssettag $0x1  }
0x1: {  	s6 =	rddreg [dreg:$0x0]  }
0x2: {  	s0 =	rddreg [dreg:$0x1];
	s3 =	srdreg.scid  }
0x3: {  	s1 =	stileid.u32;
	s2 =	simm.s32 $0x0;
	s9 =	simm.s32 $0x80  }
0x4: {  	s10 =	simm.s32 $0x880;
	s11 =	simm.s32 $0x1080;
	s12 =	simm.s32 $0x1880  }
0x5: {  	s13 =	simm.s32 $0x2080;
	s14 =	simm.s32 $0x2880;
	s15 =	simm.s32 $0x3080  }
0x6: {  	s16 =	simm.s32 $0x3880;
	s17 =	simm.s32 $0x4080;
	s18 =	simm.s32 $0x4880  }
0x7: {  	s19 =	simm.s32 $0x5080;
	s20 =	simm.s32 $0x5880;
	s21 =	simm.s32 $0x6080  }
0x8: {  	s22 =	simm.s32 $0x6880;
	s23 =	simm.s32 $0x7080;
	s24 =	simm.s32 $0x7880  }
0x9: {  	s3 =	sand.u32 $0x1, s3;
	s4 =	sshll.u32 s1, $0x1;
	[smem:$0x7FF] =	sst s2  }
0xa: {  	s4 =	sor.u32 s3, s4;
	_ =	strace $0x8000004D;
	s7 =	ssub.s32 $0x2, s3  }
0xb: {  	s3 =	sadd.s32 $0x69C00, s6;
	s5 =	sshll.u32 s4, $0xC;
	s30 =	sshll.u32 s4, $0x4  }
0xc: {  	v2 =	vlaneseq.u32;
	s31 =	sshrl.u32 s7, $0x1;
	s5 =	sadd.s32 s5, s6;
	s8 =	sadd.s32 s30, s6  }
0xd: {  	vm0 =	vmmov $0xffff;
	v1 =	vshrl.u32 v2, $0x3;
	s7 =	ssub.s32 s7, s31;
	s6 =	sadd.s32 $0x69D00, s6;
	s4 =	sadd.s32 $0x49A00, s8  }
0xe: {  	v0 =	vand.u32 $0x7, v2;
	v2 =	vor.u32 $0x8, v2;
	v1 =	vmul.u32 $0x8, v1;
	s5 =	sadd.s32 $0x49C00, s5;
	s7 =	smax.u32 s7, $0x1;
	s8 =	simm.s32 $0x1  }
.LBB2_1:
0xf: {  	[tilespmem:s2], [sflag:$0x1] =	stream.linear.gather [hbm4b:s4+s2], $0x80, $0x38;
	[tilespmem:$0x8080] =	vst v63  }
0x10: {  	_ =	swait.ge [sflag:s8], $0x80  }
0x11: {  	[sflag:s8] =	ssyncset.done $0x0  }
0x12: {  	[sflag:s8] =	ssyncadd.s32 $0xFFFFFF80  }
0x13: {  	[tilespmem:s9], [sflag:$0x1] =	stream.linear.gather [hbm4b:s5+s2], $0x8000, $0x38;
	[tilespmem:$0x8080] =	vst v63  }
0x14: {  	_ =	swait.ge [sflag:s8], $0x8000  }
0x15: {  	[sflag:s8] =	ssyncset.done $0x0  }
0x16: {  	[sflag:s8] =	ssyncadd.s32 $0xFFFF8000  }
0x17: {  	v3 =	vld [tilespmem:$0x0];
	_ =	sdelay $0x4  }
0x18: {  	v4 =	vshll.u32 v3, $0x2  }
0x19: {  	v3 =	vand.u32 $0x7, v3;
	v4 =	vand.u32 $0xFFFFFFE0, v4  }
0x1a: {  	v3 =	vor.u32 v3, v4  }
0x1b: {  	v4 =	vperm.xlane v3, v0;
	_ =	sdelay $0x1  }
0x1c: {  	v4 =	vadd.s32 v1, v4;
	_ =	sdelay $0x1  }
0x1d: {  	v3 =	vperm.xlane v3, v2;
	_ =	sdelay $0x1  }
0x1e: {  	v3 =	vadd.s32 v1, v3  }
0x1f: {  	[hbm4b:s3+s2] =	stream.indirect_vreg.scatter [tilespmem:s9], [sflag:$0x1], $0x80, v4, vm0, $0xb8;
	[tilespmem:$0x8080] =	vst v63  }
0x20: {  	_ = 	snop  }
0x21: {  	[hbm4b:s6+s2] =	stream.indirect_vreg.scatter [tilespmem:s10], [sflag:$0x1], $0x80, v4, vm0, $0xb8;
	[tilespmem:$0x8080] =	vst v63  }
0x22: {  	_ = 	snop  }
0x23: {  	[hbm4b:s3+s2] =	stream.indirect_vreg.scatter [tilespmem:s11], [sflag:$0x1], $0x80, v3, vm0, $0xb8;
	[tilespmem:$0x8080] =	vst v63  }
0x24: {  	_ = 	snop  }
0x25: {  	[hbm4b:s6+s2] =	stream.indirect_vreg.scatter [tilespmem:s12], [sflag:$0x1], $0x80, v3, vm0, $0xb8;
	[tilespmem:$0x8080] =	vst v63  }
0x26: {  	v3 =	vld [tilespmem:$0x10];
	_ =	sdelay $0x4  }
0x27: {  	v61 =	vshll.u32 v3, $0x2  }
0x28: {  	v3 =	vand.u32 $0x7, v3;
	v4 =	vand.u32 $0xFFFFFFE0, v61  }
0x29: {  	v3 =	vor.u32 v3, v4  }
0x2a: {  	v4 =	vperm.xlane v3, v0;
	_ =	sdelay $0x1  }
0x2b: {  	v4 =	vadd.s32 v1, v4;
	_ =	sdelay $0x1  }
0x2c: {  	v3 =	vperm.xlane v3, v2;
	_ =	sdelay $0x1  }
0x2d: {  	v3 =	vadd.s32 v1, v3  }
0x2e: {  	[hbm4b:s3+s2] =	stream.indirect_vreg.scatter [tilespmem:s13], [sflag:$0x1], $0x80, v4, vm0, $0xb8;
	[tilespmem:$0x8080] =	vst v63  }
0x2f: {  	_ = 	snop  }
0x30: {  	[hbm4b:s6+s2] =	stream.indirect_vreg.scatter [tilespmem:s14], [sflag:$0x1], $0x80, v4, vm0, $0xb8;
	[tilespmem:$0x8080] =	vst v63  }
0x31: {  	_ = 	snop  }
0x32: {  	[hbm4b:s3+s2] =	stream.indirect_vreg.scatter [tilespmem:s15], [sflag:$0x1], $0x80, v3, vm0, $0xb8;
	[tilespmem:$0x8080] =	vst v63  }
0x33: {  	_ = 	snop  }
0x34: {  	[hbm4b:s6+s2] =	stream.indirect_vreg.scatter [tilespmem:s16], [sflag:$0x1], $0x80, v3, vm0, $0xb8;
	[tilespmem:$0x8080] =	vst v63  }
0x35: {  	v3 =	vld [tilespmem:$0x20];
	_ =	sdelay $0x4  }
0x36: {  	v62 =	vshll.u32 v3, $0x2  }
0x37: {  	v3 =	vand.u32 $0x7, v3;
	v4 =	vand.u32 $0xFFFFFFE0, v62  }
0x38: {  	v3 =	vor.u32 v3, v4  }
0x39: {  	v4 =	vperm.xlane v3, v0;
	_ =	sdelay $0x1  }
0x3a: {  	v4 =	vadd.s32 v1, v4;
	_ =	sdelay $0x1  }
0x3b: {  	v3 =	vperm.xlane v3, v2;
	_ =	sdelay $0x1  }
0x3c: {  	v3 =	vadd.s32 v1, v3  }
0x3d: {  	[hbm4b:s3+s2] =	stream.indirect_vreg.scatter [tilespmem:s17], [sflag:$0x1], $0x80, v4, vm0, $0xb8;
	[tilespmem:$0x8080] =	vst v63  }
0x3e: {  	_ = 	snop  }
0x3f: {  	[hbm4b:s6+s2] =	stream.indirect_vreg.scatter [tilespmem:s18], [sflag:$0x1], $0x80, v4, vm0, $0xb8;
	[tilespmem:$0x8080] =	vst v63  }
0x40: {  	_ = 	snop  }
0x41: {  	[hbm4b:s3+s2] =	stream.indirect_vreg.scatter [tilespmem:s19], [sflag:$0x1], $0x80, v3, vm0, $0xb8;
	[tilespmem:$0x8080] =	vst v63  }
0x42: {  	_ = 	snop  }
0x43: {  	[hbm4b:s6+s2] =	stream.indirect_vreg.scatter [tilespmem:s20], [sflag:$0x1], $0x80, v3, vm0, $0xb8;
	[tilespmem:$0x8080] =	vst v63  }
0x44: {  	v3 =	vld [tilespmem:$0x30];
	_ =	sdelay $0x4  }
0x45: {  	v63 =	vshll.u32 v3, $0x2  }
0x46: {  	v3 =	vand.u32 $0x7, v3;
	v4 =	vand.u32 $0xFFFFFFE0, v63  }
0x47: {  	v3 =	vor.u32 v3, v4  }
0x48: {  	v4 =	vperm.xlane v3, v0;
	_ =	sdelay $0x1  }
0x49: {  	v4 =	vadd.s32 v1, v4;
	_ =	sdelay $0x1  }
0x4a: {  	v3 =	vperm.xlane v3, v2;
	_ =	sdelay $0x1  }
0x4b: {  	v3 =	vadd.s32 v1, v3  }
0x4c: {  	[hbm4b:s3+s2] =	stream.indirect_vreg.scatter [tilespmem:s21], [sflag:$0x1], $0x80, v4, vm0, $0xb8;
	[tilespmem:$0x8080] =	vst v63  }
0x4d: {  	_ = 	snop  }
0x4e: {  	[hbm4b:s6+s2] =	stream.indirect_vreg.scatter [tilespmem:s22], [sflag:$0x1], $0x80, v4, vm0, $0xb8;
	[tilespmem:$0x8080] =	vst v63  }
0x4f: {  	p0 =	sne.s32 s7, $0x1  }
0x50: {  	[hbm4b:s3+s2] =	stream.indirect_vreg.scatter [tilespmem:s23], [sflag:$0x1], $0x80, v3, vm0, $0xb8;
	[tilespmem:$0x8080] =	vst v63  }
.Ltmp0:
0x51: {  	_ = 	snop;
	(pc) =	sbr.rel @p0 .LBB2_1-.Ltmp0, $4  }
0x52: {  	[hbm4b:s6+s2] =	stream.indirect_vreg.scatter [tilespmem:s24], [sflag:$0x1], $0x80, v3, vm0, $0xb8;
	[tilespmem:$0x8080] =	vst v63  }
0x53: {  	_ =	swait.ge [sflag:s8], $0x8000  }
0x54: {  	[sflag:s8] =	ssyncset.done $0x0  }
0x55: {  	s7 =	sadd.s32 $0xFFFFFFFF, s7;
	[sflag:s8] =	ssyncadd.s32 $0xFFFF8000  }
0x56: {  	_ =	sfence.sel $0x180000  }
0x57: {  	[bflag:$0x0] =	sbarrier.arrive $0xFFFF  }
0x58: {  	p0 =	sne.s32 s1, $0x0;
	_ =	strace $0x9000004D  }
0x59: {  	s0 =	sadd.s32 @!p0 $0x100000, s0;
	[bflag:$0x2] =	sbarrier.arrive $0xFFFF  }
0x5a: {  	[sflag:s0] =	ssyncadd.tile.s32 @!p0 $0x1;
	_ =	shalt  }
.Lfunc_end2:
_tile_overlayer_lowered:
.L_overlay_start_2:
0x5b: {  	(tag) =	ssettag $0x2  }
0x5c: {  	s0 =	rddreg [dreg:$0x0];
	s2 =	stileid.u32  }
0x5d: {  	s1 =	rddreg [dreg:$0x1];
	p0 =	sne.s32 s2, $0x0  }
0x5e: {  	s3 =	rddreg [dreg:$0x2];
	[bflag:$0x3] =	sbarrier.arrive $0xFFFF;
	s2 =	simm.s32 @!p0 $0x1C01  }
0x5f: {  	[timem:s3], [sflag:s2] =	dma.local @!p0 [hbm:s0], s1  }
0x60: {  	s0 =	simm.s32 @!p0 $0x1  }
0x61: {  	_ =	swait.ge @!p0 [sflag:s0], s1  }
0x62: {  	s1 =	ssub.s32 @!p0 $0x0, s1;
	[sflag:s0] =	ssyncset.done @!p0 $0x0  }
0x63: {  	[sflag:s0] =	ssyncadd.s32 @!p0 s1  }
0x64: {  	[bflag:$0x3] =	sbarrier.arrive $0xFFFF  }
0x65: {  	_ =	shalt  }

// kernel: kernel.19.cloned.1.call-start
scs
__scs_entry_jumppad:
0x0: {  	(pc) =	sbr.rel $0x88, $3  }
0x1: {  	(tag) =	ssettag $0x0;
	lr =	simm.s32 $0x1  }
0x2: {  	[smem:$0x3EF0] =	sst lr;
	_ =	strace $0xD0000000  }
0x3: {  	_ = 	snop  }
0x4: {  	_ = 	snop  }
0x5: {  	_ = 	snop  }
0x6: {  	_ = 	snop  }
0x7: {  	_ = 	snop  }
__scs_overlays_trampoline_lowered:
0x8: {  	[smem:$0x3EFF] =	sst s0  }
0x9: {  	[smem:$0x3F00] =	sst s1  }
0xa: {  	[smem:$0x3F01] =	sst s2  }
0xb: {  	[smem:$0x3F02] =	sst s3  }
0xc: {  	[smem:$0x3F03] =	sst s4  }
0xd: {  	[smem:$0x3F04] =	sst s5  }
0xe: {  	[smem:$0x3F05] =	sst s6  }
0xf: {  	[smem:$0x3F06] =	sst s7  }
0x10: {  	[smem:$0x3F07] =	sst s8  }
0x11: {  	[smem:$0x3F08] =	sst s9;
	s0 =	simm.s32 @!p0 $0x0  }
0x12: {  	s1 =	sld [smem:$0x3EEE];
	s0 =	simm.s32 @p0 $0x1  }
0x13: {  	[smem:$0x3F09] =	sst s0;
	s0 =	simm.s32 @!p1 $0x0  }
0x14: {  	s2 =	sld [smem:$0x3EED];
	s0 =	simm.s32 @p1 $0x1  }
0x15: {  	[smem:$0x3F0A] =	sst s0;
	s0 =	simm.s32 @!p2 $0x0  }
0x16: {  	s3 =	sld [smem:$0x3FDB];
	s0 =	simm.s32 @p2 $0x1  }
0x17: {  	s4 =	simm.s32 $0x1BF5;
	[smem:$0x3F0C] =	sst s0  }
0x18: {  	s0 =	sld [smem:$0x3EEF];
	_ =	swait.ge [sflag:s4], $0x0  }
0x19: {  	s7 =	sld [smem:$0x3EF0]  }
0x1a: {  	s8 =	sadd.s32 $0xFFFFE003, lr  }
0x1b: {  	s9 =	sadd.s32 $0xFFFFFEF7, lr;
	s5 =	simm.s32 $0xFFFFFFFF;
	p2 =	slt.u32 s8, $0xFFFFF086  }
0x1c: {  	p1 =	slt.u32 s9, $0xF7A;
	s5 =	simm.s32 @!p2 $0x0  }
0x1d: {  	s5 =	simm.s32 @p1 $0x1;
	p0 =	seq.s32 s7, s2  }
0x1e: {  	s7 =	smul.u32 @!p0 $0xF7A, s2;
	p2 =	seq.s32 @!p0 s5, $0x0  }
0x1f: {  	s9 =	smul.u32 $0xF7A, s1;
	s8 =	simm.s32 @!p0 $0x1BF5;
	p2 =	por !p2, p0  }
0x20: {  	[sflag:s8] =	ssyncset.s32 @!p0 $0xFFFFF086;
	s6 =	sadd.s32 @!p0 s3, s7;
	s7 =	simm.s32 @!p0 $0x108  }
0x21: {  	s3 =	sadd.s32 s3, s9;
	s6 =	sadd.s32 @!p0 $0x88, s6;
	s7 =	simm.s32 @p2 $0x1082  }
0x22: {  	[simem:s7], [sflag:s8] =	dma.local @!p0 [hbm:s6], $0xF7A  }
0x23: {  	s9 =	sor.u32 $0xD0000000, s2;
	s6 =	simm.s32 $0x108;
	_ =	swait.ge @!p0 [sflag:s8], $0x0  }
0x24: {  	s3 =	sadd.s32 $0x88, s3;
	s6 =	simm.s32 @!p1 $0x1082;
	[sflag:s4] =	ssyncset.s32 $0xFFFFF086  }
0x25: {  	[simem:s6], [sflag:s4] =	dma.local [hbm:s3], $0xF7A  }
0x26: {  	[smem:$0x3EF0] =	sst s1;
	(tag) =	ssettag s2;
	_ =	strace s9  }
0x27: {  	s1 =	sld [smem:$0x3F00]  }
0x28: {  	s2 =	sld [smem:$0x3F01]  }
0x29: {  	s4 =	sld [smem:$0x3F03]  }
0x2a: {  	p0 =	seq.s32 s5, $0x0;
	s5 =	sld [smem:$0x3F04]  }
0x2b: {  	s6 =	sld [smem:$0x3F05]  }
0x2c: {  	s7 =	sld [smem:$0x3F06]  }
0x2d: {  	s3 =	simm.s32 $0x108;
	s8 =	sld [smem:$0x3F07]  }
0x2e: {  	s3 =	simm.s32 @!p0 $0x1082;
	s9 =	sld [smem:$0x3F08]  }
0x2f: {  	lr =	sadd.s32 s0, s3;
	s0 =	sld [smem:$0x3EFF]  }
0x30: {  	s3 =	sld [smem:$0x3F02]  }
0x31: {  	[smem:$0x3F0B] =	sst s10  }
0x32: {  	s10 =	sld [smem:$0x3F09];
	_ =	sdelay $0x3  }
0x33: {  	p0 =	seq.s32 s10, $0x1;
	s10 =	sld [smem:$0x3F0B];
	_ =	sdelay $0x3  }
0x34: {  	[smem:$0x3F0B] =	sst s10  }
0x35: {  	s10 =	sld [smem:$0x3F0A];
	_ =	sdelay $0x3  }
0x36: {  	p1 =	seq.s32 s10, $0x1;
	s10 =	sld [smem:$0x3F0B];
	_ =	sdelay $0x3  }
0x37: {  	[smem:$0x3F0B] =	sst s10  }
0x38: {  	s10 =	sld [smem:$0x3F0C]  }
0x39: {  	_ = 	snop;
	(pc) =	sbr.ind lr, $3  }
0x3a: {  	_ = 	snop  }
0x3b: {  	_ = 	snop  }
0x3c: {  	p2 =	seq.s32 s10, $0x1;
	s10 =	sld [smem:$0x3F0B]  }
0x3d: {  	_ =	shalt  }
0x3e: {  	_ =	shalt  }
0x3f: {  	_ =	shalt  }
0x40: {  	_ =	shalt  }
0x41: {  	_ =	shalt  }
0x42: {  	_ =	shalt  }
0x43: {  	_ =	shalt  }
0x44: {  	_ =	shalt  }
0x45: {  	_ =	shalt  }
0x46: {  	_ =	shalt  }
0x47: {  	_ =	shalt  }
0x48: {  	_ =	shalt  }
0x49: {  	_ =	shalt  }
0x4a: {  	_ =	shalt  }
0x4b: {  	_ =	shalt  }
0x4c: {  	_ =	shalt  }
0x4d: {  	_ =	shalt  }
0x4e: {  	_ =	shalt  }
0x4f: {  	_ =	shalt  }
0x50: {  	_ =	shalt  }
0x51: {  	_ =	shalt  }
0x52: {  	_ =	shalt  }
0x53: {  	_ =	shalt  }
0x54: {  	_ =	shalt  }
0x55: {  	_ =	shalt  }
0x56: {  	_ =	shalt  }
0x57: {  	_ =	shalt  }
0x58: {  	_ =	shalt  }
0x59: {  	_ =	shalt  }
0x5a: {  	_ =	shalt  }
0x5b: {  	_ =	shalt  }
0x5c: {  	_ =	shalt  }
0x5d: {  	_ =	shalt  }
0x5e: {  	_ =	shalt  }
0x5f: {  	_ =	shalt  }
0x60: {  	_ =	shalt  }
0x61: {  	_ =	shalt  }
0x62: {  	_ =	shalt  }
0x63: {  	_ =	shalt  }
0x64: {  	_ =	shalt  }
0x65: {  	_ =	shalt  }
0x66: {  	_ =	shalt  }
0x67: {  	_ =	shalt  }
0x68: {  	_ =	shalt  }
0x69: {  	_ =	shalt  }
0x6a: {  	_ =	shalt  }
0x6b: {  	_ =	shalt  }
0x6c: {  	_ =	shalt  }
0x6d: {  	_ =	shalt  }
0x6e: {  	_ =	shalt  }
0x6f: {  	_ =	shalt  }
0x70: {  	_ =	shalt  }
0x71: {  	_ =	shalt  }
0x72: {  	_ =	shalt  }
0x73: {  	_ =	shalt  }
0x74: {  	_ =	shalt  }
0x75: {  	_ =	shalt  }
0x76: {  	_ =	shalt  }
0x77: {  	_ =	shalt  }
0x78: {  	_ =	shalt  }
0x79: {  	_ =	shalt  }
0x7a: {  	_ =	shalt  }
0x7b: {  	_ =	shalt  }
0x7c: {  	_ =	shalt  }
0x7d: {  	_ =	shalt  }
0x7e: {  	_ =	shalt  }
0x7f: {  	_ =	shalt  }
0x80: {  	_ =	shalt  }
0x81: {  	_ =	shalt  }
0x82: {  	_ =	shalt  }
0x83: {  	_ =	shalt  }
0x84: {  	_ =	shalt  }
0x85: {  	_ =	shalt  }
0x86: {  	_ =	shalt  }
0x87: {  	_ =	shalt  }
.Lfunc_end0:
.L_simem_size_0:
called_computation.3_lowered:
.L_overlay_start_0:
0x88: {  	s2 =	sld [smem:$0x3FD9]  }
0x89: {  	s3 =	sld [smem:$0x3FFE];
	_ =	sdelay $0x1  }
0x8a: {  	s1 =	srdreg.scid  }
0x8b: {  	s0 =	sand.u32 $0x1, s1  }
0x8c: {  	s16 =	sshll.u32 s0, $0xA;
	s2 =	sadd.s32 s3, s2  }
0x8d: {  	s2 =	sadd.s32 s2, s16  }
0x8e: {  	[smem:$0x3F17] =	sst s2  }
0x8f: {  	_ = 	snop  }
0x90: {  	(tm) =	ssettm $0x1  }
0x91: {  	s17 =	sld [smem:$0x3FFB];
	_ =	sdelay $0x3  }
0x92: {  	_ =	strace s17  }
0x93: {  	s2 =	sld [smem:$0x3FFC];
	_ =	sdelay $0x3  }
0x94: {  	_ =	strace s2  }
0x95: {  	s2 =	sld [smem:$0x3FFD];
	_ =	sdelay $0x3  }
0x96: {  	_ =	strace s2  }
0x97: {  	_ =	strace $0x8FFFFFFF  }
0x98: {  	s18 =	sld [smem:$0x3FDB];
	_ =	sdelay $0x1  }
0x99: {  	s19 =	simm.s32 $_scs_section_size  }
0x9a: {  	s4 =	simm.s32 $_size__tile_overlayer_lowered;
	s5 =	simm.s32 $_tile_overlayer_lowered  }
0x9b: {  	s22 =	simm.s32 $0x1BFF;
	s21 =	sshll.u32 s5, $0x1;
	s2 =	sadd.s32 s19, s18  }
0x9c: {  	s6 =	simm.s32 $0x0;
	s20 =	sshll.u32 s4, $0x1;
	s4 =	sadd.s32 s21, s2  }
0x9d: {  	[timem:s6], [sflag:s22] =	dma.local [hbm:s4], s20  }
0x9e: {  	_ =	swait.ge [sflag:s22], s20  }
0x9f: {  	s3 =	ssub.s32 $0x0, s20;
	[sflag:s22] =	ssyncset.done $0x0  }
0xa0: {  	[sflag:s22] =	ssyncadd.s32 s3;
	_ =	sdelay $0x1  }
0xa1: {  	s23 =	simm.s32 $0x1B8B  }
0xa2: {  	_ =	swait.ge [sflag:s23], $0x1  }
0xa3: {  	[sflag:s23] =	ssyncset.done $0x0  }
0xa4: {  	s25 =	simm.s32 $0x1B8E;
	s24 =	sld [smem:$0x3FFE];
	[sflag:s23] =	ssyncadd.s32 $0xFFFFFFFF  }
0xa5: {  	s26 =	simm.s32 $execute0_lowered;
	[smem:$0x3FD2] =	sst s25  }
0xa6: {  	s4 =	sshll.u32 s26, $0x1;
	_ =	strace $0x8000004F;
	[dreg:$0x1] =	wrdreg $0xFFFFFFFF  }
0xa7: {  	s28 =	simm.s32 $_size_execute0_lowered;
	s2 =	sadd.s32 s2, s4;
	[dreg:$0x0] =	wrdreg $0x0  }
0xa8: {  	s4 =	sshll.u32 s28, $0x1;
	[dreg:$0x2] =	wrdreg s2  }
0xa9: {  	[dreg:$0x3] =	wrdreg s4  }
0xaa: {  	[dreg:$0x4] =	wrdreg $0xC0  }
0xab: {  	_ =	task [dreg:s6], $0x5FFFF  }
0xac: {  	[dreg:$0x1] =	wrdreg $0xFFFFFFFF  }
0xad: {  	[dreg:$0x0] =	wrdreg $0x60  }
0xae: {  	[dreg:$0x2] =	wrdreg s24  }
0xaf: {  	[dreg:$0x3] =	wrdreg $0x9  }
0xb0: {  	_ =	task.clear_ibuf [dreg:s6], $0x4FFFF;
	_ =	strace $0x9000004F  }
0xb1: {  	s29 =	simm.s32 $0x9;
	_ =	strace $0x80000051  }
0xb2: {  	_ =	swait.ge [sflag:s29], $0x1  }
0xb3: {  	[sflag:s29] =	ssyncadd.s32 $0xFFFFFFFF  }
0xb4: {  	_ =	strace $0x90000051  }
0xb5: {  	_ =	sfence  }
0xb6: {  	s30 =	sld [smem:$0x0];
	_ =	sdelay $0x2  }
0xb7: {  	s31 =	sshll.u32 s1, $0xD;
	s1 =	sshrl.u32 s1, $0x2  }
0xb8: {  	s3 =	sand.u32 $0x4000, s31;
	s1 =	sadd.s32 s1, s30  }
0xb9: {  	s0 =	sor.u32 s3, s0;
	s1 =	sshll.u32 s1, $0x11  }
0xba: {  	s0 =	sor.u32 s1, s0  }
0xbb: {  	s0 =	sadd.s32 $0x8F2B, s0  }
0xbc: {  	[sflag:s0] =	ssyncadd.remote.s32 $0x1  }
0xbd: {  	_ =	sfence.sel $0xFFFF  }
0xbe: {  	[dreg:$0x0] =	wrdreg $0xFFFFFFFF;
	(pc) =	sbr.abs _section_cstart, $3  }
0xbf: {  	[dreg:$0x1] =	wrdreg $0xFFFFFFFF  }
0xc0: {  	_ =	task.clear_ibuf [dreg:s6], $0x2FFFF;
	_ =	strace $0x9FFFFFFF  }
0xc1: {  	(tm) =	ssettm $0x7FFFFFFF  }
tec
execute0_lowered:
.L_overlay_start_1:
0x0: {  	(tag) =	ssettag $0x1  }
0x1: {  	s1 =	srdreg.scid;
	s0 =	stileid.u32  }
0x2: {  	v2 =	vlaneseq.u32;
	s3 =	sand.u32 $0x1, s1;
	s31 =	sshll.u32 s0, $0x1  }
0x3: {  	v1 =	vmul.u32 $0x40, v2;
	s4 =	sor.u32 s3, s31  }
0x4: {  	s5 =	rddreg [dreg:$0x0];
	s2 =	simm.s32 $0x0;
	s10 =	sshll.u32 s4, $0x1  }
0x5: {  	s9 =	simm.s32 $0x900;
	s11 =	simm.s32 $0x1900;
	s12 =	simm.s32 $0x2100;
	v5 =	vor.u32 $0x400, v1;
	v6 =	vor.u32 $0x1, v1;
	v0 =	vor.u32 s10, v1  }
0x6: {  	s13 =	simm.s32 $0x2900;
	s14 =	simm.s32 $0x3100;
	s1 =	rddreg [dreg:$0x1];
	v7 =	vor.u32 $0x401, v1;
	v3 =	vmov s10;
	v4 =	vshll.u32 v0, $0x1  }
0x7: {  	s15 =	simm.s32 $0x3900;
	[smem:$0x7FF] =	sst s2;
	s6 =	ssub.s32 $0x2, s3;
	v1 =	vand.u32 $0x7, v2;
	v3 =	vand.u32 $0x6, v3;
	v4 =	vand.u32 $0x7FFFFFF0, v4  }
0x8: {  	_ =	strace $0x80000050;
	s4 =	sshll.u32 s4, $0x4;
	s7 =	sshrl.u32 s6, $0x1;
	v4 =	vor.u32 v3, v4;
	v3 =	vshrl.u32 v2, $0x3;
	v2 =	vor.u32 $0x8, v2  }
0x9: {  	s3 =	sadd.s32 $0x19600, s5;
	s8 =	sadd.s32 s4, s5;
	s6 =	ssub.s32 s6, s7;
	v3 =	vmul.u32 $0x8, v3;
	v8 =	vperm.xlane v4, v1;
	v9 =	vperm.xlane v4, v2  }
0xa: {  	vm0 =	vmmov $0xffff;
	s4 =	sadd.s32 $0x39600, s5;
	s7 =	simm.s32 $0x1;
	s5 =	sadd.s32 $0x49A00, s8;
	v4 =	vor.u32 s10, v5;
	v5 =	vor.u32 s10, v6  }
0xb: {  	s6 =	smax.u32 s6, $0x1;
	s8 =	simm.s32 $0x100;
	v6 =	vor.u32 s10, v7;
	s10 =	simm.s32 $0x1100;
	v7 =	vadd.s32 v3, v8;
	v8 =	vadd.s32 v3, v9  }
.LBB2_1:
0xc: {  	[tilespmem:s2], [sflag:$0x1] =	stream.linear.gather [hbm4b:s5+s2], $0x80, $0x38;
	[tilespmem:$0x4100] =	vst v63  }
0xd: {  	_ =	swait.ge [sflag:s7], $0x80  }
0xe: {  	[sflag:s7] =	ssyncset.done $0x0  }
0xf: {  	[sflag:s7] =	ssyncadd.s32 $0xFFFFFF80  }
0x10: {  	v9 =	vld [tilespmem:$0x0];
	_ =	sdelay $0x4  }
0x11: {  	v10 =	vshll.u32 v9, $0x1  }
0x12: {  	v9 =	vand.u32 $0x7, v9;
	v10 =	vand.u32 $0xFFFFFFF0, v10  }
0x13: {  	v9 =	vor.u32 v9, v10  }
0x14: {  	v10 =	vperm.xlane v9, v1;
	_ =	sdelay $0x1  }
0x15: {  	v9 =	vperm.xlane v9, v2;
	v10 =	vadd.s32 v3, v10;
	_ =	sdelay $0x1  }
0x16: {  	v9 =	vadd.s32 v3, v9;
	_ =	sdelay $0x2  }
0x17: {  	[tilespmem:s8], [sflag:$0x1] =	stream.indirect_vreg.gather [hbm4b:s3+s2], $0x80, v10, vm0, $0xb8;
	[tilespmem:$0x4100] =	vst v63  }
0x18: {  	_ = 	snop  }
0x19: {  	[tilespmem:s9], [sflag:$0x1] =	stream.indirect_vreg.gather [hbm4b:s3+s2], $0x80, v9, vm0, $0xb8;
	[tilespmem:$0x4100] =	vst v63  }
0x1a: {  	v9 =	vld [tilespmem:$0x10];
	_ =	sdelay $0x4  }
0x1b: {  	v10 =	vshll.u32 v9, $0x1  }
0x1c: {  	v9 =	vand.u32 $0x7, v9;
	v10 =	vand.u32 $0xFFFFFFF0, v10  }
0x1d: {  	v9 =	vor.u32 v9, v10  }
0x1e: {  	v10 =	vperm.xlane v9, v1;
	_ =	sdelay $0x1  }
0x1f: {  	v9 =	vperm.xlane v9, v2;
	v10 =	vadd.s32 v3, v10;
	_ =	sdelay $0x1  }
0x20: {  	v9 =	vadd.s32 v3, v9;
	_ =	sdelay $0x2  }
0x21: {  	[tilespmem:s10], [sflag:$0x1] =	stream.indirect_vreg.gather [hbm4b:s3+s2], $0x80, v10, vm0, $0xb8;
	[tilespmem:$0x4100] =	vst v63  }
0x22: {  	_ = 	snop  }
0x23: {  	[tilespmem:s11], [sflag:$0x1] =	stream.indirect_vreg.gather [hbm4b:s3+s2], $0x80, v9, vm0, $0xb8;
	[tilespmem:$0x4100] =	vst v63  }
0x24: {  	v9 =	vld [tilespmem:$0x20];
	_ =	sdelay $0x4  }
0x25: {  	v10 =	vshll.u32 v9, $0x1  }
0x26: {  	v9 =	vand.u32 $0x7, v9;
	v10 =	vand.u32 $0xFFFFFFF0, v10  }
0x27: {  	v9 =	vor.u32 v9, v10  }
0x28: {  	v10 =	vperm.xlane v9, v1;
	_ =	sdelay $0x1  }
0x29: {  	v9 =	vperm.xlane v9, v2;
	v10 =	vadd.s32 v3, v10;
	_ =	sdelay $0x1  }
0x2a: {  	v9 =	vadd.s32 v3, v9;
	_ =	sdelay $0x2  }
0x2b: {  	[tilespmem:s12], [sflag:$0x1] =	stream.indirect_vreg.gather [hbm4b:s3+s2], $0x80, v10, vm0, $0xb8;
	[tilespmem:$0x4100] =	vst v63  }
0x2c: {  	_ = 	snop  }
0x2d: {  	[tilespmem:s13], [sflag:$0x1] =	stream.indirect_vreg.gather [hbm4b:s3+s2], $0x80, v9, vm0, $0xb8;
	[tilespmem:$0x4100] =	vst v63  }
0x2e: {  	v9 =	vld [tilespmem:$0x30];
	_ =	sdelay $0x4  }
0x2f: {  	v10 =	vshll.u32 v9, $0x1  }
0x30: {  	v9 =	vand.u32 $0x7, v9;
	v10 =	vand.u32 $0xFFFFFFF0, v10  }
0x31: {  	v9 =	vor.u32 v9, v10  }
0x32: {  	v10 =	vperm.xlane v9, v1;
	_ =	sdelay $0x1  }
0x33: {  	v9 =	vperm.xlane v9, v2;
	v10 =	vadd.s32 v3, v10;
	_ =	sdelay $0x1  }
0x34: {  	v9 =	vadd.s32 v3, v9;
	_ =	sdelay $0x2  }
0x35: {  	[tilespmem:s14], [sflag:$0x1] =	stream.indirect_vreg.gather [hbm4b:s3+s2], $0x80, v10, vm0, $0xb8;
	[tilespmem:$0x4100] =	vst v63  }
0x36: {  	_ = 	snop  }
0x37: {  	[tilespmem:s15], [sflag:$0x1] =	stream.indirect_vreg.gather [hbm4b:s3+s2], $0x80, v9, vm0, $0xb8;
	[tilespmem:$0x4100] =	vst v63  }
0x38: {  	_ =	swait.ge [sflag:s7], $0x4000  }
0x39: {  	[sflag:s7] =	ssyncset.done $0x0  }
0x3a: {  	[sflag:s7] =	ssyncadd.s32 $0xFFFFC000  }
0x3b: {  	[tilespmem:$0x80] =	vst v0  }
0x3c: {  	[tilespmem:$0x90] =	vst v4  }
0x3d: {  	[tilespmem:$0xA0] =	vst v5  }
0x3e: {  	[tilespmem:$0xB0] =	vst v6  }
0x3f: {  	[hbm4b:s4+s2] =	stream.indirect_vreg.scatter [tilespmem:s8], [sflag:$0x1], $0x80, v7, vm0, $0xb8;
	[tilespmem:$0x4100] =	vst v63  }
0x40: {  	_ = 	snop  }
0x41: {  	[hbm4b:s4+s2] =	stream.indirect_vreg.scatter [tilespmem:s9], [sflag:$0x1], $0x80, v8, vm0, $0xb8;
	[tilespmem:$0x4100] =	vst v63  }
0x42: {  	v9 =	vld [tilespmem:$0x90];
	_ =	sdelay $0x4  }
0x43: {  	v10 =	vshll.u32 v9, $0x1  }
0x44: {  	v9 =	vand.u32 $0x7, v9;
	v10 =	vand.u32 $0xFFFFFFF0, v10  }
0x45: {  	v9 =	vor.u32 v9, v10  }
0x46: {  	v10 =	vperm.xlane v9, v1;
	_ =	sdelay $0x1  }
0x47: {  	v9 =	vperm.xlane v9, v2;
	v10 =	vadd.s32 v3, v10;
	_ =	sdelay $0x1  }
0x48: {  	v9 =	vadd.s32 v3, v9;
	_ =	sdelay $0x2  }
0x49: {  	[hbm4b:s4+s2] =	stream.indirect_vreg.scatter [tilespmem:s10], [sflag:$0x1], $0x80, v10, vm0, $0xb8;
	[tilespmem:$0x4100] =	vst v63  }
0x4a: {  	_ = 	snop  }
0x4b: {  	[hbm4b:s4+s2] =	stream.indirect_vreg.scatter [tilespmem:s11], [sflag:$0x1], $0x80, v9, vm0, $0xb8;
	[tilespmem:$0x4100] =	vst v63  }
0x4c: {  	v9 =	vld [tilespmem:$0xA0];
	_ =	sdelay $0x4  }
0x4d: {  	v10 =	vshll.u32 v9, $0x1  }
0x4e: {  	v9 =	vand.u32 $0x7, v9;
	v10 =	vand.u32 $0xFFFFFFF0, v10  }
0x4f: {  	v9 =	vor.u32 v9, v10  }
0x50: {  	v10 =	vperm.xlane v9, v1;
	_ =	sdelay $0x1  }
0x51: {  	v9 =	vperm.xlane v9, v2;
	v10 =	vadd.s32 v3, v10;
	_ =	sdelay $0x1  }
0x52: {  	v9 =	vadd.s32 v3, v9;
	_ =	sdelay $0x2  }
0x53: {  	[hbm4b:s4+s2] =	stream.indirect_vreg.scatter [tilespmem:s12], [sflag:$0x1], $0x80, v10, vm0, $0xb8;
	[tilespmem:$0x4100] =	vst v63  }
0x54: {  	_ = 	snop  }
0x55: {  	[hbm4b:s4+s2] =	stream.indirect_vreg.scatter [tilespmem:s13], [sflag:$0x1], $0x80, v9, vm0, $0xb8;
	[tilespmem:$0x4100] =	vst v63  }
0x56: {  	v9 =	vld [tilespmem:$0xB0];
	_ =	sdelay $0x4  }
0x57: {  	v10 =	vshll.u32 v9, $0x1  }
0x58: {  	v9 =	vand.u32 $0x7, v9;
	v10 =	vand.u32 $0xFFFFFFF0, v10  }
0x59: {  	v9 =	vor.u32 v9, v10  }
0x5a: {  	v10 =	vperm.xlane v9, v1;
	_ =	sdelay $0x1  }
0x5b: {  	v9 =	vperm.xlane v9, v2;
	v10 =	vadd.s32 v3, v10;
	_ =	sdelay $0x1  }
0x5c: {  	v9 =	vadd.s32 v3, v9;
	_ =	sdelay $0x1  }
0x5d: {  	p0 =	sne.s32 s6, $0x1  }
0x5e: {  	[hbm4b:s4+s2] =	stream.indirect_vreg.scatter [tilespmem:s14], [sflag:$0x1], $0x80, v10, vm0, $0xb8;
	[tilespmem:$0x4100] =	vst v63  }
.Ltmp0:
0x5f: {  	_ = 	snop;
	(pc) =	sbr.rel @p0 .LBB2_1-.Ltmp0, $4  }
0x60: {  	[hbm4b:s4+s2] =	stream.indirect_vreg.scatter [tilespmem:s15], [sflag:$0x1], $0x80, v9, vm0, $0xb8;
	[tilespmem:$0x4100] =	vst v63  }
0x61: {  	_ =	swait.ge [sflag:s7], $0x4000  }
0x62: {  	[sflag:s7] =	ssyncset.done $0x0  }
0x63: {  	s6 =	sadd.s32 $0xFFFFFFFF, s6;
	[sflag:s7] =	ssyncadd.s32 $0xFFFFC000  }
0x64: {  	_ =	sfence.sel $0x180000  }
0x65: {  	[bflag:$0x0] =	sbarrier.arrive $0xFFFF  }
0x66: {  	p0 =	sne.s32 s0, $0x0;
	_ =	strace $0x90000050  }
0x67: {  	s0 =	sadd.s32 @!p0 $0x100000, s1;
	[bflag:$0x2] =	sbarrier.arrive $0xFFFF  }
0x68: {  	[sflag:s0] =	ssyncadd.tile.s32 @!p0 $0x1;
	_ =	shalt  }
.Lfunc_end2:
_tile_overlayer_lowered:
.L_overlay_start_2:
0x69: {  	(tag) =	ssettag $0x2  }
0x6a: {  	s0 =	rddreg [dreg:$0x0];
	s2 =	stileid.u32  }
0x6b: {  	s1 =	rddreg [dreg:$0x1];
	p0 =	sne.s32 s2, $0x0  }
0x6c: {  	s3 =	rddreg [dreg:$0x2];
	[bflag:$0x3] =	sbarrier.arrive $0xFFFF;
	s2 =	simm.s32 @!p0 $0x1C01  }
0x6d: {  	[timem:s3], [sflag:s2] =	dma.local @!p0 [hbm:s0], s1  }
0x6e: {  	s0 =	simm.s32 @!p0 $0x1  }
0x6f: {  	_ =	swait.ge @!p0 [sflag:s0], s1  }
0x70: {  	s1 =	ssub.s32 @!p0 $0x0, s1;
	[sflag:s0] =	ssyncset.done @!p0 $0x0  }
0x71: {  	[sflag:s0] =	ssyncadd.s32 @!p0 s1  }
0x72: {  	[bflag:$0x3] =	sbarrier.arrive $0xFFFF  }
0x73: {  	_ =	shalt  }

</sc_bundles>
